<compile_context>
chip_gen: v7x
topology: tpu7x:2x2x1
jax: 0.10.2.dev20260603
libtpu: 0.0.44.dev20260713+nightly
codegen_flags: <defaults>
</compile_context>

<pallas_src>
import jax
import jax.numpy as jnp
from jax import lax
from jax.experimental import pallas as pl
from jax.experimental.pallas import tpu as pltpu
from jax.experimental.pallas import tpu_sc as plsc

B = 4096
H = 50
D = 128
C = 10
LANES = 16
DCH = D // LANES

NC = 2
NS = 16
NW = NC * NS

G = 2
RPS = G * H
SPW = B // G // NW
BPW = B // NW
NBUF = 4
NGRP = SPW // NBUF


def _pool_body(table_hbm, textg_hbm, out_hbm, idx_v, rows_v, out_v, *sems):
    wid = lax.axis_index("s") * NC + lax.axis_index("c")
    g0 = wid * SPW
    pltpu.sync_copy(textg_hbm.at[pl.ds(g0, SPW)], idx_v)

    def start(i, s):
        pltpu.make_async_copy(
            table_hbm.at[idx_v.at[i]], rows_v.at[s], sems[s]).start()

    def wait(s):
        pltpu.make_async_copy(
            table_hbm.at[idx_v.at[0]], rows_v.at[s], sems[s]).wait()

    for s in range(NBUF):
        start(s, s)

    def group(gidx, carry):
        for s in range(NBUF):
            i = gidx * NBUF + s
            wait(s)
            for e in range(G):
                def body(l, accs, _e=e):
                    r = _e * H + l
                    return tuple(accs[c] + rows_v[s, r, pl.ds(c * LANES, LANES)]
                                 for c in range(DCH))
                accs = lax.fori_loop(
                    0, H, body,
                    tuple(jnp.zeros((LANES,), jnp.float32) for _ in range(DCH)),
                    unroll=5)
                row_out = i * G + e
                for c in range(DCH):
                    out_v[row_out, pl.ds(c * LANES, LANES)] = accs[c]

            nxt = i + NBUF

            @pl.when(nxt < SPW)
            def _():
                start(nxt, s)
        return carry

    lax.fori_loop(0, NGRP, group, 0)
    pltpu.sync_copy(out_v, out_hbm.at[pl.ds(wid * BPW, BPW)])


_pool = pl.kernel(
    _pool_body,
    out_type=jax.ShapeDtypeStruct((B, D), jnp.float32),
    mesh=plsc.VectorSubcoreMesh(core_axis_name="c", subcore_axis_name="s"),
    scratch_types=[
        pltpu.VMEM((SPW, RPS), jnp.int32),
        pltpu.VMEM((NBUF, RPS, D), jnp.float32),
        pltpu.VMEM((BPW, D), jnp.float32),
    ] + [pltpu.SemaphoreType.DMA] * NBUF,
)


def _fc_body(x_ref, w_ref, b_ref, o_ref):
    o_ref[...] = jnp.dot(x_ref[...], w_ref[...],
                         preferred_element_type=jnp.float32) + b_ref[...]


def kernel(text, emb_table, fc_w, fc_b):
    textg = text.astype(jnp.int32).reshape(B // G, RPS)
    pooled = _pool(emb_table, textg)
    wt = fc_w.T * jnp.float32(1.0 / H)
    out = pl.pallas_call(
        _fc_body,
        out_shape=jax.ShapeDtypeStruct((B, C), jnp.float32),
    )(pooled, wt, fc_b.reshape(1, C))
    return out

# --- scband reference (transcript-rebuilt; emitter-appended) ---
"""Pipeline reference for scband-text-classifier-21638045237265 (READ-ONLY COPY).

The authoritative reference and input builder live on the scoring server;
editing this copy changes nothing except your own understanding.
"""

import jax, jax.numpy as jnp
import numpy as np

VOCAB = 100000
EMBED_DIM = 128
NUM_CLASSES = 10
BATCH = 4096
HIST = 50

def setup_inputs(seed: int = 0) -> dict:
    key = jax.random.key(seed)
    k1, k2, k3, k4 = jax.random.split(key, 4)
    text = jax.random.randint(k1, (BATCH, HIST), 0, VOCAB, dtype=jnp.int64 if jax.config.jax_enable_x64 else jnp.int32)
    emb_table = jax.random.normal(k2, (VOCAB, EMBED_DIM), dtype=jnp.float32)
    fc_w = jax.random.normal(k3, (NUM_CLASSES, EMBED_DIM), dtype=jnp.float32) * (1.0 / np.sqrt(EMBED_DIM))
    fc_b = jax.random.normal(k4, (NUM_CLASSES,), dtype=jnp.float32) * 0.01
    return {"text": text, "emb_table": emb_table, "fc_w": fc_w, "fc_b": fc_b}

def reference(text, emb_table, fc_w, fc_b):
    # embedding lookup: gather rows
    embedded = jnp.take(emb_table, text, axis=0)  # [B, L, D]
    averaged = jnp.mean(embedded, axis=1)         # [B, D]
    output = averaged @ fc_w.T + fc_b             # [B, C]
    return output

if __name__ == "__main__":
    import jax
    _d = setup_inputs()
    print(jax.jit(kernel)(*tuple(_d.values())))

</pallas_src>

<mosaic_0001>
#map = affine_map<(d0, d1) -> (0, 0)>
module attributes {stable_mosaic.version = 14 : i64} {
  func.func @_pool_body(%arg0: i32, %arg1: i32, %arg2: memref<100000x128xf32, #tpu.memory_space<hbm>>, %arg3: memref<2048x100xi32, #tpu.memory_space<hbm>>, %arg4: memref<4096x128xf32, #tpu.memory_space<hbm>>, %arg5: memref<64x100xi32, #tpu.memory_space<vmem>>, %arg6: memref<4x100x128xf32, #tpu.memory_space<vmem>>, %arg7: memref<128x128xf32, #tpu.memory_space<vmem>>, %arg8: memref<!tpu.dma_semaphore, #tpu.memory_space<semaphore_mem>>, %arg9: memref<!tpu.dma_semaphore, #tpu.memory_space<semaphore_mem>>, %arg10: memref<!tpu.dma_semaphore, #tpu.memory_space<semaphore_mem>>, %arg11: memref<!tpu.dma_semaphore, #tpu.memory_space<semaphore_mem>>) attributes {dimension_semantics = [#tpu.dimension_semantics<core_parallel>, #tpu.dimension_semantics<subcore_parallel>], iteration_bounds = array<i64: 2, 16>, scalar_prefetch = 0 : i64, scratch_operands = 7 : i64, tpu.core_type = #tpu.core_type<sc_vector_subcore>, window_params = [{transform_indices = #map}, {transform_indices = #map}, {transform_indices = #map}]} {
    %mul3A = arith.constant 2 : i32
    %mul3A_0 = arith.muli %arg1, %mul3A : i32
    %add3A = arith.addi %mul3A_0, %arg0 : i32
    %mul3A_1 = arith.constant 64 : i32
    %mul3A_2 = arith.muli %add3A, %mul3A_1 : i32
    "tpu.region"() ({
      %run_scoped3A = tpu.sem_alloc : memref<!tpu.dma_semaphore, #tpu.memory_space<semaphore_mem>>
      %dma_start3A_57 = arith.constant 0 : i32
      %dma_start3A_58 = tpu.memref_slice %arg3[%mul3A_2, %dma_start3A_57] : memref<2048x100xi32, #tpu.memory_space<hbm>> -> memref<64x100xi32, #tpu.memory_space<hbm>>
      %dma_start3A_59 = arith.constant 0 : i32
      %dma_start3A_60 = tpu.memref_slice %arg3[%mul3A_2, %dma_start3A_59] : memref<2048x100xi32, #tpu.memory_space<hbm>> -> memref<64x100xi32, #tpu.memory_space<hbm>>
      tpu.enqueue_dma source(%dma_start3A_60 : memref<64x100xi32, #tpu.memory_space<hbm>>) target(%arg5 : memref<64x100xi32, #tpu.memory_space<vmem>>) target_semaphore(%run_scoped3A : memref<!tpu.dma_semaphore, #tpu.memory_space<semaphore_mem>>)
      %dma_wait3A = arith.constant 0 : i32
      %dma_wait3A_61 = tpu.memref_slice %arg3[%mul3A_2, %dma_wait3A] : memref<2048x100xi32, #tpu.memory_space<hbm>> -> memref<64x100xi32, #tpu.memory_space<hbm>>
      %dma_wait3A_62 = arith.constant 0 : i32
      %dma_wait3A_63 = tpu.memref_slice %arg3[%mul3A_2, %dma_wait3A_62] : memref<2048x100xi32, #tpu.memory_space<hbm>> -> memref<64x100xi32, #tpu.memory_space<hbm>>
      tpu.wait_dma2 semaphore(%run_scoped3A : memref<!tpu.dma_semaphore, #tpu.memory_space<semaphore_mem>>) src(%dma_wait3A_63 : memref<64x100xi32, #tpu.memory_space<hbm>>) dst(%arg5 : memref<64x100xi32, #tpu.memory_space<vmem>>)
      tpu.yield
    }) : () -> ()
    %dma_start3A = arith.constant 0 : i32
    %dma_start3A_3 = arith.constant 0 : i32
    %dma_start3A_4 = arith.constant 0 : i32
    %dma_start3A_5 = arith.constant 0 : i32
    %dma_start3A_6 = tpu.memref_slice %arg6[%dma_start3A_3, %dma_start3A_4, %dma_start3A_5] : memref<4x100x128xf32, #tpu.memory_space<vmem>> -> memref<1x100x128xf32, #tpu.memory_space<vmem>>
    %dma_start3A_7 = tpu.memref_squeeze %dma_start3A_6 : memref<1x100x128xf32, #tpu.memory_space<vmem>> -> memref<100x128xf32, #tpu.memory_space<vmem>>
    %dma_start3A_8 = arith.constant 0 : i32
    %dma_start3A_9 = tpu.memref_slice %arg5[%dma_start3A, %dma_start3A_8] : memref<64x100xi32, #tpu.memory_space<vmem>> -> memref<1x100xi32, #tpu.memory_space<vmem>>
    %dma_start3A_10 = tpu.memref_squeeze %dma_start3A_9 : memref<1x100xi32, #tpu.memory_space<vmem>> -> memref<100xi32, #tpu.memory_space<vmem>>
    %dma_start3A_11 = arith.constant 0 : i32
    %dma_start3A_12 = arith.constant 0 : i32
    %dma_start3A_13 = tpu.memref_slice %arg2[%dma_start3A_11, %dma_start3A_12] : memref<100000x128xf32, #tpu.memory_space<hbm>> -> memref<100000x128xf32, #tpu.memory_space<hbm>>
    tpu.enqueue_indirect_dma source(%dma_start3A_13 : memref<100000x128xf32, #tpu.memory_space<hbm>>) target(%dma_start3A_7 : memref<100x128xf32, #tpu.memory_space<vmem>>) offsets(%dma_start3A_10 : memref<100xi32, #tpu.memory_space<vmem>>) semaphore(%arg8 : memref<!tpu.dma_semaphore, #tpu.memory_space<semaphore_mem>>)
    %dma_start3A_14 = arith.constant 1 : i32
    %dma_start3A_15 = arith.constant 1 : i32
    %dma_start3A_16 = arith.constant 0 : i32
    %dma_start3A_17 = arith.constant 0 : i32
    %dma_start3A_18 = tpu.memref_slice %arg6[%dma_start3A_15, %dma_start3A_16, %dma_start3A_17] : memref<4x100x128xf32, #tpu.memory_space<vmem>> -> memref<1x100x128xf32, #tpu.memory_space<vmem>>
    %dma_start3A_19 = tpu.memref_squeeze %dma_start3A_18 : memref<1x100x128xf32, #tpu.memory_space<vmem>> -> memref<100x128xf32, #tpu.memory_space<vmem>>
    %dma_start3A_20 = arith.constant 0 : i32
    %dma_start3A_21 = tpu.memref_slice %arg5[%dma_start3A_14, %dma_start3A_20] : memref<64x100xi32, #tpu.memory_space<vmem>> -> memref<1x100xi32, #tpu.memory_space<vmem>>
    %dma_start3A_22 = tpu.memref_squeeze %dma_start3A_21 : memref<1x100xi32, #tpu.memory_space<vmem>> -> memref<100xi32, #tpu.memory_space<vmem>>
    %dma_start3A_23 = arith.constant 0 : i32
    %dma_start3A_24 = arith.constant 0 : i32
    %dma_start3A_25 = tpu.memref_slice %arg2[%dma_start3A_23, %dma_start3A_24] : memref<100000x128xf32, #tpu.memory_space<hbm>> -> memref<100000x128xf32, #tpu.memory_space<hbm>>
    tpu.enqueue_indirect_dma source(%dma_start3A_25 : memref<100000x128xf32, #tpu.memory_space<hbm>>) target(%dma_start3A_19 : memref<100x128xf32, #tpu.memory_space<vmem>>) offsets(%dma_start3A_22 : memref<100xi32, #tpu.memory_space<vmem>>) semaphore(%arg9 : memref<!tpu.dma_semaphore, #tpu.memory_space<semaphore_mem>>)
    %dma_start3A_26 = arith.constant 2 : i32
    %dma_start3A_27 = arith.constant 2 : i32
    %dma_start3A_28 = arith.constant 0 : i32
    %dma_start3A_29 = arith.constant 0 : i32
    %dma_start3A_30 = tpu.memref_slice %arg6[%dma_start3A_27, %dma_start3A_28, %dma_start3A_29] : memref<4x100x128xf32, #tpu.memory_space<vmem>> -> memref<1x100x128xf32, #tpu.memory_space<vmem>>
    %dma_start3A_31 = tpu.memref_squeeze %dma_start3A_30 : memref<1x100x128xf32, #tpu.memory_space<vmem>> -> memref<100x128xf32, #tpu.memory_space<vmem>>
    %dma_start3A_32 = arith.constant 0 : i32
    %dma_start3A_33 = tpu.memref_slice %arg5[%dma_start3A_26, %dma_start3A_32] : memref<64x100xi32, #tpu.memory_space<vmem>> -> memref<1x100xi32, #tpu.memory_space<vmem>>
    %dma_start3A_34 = tpu.memref_squeeze %dma_start3A_33 : memref<1x100xi32, #tpu.memory_space<vmem>> -> memref<100xi32, #tpu.memory_space<vmem>>
    %dma_start3A_35 = arith.constant 0 : i32
    %dma_start3A_36 = arith.constant 0 : i32
    %dma_start3A_37 = tpu.memref_slice %arg2[%dma_start3A_35, %dma_start3A_36] : memref<100000x128xf32, #tpu.memory_space<hbm>> -> memref<100000x128xf32, #tpu.memory_space<hbm>>
    tpu.enqueue_indirect_dma source(%dma_start3A_37 : memref<100000x128xf32, #tpu.memory_space<hbm>>) target(%dma_start3A_31 : memref<100x128xf32, #tpu.memory_space<vmem>>) offsets(%dma_start3A_34 : memref<100xi32, #tpu.memory_space<vmem>>) semaphore(%arg10 : memref<!tpu.dma_semaphore, #tpu.memory_space<semaphore_mem>>)
    %dma_start3A_38 = arith.constant 3 : i32
    %dma_start3A_39 = arith.constant 3 : i32
    %dma_start3A_40 = arith.constant 0 : i32
    %dma_start3A_41 = arith.constant 0 : i32
    %dma_start3A_42 = tpu.memref_slice %arg6[%dma_start3A_39, %dma_start3A_40, %dma_start3A_41] : memref<4x100x128xf32, #tpu.memory_space<vmem>> -> memref<1x100x128xf32, #tpu.memory_space<vmem>>
    %dma_start3A_43 = tpu.memref_squeeze %dma_start3A_42 : memref<1x100x128xf32, #tpu.memory_space<vmem>> -> memref<100x128xf32, #tpu.memory_space<vmem>>
    %dma_start3A_44 = arith.constant 0 : i32
    %dma_start3A_45 = tpu.memref_slice %arg5[%dma_start3A_38, %dma_start3A_44] : memref<64x100xi32, #tpu.memory_space<vmem>> -> memref<1x100xi32, #tpu.memory_space<vmem>>
    %dma_start3A_46 = tpu.memref_squeeze %dma_start3A_45 : memref<1x100xi32, #tpu.memory_space<vmem>> -> memref<100xi32, #tpu.memory_space<vmem>>
    %dma_start3A_47 = arith.constant 0 : i32
    %dma_start3A_48 = arith.constant 0 : i32
    %dma_start3A_49 = tpu.memref_slice %arg2[%dma_start3A_47, %dma_start3A_48] : memref<100000x128xf32, #tpu.memory_space<hbm>> -> memref<100000x128xf32, #tpu.memory_space<hbm>>
    tpu.enqueue_indirect_dma source(%dma_start3A_49 : memref<100000x128xf32, #tpu.memory_space<hbm>>) target(%dma_start3A_43 : memref<100x128xf32, #tpu.memory_space<vmem>>) offsets(%dma_start3A_46 : memref<100xi32, #tpu.memory_space<vmem>>) semaphore(%arg11 : memref<!tpu.dma_semaphore, #tpu.memory_space<semaphore_mem>>)
    %scan3A = arith.constant 0 : i32
    %scan3A_50 = arith.constant 0 : i32
    %scan3A_51 = arith.constant 16 : i32
    %scan3A_52 = arith.addi %scan3A_50, %scan3A_51 : i32
    %scan3A_53 = arith.constant 1 : i32
    scf.for %scan3A_57 = %scan3A_50 to %scan3A_52 step %scan3A_53  : i32 {
      %mul3A_58 = arith.constant 4 : i32
      %mul3A_59 = arith.muli %scan3A_57, %mul3A_58 : i32
      %add3A_60 = arith.constant 0 : i32
      %add3A_61 = arith.addi %mul3A_59, %add3A_60 : i32
      %dma_wait3A = arith.constant 0 : i32
      %dma_wait3A_62 = arith.constant 0 : i32
      %dma_wait3A_63 = arith.constant 0 : i32
      %dma_wait3A_64 = arith.constant 0 : i32
      %dma_wait3A_65 = tpu.memref_slice %arg6[%dma_wait3A_62, %dma_wait3A_63, %dma_wait3A_64] : memref<4x100x128xf32, #tpu.memory_space<vmem>> -> memref<1x100x128xf32, #tpu.memory_space<vmem>>
      %dma_wait3A_66 = tpu.memref_squeeze %dma_wait3A_65 : memref<1x100x128xf32, #tpu.memory_space<vmem>> -> memref<100x128xf32, #tpu.memory_space<vmem>>
      %dma_wait3A_67 = arith.constant 0 : i32
      %dma_wait3A_68 = tpu.memref_slice %arg5[%dma_wait3A, %dma_wait3A_67] : memref<64x100xi32, #tpu.memory_space<vmem>> -> memref<1x100xi32, #tpu.memory_space<vmem>>
      %dma_wait3A_69 = tpu.memref_squeeze %dma_wait3A_68 : memref<1x100xi32, #tpu.memory_space<vmem>> -> memref<100xi32, #tpu.memory_space<vmem>>
      %dma_wait3A_70 = arith.constant 0 : i32
      %dma_wait3A_71 = arith.constant 0 : i32
      %dma_wait3A_72 = tpu.memref_slice %arg2[%dma_wait3A_70, %dma_wait3A_71] : memref<100000x128xf32, #tpu.memory_space<hbm>> -> memref<100000x128xf32, #tpu.memory_space<hbm>>
      tpu.wait_indirect_dma semaphore(%arg8 : memref<!tpu.dma_semaphore, #tpu.memory_space<semaphore_mem>>) src(%dma_wait3A_72 : memref<100000x128xf32, #tpu.memory_space<hbm>>) dst(%dma_wait3A_66 : memref<100x128xf32, #tpu.memory_space<vmem>>)
      %broadcast_in_dim3A = arith.constant 0.000000e+00 : f32
      %broadcast_in_dim3A_73 = vector.broadcast %broadcast_in_dim3A : f32 to vector<16xf32>
      %broadcast_in_dim3A_74 = arith.constant 0.000000e+00 : f32
      %broadcast_in_dim3A_75 = vector.broadcast %broadcast_in_dim3A_74 : f32 to vector<16xf32>
      %broadcast_in_dim3A_76 = arith.constant 0.000000e+00 : f32
      %broadcast_in_dim3A_77 = vector.broadcast %broadcast_in_dim3A_76 : f32 to vector<16xf32>
      %broadcast_in_dim3A_78 = arith.constant 0.000000e+00 : f32
      %broadcast_in_dim3A_79 = vector.broadcast %broadcast_in_dim3A_78 : f32 to vector<16xf32>
      %broadcast_in_dim3A_80 = arith.constant 0.000000e+00 : f32
      %broadcast_in_dim3A_81 = vector.broadcast %broadcast_in_dim3A_80 : f32 to vector<16xf32>
      %broadcast_in_dim3A_82 = arith.constant 0.000000e+00 : f32
      %broadcast_in_dim3A_83 = vector.broadcast %broadcast_in_dim3A_82 : f32 to vector<16xf32>
      %broadcast_in_dim3A_84 = arith.constant 0.000000e+00 : f32
      %broadcast_in_dim3A_85 = vector.broadcast %broadcast_in_dim3A_84 : f32 to vector<16xf32>
      %broadcast_in_dim3A_86 = arith.constant 0.000000e+00 : f32
      %broadcast_in_dim3A_87 = vector.broadcast %broadcast_in_dim3A_86 : f32 to vector<16xf32>
      %scan3A_88 = arith.constant 0 : i32
      %scan3A_89 = arith.constant 50 : i32
      %scan3A_90 = arith.addi %scan3A_88, %scan3A_89 : i32
      %scan3A_91 = arith.constant 5 : i32
      %scan3A_92:8 = scf.for %scan3A_672 = %scan3A_88 to %scan3A_90 step %scan3A_91 iter_args(%scan3A_673 = %broadcast_in_dim3A_73, %scan3A_674 = %broadcast_in_dim3A_75, %scan3A_675 = %broadcast_in_dim3A_77, %scan3A_676 = %broadcast_in_dim3A_79, %scan3A_677 = %broadcast_in_dim3A_81, %scan3A_678 = %broadcast_in_dim3A_83, %scan3A_679 = %broadcast_in_dim3A_85, %scan3A_680 = %broadcast_in_dim3A_87) -> (vector<16xf32>, vector<16xf32>, vector<16xf32>, vector<16xf32>, vector<16xf32>, vector<16xf32>, vector<16xf32>, vector<16xf32>)  : i32 {
        %add3A_681 = arith.constant 0 : i32
        %add3A_682 = arith.addi %add3A_681, %scan3A_672 : i32
        %get3A = arith.constant 0 : i32
        %get3A_683 = arith.index_cast %get3A : i32 to index
        %get3A_684 = arith.index_cast %add3A_682 : i32 to index
        %get3A_685 = arith.constant 0 : index
        %get3A_686 = tpu.vector_load %arg6[%get3A_683, %get3A_684, %get3A_685] {strides = array<i32>} : memref<4x100x128xf32, #tpu.memory_space<vmem>>, vector<1x1x16xf32>,
        %get3A_687 = vector.shape_cast %get3A_686 : vector<1x1x16xf32> to vector<16xf32>
        %add3A_688 = arith.addf %scan3A_673, %get3A_687 : vector<16xf32>
        %get3A_689 = arith.constant 0 : i32
        %get3A_690 = arith.index_cast %get3A_689 : i32 to index
        %get3A_691 = arith.index_cast %add3A_682 : i32 to index
        %get3A_692 = arith.constant 16 : index
        %get3A_693 = tpu.vector_load %arg6[%get3A_690, %get3A_691, %get3A_692] {strides = array<i32>} : memref<4x100x128xf32, #tpu.memory_space<vmem>>, vector<1x1x16xf32>,
        %get3A_694 = vector.shape_cast %get3A_693 : vector<1x1x16xf32> to vector<16xf32>
        %add3A_695 = arith.addf %scan3A_674, %get3A_694 : vector<16xf32>
        %get3A_696 = arith.constant 0 : i32
        %get3A_697 = arith.index_cast %get3A_696 : i32 to index
        %get3A_698 = arith.index_cast %add3A_682 : i32 to index
        %get3A_699 = arith.constant 32 : index
        %get3A_700 = tpu.vector_load %arg6[%get3A_697, %get3A_698, %get3A_699] {strides = array<i32>} : memref<4x100x128xf32, #tpu.memory_space<vmem>>, vector<1x1x16xf32>,
        %get3A_701 = vector.shape_cast %get3A_700 : vector<1x1x16xf32> to vector<16xf32>
        %add3A_702 = arith.addf %scan3A_675, %get3A_701 : vector<16xf32>
        %get3A_703 = arith.constant 0 : i32
        %get3A_704 = arith.index_cast %get3A_703 : i32 to index
        %get3A_705 = arith.index_cast %add3A_682 : i32 to index
        %get3A_706 = arith.constant 48 : index
        %get3A_707 = tpu.vector_load %arg6[%get3A_704, %get3A_705, %get3A_706] {strides = array<i32>} : memref<4x100x128xf32, #tpu.memory_space<vmem>>, vector<1x1x16xf32>,
        %get3A_708 = vector.shape_cast %get3A_707 : vector<1x1x16xf32> to vector<16xf32>
        %add3A_709 = arith.addf %scan3A_676, %get3A_708 : vector<16xf32>
        %get3A_710 = arith.constant 0 : i32
        %get3A_711 = arith.index_cast %get3A_710 : i32 to index
        %get3A_712 = arith.index_cast %add3A_682 : i32 to index
        %get3A_713 = arith.constant 64 : index
        %get3A_714 = tpu.vector_load %arg6[%get3A_711, %get3A_712, %get3A_713] {strides = array<i32>} : memref<4x100x128xf32, #tpu.memory_space<vmem>>, vector<1x1x16xf32>,
        %get3A_715 = vector.shape_cast %get3A_714 : vector<1x1x16xf32> to vector<16xf32>
        %add3A_716 = arith.addf %scan3A_677, %get3A_715 : vector<16xf32>
        %get3A_717 = arith.constant 0 : i32
        %get3A_718 = arith.index_cast %get3A_717 : i32 to index
        %get3A_719 = arith.index_cast %add3A_682 : i32 to index
        %get3A_720 = arith.constant 80 : index
        %get3A_721 = tpu.vector_load %arg6[%get3A_718, %get3A_719, %get3A_720] {strides = array<i32>} : memref<4x100x128xf32, #tpu.memory_space<vmem>>, vector<1x1x16xf32>,
        %get3A_722 = vector.shape_cast %get3A_721 : vector<1x1x16xf32> to vector<16xf32>
        %add3A_723 = arith.addf %scan3A_678, %get3A_722 : vector<16xf32>
        %get3A_724 = arith.constant 0 : i32
        %get3A_725 = arith.index_cast %get3A_724 : i32 to index
        %get3A_726 = arith.index_cast %add3A_682 : i32 to index
        %get3A_727 = arith.constant 96 : index
        %get3A_728 = tpu.vector_load %arg6[%get3A_725, %get3A_726, %get3A_727] {strides = array<i32>} : memref<4x100x128xf32, #tpu.memory_space<vmem>>, vector<1x1x16xf32>,
        %get3A_729 = vector.shape_cast %get3A_728 : vector<1x1x16xf32> to vector<16xf32>
        %add3A_730 = arith.addf %scan3A_679, %get3A_729 : vector<16xf32>
        %get3A_731 = arith.constant 0 : i32
        %get3A_732 = arith.index_cast %get3A_731 : i32 to index
        %get3A_733 = arith.index_cast %add3A_682 : i32 to index
        %get3A_734 = arith.constant 112 : index
        %get3A_735 = tpu.vector_load %arg6[%get3A_732, %get3A_733, %get3A_734] {strides = array<i32>} : memref<4x100x128xf32, #tpu.memory_space<vmem>>, vector<1x1x16xf32>,
        %get3A_736 = vector.shape_cast %get3A_735 : vector<1x1x16xf32> to vector<16xf32>
        %add3A_737 = arith.addf %scan3A_680, %get3A_736 : vector<16xf32>
        %scan3A_738 = arith.constant 1 : i32
        %scan3A_739 = arith.addi %scan3A_672, %scan3A_738 : i32
        %add3A_740 = arith.constant 0 : i32
        %add3A_741 = arith.addi %add3A_740, %scan3A_739 : i32
        %get3A_742 = arith.constant 0 : i32
        %get3A_743 = arith.index_cast %get3A_742 : i32 to index
        %get3A_744 = arith.index_cast %add3A_741 : i32 to index
        %get3A_745 = arith.constant 0 : index
        %get3A_746 = tpu.vector_load %arg6[%get3A_743, %get3A_744, %get3A_745] {strides = array<i32>} : memref<4x100x128xf32, #tpu.memory_space<vmem>>, vector<1x1x16xf32>,
        %get3A_747 = vector.shape_cast %get3A_746 : vector<1x1x16xf32> to vector<16xf32>
        %add3A_748 = arith.addf %add3A_688, %get3A_747 : vector<16xf32>
        %get3A_749 = arith.constant 0 : i32
        %get3A_750 = arith.index_cast %get3A_749 : i32 to index
        %get3A_751 = arith.index_cast %add3A_741 : i32 to index
        %get3A_752 = arith.constant 16 : index
        %get3A_753 = tpu.vector_load %arg6[%get3A_750, %get3A_751, %get3A_752] {strides = array<i32>} : memref<4x100x128xf32, #tpu.memory_space<vmem>>, vector<1x1x16xf32>,
        %get3A_754 = vector.shape_cast %get3A_753 : vector<1x1x16xf32> to vector<16xf32>
        %add3A_755 = arith.addf %add3A_695, %get3A_754 : vector<16xf32>
        %get3A_756 = arith.constant 0 : i32
        %get3A_757 = arith.index_cast %get3A_756 : i32 to index
        %get3A_758 = arith.index_cast %add3A_741 : i32 to index
        %get3A_759 = arith.constant 32 : index
        %get3A_760 = tpu.vector_load %arg6[%get3A_757, %get3A_758, %get3A_759] {strides = array<i32>} : memref<4x100x128xf32, #tpu.memory_space<vmem>>, vector<1x1x16xf32>,
        %get3A_761 = vector.shape_cast %get3A_760 : vector<1x1x16xf32> to vector<16xf32>
        %add3A_762 = arith.addf %add3A_702, %get3A_761 : vector<16xf32>
        %get3A_763 = arith.constant 0 : i32
        %get3A_764 = arith.index_cast %get3A_763 : i32 to index
        %get3A_765 = arith.index_cast %add3A_741 : i32 to index
        %get3A_766 = arith.constant 48 : index
        %get3A_767 = tpu.vector_load %arg6[%get3A_764, %get3A_765, %get3A_766] {strides = array<i32>} : memref<4x100x128xf32, #tpu.memory_space<vmem>>, vector<1x1x16xf32>,
        %get3A_768 = vector.shape_cast %get3A_767 : vector<1x1x16xf32> to vector<16xf32>
        %add3A_769 = arith.addf %add3A_709, %get3A_768 : vector<16xf32>
        %get3A_770 = arith.constant 0 : i32
        %get3A_771 = arith.index_cast %get3A_770 : i32 to index
        %get3A_772 = arith.index_cast %add3A_741 : i32 to index
        %get3A_773 = arith.constant 64 : index
        %get3A_774 = tpu.vector_load %arg6[%get3A_771, %get3A_772, %get3A_773] {strides = array<i32>} : memref<4x100x128xf32, #tpu.memory_space<vmem>>, vector<1x1x16xf32>,
        %get3A_775 = vector.shape_cast %get3A_774 : vector<1x1x16xf32> to vector<16xf32>
        %add3A_776 = arith.addf %add3A_716, %get3A_775 : vector<16xf32>
        %get3A_777 = arith.constant 0 : i32
        %get3A_778 = arith.index_cast %get3A_777 : i32 to index
        %get3A_779 = arith.index_cast %add3A_741 : i32 to index
        %get3A_780 = arith.constant 80 : index
        %get3A_781 = tpu.vector_load %arg6[%get3A_778, %get3A_779, %get3A_780] {strides = array<i32>} : memref<4x100x128xf32, #tpu.memory_space<vmem>>, vector<1x1x16xf32>,
        %get3A_782 = vector.shape_cast %get3A_781 : vector<1x1x16xf32> to vector<16xf32>
        %add3A_783 = arith.addf %add3A_723, %get3A_782 : vector<16xf32>
        %get3A_784 = arith.constant 0 : i32
        %get3A_785 = arith.index_cast %get3A_784 : i32 to index
        %get3A_786 = arith.index_cast %add3A_741 : i32 to index
        %get3A_787 = arith.constant 96 : index
        %get3A_788 = tpu.vector_load %arg6[%get3A_785, %get3A_786, %get3A_787] {strides = array<i32>} : memref<4x100x128xf32, #tpu.memory_space<vmem>>, vector<1x1x16xf32>,
        %get3A_789 = vector.shape_cast %get3A_788 : vector<1x1x16xf32> to vector<16xf32>
        %add3A_790 = arith.addf %add3A_730, %get3A_789 : vector<16xf32>
        %get3A_791 = arith.constant 0 : i32
        %get3A_792 = arith.index_cast %get3A_791 : i32 to index
        %get3A_793 = arith.index_cast %add3A_741 : i32 to index
        %get3A_794 = arith.constant 112 : index
        %get3A_795 = tpu.vector_load %arg6[%get3A_792, %get3A_793, %get3A_794] {strides = array<i32>} : memref<4x100x128xf32, #tpu.memory_space<vmem>>, vector<1x1x16xf32>,
        %get3A_796 = vector.shape_cast %get3A_795 : vector<1x1x16xf32> to vector<16xf32>
        %add3A_797 = arith.addf %add3A_737, %get3A_796 : vector<16xf32>
        %scan3A_798 = arith.constant 2 : i32
        %scan3A_799 = arith.addi %scan3A_672, %scan3A_798 : i32
        %add3A_800 = arith.constant 0 : i32
        %add3A_801 = arith.addi %add3A_800, %scan3A_799 : i32
        %get3A_802 = arith.constant 0 : i32
        %get3A_803 = arith.index_cast %get3A_802 : i32 to index
        %get3A_804 = arith.index_cast %add3A_801 : i32 to index
        %get3A_805 = arith.constant 0 : index
        %get3A_806 = tpu.vector_load %arg6[%get3A_803, %get3A_804, %get3A_805] {strides = array<i32>} : memref<4x100x128xf32, #tpu.memory_space<vmem>>, vector<1x1x16xf32>,
        %get3A_807 = vector.shape_cast %get3A_806 : vector<1x1x16xf32> to vector<16xf32>
        %add3A_808 = arith.addf %add3A_748, %get3A_807 : vector<16xf32>
        %get3A_809 = arith.constant 0 : i32
        %get3A_810 = arith.index_cast %get3A_809 : i32 to index
        %get3A_811 = arith.index_cast %add3A_801 : i32 to index
        %get3A_812 = arith.constant 16 : index
        %get3A_813 = tpu.vector_load %arg6[%get3A_810, %get3A_811, %get3A_812] {strides = array<i32>} : memref<4x100x128xf32, #tpu.memory_space<vmem>>, vector<1x1x16xf32>,
        %get3A_814 = vector.shape_cast %get3A_813 : vector<1x1x16xf32> to vector<16xf32>
        %add3A_815 = arith.addf %add3A_755, %get3A_814 : vector<16xf32>
        %get3A_816 = arith.constant 0 : i32
        %get3A_817 = arith.index_cast %get3A_816 : i32 to index
        %get3A_818 = arith.index_cast %add3A_801 : i32 to index
        %get3A_819 = arith.constant 32 : index
        %get3A_820 = tpu.vector_load %arg6[%get3A_817, %get3A_818, %get3A_819] {strides = array<i32>} : memref<4x100x128xf32, #tpu.memory_space<vmem>>, vector<1x1x16xf32>,
        %get3A_821 = vector.shape_cast %get3A_820 : vector<1x1x16xf32> to vector<16xf32>
        %add3A_822 = arith.addf %add3A_762, %get3A_821 : vector<16xf32>
        %get3A_823 = arith.constant 0 : i32
        %get3A_824 = arith.index_cast %get3A_823 : i32 to index
        %get3A_825 = arith.index_cast %add3A_801 : i32 to index
        %get3A_826 = arith.constant 48 : index
        %get3A_827 = tpu.vector_load %arg6[%get3A_824, %get3A_825, %get3A_826] {strides = array<i32>} : memref<4x100x128xf32, #tpu.memory_space<vmem>>, vector<1x1x16xf32>,
        %get3A_828 = vector.shape_cast %get3A_827 : vector<1x1x16xf32> to vector<16xf32>
        %add3A_829 = arith.addf %add3A_769, %get3A_828 : vector<16xf32>
        %get3A_830 = arith.constant 0 : i32
        %get3A_831 = arith.index_cast %get3A_830 : i32 to index
        %get3A_832 = arith.index_cast %add3A_801 : i32 to index
        %get3A_833 = arith.constant 64 : index
        %get3A_834 = tpu.vector_load %arg6[%get3A_831, %get3A_832, %get3A_833] {strides = array<i32>} : memref<4x100x128xf32, #tpu.memory_space<vmem>>, vector<1x1x16xf32>,
        %get3A_835 = vector.shape_cast %get3A_834 : vector<1x1x16xf32> to vector<16xf32>
        %add3A_836 = arith.addf %add3A_776, %get3A_835 : vector<16xf32>
        %get3A_837 = arith.constant 0 : i32
        %get3A_838 = arith.index_cast %get3A_837 : i32 to index
        %get3A_839 = arith.index_cast %add3A_801 : i32 to index
        %get3A_840 = arith.constant 80 : index
        %get3A_841 = tpu.vector_load %arg6[%get3A_838, %get3A_839, %get3A_840] {strides = array<i32>} : memref<4x100x128xf32, #tpu.memory_space<vmem>>, vector<1x1x16xf32>,
        %get3A_842 = vector.shape_cast %get3A_841 : vector<1x1x16xf32> to vector<16xf32>
        %add3A_843 = arith.addf %add3A_783, %get3A_842 : vector<16xf32>
        %get3A_844 = arith.constant 0 : i32
        %get3A_845 = arith.index_cast %get3A_844 : i32 to index
        %get3A_846 = arith.index_cast %add3A_801 : i32 to index
        %get3A_847 = arith.constant 96 : index
        %get3A_848 = tpu.vector_load %arg6[%get3A_845, %get3A_846, %get3A_847] {strides = array<i32>} : memref<4x100x128xf32, #tpu.memory_space<vmem>>, vector<1x1x16xf32>,
        %get3A_849 = vector.shape_cast %get3A_848 : vector<1x1x16xf32> to vector<16xf32>
        %add3A_850 = arith.addf %add3A_790, %get3A_849 : vector<16xf32>
        %get3A_851 = arith.constant 0 : i32
        %get3A_852 = arith.index_cast %get3A_851 : i32 to index
        %get3A_853 = arith.index_cast %add3A_801 : i32 to index
        %get3A_854 = arith.constant 112 : index
        %get3A_855 = tpu.vector_load %arg6[%get3A_852, %get3A_853, %get3A_854] {strides = array<i32>} : memref<4x100x128xf32, #tpu.memory_space<vmem>>, vector<1x1x16xf32>,
        %get3A_856 = vector.shape_cast %get3A_855 : vector<1x1x16xf32> to vector<16xf32>
        %add3A_857 = arith.addf %add3A_797, %get3A_856 : vector<16xf32>
        %scan3A_858 = arith.constant 3 : i32
        %scan3A_859 = arith.addi %scan3A_672, %scan3A_858 : i32
        %add3A_860 = arith.constant 0 : i32
        %add3A_861 = arith.addi %add3A_860, %scan3A_859 : i32
        %get3A_862 = arith.constant 0 : i32
        %get3A_863 = arith.index_cast %get3A_862 : i32 to index
        %get3A_864 = arith.index_cast %add3A_861 : i32 to index
        %get3A_865 = arith.constant 0 : index
        %get3A_866 = tpu.vector_load %arg6[%get3A_863, %get3A_864, %get3A_865] {strides = array<i32>} : memref<4x100x128xf32, #tpu.memory_space<vmem>>, vector<1x1x16xf32>,
        %get3A_867 = vector.shape_cast %get3A_866 : vector<1x1x16xf32> to vector<16xf32>
        %add3A_868 = arith.addf %add3A_808, %get3A_867 : vector<16xf32>
        %get3A_869 = arith.constant 0 : i32
        %get3A_870 = arith.index_cast %get3A_869 : i32 to index
        %get3A_871 = arith.index_cast %add3A_861 : i32 to index
        %get3A_872 = arith.constant 16 : index
        %get3A_873 = tpu.vector_load %arg6[%get3A_870, %get3A_871, %get3A_872] {strides = array<i32>} : memref<4x100x128xf32, #tpu.memory_space<vmem>>, vector<1x1x16xf32>,
        %get3A_874 = vector.shape_cast %get3A_873 : vector<1x1x16xf32> to vector<16xf32>
        %add3A_875 = arith.addf %add3A_815, %get3A_874 : vector<16xf32>
        %get3A_876 = arith.constant 0 : i32
        %get3A_877 = arith.index_cast %get3A_876 : i32 to index
        %get3A_878 = arith.index_cast %add3A_861 : i32 to index
        %get3A_879 = arith.constant 32 : index
        %get3A_880 = tpu.vector_load %arg6[%get3A_877, %get3A_878, %get3A_879] {strides = array<i32>} : memref<4x100x128xf32, #tpu.memory_space<vmem>>, vector<1x1x16xf32>,
        %get3A_881 = vector.shape_cast %get3A_880 : vector<1x1x16xf32> to vector<16xf32>
        %add3A_882 = arith.addf %add3A_822, %get3A_881 : vector<16xf32>
        %get3A_883 = arith.constant 0 : i32
        %get3A_884 = arith.index_cast %get3A_883 : i32 to index
        %get3A_885 = arith.index_cast %add3A_861 : i32 to index
        %get3A_886 = arith.constant 48 : index
        %get3A_887 = tpu.vector_load %arg6[%get3A_884, %get3A_885, %get3A_886] {strides = array<i32>} : memref<4x100x128xf32, #tpu.memory_space<vmem>>, vector<1x1x16xf32>,
        %get3A_888 = vector.shape_cast %get3A_887 : vector<1x1x16xf32> to vector<16xf32>
        %add3A_889 = arith.addf %add3A_829, %get3A_888 : vector<16xf32>
        %get3A_890 = arith.constant 0 : i32
        %get3A_891 = arith.index_cast %get3A_890 : i32 to index
        %get3A_892 = arith.index_cast %add3A_861 : i32 to index
        %get3A_893 = arith.constant 64 : index
        %get3A_894 = tpu.vector_load %arg6[%get3A_891, %get3A_892, %get3A_893] {strides = array<i32>} : memref<4x100x128xf32, #tpu.memory_space<vmem>>, vector<1x1x16xf32>,
        %get3A_895 = vector.shape_cast %get3A_894 : vector<1x1x16xf32> to vector<16xf32>
        %add3A_896 = arith.addf %add3A_836, %get3A_895 : vector<16xf32>
        %get3A_897 = arith.constant 0 : i32
        %get3A_898 = arith.index_cast %get3A_897 : i32 to index
        %get3A_899 = arith.index_cast %add3A_861 : i32 to index
        %get3A_900 = arith.constant 80 : index
        %get3A_901 = tpu.vector_load %arg6[%get3A_898, %get3A_899, %get3A_900] {strides = array<i32>} : memref<4x100x128xf32, #tpu.memory_space<vmem>>, vector<1x1x16xf32>,
        %get3A_902 = vector.shape_cast %get3A_901 : vector<1x1x16xf32> to vector<16xf32>
        %add3A_903 = arith.addf %add3A_843, %get3A_902 : vector<16xf32>
        %get3A_904 = arith.constant 0 : i32
        %get3A_905 = arith.index_cast %get3A_904 : i32 to index
        %get3A_906 = arith.index_cast %add3A_861 : i32 to index
        %get3A_907 = arith.constant 96 : index
        %get3A_908 = tpu.vector_load %arg6[%get3A_905, %get3A_906, %get3A_907] {strides = array<i32>} : memref<4x100x128xf32, #tpu.memory_space<vmem>>, vector<1x1x16xf32>,
        %get3A_909 = vector.shape_cast %get3A_908 : vector<1x1x16xf32> to vector<16xf32>
        %add3A_910 = arith.addf %add3A_850, %get3A_909 : vector<16xf32>
        %get3A_911 = arith.constant 0 : i32
        %get3A_912 = arith.index_cast %get3A_911 : i32 to index
        %get3A_913 = arith.index_cast %add3A_861 : i32 to index
        %get3A_914 = arith.constant 112 : index
        %get3A_915 = tpu.vector_load %arg6[%get3A_912, %get3A_913, %get3A_914] {strides = array<i32>} : memref<4x100x128xf32, #tpu.memory_space<vmem>>, vector<1x1x16xf32>,
        %get3A_916 = vector.shape_cast %get3A_915 : vector<1x1x16xf32> to vector<16xf32>
        %add3A_917 = arith.addf %add3A_857, %get3A_916 : vector<16xf32>
        %scan3A_918 = arith.constant 4 : i32
        %scan3A_919 = arith.addi %scan3A_672, %scan3A_918 : i32
        %add3A_920 = arith.constant 0 : i32
        %add3A_921 = arith.addi %add3A_920, %scan3A_919 : i32
        %get3A_922 = arith.constant 0 : i32
        %get3A_923 = arith.index_cast %get3A_922 : i32 to index
        %get3A_924 = arith.index_cast %add3A_921 : i32 to index
        %get3A_925 = arith.constant 0 : index
        %get3A_926 = tpu.vector_load %arg6[%get3A_923, %get3A_924, %get3A_925] {strides = array<i32>} : memref<4x100x128xf32, #tpu.memory_space<vmem>>, vector<1x1x16xf32>,
        %get3A_927 = vector.shape_cast %get3A_926 : vector<1x1x16xf32> to vector<16xf32>
        %add3A_928 = arith.addf %add3A_868, %get3A_927 : vector<16xf32>
        %get3A_929 = arith.constant 0 : i32
        %get3A_930 = arith.index_cast %get3A_929 : i32 to index
        %get3A_931 = arith.index_cast %add3A_921 : i32 to index
        %get3A_932 = arith.constant 16 : index
        %get3A_933 = tpu.vector_load %arg6[%get3A_930, %get3A_931, %get3A_932] {strides = array<i32>} : memref<4x100x128xf32, #tpu.memory_space<vmem>>, vector<1x1x16xf32>,
        %get3A_934 = vector.shape_cast %get3A_933 : vector<1x1x16xf32> to vector<16xf32>
        %add3A_935 = arith.addf %add3A_875, %get3A_934 : vector<16xf32>
        %get3A_936 = arith.constant 0 : i32
        %get3A_937 = arith.index_cast %get3A_936 : i32 to index
        %get3A_938 = arith.index_cast %add3A_921 : i32 to index
        %get3A_939 = arith.constant 32 : index
        %get3A_940 = tpu.vector_load %arg6[%get3A_937, %get3A_938, %get3A_939] {strides = array<i32>} : memref<4x100x128xf32, #tpu.memory_space<vmem>>, vector<1x1x16xf32>,
        %get3A_941 = vector.shape_cast %get3A_940 : vector<1x1x16xf32> to vector<16xf32>
        %add3A_942 = arith.addf %add3A_882, %get3A_941 : vector<16xf32>
        %get3A_943 = arith.constant 0 : i32
        %get3A_944 = arith.index_cast %get3A_943 : i32 to index
        %get3A_945 = arith.index_cast %add3A_921 : i32 to index
        %get3A_946 = arith.constant 48 : index
        %get3A_947 = tpu.vector_load %arg6[%get3A_944, %get3A_945, %get3A_946] {strides = array<i32>} : memref<4x100x128xf32, #tpu.memory_space<vmem>>, vector<1x1x16xf32>,
        %get3A_948 = vector.shape_cast %get3A_947 : vector<1x1x16xf32> to vector<16xf32>
        %add3A_949 = arith.addf %add3A_889, %get3A_948 : vector<16xf32>
        %get3A_950 = arith.constant 0 : i32
        %get3A_951 = arith.index_cast %get3A_950 : i32 to index
        %get3A_952 = arith.index_cast %add3A_921 : i32 to index
        %get3A_953 = arith.constant 64 : index
        %get3A_954 = tpu.vector_load %arg6[%get3A_951, %get3A_952, %get3A_953] {strides = array<i32>} : memref<4x100x128xf32, #tpu.memory_space<vmem>>, vector<1x1x16xf32>,
        %get3A_955 = vector.shape_cast %get3A_954 : vector<1x1x16xf32> to vector<16xf32>
        %add3A_956 = arith.addf %add3A_896, %get3A_955 : vector<16xf32>
        %get3A_957 = arith.constant 0 : i32
        %get3A_958 = arith.index_cast %get3A_957 : i32 to index
        %get3A_959 = arith.index_cast %add3A_921 : i32 to index
        %get3A_960 = arith.constant 80 : index
        %get3A_961 = tpu.vector_load %arg6[%get3A_958, %get3A_959, %get3A_960] {strides = array<i32>} : memref<4x100x128xf32, #tpu.memory_space<vmem>>, vector<1x1x16xf32>,
        %get3A_962 = vector.shape_cast %get3A_961 : vector<1x1x16xf32> to vector<16xf32>
        %add3A_963 = arith.addf %add3A_903, %get3A_962 : vector<16xf32>
        %get3A_964 = arith.constant 0 : i32
        %get3A_965 = arith.index_cast %get3A_964 : i32 to index
        %get3A_966 = arith.index_cast %add3A_921 : i32 to index
        %get3A_967 = arith.constant 96 : index
        %get3A_968 = tpu.vector_load %arg6[%get3A_965, %get3A_966, %get3A_967] {strides = array<i32>} : memref<4x100x128xf32, #tpu.memory_space<vmem>>, vector<1x1x16xf32>,
        %get3A_969 = vector.shape_cast %get3A_968 : vector<1x1x16xf32> to vector<16xf32>
        %add3A_970 = arith.addf %add3A_910, %get3A_969 : vector<16xf32>
        %get3A_971 = arith.constant 0 : i32
        %get3A_972 = arith.index_cast %get3A_971 : i32 to index
        %get3A_973 = arith.index_cast %add3A_921 : i32 to index
        %get3A_974 = arith.constant 112 : index
        %get3A_975 = tpu.vector_load %arg6[%get3A_972, %get3A_973, %get3A_974] {strides = array<i32>} : memref<4x100x128xf32, #tpu.memory_space<vmem>>, vector<1x1x16xf32>,
        %get3A_976 = vector.shape_cast %get3A_975 : vector<1x1x16xf32> to vector<16xf32>
        %add3A_977 = arith.addf %add3A_917, %get3A_976 : vector<16xf32>
        scf.yield %add3A_928, %add3A_935, %add3A_942, %add3A_949, %add3A_956, %add3A_963, %add3A_970, %add3A_977 : vector<16xf32>, vector<16xf32>, vector<16xf32>, vector<16xf32>, vector<16xf32>, vector<16xf32>, vector<16xf32>, vector<16xf32>
      }
      %scan3A_93 = arith.constant 50 : i32
      %mul3A_94 = arith.constant 2 : i32
      %mul3A_95 = arith.muli %add3A_61, %mul3A_94 : i32
      %add3A_96 = arith.constant 0 : i32
      %add3A_97 = arith.addi %mul3A_95, %add3A_96 : i32
      %swap3A = arith.index_cast %add3A_97 : i32 to index
      %swap3A_98 = arith.constant 0 : index
      %swap3A_99 = tpu.vector_load %arg7[%swap3A, %swap3A_98] {strides = array<i32>} : memref<128x128xf32, #tpu.memory_space<vmem>>, vector<1x16xf32>,
      %swap3A_100 = vector.shape_cast %swap3A_99 : vector<1x16xf32> to vector<16xf32>
      %swap3A_101 = vector.shape_cast %scan3A_92#0 : vector<16xf32> to vector<1x16xf32>
      tpu.vector_store %arg7[%swap3A, %swap3A_98], %swap3A_101 {strides = array<i32>} : memref<128x128xf32, #tpu.memory_space<vmem>>, vector<1x16xf32>,
      %swap3A_102 = arith.index_cast %add3A_97 : i32 to index
      %swap3A_103 = arith.constant 16 : index
      %swap3A_104 = tpu.vector_load %arg7[%swap3A_102, %swap3A_103] {strides = array<i32>} : memref<128x128xf32, #tpu.memory_space<vmem>>, vector<1x16xf32>,
      %swap3A_105 = vector.shape_cast %swap3A_104 : vector<1x16xf32> to vector<16xf32>
      %swap3A_106 = vector.shape_cast %scan3A_92#1 : vector<16xf32> to vector<1x16xf32>
      tpu.vector_store %arg7[%swap3A_102, %swap3A_103], %swap3A_106 {strides = array<i32>} : memref<128x128xf32, #tpu.memory_space<vmem>>, vector<1x16xf32>,
      %swap3A_107 = arith.index_cast %add3A_97 : i32 to index
      %swap3A_108 = arith.constant 32 : index
      %swap3A_109 = tpu.vector_load %arg7[%swap3A_107, %swap3A_108] {strides = array<i32>} : memref<128x128xf32, #tpu.memory_space<vmem>>, vector<1x16xf32>,
      %swap3A_110 = vector.shape_cast %swap3A_109 : vector<1x16xf32> to vector<16xf32>
      %swap3A_111 = vector.shape_cast %scan3A_92#2 : vector<16xf32> to vector<1x16xf32>
      tpu.vector_store %arg7[%swap3A_107, %swap3A_108], %swap3A_111 {strides = array<i32>} : memref<128x128xf32, #tpu.memory_space<vmem>>, vector<1x16xf32>,
      %swap3A_112 = arith.index_cast %add3A_97 : i32 to index
      %swap3A_113 = arith.constant 48 : index
      %swap3A_114 = tpu.vector_load %arg7[%swap3A_112, %swap3A_113] {strides = array<i32>} : memref<128x128xf32, #tpu.memory_space<vmem>>, vector<1x16xf32>,
      %swap3A_115 = vector.shape_cast %swap3A_114 : vector<1x16xf32> to vector<16xf32>
      %swap3A_116 = vector.shape_cast %scan3A_92#3 : vector<16xf32> to vector<1x16xf32>
      tpu.vector_store %arg7[%swap3A_112, %swap3A_113], %swap3A_116 {strides = array<i32>} : memref<128x128xf32, #tpu.memory_space<vmem>>, vector<1x16xf32>,
      %swap3A_117 = arith.index_cast %add3A_97 : i32 to index
      %swap3A_118 = arith.constant 64 : index
      %swap3A_119 = tpu.vector_load %arg7[%swap3A_117, %swap3A_118] {strides = array<i32>} : memref<128x128xf32, #tpu.memory_space<vmem>>, vector<1x16xf32>,
      %swap3A_120 = vector.shape_cast %swap3A_119 : vector<1x16xf32> to vector<16xf32>
      %swap3A_121 = vector.shape_cast %scan3A_92#4 : vector<16xf32> to vector<1x16xf32>
      tpu.vector_store %arg7[%swap3A_117, %swap3A_118], %swap3A_121 {strides = array<i32>} : memref<128x128xf32, #tpu.memory_space<vmem>>, vector<1x16xf32>,
      %swap3A_122 = arith.index_cast %add3A_97 : i32 to index
      %swap3A_123 = arith.constant 80 : index
      %swap3A_124 = tpu.vector_load %arg7[%swap3A_122, %swap3A_123] {strides = array<i32>} : memref<128x128xf32, #tpu.memory_space<vmem>>, vector<1x16xf32>,
      %swap3A_125 = vector.shape_cast %swap3A_124 : vector<1x16xf32> to vector<16xf32>
      %swap3A_126 = vector.shape_cast %scan3A_92#5 : vector<16xf32> to vector<1x16xf32>
      tpu.vector_store %arg7[%swap3A_122, %swap3A_123], %swap3A_126 {strides = array<i32>} : memref<128x128xf32, #tpu.memory_space<vmem>>, vector<1x16xf32>,
      %swap3A_127 = arith.index_cast %add3A_97 : i32 to index
      %swap3A_128 = arith.constant 96 : index
      %swap3A_129 = tpu.vector_load %arg7[%swap3A_127, %swap3A_128] {strides = array<i32>} : memref<128x128xf32, #tpu.memory_space<vmem>>, vector<1x16xf32>,
      %swap3A_130 = vector.shape_cast %swap3A_129 : vector<1x16xf32> to vector<16xf32>
      %swap3A_131 = vector.shape_cast %scan3A_92#6 : vector<16xf32> to vector<1x16xf32>
      tpu.vector_store %arg7[%swap3A_127, %swap3A_128], %swap3A_131 {strides = array<i32>} : memref<128x128xf32, #tpu.memory_space<vmem>>, vector<1x16xf32>,
      %swap3A_132 = arith.index_cast %add3A_97 : i32 to index
      %swap3A_133 = arith.constant 112 : index
      %swap3A_134 = tpu.vector_load %arg7[%swap3A_132, %swap3A_133] {strides = array<i32>} : memref<128x128xf32, #tpu.memory_space<vmem>>, vector<1x16xf32>,
      %swap3A_135 = vector.shape_cast %swap3A_134 : vector<1x16xf32> to vector<16xf32>
      %swap3A_136 = vector.shape_cast %scan3A_92#7 : vector<16xf32> to vector<1x16xf32>
      tpu.vector_store %arg7[%swap3A_132, %swap3A_133], %swap3A_136 {strides = array<i32>} : memref<128x128xf32, #tpu.memory_space<vmem>>, vector<1x16xf32>,
      %broadcast_in_dim3A_137 = arith.constant 0.000000e+00 : f32
      %broadcast_in_dim3A_138 = vector.broadcast %broadcast_in_dim3A_137 : f32 to vector<16xf32>
      %broadcast_in_dim3A_139 = arith.constant 0.000000e+00 : f32
      %broadcast_in_dim3A_140 = vector.broadcast %broadcast_in_dim3A_139 : f32 to vector<16xf32>
      %broadcast_in_dim3A_141 = arith.constant 0.000000e+00 : f32
      %broadcast_in_dim3A_142 = vector.broadcast %broadcast_in_dim3A_141 : f32 to vector<16xf32>
      %broadcast_in_dim3A_143 = arith.constant 0.000000e+00 : f32
      %broadcast_in_dim3A_144 = vector.broadcast %broadcast_in_dim3A_143 : f32 to vector<16xf32>
      %broadcast_in_dim3A_145 = arith.constant 0.000000e+00 : f32
      %broadcast_in_dim3A_146 = vector.broadcast %broadcast_in_dim3A_145 : f32 to vector<16xf32>
      %broadcast_in_dim3A_147 = arith.constant 0.000000e+00 : f32
      %broadcast_in_dim3A_148 = vector.broadcast %broadcast_in_dim3A_147 : f32 to vector<16xf32>
      %broadcast_in_dim3A_149 = arith.constant 0.000000e+00 : f32
      %broadcast_in_dim3A_150 = vector.broadcast %broadcast_in_dim3A_149 : f32 to vector<16xf32>
      %broadcast_in_dim3A_151 = arith.constant 0.000000e+00 : f32
      %broadcast_in_dim3A_152 = vector.broadcast %broadcast_in_dim3A_151 : f32 to vector<16xf32>
      %scan3A_153 = arith.constant 0 : i32
      %scan3A_154 = arith.constant 50 : i32
      %scan3A_155 = arith.addi %scan3A_153, %scan3A_154 : i32
      %scan3A_156 = arith.constant 5 : i32
      %scan3A_157:8 = scf.for %scan3A_672 = %scan3A_153 to %scan3A_155 step %scan3A_156 iter_args(%scan3A_673 = %broadcast_in_dim3A_138, %scan3A_674 = %broadcast_in_dim3A_140, %scan3A_675 = %broadcast_in_dim3A_142, %scan3A_676 = %broadcast_in_dim3A_144, %scan3A_677 = %broadcast_in_dim3A_146, %scan3A_678 = %broadcast_in_dim3A_148, %scan3A_679 = %broadcast_in_dim3A_150, %scan3A_680 = %broadcast_in_dim3A_152) -> (vector<16xf32>, vector<16xf32>, vector<16xf32>, vector<16xf32>, vector<16xf32>, vector<16xf32>, vector<16xf32>, vector<16xf32>)  : i32 {
        %add3A_681 = arith.constant 50 : i32
        %add3A_682 = arith.addi %add3A_681, %scan3A_672 : i32
        %get3A = arith.constant 0 : i32
        %get3A_683 = arith.index_cast %get3A : i32 to index
        %get3A_684 = arith.index_cast %add3A_682 : i32 to index
        %get3A_685 = arith.constant 0 : index
        %get3A_686 = tpu.vector_load %arg6[%get3A_683, %get3A_684, %get3A_685] {strides = array<i32>} : memref<4x100x128xf32, #tpu.memory_space<vmem>>, vector<1x1x16xf32>,
        %get3A_687 = vector.shape_cast %get3A_686 : vector<1x1x16xf32> to vector<16xf32>
        %add3A_688 = arith.addf %scan3A_673, %get3A_687 : vector<16xf32>
        %get3A_689 = arith.constant 0 : i32
        %get3A_690 = arith.index_cast %get3A_689 : i32 to index
        %get3A_691 = arith.index_cast %add3A_682 : i32 to index
        %get3A_692 = arith.constant 16 : index
        %get3A_693 = tpu.vector_load %arg6[%get3A_690, %get3A_691, %get3A_692] {strides = array<i32>} : memref<4x100x128xf32, #tpu.memory_space<vmem>>, vector<1x1x16xf32>,
        %get3A_694 = vector.shape_cast %get3A_693 : vector<1x1x16xf32> to vector<16xf32>
        %add3A_695 = arith.addf %scan3A_674, %get3A_694 : vector<16xf32>
        %get3A_696 = arith.constant 0 : i32
        %get3A_697 = arith.index_cast %get3A_696 : i32 to index
        %get3A_698 = arith.index_cast %add3A_682 : i32 to index
        %get3A_699 = arith.constant 32 : index
        %get3A_700 = tpu.vector_load %arg6[%get3A_697, %get3A_698, %get3A_699] {strides = array<i32>} : memref<4x100x128xf32, #tpu.memory_space<vmem>>, vector<1x1x16xf32>,
        %get3A_701 = vector.shape_cast %get3A_700 : vector<1x1x16xf32> to vector<16xf32>
        %add3A_702 = arith.addf %scan3A_675, %get3A_701 : vector<16xf32>
        %get3A_703 = arith.constant 0 : i32
        %get3A_704 = arith.index_cast %get3A_703 : i32 to index
        %get3A_705 = arith.index_cast %add3A_682 : i32 to index
        %get3A_706 = arith.constant 48 : index
        %get3A_707 = tpu.vector_load %arg6[%get3A_704, %get3A_705, %get3A_706] {strides = array<i32>} : memref<4x100x128xf32, #tpu.memory_space<vmem>>, vector<1x1x16xf32>,
        %get3A_708 = vector.shape_cast %get3A_707 : vector<1x1x16xf32> to vector<16xf32>
        %add3A_709 = arith.addf %scan3A_676, %get3A_708 : vector<16xf32>
        %get3A_710 = arith.constant 0 : i32
        %get3A_711 = arith.index_cast %get3A_710 : i32 to index
        %get3A_712 = arith.index_cast %add3A_682 : i32 to index
        %get3A_713 = arith.constant 64 : index
        %get3A_714 = tpu.vector_load %arg6[%get3A_711, %get3A_712, %get3A_713] {strides = array<i32>} : memref<4x100x128xf32, #tpu.memory_space<vmem>>, vector<1x1x16xf32>,
        %get3A_715 = vector.shape_cast %get3A_714 : vector<1x1x16xf32> to vector<16xf32>
        %add3A_716 = arith.addf %scan3A_677, %get3A_715 : vector<16xf32>
        %get3A_717 = arith.constant 0 : i32
        %get3A_718 = arith.index_cast %get3A_717 : i32 to index
        %get3A_719 = arith.index_cast %add3A_682 : i32 to index
        %get3A_720 = arith.constant 80 : index
        %get3A_721 = tpu.vector_load %arg6[%get3A_718, %get3A_719, %get3A_720] {strides = array<i32>} : memref<4x100x128xf32, #tpu.memory_space<vmem>>, vector<1x1x16xf32>,
        %get3A_722 = vector.shape_cast %get3A_721 : vector<1x1x16xf32> to vector<16xf32>
        %add3A_723 = arith.addf %scan3A_678, %get3A_722 : vector<16xf32>
        %get3A_724 = arith.constant 0 : i32
        %get3A_725 = arith.index_cast %get3A_724 : i32 to index
        %get3A_726 = arith.index_cast %add3A_682 : i32 to index
        %get3A_727 = arith.constant 96 : index
        %get3A_728 = tpu.vector_load %arg6[%get3A_725, %get3A_726, %get3A_727] {strides = array<i32>} : memref<4x100x128xf32, #tpu.memory_space<vmem>>, vector<1x1x16xf32>,
        %get3A_729 = vector.shape_cast %get3A_728 : vector<1x1x16xf32> to vector<16xf32>
        %add3A_730 = arith.addf %scan3A_679, %get3A_729 : vector<16xf32>
        %get3A_731 = arith.constant 0 : i32
        %get3A_732 = arith.index_cast %get3A_731 : i32 to index
        %get3A_733 = arith.index_cast %add3A_682 : i32 to index
        %get3A_734 = arith.constant 112 : index
        %get3A_735 = tpu.vector_load %arg6[%get3A_732, %get3A_733, %get3A_734] {strides = array<i32>} : memref<4x100x128xf32, #tpu.memory_space<vmem>>, vector<1x1x16xf32>,
        %get3A_736 = vector.shape_cast %get3A_735 : vector<1x1x16xf32> to vector<16xf32>
        %add3A_737 = arith.addf %scan3A_680, %get3A_736 : vector<16xf32>
        %scan3A_738 = arith.constant 1 : i32
        %scan3A_739 = arith.addi %scan3A_672, %scan3A_738 : i32
        %add3A_740 = arith.constant 50 : i32
        %add3A_741 = arith.addi %add3A_740, %scan3A_739 : i32
        %get3A_742 = arith.constant 0 : i32
        %get3A_743 = arith.index_cast %get3A_742 : i32 to index
        %get3A_744 = arith.index_cast %add3A_741 : i32 to index
        %get3A_745 = arith.constant 0 : index
        %get3A_746 = tpu.vector_load %arg6[%get3A_743, %get3A_744, %get3A_745] {strides = array<i32>} : memref<4x100x128xf32, #tpu.memory_space<vmem>>, vector<1x1x16xf32>,
        %get3A_747 = vector.shape_cast %get3A_746 : vector<1x1x16xf32> to vector<16xf32>
        %add3A_748 = arith.addf %add3A_688, %get3A_747 : vector<16xf32>
        %get3A_749 = arith.constant 0 : i32
        %get3A_750 = arith.index_cast %get3A_749 : i32 to index
        %get3A_751 = arith.index_cast %add3A_741 : i32 to index
        %get3A_752 = arith.constant 16 : index
        %get3A_753 = tpu.vector_load %arg6[%get3A_750, %get3A_751, %get3A_752] {strides = array<i32>} : memref<4x100x128xf32, #tpu.memory_space<vmem>>, vector<1x1x16xf32>,
        %get3A_754 = vector.shape_cast %get3A_753 : vector<1x1x16xf32> to vector<16xf32>
        %add3A_755 = arith.addf %add3A_695, %get3A_754 : vector<16xf32>
        %get3A_756 = arith.constant 0 : i32
        %get3A_757 = arith.index_cast %get3A_756 : i32 to index
        %get3A_758 = arith.index_cast %add3A_741 : i32 to index
        %get3A_759 = arith.constant 32 : index
        %get3A_760 = tpu.vector_load %arg6[%get3A_757, %get3A_758, %get3A_759] {strides = array<i32>} : memref<4x100x128xf32, #tpu.memory_space<vmem>>, vector<1x1x16xf32>,
        %get3A_761 = vector.shape_cast %get3A_760 : vector<1x1x16xf32> to vector<16xf32>
        %add3A_762 = arith.addf %add3A_702, %get3A_761 : vector<16xf32>
        %get3A_763 = arith.constant 0 : i32
        %get3A_764 = arith.index_cast %get3A_763 : i32 to index
        %get3A_765 = arith.index_cast %add3A_741 : i32 to index
        %get3A_766 = arith.constant 48 : index
        %get3A_767 = tpu.vector_load %arg6[%get3A_764, %get3A_765, %get3A_766] {strides = array<i32>} : memref<4x100x128xf32, #tpu.memory_space<vmem>>, vector<1x1x16xf32>,
        %get3A_768 = vector.shape_cast %get3A_767 : vector<1x1x16xf32> to vector<16xf32>
        %add3A_769 = arith.addf %add3A_709, %get3A_768 : vector<16xf32>
        %get3A_770 = arith.constant 0 : i32
        %get3A_771 = arith.index_cast %get3A_770 : i32 to index
        %get3A_772 = arith.index_cast %add3A_741 : i32 to index
        %get3A_773 = arith.constant 64 : index
        %get3A_774 = tpu.vector_load %arg6[%get3A_771, %get3A_772, %get3A_773] {strides = array<i32>} : memref<4x100x128xf32, #tpu.memory_space<vmem>>, vector<1x1x16xf32>,
        %get3A_775 = vector.shape_cast %get3A_774 : vector<1x1x16xf32> to vector<16xf32>
        %add3A_776 = arith.addf %add3A_716, %get3A_775 : vector<16xf32>
        %get3A_777 = arith.constant 0 : i32
        %get3A_778 = arith.index_cast %get3A_777 : i32 to index
        %get3A_779 = arith.index_cast %add3A_741 : i32 to index
        %get3A_780 = arith.constant 80 : index
        %get3A_781 = tpu.vector_load %arg6[%get3A_778, %get3A_779, %get3A_780] {strides = array<i32>} : memref<4x100x128xf32, #tpu.memory_space<vmem>>, vector<1x1x16xf32>,
        %get3A_782 = vector.shape_cast %get3A_781 : vector<1x1x16xf32> to vector<16xf32>
        %add3A_783 = arith.addf %add3A_723, %get3A_782 : vector<16xf32>
        %get3A_784 = arith.constant 0 : i32
        %get3A_785 = arith.index_cast %get3A_784 : i32 to index
        %get3A_786 = arith.index_cast %add3A_741 : i32 to index
        %get3A_787 = arith.constant 96 : index
        %get3A_788 = tpu.vector_load %arg6[%get3A_785, %get3A_786, %get3A_787] {strides = array<i32>} : memref<4x100x128xf32, #tpu.memory_space<vmem>>, vector<1x1x16xf32>,
        %get3A_789 = vector.shape_cast %get3A_788 : vector<1x1x16xf32> to vector<16xf32>
        %add3A_790 = arith.addf %add3A_730, %get3A_789 : vector<16xf32>
        %get3A_791 = arith.constant 0 : i32
        %get3A_792 = arith.index_cast %get3A_791 : i32 to index
        %get3A_793 = arith.index_cast %add3A_741 : i32 to index
        %get3A_794 = arith.constant 112 : index
        %get3A_795 = tpu.vector_load %arg6[%get3A_792, %get3A_793, %get3A_794] {strides = array<i32>} : memref<4x100x128xf32, #tpu.memory_space<vmem>>, vector<1x1x16xf32>,
        %get3A_796 = vector.shape_cast %get3A_795 : vector<1x1x16xf32> to vector<16xf32>
        %add3A_797 = arith.addf %add3A_737, %get3A_796 : vector<16xf32>
        %scan3A_798 = arith.constant 2 : i32
        %scan3A_799 = arith.addi %scan3A_672, %scan3A_798 : i32
        %add3A_800 = arith.constant 50 : i32
        %add3A_801 = arith.addi %add3A_800, %scan3A_799 : i32
        %get3A_802 = arith.constant 0 : i32
        %get3A_803 = arith.index_cast %get3A_802 : i32 to index
        %get3A_804 = arith.index_cast %add3A_801 : i32 to index
        %get3A_805 = arith.constant 0 : index
        %get3A_806 = tpu.vector_load %arg6[%get3A_803, %get3A_804, %get3A_805] {strides = array<i32>} : memref<4x100x128xf32, #tpu.memory_space<vmem>>, vector<1x1x16xf32>,
        %get3A_807 = vector.shape_cast %get3A_806 : vector<1x1x16xf32> to vector<16xf32>
        %add3A_808 = arith.addf %add3A_748, %get3A_807 : vector<16xf32>
        %get3A_809 = arith.constant 0 : i32
        %get3A_810 = arith.index_cast %get3A_809 : i32 to index
        %get3A_811 = arith.index_cast %add3A_801 : i32 to index
        %get3A_812 = arith.constant 16 : index
        %get3A_813 = tpu.vector_load %arg6[%get3A_810, %get3A_811, %get3A_812] {strides = array<i32>} : memref<4x100x128xf32, #tpu.memory_space<vmem>>, vector<1x1x16xf32>,
        %get3A_814 = vector.shape_cast %get3A_813 : vector<1x1x16xf32> to vector<16xf32>
        %add3A_815 = arith.addf %add3A_755, %get3A_814 : vector<16xf32>
        %get3A_816 = arith.constant 0 : i32
        %get3A_817 = arith.index_cast %get3A_816 : i32 to index
        %get3A_818 = arith.index_cast %add3A_801 : i32 to index
        %get3A_819 = arith.constant 32 : index
        %get3A_820 = tpu.vector_load %arg6[%get3A_817, %get3A_818, %get3A_819] {strides = array<i32>} : memref<4x100x128xf32, #tpu.memory_space<vmem>>, vector<1x1x16xf32>,
        %get3A_821 = vector.shape_cast %get3A_820 : vector<1x1x16xf32> to vector<16xf32>
        %add3A_822 = arith.addf %add3A_762, %get3A_821 : vector<16xf32>
        %get3A_823 = arith.constant 0 : i32
        %get3A_824 = arith.index_cast %get3A_823 : i32 to index
        %get3A_825 = arith.index_cast %add3A_801 : i32 to index
        %get3A_826 = arith.constant 48 : index
        %get3A_827 = tpu.vector_load %arg6[%get3A_824, %get3A_825, %get3A_826] {strides = array<i32>} : memref<4x100x128xf32, #tpu.memory_space<vmem>>, vector<1x1x16xf32>,
        %get3A_828 = vector.shape_cast %get3A_827 : vector<1x1x16xf32> to vector<16xf32>
        %add3A_829 = arith.addf %add3A_769, %get3A_828 : vector<16xf32>
        %get3A_830 = arith.constant 0 : i32
        %get3A_831 = arith.index_cast %get3A_830 : i32 to index
        %get3A_832 = arith.index_cast %add3A_801 : i32 to index
        %get3A_833 = arith.constant 64 : index
        %get3A_834 = tpu.vector_load %arg6[%get3A_831, %get3A_832, %get3A_833] {strides = array<i32>} : memref<4x100x128xf32, #tpu.memory_space<vmem>>, vector<1x1x16xf32>,
        %get3A_835 = vector.shape_cast %get3A_834 : vector<1x1x16xf32> to vector<16xf32>
        %add3A_836 = arith.addf %add3A_776, %get3A_835 : vector<16xf32>
        %get3A_837 = arith.constant 0 : i32
        %get3A_838 = arith.index_cast %get3A_837 : i32 to index
        %get3A_839 = arith.index_cast %add3A_801 : i32 to index
        %get3A_840 = arith.constant 80 : index
        %get3A_841 = tpu.vector_load %arg6[%get3A_838, %get3A_839, %get3A_840] {strides = array<i32>} : memref<4x100x128xf32, #tpu.memory_space<vmem>>, vector<1x1x16xf32>,
        %get3A_842 = vector.shape_cast %get3A_841 : vector<1x1x16xf32> to vector<16xf32>
        %add3A_843 = arith.addf %add3A_783, %get3A_842 : vector<16xf32>
        %get3A_844 = arith.constant 0 : i32
        %get3A_845 = arith.index_cast %get3A_844 : i32 to index
        %get3A_846 = arith.index_cast %add3A_801 : i32 to index
        %get3A_847 = arith.constant 96 : index
        %get3A_848 = tpu.vector_load %arg6[%get3A_845, %get3A_846, %get3A_847] {strides = array<i32>} : memref<4x100x128xf32, #tpu.memory_space<vmem>>, vector<1x1x16xf32>,
        %get3A_849 = vector.shape_cast %get3A_848 : vector<1x1x16xf32> to vector<16xf32>
        %add3A_850 = arith.addf %add3A_790, %get3A_849 : vector<16xf32>
        %get3A_851 = arith.constant 0 : i32
        %get3A_852 = arith.index_cast %get3A_851 : i32 to index
        %get3A_853 = arith.index_cast %add3A_801 : i32 to index
        %get3A_854 = arith.constant 112 : index
        %get3A_855 = tpu.vector_load %arg6[%get3A_852, %get3A_853, %get3A_854] {strides = array<i32>} : memref<4x100x128xf32, #tpu.memory_space<vmem>>, vector<1x1x16xf32>,
        %get3A_856 = vector.shape_cast %get3A_855 : vector<1x1x16xf32> to vector<16xf32>
        %add3A_857 = arith.addf %add3A_797, %get3A_856 : vector<16xf32>
        %scan3A_858 = arith.constant 3 : i32
        %scan3A_859 = arith.addi %scan3A_672, %scan3A_858 : i32
        %add3A_860 = arith.constant 50 : i32
        %add3A_861 = arith.addi %add3A_860, %scan3A_859 : i32
        %get3A_862 = arith.constant 0 : i32
        %get3A_863 = arith.index_cast %get3A_862 : i32 to index
        %get3A_864 = arith.index_cast %add3A_861 : i32 to index
        %get3A_865 = arith.constant 0 : index
        %get3A_866 = tpu.vector_load %arg6[%get3A_863, %get3A_864, %get3A_865] {strides = array<i32>} : memref<4x100x128xf32, #tpu.memory_space<vmem>>, vector<1x1x16xf32>,
        %get3A_867 = vector.shape_cast %get3A_866 : vector<1x1x16xf32> to vector<16xf32>
        %add3A_868 = arith.addf %add3A_808, %get3A_867 : vector<16xf32>
        %get3A_869 = arith.constant 0 : i32
        %get3A_870 = arith.index_cast %get3A_869 : i32 to index
        %get3A_871 = arith.index_cast %add3A_861 : i32 to index
        %get3A_872 = arith.constant 16 : index
        %get3A_873 = tpu.vector_load %arg6[%get3A_870, %get3A_871, %get3A_872] {strides = array<i32>} : memref<4x100x128xf32, #tpu.memory_space<vmem>>, vector<1x1x16xf32>,
        %get3A_874 = vector.shape_cast %get3A_873 : vector<1x1x16xf32> to vector<16xf32>
        %add3A_875 = arith.addf %add3A_815, %get3A_874 : vector<16xf32>
        %get3A_876 = arith.constant 0 : i32
        %get3A_877 = arith.index_cast %get3A_876 : i32 to index
        %get3A_878 = arith.index_cast %add3A_861 : i32 to index
        %get3A_879 = arith.constant 32 : index
        %get3A_880 = tpu.vector_load %arg6[%get3A_877, %get3A_878, %get3A_879] {strides = array<i32>} : memref<4x100x128xf32, #tpu.memory_space<vmem>>, vector<1x1x16xf32>,
        %get3A_881 = vector.shape_cast %get3A_880 : vector<1x1x16xf32> to vector<16xf32>
        %add3A_882 = arith.addf %add3A_822, %get3A_881 : vector<16xf32>
        %get3A_883 = arith.constant 0 : i32
        %get3A_884 = arith.index_cast %get3A_883 : i32 to index
        %get3A_885 = arith.index_cast %add3A_861 : i32 to index
        %get3A_886 = arith.constant 48 : index
        %get3A_887 = tpu.vector_load %arg6[%get3A_884, %get3A_885, %get3A_886] {strides = array<i32>} : memref<4x100x128xf32, #tpu.memory_space<vmem>>, vector<1x1x16xf32>,
        %get3A_888 = vector.shape_cast %get3A_887 : vector<1x1x16xf32> to vector<16xf32>
        %add3A_889 = arith.addf %add3A_829, %get3A_888 : vector<16xf32>
        %get3A_890 = arith.constant 0 : i32
        %get3A_891 = arith.index_cast %get3A_890 : i32 to index
        %get3A_892 = arith.index_cast %add3A_861 : i32 to index
        %get3A_893 = arith.constant 64 : index
        %get3A_894 = tpu.vector_load %arg6[%get3A_891, %get3A_892, %get3A_893] {strides = array<i32>} : memref<4x100x128xf32, #tpu.memory_space<vmem>>, vector<1x1x16xf32>,
        %get3A_895 = vector.shape_cast %get3A_894 : vector<1x1x16xf32> to vector<16xf32>
        %add3A_896 = arith.addf %add3A_836, %get3A_895 : vector<16xf32>
        %get3A_897 = arith.constant 0 : i32
        %get3A_898 = arith.index_cast %get3A_897 : i32 to index
        %get3A_899 = arith.index_cast %add3A_861 : i32 to index
        %get3A_900 = arith.constant 80 : index
        %get3A_901 = tpu.vector_load %arg6[%get3A_898, %get3A_899, %get3A_900] {strides = array<i32>} : memref<4x100x128xf32, #tpu.memory_space<vmem>>, vector<1x1x16xf32>,
        %get3A_902 = vector.shape_cast %get3A_901 : vector<1x1x16xf32> to vector<16xf32>
        %add3A_903 = arith.addf %add3A_843, %get3A_902 : vector<16xf32>
        %get3A_904 = arith.constant 0 : i32
        %get3A_905 = arith.index_cast %get3A_904 : i32 to index
        %get3A_906 = arith.index_cast %add3A_861 : i32 to index
        %get3A_907 = arith.constant 96 : index
        %get3A_908 = tpu.vector_load %arg6[%get3A_905, %get3A_906, %get3A_907] {strides = array<i32>} : memref<4x100x128xf32, #tpu.memory_space<vmem>>, vector<1x1x16xf32>,
        %get3A_909 = vector.shape_cast %get3A_908 : vector<1x1x16xf32> to vector<16xf32>
        %add3A_910 = arith.addf %add3A_850, %get3A_909 : vector<16xf32>
        %get3A_911 = arith.constant 0 : i32
        %get3A_912 = arith.index_cast %get3A_911 : i32 to index
        %get3A_913 = arith.index_cast %add3A_861 : i32 to index
        %get3A_914 = arith.constant 112 : index
        %get3A_915 = tpu.vector_load %arg6[%get3A_912, %get3A_913, %get3A_914] {strides = array<i32>} : memref<4x100x128xf32, #tpu.memory_space<vmem>>, vector<1x1x16xf32>,
        %get3A_916 = vector.shape_cast %get3A_915 : vector<1x1x16xf32> to vector<16xf32>
        %add3A_917 = arith.addf %add3A_857, %get3A_916 : vector<16xf32>
        %scan3A_918 = arith.constant 4 : i32
        %scan3A_919 = arith.addi %scan3A_672, %scan3A_918 : i32
        %add3A_920 = arith.constant 50 : i32
        %add3A_921 = arith.addi %add3A_920, %scan3A_919 : i32
        %get3A_922 = arith.constant 0 : i32
        %get3A_923 = arith.index_cast %get3A_922 : i32 to index
        %get3A_924 = arith.index_cast %add3A_921 : i32 to index
        %get3A_925 = arith.constant 0 : index
        %get3A_926 = tpu.vector_load %arg6[%get3A_923, %get3A_924, %get3A_925] {strides = array<i32>} : memref<4x100x128xf32, #tpu.memory_space<vmem>>, vector<1x1x16xf32>,
        %get3A_927 = vector.shape_cast %get3A_926 : vector<1x1x16xf32> to vector<16xf32>
        %add3A_928 = arith.addf %add3A_868, %get3A_927 : vector<16xf32>
        %get3A_929 = arith.constant 0 : i32
        %get3A_930 = arith.index_cast %get3A_929 : i32 to index
        %get3A_931 = arith.index_cast %add3A_921 : i32 to index
        %get3A_932 = arith.constant 16 : index
        %get3A_933 = tpu.vector_load %arg6[%get3A_930, %get3A_931, %get3A_932] {strides = array<i32>} : memref<4x100x128xf32, #tpu.memory_space<vmem>>, vector<1x1x16xf32>,
        %get3A_934 = vector.shape_cast %get3A_933 : vector<1x1x16xf32> to vector<16xf32>
        %add3A_935 = arith.addf %add3A_875, %get3A_934 : vector<16xf32>
        %get3A_936 = arith.constant 0 : i32
        %get3A_937 = arith.index_cast %get3A_936 : i32 to index
        %get3A_938 = arith.index_cast %add3A_921 : i32 to index
        %get3A_939 = arith.constant 32 : index
        %get3A_940 = tpu.vector_load %arg6[%get3A_937, %get3A_938, %get3A_939] {strides = array<i32>} : memref<4x100x128xf32, #tpu.memory_space<vmem>>, vector<1x1x16xf32>,
        %get3A_941 = vector.shape_cast %get3A_940 : vector<1x1x16xf32> to vector<16xf32>
        %add3A_942 = arith.addf %add3A_882, %get3A_941 : vector<16xf32>
        %get3A_943 = arith.constant 0 : i32
        %get3A_944 = arith.index_cast %get3A_943 : i32 to index
        %get3A_945 = arith.index_cast %add3A_921 : i32 to index
        %get3A_946 = arith.constant 48 : index
        %get3A_947 = tpu.vector_load %arg6[%get3A_944, %get3A_945, %get3A_946] {strides = array<i32>} : memref<4x100x128xf32, #tpu.memory_space<vmem>>, vector<1x1x16xf32>,
        %get3A_948 = vector.shape_cast %get3A_947 : vector<1x1x16xf32> to vector<16xf32>
        %add3A_949 = arith.addf %add3A_889, %get3A_948 : vector<16xf32>
        %get3A_950 = arith.constant 0 : i32
        %get3A_951 = arith.index_cast %get3A_950 : i32 to index
        %get3A_952 = arith.index_cast %add3A_921 : i32 to index
        %get3A_953 = arith.constant 64 : index
        %get3A_954 = tpu.vector_load %arg6[%get3A_951, %get3A_952, %get3A_953] {strides = array<i32>} : memref<4x100x128xf32, #tpu.memory_space<vmem>>, vector<1x1x16xf32>,
        %get3A_955 = vector.shape_cast %get3A_954 : vector<1x1x16xf32> to vector<16xf32>
        %add3A_956 = arith.addf %add3A_896, %get3A_955 : vector<16xf32>
        %get3A_957 = arith.constant 0 : i32
        %get3A_958 = arith.index_cast %get3A_957 : i32 to index
        %get3A_959 = arith.index_cast %add3A_921 : i32 to index
        %get3A_960 = arith.constant 80 : index
        %get3A_961 = tpu.vector_load %arg6[%get3A_958, %get3A_959, %get3A_960] {strides = array<i32>} : memref<4x100x128xf32, #tpu.memory_space<vmem>>, vector<1x1x16xf32>,
        %get3A_962 = vector.shape_cast %get3A_961 : vector<1x1x16xf32> to vector<16xf32>
        %add3A_963 = arith.addf %add3A_903, %get3A_962 : vector<16xf32>
        %get3A_964 = arith.constant 0 : i32
        %get3A_965 = arith.index_cast %get3A_964 : i32 to index
        %get3A_966 = arith.index_cast %add3A_921 : i32 to index
        %get3A_967 = arith.constant 96 : index
        %get3A_968 = tpu.vector_load %arg6[%get3A_965, %get3A_966, %get3A_967] {strides = array<i32>} : memref<4x100x128xf32, #tpu.memory_space<vmem>>, vector<1x1x16xf32>,
        %get3A_969 = vector.shape_cast %get3A_968 : vector<1x1x16xf32> to vector<16xf32>
        %add3A_970 = arith.addf %add3A_910, %get3A_969 : vector<16xf32>
        %get3A_971 = arith.constant 0 : i32
        %get3A_972 = arith.index_cast %get3A_971 : i32 to index
        %get3A_973 = arith.index_cast %add3A_921 : i32 to index
        %get3A_974 = arith.constant 112 : index
        %get3A_975 = tpu.vector_load %arg6[%get3A_972, %get3A_973, %get3A_974] {strides = array<i32>} : memref<4x100x128xf32, #tpu.memory_space<vmem>>, vector<1x1x16xf32>,
        %get3A_976 = vector.shape_cast %get3A_975 : vector<1x1x16xf32> to vector<16xf32>
        %add3A_977 = arith.addf %add3A_917, %get3A_976 : vector<16xf32>
        scf.yield %add3A_928, %add3A_935, %add3A_942, %add3A_949, %add3A_956, %add3A_963, %add3A_970, %add3A_977 : vector<16xf32>, vector<16xf32>, vector<16xf32>, vector<16xf32>, vector<16xf32>, vector<16xf32>, vector<16xf32>, vector<16xf32>
      }
      %scan3A_158 = arith.constant 50 : i32
      %mul3A_159 = arith.constant 2 : i32
      %mul3A_160 = arith.muli %add3A_61, %mul3A_159 : i32
      %add3A_161 = arith.constant 1 : i32
      %add3A_162 = arith.addi %mul3A_160, %add3A_161 : i32
      %swap3A_163 = arith.index_cast %add3A_162 : i32 to index
      %swap3A_164 = arith.constant 0 : index
      %swap3A_165 = tpu.vector_load %arg7[%swap3A_163, %swap3A_164] {strides = array<i32>} : memref<128x128xf32, #tpu.memory_space<vmem>>, vector<1x16xf32>,
      %swap3A_166 = vector.shape_cast %swap3A_165 : vector<1x16xf32> to vector<16xf32>
      %swap3A_167 = vector.shape_cast %scan3A_157#0 : vector<16xf32> to vector<1x16xf32>
      tpu.vector_store %arg7[%swap3A_163, %swap3A_164], %swap3A_167 {strides = array<i32>} : memref<128x128xf32, #tpu.memory_space<vmem>>, vector<1x16xf32>,
      %swap3A_168 = arith.index_cast %add3A_162 : i32 to index
      %swap3A_169 = arith.constant 16 : index
      %swap3A_170 = tpu.vector_load %arg7[%swap3A_168, %swap3A_169] {strides = array<i32>} : memref<128x128xf32, #tpu.memory_space<vmem>>, vector<1x16xf32>,
      %swap3A_171 = vector.shape_cast %swap3A_170 : vector<1x16xf32> to vector<16xf32>
      %swap3A_172 = vector.shape_cast %scan3A_157#1 : vector<16xf32> to vector<1x16xf32>
      tpu.vector_store %arg7[%swap3A_168, %swap3A_169], %swap3A_172 {strides = array<i32>} : memref<128x128xf32, #tpu.memory_space<vmem>>, vector<1x16xf32>,
      %swap3A_173 = arith.index_cast %add3A_162 : i32 to index
      %swap3A_174 = arith.constant 32 : index
      %swap3A_175 = tpu.vector_load %arg7[%swap3A_173, %swap3A_174] {strides = array<i32>} : memref<128x128xf32, #tpu.memory_space<vmem>>, vector<1x16xf32>,
      %swap3A_176 = vector.shape_cast %swap3A_175 : vector<1x16xf32> to vector<16xf32>
      %swap3A_177 = vector.shape_cast %scan3A_157#2 : vector<16xf32> to vector<1x16xf32>
      tpu.vector_store %arg7[%swap3A_173, %swap3A_174], %swap3A_177 {strides = array<i32>} : memref<128x128xf32, #tpu.memory_space<vmem>>, vector<1x16xf32>,
      %swap3A_178 = arith.index_cast %add3A_162 : i32 to index
      %swap3A_179 = arith.constant 48 : index
      %swap3A_180 = tpu.vector_load %arg7[%swap3A_178, %swap3A_179] {strides = array<i32>} : memref<128x128xf32, #tpu.memory_space<vmem>>, vector<1x16xf32>,
      %swap3A_181 = vector.shape_cast %swap3A_180 : vector<1x16xf32> to vector<16xf32>
      %swap3A_182 = vector.shape_cast %scan3A_157#3 : vector<16xf32> to vector<1x16xf32>
      tpu.vector_store %arg7[%swap3A_178, %swap3A_179], %swap3A_182 {strides = array<i32>} : memref<128x128xf32, #tpu.memory_space<vmem>>, vector<1x16xf32>,
      %swap3A_183 = arith.index_cast %add3A_162 : i32 to index
      %swap3A_184 = arith.constant 64 : index
      %swap3A_185 = tpu.vector_load %arg7[%swap3A_183, %swap3A_184] {strides = array<i32>} : memref<128x128xf32, #tpu.memory_space<vmem>>, vector<1x16xf32>,
      %swap3A_186 = vector.shape_cast %swap3A_185 : vector<1x16xf32> to vector<16xf32>
      %swap3A_187 = vector.shape_cast %scan3A_157#4 : vector<16xf32> to vector<1x16xf32>
      tpu.vector_store %arg7[%swap3A_183, %swap3A_184], %swap3A_187 {strides = array<i32>} : memref<128x128xf32, #tpu.memory_space<vmem>>, vector<1x16xf32>,
      %swap3A_188 = arith.index_cast %add3A_162 : i32 to index
      %swap3A_189 = arith.constant 80 : index
      %swap3A_190 = tpu.vector_load %arg7[%swap3A_188, %swap3A_189] {strides = array<i32>} : memref<128x128xf32, #tpu.memory_space<vmem>>, vector<1x16xf32>,
      %swap3A_191 = vector.shape_cast %swap3A_190 : vector<1x16xf32> to vector<16xf32>
      %swap3A_192 = vector.shape_cast %scan3A_157#5 : vector<16xf32> to vector<1x16xf32>
      tpu.vector_store %arg7[%swap3A_188, %swap3A_189], %swap3A_192 {strides = array<i32>} : memref<128x128xf32, #tpu.memory_space<vmem>>, vector<1x16xf32>,
      %swap3A_193 = arith.index_cast %add3A_162 : i32 to index
      %swap3A_194 = arith.constant 96 : index
      %swap3A_195 = tpu.vector_load %arg7[%swap3A_193, %swap3A_194] {strides = array<i32>} : memref<128x128xf32, #tpu.memory_space<vmem>>, vector<1x16xf32>,
      %swap3A_196 = vector.shape_cast %swap3A_195 : vector<1x16xf32> to vector<16xf32>
      %swap3A_197 = vector.shape_cast %scan3A_157#6 : vector<16xf32> to vector<1x16xf32>
      tpu.vector_store %arg7[%swap3A_193, %swap3A_194], %swap3A_197 {strides = array<i32>} : memref<128x128xf32, #tpu.memory_space<vmem>>, vector<1x16xf32>,
      %swap3A_198 = arith.index_cast %add3A_162 : i32 to index
      %swap3A_199 = arith.constant 112 : index
      %swap3A_200 = tpu.vector_load %arg7[%swap3A_198, %swap3A_199] {strides = array<i32>} : memref<128x128xf32, #tpu.memory_space<vmem>>, vector<1x16xf32>,
      %swap3A_201 = vector.shape_cast %swap3A_200 : vector<1x16xf32> to vector<16xf32>
      %swap3A_202 = vector.shape_cast %scan3A_157#7 : vector<16xf32> to vector<1x16xf32>
      tpu.vector_store %arg7[%swap3A_198, %swap3A_199], %swap3A_202 {strides = array<i32>} : memref<128x128xf32, #tpu.memory_space<vmem>>, vector<1x16xf32>,
      %add3A_203 = arith.constant 4 : i32
      %add3A_204 = arith.addi %add3A_61, %add3A_203 : i32
      %lt3A = arith.constant 64 : i32
      %lt3A_205 = arith.cmpi slt, %add3A_204, %lt3A : i32
      %convert_element_type3A = arith.extui %lt3A_205 : i1 to i32
      %cond3A = arith.constant 0 : i32
      %cond3A_206 = arith.cmpi ne, %convert_element_type3A, %cond3A : i32
      scf.if %cond3A_206 {
        %dma_start3A_672 = arith.constant 0 : i32
        %dma_start3A_673 = arith.constant 0 : i32
        %dma_start3A_674 = arith.constant 0 : i32
        %dma_start3A_675 = tpu.memref_slice %arg6[%dma_start3A_672, %dma_start3A_673, %dma_start3A_674] : memref<4x100x128xf32, #tpu.memory_space<vmem>> -> memref<1x100x128xf32, #tpu.memory_space<vmem>>
        %dma_start3A_676 = tpu.memref_squeeze %dma_start3A_675 : memref<1x100x128xf32, #tpu.memory_space<vmem>> -> memref<100x128xf32, #tpu.memory_space<vmem>>
        %dma_start3A_677 = arith.constant 0 : i32
        %dma_start3A_678 = tpu.memref_slice %arg5[%add3A_204, %dma_start3A_677] : memref<64x100xi32, #tpu.memory_space<vmem>> -> memref<1x100xi32, #tpu.memory_space<vmem>>
        %dma_start3A_679 = tpu.memref_squeeze %dma_start3A_678 : memref<1x100xi32, #tpu.memory_space<vmem>> -> memref<100xi32, #tpu.memory_space<vmem>>
        %dma_start3A_680 = arith.constant 0 : i32
        %dma_start3A_681 = arith.constant 0 : i32
        %dma_start3A_682 = tpu.memref_slice %arg2[%dma_start3A_680, %dma_start3A_681] : memref<100000x128xf32, #tpu.memory_space<hbm>> -> memref<100000x128xf32, #tpu.memory_space<hbm>>
        tpu.enqueue_indirect_dma source(%dma_start3A_682 : memref<100000x128xf32, #tpu.memory_space<hbm>>) target(%dma_start3A_676 : memref<100x128xf32, #tpu.memory_space<vmem>>) offsets(%dma_start3A_679 : memref<100xi32, #tpu.memory_space<vmem>>) semaphore(%arg8 : memref<!tpu.dma_semaphore, #tpu.memory_space<semaphore_mem>>)
      } else {
      }
      %mul3A_207 = arith.constant 4 : i32
      %mul3A_208 = arith.muli %scan3A_57, %mul3A_207 : i32
      %add3A_209 = arith.constant 1 : i32
      %add3A_210 = arith.addi %mul3A_208, %add3A_209 : i32
      %dma_wait3A_211 = arith.constant 0 : i32
      %dma_wait3A_212 = arith.constant 1 : i32
      %dma_wait3A_213 = arith.constant 0 : i32
      %dma_wait3A_214 = arith.constant 0 : i32
      %dma_wait3A_215 = tpu.memref_slice %arg6[%dma_wait3A_212, %dma_wait3A_213, %dma_wait3A_214] : memref<4x100x128xf32, #tpu.memory_space<vmem>> -> memref<1x100x128xf32, #tpu.memory_space<vmem>>
      %dma_wait3A_216 = tpu.memref_squeeze %dma_wait3A_215 : memref<1x100x128xf32, #tpu.memory_space<vmem>> -> memref<100x128xf32, #tpu.memory_space<vmem>>
      %dma_wait3A_217 = arith.constant 0 : i32
      %dma_wait3A_218 = tpu.memref_slice %arg5[%dma_wait3A_211, %dma_wait3A_217] : memref<64x100xi32, #tpu.memory_space<vmem>> -> memref<1x100xi32, #tpu.memory_space<vmem>>
      %dma_wait3A_219 = tpu.memref_squeeze %dma_wait3A_218 : memref<1x100xi32, #tpu.memory_space<vmem>> -> memref<100xi32, #tpu.memory_space<vmem>>
      %dma_wait3A_220 = arith.constant 0 : i32
      %dma_wait3A_221 = arith.constant 0 : i32
      %dma_wait3A_222 = tpu.memref_slice %arg2[%dma_wait3A_220, %dma_wait3A_221] : memref<100000x128xf32, #tpu.memory_space<hbm>> -> memref<100000x128xf32, #tpu.memory_space<hbm>>
      tpu.wait_indirect_dma semaphore(%arg9 : memref<!tpu.dma_semaphore, #tpu.memory_space<semaphore_mem>>) src(%dma_wait3A_222 : memref<100000x128xf32, #tpu.memory_space<hbm>>) dst(%dma_wait3A_216 : memref<100x128xf32, #tpu.memory_space<vmem>>)
      %broadcast_in_dim3A_223 = arith.constant 0.000000e+00 : f32
      %broadcast_in_dim3A_224 = vector.broadcast %broadcast_in_dim3A_223 : f32 to vector<16xf32>
      %broadcast_in_dim3A_225 = arith.constant 0.000000e+00 : f32
      %broadcast_in_dim3A_226 = vector.broadcast %broadcast_in_dim3A_225 : f32 to vector<16xf32>
      %broadcast_in_dim3A_227 = arith.constant 0.000000e+00 : f32
      %broadcast_in_dim3A_228 = vector.broadcast %broadcast_in_dim3A_227 : f32 to vector<16xf32>
      %broadcast_in_dim3A_229 = arith.constant 0.000000e+00 : f32
      %broadcast_in_dim3A_230 = vector.broadcast %broadcast_in_dim3A_229 : f32 to vector<16xf32>
      %broadcast_in_dim3A_231 = arith.constant 0.000000e+00 : f32
      %broadcast_in_dim3A_232 = vector.broadcast %broadcast_in_dim3A_231 : f32 to vector<16xf32>
      %broadcast_in_dim3A_233 = arith.constant 0.000000e+00 : f32
      %broadcast_in_dim3A_234 = vector.broadcast %broadcast_in_dim3A_233 : f32 to vector<16xf32>
      %broadcast_in_dim3A_235 = arith.constant 0.000000e+00 : f32
      %broadcast_in_dim3A_236 = vector.broadcast %broadcast_in_dim3A_235 : f32 to vector<16xf32>
      %broadcast_in_dim3A_237 = arith.constant 0.000000e+00 : f32
      %broadcast_in_dim3A_238 = vector.broadcast %broadcast_in_dim3A_237 : f32 to vector<16xf32>
      %scan3A_239 = arith.constant 0 : i32
      %scan3A_240 = arith.constant 50 : i32
      %scan3A_241 = arith.addi %scan3A_239, %scan3A_240 : i32
      %scan3A_242 = arith.constant 5 : i32
      %scan3A_243:8 = scf.for %scan3A_672 = %scan3A_239 to %scan3A_241 step %scan3A_242 iter_args(%scan3A_673 = %broadcast_in_dim3A_224, %scan3A_674 = %broadcast_in_dim3A_226, %scan3A_675 = %broadcast_in_dim3A_228, %scan3A_676 = %broadcast_in_dim3A_230, %scan3A_677 = %broadcast_in_dim3A_232, %scan3A_678 = %broadcast_in_dim3A_234, %scan3A_679 = %broadcast_in_dim3A_236, %scan3A_680 = %broadcast_in_dim3A_238) -> (vector<16xf32>, vector<16xf32>, vector<16xf32>, vector<16xf32>, vector<16xf32>, vector<16xf32>, vector<16xf32>, vector<16xf32>)  : i32 {
        %add3A_681 = arith.constant 0 : i32
        %add3A_682 = arith.addi %add3A_681, %scan3A_672 : i32
        %get3A = arith.constant 1 : i32
        %get3A_683 = arith.index_cast %get3A : i32 to index
        %get3A_684 = arith.index_cast %add3A_682 : i32 to index
        %get3A_685 = arith.constant 0 : index
        %get3A_686 = tpu.vector_load %arg6[%get3A_683, %get3A_684, %get3A_685] {strides = array<i32>} : memref<4x100x128xf32, #tpu.memory_space<vmem>>, vector<1x1x16xf32>,
        %get3A_687 = vector.shape_cast %get3A_686 : vector<1x1x16xf32> to vector<16xf32>
        %add3A_688 = arith.addf %scan3A_673, %get3A_687 : vector<16xf32>
        %get3A_689 = arith.constant 1 : i32
        %get3A_690 = arith.index_cast %get3A_689 : i32 to index
        %get3A_691 = arith.index_cast %add3A_682 : i32 to index
        %get3A_692 = arith.constant 16 : index
        %get3A_693 = tpu.vector_load %arg6[%get3A_690, %get3A_691, %get3A_692] {strides = array<i32>} : memref<4x100x128xf32, #tpu.memory_space<vmem>>, vector<1x1x16xf32>,
        %get3A_694 = vector.shape_cast %get3A_693 : vector<1x1x16xf32> to vector<16xf32>
        %add3A_695 = arith.addf %scan3A_674, %get3A_694 : vector<16xf32>
        %get3A_696 = arith.constant 1 : i32
        %get3A_697 = arith.index_cast %get3A_696 : i32 to index
        %get3A_698 = arith.index_cast %add3A_682 : i32 to index
        %get3A_699 = arith.constant 32 : index
        %get3A_700 = tpu.vector_load %arg6[%get3A_697, %get3A_698, %get3A_699] {strides = array<i32>} : memref<4x100x128xf32, #tpu.memory_space<vmem>>, vector<1x1x16xf32>,
        %get3A_701 = vector.shape_cast %get3A_700 : vector<1x1x16xf32> to vector<16xf32>
        %add3A_702 = arith.addf %scan3A_675, %get3A_701 : vector<16xf32>
        %get3A_703 = arith.constant 1 : i32
        %get3A_704 = arith.index_cast %get3A_703 : i32 to index
        %get3A_705 = arith.index_cast %add3A_682 : i32 to index
        %get3A_706 = arith.constant 48 : index
        %get3A_707 = tpu.vector_load %arg6[%get3A_704, %get3A_705, %get3A_706] {strides = array<i32>} : memref<4x100x128xf32, #tpu.memory_space<vmem>>, vector<1x1x16xf32>,
        %get3A_708 = vector.shape_cast %get3A_707 : vector<1x1x16xf32> to vector<16xf32>
        %add3A_709 = arith.addf %scan3A_676, %get3A_708 : vector<16xf32>
        %get3A_710 = arith.constant 1 : i32
        %get3A_711 = arith.index_cast %get3A_710 : i32 to index
        %get3A_712 = arith.index_cast %add3A_682 : i32 to index
        %get3A_713 = arith.constant 64 : index
        %get3A_714 = tpu.vector_load %arg6[%get3A_711, %get3A_712, %get3A_713] {strides = array<i32>} : memref<4x100x128xf32, #tpu.memory_space<vmem>>, vector<1x1x16xf32>,
        %get3A_715 = vector.shape_cast %get3A_714 : vector<1x1x16xf32> to vector<16xf32>
        %add3A_716 = arith.addf %scan3A_677, %get3A_715 : vector<16xf32>
        %get3A_717 = arith.constant 1 : i32
        %get3A_718 = arith.index_cast %get3A_717 : i32 to index
        %get3A_719 = arith.index_cast %add3A_682 : i32 to index
        %get3A_720 = arith.constant 80 : index
        %get3A_721 = tpu.vector_load %arg6[%get3A_718, %get3A_719, %get3A_720] {strides = array<i32>} : memref<4x100x128xf32, #tpu.memory_space<vmem>>, vector<1x1x16xf32>,
        %get3A_722 = vector.shape_cast %get3A_721 : vector<1x1x16xf32> to vector<16xf32>
        %add3A_723 = arith.addf %scan3A_678, %get3A_722 : vector<16xf32>
        %get3A_724 = arith.constant 1 : i32
        %get3A_725 = arith.index_cast %get3A_724 : i32 to index
        %get3A_726 = arith.index_cast %add3A_682 : i32 to index
        %get3A_727 = arith.constant 96 : index
        %get3A_728 = tpu.vector_load %arg6[%get3A_725, %get3A_726, %get3A_727] {strides = array<i32>} : memref<4x100x128xf32, #tpu.memory_space<vmem>>, vector<1x1x16xf32>,
        %get3A_729 = vector.shape_cast %get3A_728 : vector<1x1x16xf32> to vector<16xf32>
        %add3A_730 = arith.addf %scan3A_679, %get3A_729 : vector<16xf32>
        %get3A_731 = arith.constant 1 : i32
        %get3A_732 = arith.index_cast %get3A_731 : i32 to index
        %get3A_733 = arith.index_cast %add3A_682 : i32 to index
        %get3A_734 = arith.constant 112 : index
        %get3A_735 = tpu.vector_load %arg6[%get3A_732, %get3A_733, %get3A_734] {strides = array<i32>} : memref<4x100x128xf32, #tpu.memory_space<vmem>>, vector<1x1x16xf32>,
        %get3A_736 = vector.shape_cast %get3A_735 : vector<1x1x16xf32> to vector<16xf32>
        %add3A_737 = arith.addf %scan3A_680, %get3A_736 : vector<16xf32>
        %scan3A_738 = arith.constant 1 : i32
        %scan3A_739 = arith.addi %scan3A_672, %scan3A_738 : i32
        %add3A_740 = arith.constant 0 : i32
        %add3A_741 = arith.addi %add3A_740, %scan3A_739 : i32
        %get3A_742 = arith.constant 1 : i32
        %get3A_743 = arith.index_cast %get3A_742 : i32 to index
        %get3A_744 = arith.index_cast %add3A_741 : i32 to index
        %get3A_745 = arith.constant 0 : index
        %get3A_746 = tpu.vector_load %arg6[%get3A_743, %get3A_744, %get3A_745] {strides = array<i32>} : memref<4x100x128xf32, #tpu.memory_space<vmem>>, vector<1x1x16xf32>,
        %get3A_747 = vector.shape_cast %get3A_746 : vector<1x1x16xf32> to vector<16xf32>
        %add3A_748 = arith.addf %add3A_688, %get3A_747 : vector<16xf32>
        %get3A_749 = arith.constant 1 : i32
        %get3A_750 = arith.index_cast %get3A_749 : i32 to index
        %get3A_751 = arith.index_cast %add3A_741 : i32 to index
        %get3A_752 = arith.constant 16 : index
        %get3A_753 = tpu.vector_load %arg6[%get3A_750, %get3A_751, %get3A_752] {strides = array<i32>} : memref<4x100x128xf32, #tpu.memory_space<vmem>>, vector<1x1x16xf32>,
        %get3A_754 = vector.shape_cast %get3A_753 : vector<1x1x16xf32> to vector<16xf32>
        %add3A_755 = arith.addf %add3A_695, %get3A_754 : vector<16xf32>
        %get3A_756 = arith.constant 1 : i32
        %get3A_757 = arith.index_cast %get3A_756 : i32 to index
        %get3A_758 = arith.index_cast %add3A_741 : i32 to index
        %get3A_759 = arith.constant 32 : index
        %get3A_760 = tpu.vector_load %arg6[%get3A_757, %get3A_758, %get3A_759] {strides = array<i32>} : memref<4x100x128xf32, #tpu.memory_space<vmem>>, vector<1x1x16xf32>,
        %get3A_761 = vector.shape_cast %get3A_760 : vector<1x1x16xf32> to vector<16xf32>
        %add3A_762 = arith.addf %add3A_702, %get3A_761 : vector<16xf32>
        %get3A_763 = arith.constant 1 : i32
        %get3A_764 = arith.index_cast %get3A_763 : i32 to index
        %get3A_765 = arith.index_cast %add3A_741 : i32 to index
        %get3A_766 = arith.constant 48 : index
        %get3A_767 = tpu.vector_load %arg6[%get3A_764, %get3A_765, %get3A_766] {strides = array<i32>} : memref<4x100x128xf32, #tpu.memory_space<vmem>>, vector<1x1x16xf32>,
        %get3A_768 = vector.shape_cast %get3A_767 : vector<1x1x16xf32> to vector<16xf32>
        %add3A_769 = arith.addf %add3A_709, %get3A_768 : vector<16xf32>
        %get3A_770 = arith.constant 1 : i32
        %get3A_771 = arith.index_cast %get3A_770 : i32 to index
        %get3A_772 = arith.index_cast %add3A_741 : i32 to index
        %get3A_773 = arith.constant 64 : index
        %get3A_774 = tpu.vector_load %arg6[%get3A_771, %get3A_772, %get3A_773] {strides = array<i32>} : memref<4x100x128xf32, #tpu.memory_space<vmem>>, vector<1x1x16xf32>,
        %get3A_775 = vector.shape_cast %get3A_774 : vector<1x1x16xf32> to vector<16xf32>
        %add3A_776 = arith.addf %add3A_716, %get3A_775 : vector<16xf32>
        %get3A_777 = arith.constant 1 : i32
        %get3A_778 = arith.index_cast %get3A_777 : i32 to index
        %get3A_779 = arith.index_cast %add3A_741 : i32 to index
        %get3A_780 = arith.constant 80 : index
        %get3A_781 = tpu.vector_load %arg6[%get3A_778, %get3A_779, %get3A_780] {strides = array<i32>} : memref<4x100x128xf32, #tpu.memory_space<vmem>>, vector<1x1x16xf32>,
        %get3A_782 = vector.shape_cast %get3A_781 : vector<1x1x16xf32> to vector<16xf32>
        %add3A_783 = arith.addf %add3A_723, %get3A_782 : vector<16xf32>
        %get3A_784 = arith.constant 1 : i32
        %get3A_785 = arith.index_cast %get3A_784 : i32 to index
        %get3A_786 = arith.index_cast %add3A_741 : i32 to index
        %get3A_787 = arith.constant 96 : index
        %get3A_788 = tpu.vector_load %arg6[%get3A_785, %get3A_786, %get3A_787] {strides = array<i32>} : memref<4x100x128xf32, #tpu.memory_space<vmem>>, vector<1x1x16xf32>,
        %get3A_789 = vector.shape_cast %get3A_788 : vector<1x1x16xf32> to vector<16xf32>
        %add3A_790 = arith.addf %add3A_730, %get3A_789 : vector<16xf32>
        %get3A_791 = arith.constant 1 : i32
        %get3A_792 = arith.index_cast %get3A_791 : i32 to index
        %get3A_793 = arith.index_cast %add3A_741 : i32 to index
        %get3A_794 = arith.constant 112 : index
        %get3A_795 = tpu.vector_load %arg6[%get3A_792, %get3A_793, %get3A_794] {strides = array<i32>} : memref<4x100x128xf32, #tpu.memory_space<vmem>>, vector<1x1x16xf32>,
        %get3A_796 = vector.shape_cast %get3A_795 : vector<1x1x16xf32> to vector<16xf32>
        %add3A_797 = arith.addf %add3A_737, %get3A_796 : vector<16xf32>
        %scan3A_798 = arith.constant 2 : i32
        %scan3A_799 = arith.addi %scan3A_672, %scan3A_798 : i32
        %add3A_800 = arith.constant 0 : i32
        %add3A_801 = arith.addi %add3A_800, %scan3A_799 : i32
        %get3A_802 = arith.constant 1 : i32
        %get3A_803 = arith.index_cast %get3A_802 : i32 to index
        %get3A_804 = arith.index_cast %add3A_801 : i32 to index
        %get3A_805 = arith.constant 0 : index
        %get3A_806 = tpu.vector_load %arg6[%get3A_803, %get3A_804, %get3A_805] {strides = array<i32>} : memref<4x100x128xf32, #tpu.memory_space<vmem>>, vector<1x1x16xf32>,
        %get3A_807 = vector.shape_cast %get3A_806 : vector<1x1x16xf32> to vector<16xf32>
        %add3A_808 = arith.addf %add3A_748, %get3A_807 : vector<16xf32>
        %get3A_809 = arith.constant 1 : i32
        %get3A_810 = arith.index_cast %get3A_809 : i32 to index
        %get3A_811 = arith.index_cast %add3A_801 : i32 to index
        %get3A_812 = arith.constant 16 : index
        %get3A_813 = tpu.vector_load %arg6[%get3A_810, %get3A_811, %get3A_812] {strides = array<i32>} : memref<4x100x128xf32, #tpu.memory_space<vmem>>, vector<1x1x16xf32>,
        %get3A_814 = vector.shape_cast %get3A_813 : vector<1x1x16xf32> to vector<16xf32>
        %add3A_815 = arith.addf %add3A_755, %get3A_814 : vector<16xf32>
        %get3A_816 = arith.constant 1 : i32
        %get3A_817 = arith.index_cast %get3A_816 : i32 to index
        %get3A_818 = arith.index_cast %add3A_801 : i32 to index
        %get3A_819 = arith.constant 32 : index
        %get3A_820 = tpu.vector_load %arg6[%get3A_817, %get3A_818, %get3A_819] {strides = array<i32>} : memref<4x100x128xf32, #tpu.memory_space<vmem>>, vector<1x1x16xf32>,
        %get3A_821 = vector.shape_cast %get3A_820 : vector<1x1x16xf32> to vector<16xf32>
        %add3A_822 = arith.addf %add3A_762, %get3A_821 : vector<16xf32>
        %get3A_823 = arith.constant 1 : i32
        %get3A_824 = arith.index_cast %get3A_823 : i32 to index
        %get3A_825 = arith.index_cast %add3A_801 : i32 to index
        %get3A_826 = arith.constant 48 : index
        %get3A_827 = tpu.vector_load %arg6[%get3A_824, %get3A_825, %get3A_826] {strides = array<i32>} : memref<4x100x128xf32, #tpu.memory_space<vmem>>, vector<1x1x16xf32>,
        %get3A_828 = vector.shape_cast %get3A_827 : vector<1x1x16xf32> to vector<16xf32>
        %add3A_829 = arith.addf %add3A_769, %get3A_828 : vector<16xf32>
        %get3A_830 = arith.constant 1 : i32
        %get3A_831 = arith.index_cast %get3A_830 : i32 to index
        %get3A_832 = arith.index_cast %add3A_801 : i32 to index
        %get3A_833 = arith.constant 64 : index
        %get3A_834 = tpu.vector_load %arg6[%get3A_831, %get3A_832, %get3A_833] {strides = array<i32>} : memref<4x100x128xf32, #tpu.memory_space<vmem>>, vector<1x1x16xf32>,
        %get3A_835 = vector.shape_cast %get3A_834 : vector<1x1x16xf32> to vector<16xf32>
        %add3A_836 = arith.addf %add3A_776, %get3A_835 : vector<16xf32>
        %get3A_837 = arith.constant 1 : i32
        %get3A_838 = arith.index_cast %get3A_837 : i32 to index
        %get3A_839 = arith.index_cast %add3A_801 : i32 to index
        %get3A_840 = arith.constant 80 : index
        %get3A_841 = tpu.vector_load %arg6[%get3A_838, %get3A_839, %get3A_840] {strides = array<i32>} : memref<4x100x128xf32, #tpu.memory_space<vmem>>, vector<1x1x16xf32>,
        %get3A_842 = vector.shape_cast %get3A_841 : vector<1x1x16xf32> to vector<16xf32>
        %add3A_843 = arith.addf %add3A_783, %get3A_842 : vector<16xf32>
        %get3A_844 = arith.constant 1 : i32
        %get3A_845 = arith.index_cast %get3A_844 : i32 to index
        %get3A_846 = arith.index_cast %add3A_801 : i32 to index
        %get3A_847 = arith.constant 96 : index
        %get3A_848 = tpu.vector_load %arg6[%get3A_845, %get3A_846, %get3A_847] {strides = array<i32>} : memref<4x100x128xf32, #tpu.memory_space<vmem>>, vector<1x1x16xf32>,
        %get3A_849 = vector.shape_cast %get3A_848 : vector<1x1x16xf32> to vector<16xf32>
        %add3A_850 = arith.addf %add3A_790, %get3A_849 : vector<16xf32>
        %get3A_851 = arith.constant 1 : i32
        %get3A_852 = arith.index_cast %get3A_851 : i32 to index
        %get3A_853 = arith.index_cast %add3A_801 : i32 to index
        %get3A_854 = arith.constant 112 : index
        %get3A_855 = tpu.vector_load %arg6[%get3A_852, %get3A_853, %get3A_854] {strides = array<i32>} : memref<4x100x128xf32, #tpu.memory_space<vmem>>, vector<1x1x16xf32>,
        %get3A_856 = vector.shape_cast %get3A_855 : vector<1x1x16xf32> to vector<16xf32>
        %add3A_857 = arith.addf %add3A_797, %get3A_856 : vector<16xf32>
        %scan3A_858 = arith.constant 3 : i32
        %scan3A_859 = arith.addi %scan3A_672, %scan3A_858 : i32
        %add3A_860 = arith.constant 0 : i32
        %add3A_861 = arith.addi %add3A_860, %scan3A_859 : i32
        %get3A_862 = arith.constant 1 : i32
        %get3A_863 = arith.index_cast %get3A_862 : i32 to index
        %get3A_864 = arith.index_cast %add3A_861 : i32 to index
        %get3A_865 = arith.constant 0 : index
        %get3A_866 = tpu.vector_load %arg6[%get3A_863, %get3A_864, %get3A_865] {strides = array<i32>} : memref<4x100x128xf32, #tpu.memory_space<vmem>>, vector<1x1x16xf32>,
        %get3A_867 = vector.shape_cast %get3A_866 : vector<1x1x16xf32> to vector<16xf32>
        %add3A_868 = arith.addf %add3A_808, %get3A_867 : vector<16xf32>
        %get3A_869 = arith.constant 1 : i32
        %get3A_870 = arith.index_cast %get3A_869 : i32 to index
        %get3A_871 = arith.index_cast %add3A_861 : i32 to index
        %get3A_872 = arith.constant 16 : index
        %get3A_873 = tpu.vector_load %arg6[%get3A_870, %get3A_871, %get3A_872] {strides = array<i32>} : memref<4x100x128xf32, #tpu.memory_space<vmem>>, vector<1x1x16xf32>,
        %get3A_874 = vector.shape_cast %get3A_873 : vector<1x1x16xf32> to vector<16xf32>
        %add3A_875 = arith.addf %add3A_815, %get3A_874 : vector<16xf32>
        %get3A_876 = arith.constant 1 : i32
        %get3A_877 = arith.index_cast %get3A_876 : i32 to index
        %get3A_878 = arith.index_cast %add3A_861 : i32 to index
        %get3A_879 = arith.constant 32 : index
        %get3A_880 = tpu.vector_load %arg6[%get3A_877, %get3A_878, %get3A_879] {strides = array<i32>} : memref<4x100x128xf32, #tpu.memory_space<vmem>>, vector<1x1x16xf32>,
        %get3A_881 = vector.shape_cast %get3A_880 : vector<1x1x16xf32> to vector<16xf32>
        %add3A_882 = arith.addf %add3A_822, %get3A_881 : vector<16xf32>
        %get3A_883 = arith.constant 1 : i32
        %get3A_884 = arith.index_cast %get3A_883 : i32 to index
        %get3A_885 = arith.index_cast %add3A_861 : i32 to index
        %get3A_886 = arith.constant 48 : index
        %get3A_887 = tpu.vector_load %arg6[%get3A_884, %get3A_885, %get3A_886] {strides = array<i32>} : memref<4x100x128xf32, #tpu.memory_space<vmem>>, vector<1x1x16xf32>,
        %get3A_888 = vector.shape_cast %get3A_887 : vector<1x1x16xf32> to vector<16xf32>
        %add3A_889 = arith.addf %add3A_829, %get3A_888 : vector<16xf32>
        %get3A_890 = arith.constant 1 : i32
        %get3A_891 = arith.index_cast %get3A_890 : i32 to index
        %get3A_892 = arith.index_cast %add3A_861 : i32 to index
        %get3A_893 = arith.constant 64 : index
        %get3A_894 = tpu.vector_load %arg6[%get3A_891, %get3A_892, %get3A_893] {strides = array<i32>} : memref<4x100x128xf32, #tpu.memory_space<vmem>>, vector<1x1x16xf32>,
        %get3A_895 = vector.shape_cast %get3A_894 : vector<1x1x16xf32> to vector<16xf32>
        %add3A_896 = arith.addf %add3A_836, %get3A_895 : vector<16xf32>
        %get3A_897 = arith.constant 1 : i32
        %get3A_898 = arith.index_cast %get3A_897 : i32 to index
        %get3A_899 = arith.index_cast %add3A_861 : i32 to index
        %get3A_900 = arith.constant 80 : index
        %get3A_901 = tpu.vector_load %arg6[%get3A_898, %get3A_899, %get3A_900] {strides = array<i32>} : memref<4x100x128xf32, #tpu.memory_space<vmem>>, vector<1x1x16xf32>,
        %get3A_902 = vector.shape_cast %get3A_901 : vector<1x1x16xf32> to vector<16xf32>
        %add3A_903 = arith.addf %add3A_843, %get3A_902 : vector<16xf32>
        %get3A_904 = arith.constant 1 : i32
        %get3A_905 = arith.index_cast %get3A_904 : i32 to index
        %get3A_906 = arith.index_cast %add3A_861 : i32 to index
        %get3A_907 = arith.constant 96 : index
        %get3A_908 = tpu.vector_load %arg6[%get3A_905, %get3A_906, %get3A_907] {strides = array<i32>} : memref<4x100x128xf32, #tpu.memory_space<vmem>>, vector<1x1x16xf32>,
        %get3A_909 = vector.shape_cast %get3A_908 : vector<1x1x16xf32> to vector<16xf32>
        %add3A_910 = arith.addf %add3A_850, %get3A_909 : vector<16xf32>
        %get3A_911 = arith.constant 1 : i32
        %get3A_912 = arith.index_cast %get3A_911 : i32 to index
        %get3A_913 = arith.index_cast %add3A_861 : i32 to index
        %get3A_914 = arith.constant 112 : index
        %get3A_915 = tpu.vector_load %arg6[%get3A_912, %get3A_913, %get3A_914] {strides = array<i32>} : memref<4x100x128xf32, #tpu.memory_space<vmem>>, vector<1x1x16xf32>,
        %get3A_916 = vector.shape_cast %get3A_915 : vector<1x1x16xf32> to vector<16xf32>
        %add3A_917 = arith.addf %add3A_857, %get3A_916 : vector<16xf32>
        %scan3A_918 = arith.constant 4 : i32
        %scan3A_919 = arith.addi %scan3A_672, %scan3A_918 : i32
        %add3A_920 = arith.constant 0 : i32
        %add3A_921 = arith.addi %add3A_920, %scan3A_919 : i32
        %get3A_922 = arith.constant 1 : i32
        %get3A_923 = arith.index_cast %get3A_922 : i32 to index
        %get3A_924 = arith.index_cast %add3A_921 : i32 to index
        %get3A_925 = arith.constant 0 : index
        %get3A_926 = tpu.vector_load %arg6[%get3A_923, %get3A_924, %get3A_925] {strides = array<i32>} : memref<4x100x128xf32, #tpu.memory_space<vmem>>, vector<1x1x16xf32>,
        %get3A_927 = vector.shape_cast %get3A_926 : vector<1x1x16xf32> to vector<16xf32>
        %add3A_928 = arith.addf %add3A_868, %get3A_927 : vector<16xf32>
        %get3A_929 = arith.constant 1 : i32
        %get3A_930 = arith.index_cast %get3A_929 : i32 to index
        %get3A_931 = arith.index_cast %add3A_921 : i32 to index
        %get3A_932 = arith.constant 16 : index
        %get3A_933 = tpu.vector_load %arg6[%get3A_930, %get3A_931, %get3A_932] {strides = array<i32>} : memref<4x100x128xf32, #tpu.memory_space<vmem>>, vector<1x1x16xf32>,
        %get3A_934 = vector.shape_cast %get3A_933 : vector<1x1x16xf32> to vector<16xf32>
        %add3A_935 = arith.addf %add3A_875, %get3A_934 : vector<16xf32>
        %get3A_936 = arith.constant 1 : i32
        %get3A_937 = arith.index_cast %get3A_936 : i32 to index
        %get3A_938 = arith.index_cast %add3A_921 : i32 to index
        %get3A_939 = arith.constant 32 : index
        %get3A_940 = tpu.vector_load %arg6[%get3A_937, %get3A_938, %get3A_939] {strides = array<i32>} : memref<4x100x128xf32, #tpu.memory_space<vmem>>, vector<1x1x16xf32>,
        %get3A_941 = vector.shape_cast %get3A_940 : vector<1x1x16xf32> to vector<16xf32>
        %add3A_942 = arith.addf %add3A_882, %get3A_941 : vector<16xf32>
        %get3A_943 = arith.constant 1 : i32
        %get3A_944 = arith.index_cast %get3A_943 : i32 to index
        %get3A_945 = arith.index_cast %add3A_921 : i32 to index
        %get3A_946 = arith.constant 48 : index
        %get3A_947 = tpu.vector_load %arg6[%get3A_944, %get3A_945, %get3A_946] {strides = array<i32>} : memref<4x100x128xf32, #tpu.memory_space<vmem>>, vector<1x1x16xf32>,
        %get3A_948 = vector.shape_cast %get3A_947 : vector<1x1x16xf32> to vector<16xf32>
        %add3A_949 = arith.addf %add3A_889, %get3A_948 : vector<16xf32>
        %get3A_950 = arith.constant 1 : i32
        %get3A_951 = arith.index_cast %get3A_950 : i32 to index
        %get3A_952 = arith.index_cast %add3A_921 : i32 to index
        %get3A_953 = arith.constant 64 : index
        %get3A_954 = tpu.vector_load %arg6[%get3A_951, %get3A_952, %get3A_953] {strides = array<i32>} : memref<4x100x128xf32, #tpu.memory_space<vmem>>, vector<1x1x16xf32>,
        %get3A_955 = vector.shape_cast %get3A_954 : vector<1x1x16xf32> to vector<16xf32>
        %add3A_956 = arith.addf %add3A_896, %get3A_955 : vector<16xf32>
        %get3A_957 = arith.constant 1 : i32
        %get3A_958 = arith.index_cast %get3A_957 : i32 to index
        %get3A_959 = arith.index_cast %add3A_921 : i32 to index
        %get3A_960 = arith.constant 80 : index
        %get3A_961 = tpu.vector_load %arg6[%get3A_958, %get3A_959, %get3A_960] {strides = array<i32>} : memref<4x100x128xf32, #tpu.memory_space<vmem>>, vector<1x1x16xf32>,
        %get3A_962 = vector.shape_cast %get3A_961 : vector<1x1x16xf32> to vector<16xf32>
        %add3A_963 = arith.addf %add3A_903, %get3A_962 : vector<16xf32>
        %get3A_964 = arith.constant 1 : i32
        %get3A_965 = arith.index_cast %get3A_964 : i32 to index
        %get3A_966 = arith.index_cast %add3A_921 : i32 to index
        %get3A_967 = arith.constant 96 : index
        %get3A_968 = tpu.vector_load %arg6[%get3A_965, %get3A_966, %get3A_967] {strides = array<i32>} : memref<4x100x128xf32, #tpu.memory_space<vmem>>, vector<1x1x16xf32>,
        %get3A_969 = vector.shape_cast %get3A_968 : vector<1x1x16xf32> to vector<16xf32>
        %add3A_970 = arith.addf %add3A_910, %get3A_969 : vector<16xf32>
        %get3A_971 = arith.constant 1 : i32
        %get3A_972 = arith.index_cast %get3A_971 : i32 to index
        %get3A_973 = arith.index_cast %add3A_921 : i32 to index
        %get3A_974 = arith.constant 112 : index
        %get3A_975 = tpu.vector_load %arg6[%get3A_972, %get3A_973, %get3A_974] {strides = array<i32>} : memref<4x100x128xf32, #tpu.memory_space<vmem>>, vector<1x1x16xf32>,
        %get3A_976 = vector.shape_cast %get3A_975 : vector<1x1x16xf32> to vector<16xf32>
        %add3A_977 = arith.addf %add3A_917, %get3A_976 : vector<16xf32>
        scf.yield %add3A_928, %add3A_935, %add3A_942, %add3A_949, %add3A_956, %add3A_963, %add3A_970, %add3A_977 : vector<16xf32>, vector<16xf32>, vector<16xf32>, vector<16xf32>, vector<16xf32>, vector<16xf32>, vector<16xf32>, vector<16xf32>
      }
      %scan3A_244 = arith.constant 50 : i32
      %mul3A_245 = arith.constant 2 : i32
      %mul3A_246 = arith.muli %add3A_210, %mul3A_245 : i32
      %add3A_247 = arith.constant 0 : i32
      %add3A_248 = arith.addi %mul3A_246, %add3A_247 : i32
      %swap3A_249 = arith.index_cast %add3A_248 : i32 to index
      %swap3A_250 = arith.constant 0 : index
      %swap3A_251 = tpu.vector_load %arg7[%swap3A_249, %swap3A_250] {strides = array<i32>} : memref<128x128xf32, #tpu.memory_space<vmem>>, vector<1x16xf32>,
      %swap3A_252 = vector.shape_cast %swap3A_251 : vector<1x16xf32> to vector<16xf32>
      %swap3A_253 = vector.shape_cast %scan3A_243#0 : vector<16xf32> to vector<1x16xf32>
      tpu.vector_store %arg7[%swap3A_249, %swap3A_250], %swap3A_253 {strides = array<i32>} : memref<128x128xf32, #tpu.memory_space<vmem>>, vector<1x16xf32>,
      %swap3A_254 = arith.index_cast %add3A_248 : i32 to index
      %swap3A_255 = arith.constant 16 : index
      %swap3A_256 = tpu.vector_load %arg7[%swap3A_254, %swap3A_255] {strides = array<i32>} : memref<128x128xf32, #tpu.memory_space<vmem>>, vector<1x16xf32>,
      %swap3A_257 = vector.shape_cast %swap3A_256 : vector<1x16xf32> to vector<16xf32>
      %swap3A_258 = vector.shape_cast %scan3A_243#1 : vector<16xf32> to vector<1x16xf32>
      tpu.vector_store %arg7[%swap3A_254, %swap3A_255], %swap3A_258 {strides = array<i32>} : memref<128x128xf32, #tpu.memory_space<vmem>>, vector<1x16xf32>,
      %swap3A_259 = arith.index_cast %add3A_248 : i32 to index
      %swap3A_260 = arith.constant 32 : index
      %swap3A_261 = tpu.vector_load %arg7[%swap3A_259, %swap3A_260] {strides = array<i32>} : memref<128x128xf32, #tpu.memory_space<vmem>>, vector<1x16xf32>,
      %swap3A_262 = vector.shape_cast %swap3A_261 : vector<1x16xf32> to vector<16xf32>
      %swap3A_263 = vector.shape_cast %scan3A_243#2 : vector<16xf32> to vector<1x16xf32>
      tpu.vector_store %arg7[%swap3A_259, %swap3A_260], %swap3A_263 {strides = array<i32>} : memref<128x128xf32, #tpu.memory_space<vmem>>, vector<1x16xf32>,
      %swap3A_264 = arith.index_cast %add3A_248 : i32 to index
      %swap3A_265 = arith.constant 48 : index
      %swap3A_266 = tpu.vector_load %arg7[%swap3A_264, %swap3A_265] {strides = array<i32>} : memref<128x128xf32, #tpu.memory_space<vmem>>, vector<1x16xf32>,
      %swap3A_267 = vector.shape_cast %swap3A_266 : vector<1x16xf32> to vector<16xf32>
      %swap3A_268 = vector.shape_cast %scan3A_243#3 : vector<16xf32> to vector<1x16xf32>
      tpu.vector_store %arg7[%swap3A_264, %swap3A_265], %swap3A_268 {strides = array<i32>} : memref<128x128xf32, #tpu.memory_space<vmem>>, vector<1x16xf32>,
      %swap3A_269 = arith.index_cast %add3A_248 : i32 to index
      %swap3A_270 = arith.constant 64 : index
      %swap3A_271 = tpu.vector_load %arg7[%swap3A_269, %swap3A_270] {strides = array<i32>} : memref<128x128xf32, #tpu.memory_space<vmem>>, vector<1x16xf32>,
      %swap3A_272 = vector.shape_cast %swap3A_271 : vector<1x16xf32> to vector<16xf32>
      %swap3A_273 = vector.shape_cast %scan3A_243#4 : vector<16xf32> to vector<1x16xf32>
      tpu.vector_store %arg7[%swap3A_269, %swap3A_270], %swap3A_273 {strides = array<i32>} : memref<128x128xf32, #tpu.memory_space<vmem>>, vector<1x16xf32>,
      %swap3A_274 = arith.index_cast %add3A_248 : i32 to index
      %swap3A_275 = arith.constant 80 : index
      %swap3A_276 = tpu.vector_load %arg7[%swap3A_274, %swap3A_275] {strides = array<i32>} : memref<128x128xf32, #tpu.memory_space<vmem>>, vector<1x16xf32>,
      %swap3A_277 = vector.shape_cast %swap3A_276 : vector<1x16xf32> to vector<16xf32>
      %swap3A_278 = vector.shape_cast %scan3A_243#5 : vector<16xf32> to vector<1x16xf32>
      tpu.vector_store %arg7[%swap3A_274, %swap3A_275], %swap3A_278 {strides = array<i32>} : memref<128x128xf32, #tpu.memory_space<vmem>>, vector<1x16xf32>,
      %swap3A_279 = arith.index_cast %add3A_248 : i32 to index
      %swap3A_280 = arith.constant 96 : index
      %swap3A_281 = tpu.vector_load %arg7[%swap3A_279, %swap3A_280] {strides = array<i32>} : memref<128x128xf32, #tpu.memory_space<vmem>>, vector<1x16xf32>,
      %swap3A_282 = vector.shape_cast %swap3A_281 : vector<1x16xf32> to vector<16xf32>
      %swap3A_283 = vector.shape_cast %scan3A_243#6 : vector<16xf32> to vector<1x16xf32>
      tpu.vector_store %arg7[%swap3A_279, %swap3A_280], %swap3A_283 {strides = array<i32>} : memref<128x128xf32, #tpu.memory_space<vmem>>, vector<1x16xf32>,
      %swap3A_284 = arith.index_cast %add3A_248 : i32 to index
      %swap3A_285 = arith.constant 112 : index
      %swap3A_286 = tpu.vector_load %arg7[%swap3A_284, %swap3A_285] {strides = array<i32>} : memref<128x128xf32, #tpu.memory_space<vmem>>, vector<1x16xf32>,
      %swap3A_287 = vector.shape_cast %swap3A_286 : vector<1x16xf32> to vector<16xf32>
      %swap3A_288 = vector.shape_cast %scan3A_243#7 : vector<16xf32> to vector<1x16xf32>
      tpu.vector_store %arg7[%swap3A_284, %swap3A_285], %swap3A_288 {strides = array<i32>} : memref<128x128xf32, #tpu.memory_space<vmem>>, vector<1x16xf32>,
      %broadcast_in_dim3A_289 = arith.constant 0.000000e+00 : f32
      %broadcast_in_dim3A_290 = vector.broadcast %broadcast_in_dim3A_289 : f32 to vector<16xf32>
      %broadcast_in_dim3A_291 = arith.constant 0.000000e+00 : f32
      %broadcast_in_dim3A_292 = vector.broadcast %broadcast_in_dim3A_291 : f32 to vector<16xf32>
      %broadcast_in_dim3A_293 = arith.constant 0.000000e+00 : f32
      %broadcast_in_dim3A_294 = vector.broadcast %broadcast_in_dim3A_293 : f32 to vector<16xf32>
      %broadcast_in_dim3A_295 = arith.constant 0.000000e+00 : f32
      %broadcast_in_dim3A_296 = vector.broadcast %broadcast_in_dim3A_295 : f32 to vector<16xf32>
      %broadcast_in_dim3A_297 = arith.constant 0.000000e+00 : f32
      %broadcast_in_dim3A_298 = vector.broadcast %broadcast_in_dim3A_297 : f32 to vector<16xf32>
      %broadcast_in_dim3A_299 = arith.constant 0.000000e+00 : f32
      %broadcast_in_dim3A_300 = vector.broadcast %broadcast_in_dim3A_299 : f32 to vector<16xf32>
      %broadcast_in_dim3A_301 = arith.constant 0.000000e+00 : f32
      %broadcast_in_dim3A_302 = vector.broadcast %broadcast_in_dim3A_301 : f32 to vector<16xf32>
      %broadcast_in_dim3A_303 = arith.constant 0.000000e+00 : f32
      %broadcast_in_dim3A_304 = vector.broadcast %broadcast_in_dim3A_303 : f32 to vector<16xf32>
      %scan3A_305 = arith.constant 0 : i32
      %scan3A_306 = arith.constant 50 : i32
      %scan3A_307 = arith.addi %scan3A_305, %scan3A_306 : i32
      %scan3A_308 = arith.constant 5 : i32
      %scan3A_309:8 = scf.for %scan3A_672 = %scan3A_305 to %scan3A_307 step %scan3A_308 iter_args(%scan3A_673 = %broadcast_in_dim3A_290, %scan3A_674 = %broadcast_in_dim3A_292, %scan3A_675 = %broadcast_in_dim3A_294, %scan3A_676 = %broadcast_in_dim3A_296, %scan3A_677 = %broadcast_in_dim3A_298, %scan3A_678 = %broadcast_in_dim3A_300, %scan3A_679 = %broadcast_in_dim3A_302, %scan3A_680 = %broadcast_in_dim3A_304) -> (vector<16xf32>, vector<16xf32>, vector<16xf32>, vector<16xf32>, vector<16xf32>, vector<16xf32>, vector<16xf32>, vector<16xf32>)  : i32 {
        %add3A_681 = arith.constant 50 : i32
        %add3A_682 = arith.addi %add3A_681, %scan3A_672 : i32
        %get3A = arith.constant 1 : i32
        %get3A_683 = arith.index_cast %get3A : i32 to index
        %get3A_684 = arith.index_cast %add3A_682 : i32 to index
        %get3A_685 = arith.constant 0 : index
        %get3A_686 = tpu.vector_load %arg6[%get3A_683, %get3A_684, %get3A_685] {strides = array<i32>} : memref<4x100x128xf32, #tpu.memory_space<vmem>>, vector<1x1x16xf32>,
        %get3A_687 = vector.shape_cast %get3A_686 : vector<1x1x16xf32> to vector<16xf32>
        %add3A_688 = arith.addf %scan3A_673, %get3A_687 : vector<16xf32>
        %get3A_689 = arith.constant 1 : i32
        %get3A_690 = arith.index_cast %get3A_689 : i32 to index
        %get3A_691 = arith.index_cast %add3A_682 : i32 to index
        %get3A_692 = arith.constant 16 : index
        %get3A_693 = tpu.vector_load %arg6[%get3A_690, %get3A_691, %get3A_692] {strides = array<i32>} : memref<4x100x128xf32, #tpu.memory_space<vmem>>, vector<1x1x16xf32>,
        %get3A_694 = vector.shape_cast %get3A_693 : vector<1x1x16xf32> to vector<16xf32>
        %add3A_695 = arith.addf %scan3A_674, %get3A_694 : vector<16xf32>
        %get3A_696 = arith.constant 1 : i32
        %get3A_697 = arith.index_cast %get3A_696 : i32 to index
        %get3A_698 = arith.index_cast %add3A_682 : i32 to index
        %get3A_699 = arith.constant 32 : index
        %get3A_700 = tpu.vector_load %arg6[%get3A_697, %get3A_698, %get3A_699] {strides = array<i32>} : memref<4x100x128xf32, #tpu.memory_space<vmem>>, vector<1x1x16xf32>,
        %get3A_701 = vector.shape_cast %get3A_700 : vector<1x1x16xf32> to vector<16xf32>
        %add3A_702 = arith.addf %scan3A_675, %get3A_701 : vector<16xf32>
        %get3A_703 = arith.constant 1 : i32
        %get3A_704 = arith.index_cast %get3A_703 : i32 to index
        %get3A_705 = arith.index_cast %add3A_682 : i32 to index
        %get3A_706 = arith.constant 48 : index
        %get3A_707 = tpu.vector_load %arg6[%get3A_704, %get3A_705, %get3A_706] {strides = array<i32>} : memref<4x100x128xf32, #tpu.memory_space<vmem>>, vector<1x1x16xf32>,
        %get3A_708 = vector.shape_cast %get3A_707 : vector<1x1x16xf32> to vector<16xf32>
        %add3A_709 = arith.addf %scan3A_676, %get3A_708 : vector<16xf32>
        %get3A_710 = arith.constant 1 : i32
        %get3A_711 = arith.index_cast %get3A_710 : i32 to index
        %get3A_712 = arith.index_cast %add3A_682 : i32 to index
        %get3A_713 = arith.constant 64 : index
        %get3A_714 = tpu.vector_load %arg6[%get3A_711, %get3A_712, %get3A_713] {strides = array<i32>} : memref<4x100x128xf32, #tpu.memory_space<vmem>>, vector<1x1x16xf32>,
        %get3A_715 = vector.shape_cast %get3A_714 : vector<1x1x16xf32> to vector<16xf32>
        %add3A_716 = arith.addf %scan3A_677, %get3A_715 : vector<16xf32>
        %get3A_717 = arith.constant 1 : i32
        %get3A_718 = arith.index_cast %get3A_717 : i32 to index
        %get3A_719 = arith.index_cast %add3A_682 : i32 to index
        %get3A_720 = arith.constant 80 : index
        %get3A_721 = tpu.vector_load %arg6[%get3A_718, %get3A_719, %get3A_720] {strides = array<i32>} : memref<4x100x128xf32, #tpu.memory_space<vmem>>, vector<1x1x16xf32>,
        %get3A_722 = vector.shape_cast %get3A_721 : vector<1x1x16xf32> to vector<16xf32>
        %add3A_723 = arith.addf %scan3A_678, %get3A_722 : vector<16xf32>
        %get3A_724 = arith.constant 1 : i32
        %get3A_725 = arith.index_cast %get3A_724 : i32 to index
        %get3A_726 = arith.index_cast %add3A_682 : i32 to index
        %get3A_727 = arith.constant 96 : index
        %get3A_728 = tpu.vector_load %arg6[%get3A_725, %get3A_726, %get3A_727] {strides = array<i32>} : memref<4x100x128xf32, #tpu.memory_space<vmem>>, vector<1x1x16xf32>,
        %get3A_729 = vector.shape_cast %get3A_728 : vector<1x1x16xf32> to vector<16xf32>
        %add3A_730 = arith.addf %scan3A_679, %get3A_729 : vector<16xf32>
        %get3A_731 = arith.constant 1 : i32
        %get3A_732 = arith.index_cast %get3A_731 : i32 to index
        %get3A_733 = arith.index_cast %add3A_682 : i32 to index
        %get3A_734 = arith.constant 112 : index
        %get3A_735 = tpu.vector_load %arg6[%get3A_732, %get3A_733, %get3A_734] {strides = array<i32>} : memref<4x100x128xf32, #tpu.memory_space<vmem>>, vector<1x1x16xf32>,
        %get3A_736 = vector.shape_cast %get3A_735 : vector<1x1x16xf32> to vector<16xf32>
        %add3A_737 = arith.addf %scan3A_680, %get3A_736 : vector<16xf32>
        %scan3A_738 = arith.constant 1 : i32
        %scan3A_739 = arith.addi %scan3A_672, %scan3A_738 : i32
        %add3A_740 = arith.constant 50 : i32
        %add3A_741 = arith.addi %add3A_740, %scan3A_739 : i32
        %get3A_742 = arith.constant 1 : i32
        %get3A_743 = arith.index_cast %get3A_742 : i32 to index
        %get3A_744 = arith.index_cast %add3A_741 : i32 to index
        %get3A_745 = arith.constant 0 : index
        %get3A_746 = tpu.vector_load %arg6[%get3A_743, %get3A_744, %get3A_745] {strides = array<i32>} : memref<4x100x128xf32, #tpu.memory_space<vmem>>, vector<1x1x16xf32>,
        %get3A_747 = vector.shape_cast %get3A_746 : vector<1x1x16xf32> to vector<16xf32>
        %add3A_748 = arith.addf %add3A_688, %get3A_747 : vector<16xf32>
        %get3A_749 = arith.constant 1 : i32
        %get3A_750 = arith.index_cast %get3A_749 : i32 to index
        %get3A_751 = arith.index_cast %add3A_741 : i32 to index
        %get3A_752 = arith.constant 16 : index
        %get3A_753 = tpu.vector_load %arg6[%get3A_750, %get3A_751, %get3A_752] {strides = array<i32>} : memref<4x100x128xf32, #tpu.memory_space<vmem>>, vector<1x1x16xf32>,
        %get3A_754 = vector.shape_cast %get3A_753 : vector<1x1x16xf32> to vector<16xf32>
        %add3A_755 = arith.addf %add3A_695, %get3A_754 : vector<16xf32>
        %get3A_756 = arith.constant 1 : i32
        %get3A_757 = arith.index_cast %get3A_756 : i32 to index
        %get3A_758 = arith.index_cast %add3A_741 : i32 to index
        %get3A_759 = arith.constant 32 : index
        %get3A_760 = tpu.vector_load %arg6[%get3A_757, %get3A_758, %get3A_759] {strides = array<i32>} : memref<4x100x128xf32, #tpu.memory_space<vmem>>, vector<1x1x16xf32>,
        %get3A_761 = vector.shape_cast %get3A_760 : vector<1x1x16xf32> to vector<16xf32>
        %add3A_762 = arith.addf %add3A_702, %get3A_761 : vector<16xf32>
        %get3A_763 = arith.constant 1 : i32
        %get3A_764 = arith.index_cast %get3A_763 : i32 to index
        %get3A_765 = arith.index_cast %add3A_741 : i32 to index
        %get3A_766 = arith.constant 48 : index
        %get3A_767 = tpu.vector_load %arg6[%get3A_764, %get3A_765, %get3A_766] {strides = array<i32>} : memref<4x100x128xf32, #tpu.memory_space<vmem>>, vector<1x1x16xf32>,
        %get3A_768 = vector.shape_cast %get3A_767 : vector<1x1x16xf32> to vector<16xf32>
        %add3A_769 = arith.addf %add3A_709, %get3A_768 : vector<16xf32>
        %get3A_770 = arith.constant 1 : i32
        %get3A_771 = arith.index_cast %get3A_770 : i32 to index
        %get3A_772 = arith.index_cast %add3A_741 : i32 to index
        %get3A_773 = arith.constant 64 : index
        %get3A_774 = tpu.vector_load %arg6[%get3A_771, %get3A_772, %get3A_773] {strides = array<i32>} : memref<4x100x128xf32, #tpu.memory_space<vmem>>, vector<1x1x16xf32>,
        %get3A_775 = vector.shape_cast %get3A_774 : vector<1x1x16xf32> to vector<16xf32>
        %add3A_776 = arith.addf %add3A_716, %get3A_775 : vector<16xf32>
        %get3A_777 = arith.constant 1 : i32
        %get3A_778 = arith.index_cast %get3A_777 : i32 to index
        %get3A_779 = arith.index_cast %add3A_741 : i32 to index
        %get3A_780 = arith.constant 80 : index
        %get3A_781 = tpu.vector_load %arg6[%get3A_778, %get3A_779, %get3A_780] {strides = array<i32>} : memref<4x100x128xf32, #tpu.memory_space<vmem>>, vector<1x1x16xf32>,
        %get3A_782 = vector.shape_cast %get3A_781 : vector<1x1x16xf32> to vector<16xf32>
        %add3A_783 = arith.addf %add3A_723, %get3A_782 : vector<16xf32>
        %get3A_784 = arith.constant 1 : i32
        %get3A_785 = arith.index_cast %get3A_784 : i32 to index
        %get3A_786 = arith.index_cast %add3A_741 : i32 to index
        %get3A_787 = arith.constant 96 : index
        %get3A_788 = tpu.vector_load %arg6[%get3A_785, %get3A_786, %get3A_787] {strides = array<i32>} : memref<4x100x128xf32, #tpu.memory_space<vmem>>, vector<1x1x16xf32>,
        %get3A_789 = vector.shape_cast %get3A_788 : vector<1x1x16xf32> to vector<16xf32>
        %add3A_790 = arith.addf %add3A_730, %get3A_789 : vector<16xf32>
        %get3A_791 = arith.constant 1 : i32
        %get3A_792 = arith.index_cast %get3A_791 : i32 to index
        %get3A_793 = arith.index_cast %add3A_741 : i32 to index
        %get3A_794 = arith.constant 112 : index
        %get3A_795 = tpu.vector_load %arg6[%get3A_792, %get3A_793, %get3A_794] {strides = array<i32>} : memref<4x100x128xf32, #tpu.memory_space<vmem>>, vector<1x1x16xf32>,
        %get3A_796 = vector.shape_cast %get3A_795 : vector<1x1x16xf32> to vector<16xf32>
        %add3A_797 = arith.addf %add3A_737, %get3A_796 : vector<16xf32>
        %scan3A_798 = arith.constant 2 : i32
        %scan3A_799 = arith.addi %scan3A_672, %scan3A_798 : i32
        %add3A_800 = arith.constant 50 : i32
        %add3A_801 = arith.addi %add3A_800, %scan3A_799 : i32
        %get3A_802 = arith.constant 1 : i32
        %get3A_803 = arith.index_cast %get3A_802 : i32 to index
        %get3A_804 = arith.index_cast %add3A_801 : i32 to index
        %get3A_805 = arith.constant 0 : index
        %get3A_806 = tpu.vector_load %arg6[%get3A_803, %get3A_804, %get3A_805] {strides = array<i32>} : memref<4x100x128xf32, #tpu.memory_space<vmem>>, vector<1x1x16xf32>,
        %get3A_807 = vector.shape_cast %get3A_806 : vector<1x1x16xf32> to vector<16xf32>
        %add3A_808 = arith.addf %add3A_748, %get3A_807 : vector<16xf32>
        %get3A_809 = arith.constant 1 : i32
        %get3A_810 = arith.index_cast %get3A_809 : i32 to index
        %get3A_811 = arith.index_cast %add3A_801 : i32 to index
        %get3A_812 = arith.constant 16 : index
        %get3A_813 = tpu.vector_load %arg6[%get3A_810, %get3A_811, %get3A_812] {strides = array<i32>} : memref<4x100x128xf32, #tpu.memory_space<vmem>>, vector<1x1x16xf32>,
        %get3A_814 = vector.shape_cast %get3A_813 : vector<1x1x16xf32> to vector<16xf32>
        %add3A_815 = arith.addf %add3A_755, %get3A_814 : vector<16xf32>
        %get3A_816 = arith.constant 1 : i32
        %get3A_817 = arith.index_cast %get3A_816 : i32 to index
        %get3A_818 = arith.index_cast %add3A_801 : i32 to index
        %get3A_819 = arith.constant 32 : index
        %get3A_820 = tpu.vector_load %arg6[%get3A_817, %get3A_818, %get3A_819] {strides = array<i32>} : memref<4x100x128xf32, #tpu.memory_space<vmem>>, vector<1x1x16xf32>,
        %get3A_821 = vector.shape_cast %get3A_820 : vector<1x1x16xf32> to vector<16xf32>
        %add3A_822 = arith.addf %add3A_762, %get3A_821 : vector<16xf32>
        %get3A_823 = arith.constant 1 : i32
        %get3A_824 = arith.index_cast %get3A_823 : i32 to index
        %get3A_825 = arith.index_cast %add3A_801 : i32 to index
        %get3A_826 = arith.constant 48 : index
        %get3A_827 = tpu.vector_load %arg6[%get3A_824, %get3A_825, %get3A_826] {strides = array<i32>} : memref<4x100x128xf32, #tpu.memory_space<vmem>>, vector<1x1x16xf32>,
        %get3A_828 = vector.shape_cast %get3A_827 : vector<1x1x16xf32> to vector<16xf32>
        %add3A_829 = arith.addf %add3A_769, %get3A_828 : vector<16xf32>
        %get3A_830 = arith.constant 1 : i32
        %get3A_831 = arith.index_cast %get3A_830 : i32 to index
        %get3A_832 = arith.index_cast %add3A_801 : i32 to index
        %get3A_833 = arith.constant 64 : index
        %get3A_834 = tpu.vector_load %arg6[%get3A_831, %get3A_832, %get3A_833] {strides = array<i32>} : memref<4x100x128xf32, #tpu.memory_space<vmem>>, vector<1x1x16xf32>,
        %get3A_835 = vector.shape_cast %get3A_834 : vector<1x1x16xf32> to vector<16xf32>
        %add3A_836 = arith.addf %add3A_776, %get3A_835 : vector<16xf32>
        %get3A_837 = arith.constant 1 : i32
        %get3A_838 = arith.index_cast %get3A_837 : i32 to index
        %get3A_839 = arith.index_cast %add3A_801 : i32 to index
        %get3A_840 = arith.constant 80 : index
        %get3A_841 = tpu.vector_load %arg6[%get3A_838, %get3A_839, %get3A_840] {strides = array<i32>} : memref<4x100x128xf32, #tpu.memory_space<vmem>>, vector<1x1x16xf32>,
        %get3A_842 = vector.shape_cast %get3A_841 : vector<1x1x16xf32> to vector<16xf32>
        %add3A_843 = arith.addf %add3A_783, %get3A_842 : vector<16xf32>
        %get3A_844 = arith.constant 1 : i32
        %get3A_845 = arith.index_cast %get3A_844 : i32 to index
        %get3A_846 = arith.index_cast %add3A_801 : i32 to index
        %get3A_847 = arith.constant 96 : index
        %get3A_848 = tpu.vector_load %arg6[%get3A_845, %get3A_846, %get3A_847] {strides = array<i32>} : memref<4x100x128xf32, #tpu.memory_space<vmem>>, vector<1x1x16xf32>,
        %get3A_849 = vector.shape_cast %get3A_848 : vector<1x1x16xf32> to vector<16xf32>
        %add3A_850 = arith.addf %add3A_790, %get3A_849 : vector<16xf32>
        %get3A_851 = arith.constant 1 : i32
        %get3A_852 = arith.index_cast %get3A_851 : i32 to index
        %get3A_853 = arith.index_cast %add3A_801 : i32 to index
        %get3A_854 = arith.constant 112 : index
        %get3A_855 = tpu.vector_load %arg6[%get3A_852, %get3A_853, %get3A_854] {strides = array<i32>} : memref<4x100x128xf32, #tpu.memory_space<vmem>>, vector<1x1x16xf32>,
        %get3A_856 = vector.shape_cast %get3A_855 : vector<1x1x16xf32> to vector<16xf32>
        %add3A_857 = arith.addf %add3A_797, %get3A_856 : vector<16xf32>
        %scan3A_858 = arith.constant 3 : i32
        %scan3A_859 = arith.addi %scan3A_672, %scan3A_858 : i32
        %add3A_860 = arith.constant 50 : i32
        %add3A_861 = arith.addi %add3A_860, %scan3A_859 : i32
        %get3A_862 = arith.constant 1 : i32
        %get3A_863 = arith.index_cast %get3A_862 : i32 to index
        %get3A_864 = arith.index_cast %add3A_861 : i32 to index
        %get3A_865 = arith.constant 0 : index
        %get3A_866 = tpu.vector_load %arg6[%get3A_863, %get3A_864, %get3A_865] {strides = array<i32>} : memref<4x100x128xf32, #tpu.memory_space<vmem>>, vector<1x1x16xf32>,
        %get3A_867 = vector.shape_cast %get3A_866 : vector<1x1x16xf32> to vector<16xf32>
        %add3A_868 = arith.addf %add3A_808, %get3A_867 : vector<16xf32>
        %get3A_869 = arith.constant 1 : i32
        %get3A_870 = arith.index_cast %get3A_869 : i32 to index
        %get3A_871 = arith.index_cast %add3A_861 : i32 to index
        %get3A_872 = arith.constant 16 : index
        %get3A_873 = tpu.vector_load %arg6[%get3A_870, %get3A_871, %get3A_872] {strides = array<i32>} : memref<4x100x128xf32, #tpu.memory_space<vmem>>, vector<1x1x16xf32>,
        %get3A_874 = vector.shape_cast %get3A_873 : vector<1x1x16xf32> to vector<16xf32>
        %add3A_875 = arith.addf %add3A_815, %get3A_874 : vector<16xf32>
        %get3A_876 = arith.constant 1 : i32
        %get3A_877 = arith.index_cast %get3A_876 : i32 to index
        %get3A_878 = arith.index_cast %add3A_861 : i32 to index
        %get3A_879 = arith.constant 32 : index
        %get3A_880 = tpu.vector_load %arg6[%get3A_877, %get3A_878, %get3A_879] {strides = array<i32>} : memref<4x100x128xf32, #tpu.memory_space<vmem>>, vector<1x1x16xf32>,
        %get3A_881 = vector.shape_cast %get3A_880 : vector<1x1x16xf32> to vector<16xf32>
        %add3A_882 = arith.addf %add3A_822, %get3A_881 : vector<16xf32>
        %get3A_883 = arith.constant 1 : i32
        %get3A_884 = arith.index_cast %get3A_883 : i32 to index
        %get3A_885 = arith.index_cast %add3A_861 : i32 to index
        %get3A_886 = arith.constant 48 : index
        %get3A_887 = tpu.vector_load %arg6[%get3A_884, %get3A_885, %get3A_886] {strides = array<i32>} : memref<4x100x128xf32, #tpu.memory_space<vmem>>, vector<1x1x16xf32>,
        %get3A_888 = vector.shape_cast %get3A_887 : vector<1x1x16xf32> to vector<16xf32>
        %add3A_889 = arith.addf %add3A_829, %get3A_888 : vector<16xf32>
        %get3A_890 = arith.constant 1 : i32
        %get3A_891 = arith.index_cast %get3A_890 : i32 to index
        %get3A_892 = arith.index_cast %add3A_861 : i32 to index
        %get3A_893 = arith.constant 64 : index
        %get3A_894 = tpu.vector_load %arg6[%get3A_891, %get3A_892, %get3A_893] {strides = array<i32>} : memref<4x100x128xf32, #tpu.memory_space<vmem>>, vector<1x1x16xf32>,
        %get3A_895 = vector.shape_cast %get3A_894 : vector<1x1x16xf32> to vector<16xf32>
        %add3A_896 = arith.addf %add3A_836, %get3A_895 : vector<16xf32>
        %get3A_897 = arith.constant 1 : i32
        %get3A_898 = arith.index_cast %get3A_897 : i32 to index
        %get3A_899 = arith.index_cast %add3A_861 : i32 to index
        %get3A_900 = arith.constant 80 : index
        %get3A_901 = tpu.vector_load %arg6[%get3A_898, %get3A_899, %get3A_900] {strides = array<i32>} : memref<4x100x128xf32, #tpu.memory_space<vmem>>, vector<1x1x16xf32>,
        %get3A_902 = vector.shape_cast %get3A_901 : vector<1x1x16xf32> to vector<16xf32>
        %add3A_903 = arith.addf %add3A_843, %get3A_902 : vector<16xf32>
        %get3A_904 = arith.constant 1 : i32
        %get3A_905 = arith.index_cast %get3A_904 : i32 to index
        %get3A_906 = arith.index_cast %add3A_861 : i32 to index
        %get3A_907 = arith.constant 96 : index
        %get3A_908 = tpu.vector_load %arg6[%get3A_905, %get3A_906, %get3A_907] {strides = array<i32>} : memref<4x100x128xf32, #tpu.memory_space<vmem>>, vector<1x1x16xf32>,
        %get3A_909 = vector.shape_cast %get3A_908 : vector<1x1x16xf32> to vector<16xf32>
        %add3A_910 = arith.addf %add3A_850, %get3A_909 : vector<16xf32>
        %get3A_911 = arith.constant 1 : i32
        %get3A_912 = arith.index_cast %get3A_911 : i32 to index
        %get3A_913 = arith.index_cast %add3A_861 : i32 to index
        %get3A_914 = arith.constant 112 : index
        %get3A_915 = tpu.vector_load %arg6[%get3A_912, %get3A_913, %get3A_914] {strides = array<i32>} : memref<4x100x128xf32, #tpu.memory_space<vmem>>, vector<1x1x16xf32>,
        %get3A_916 = vector.shape_cast %get3A_915 : vector<1x1x16xf32> to vector<16xf32>
        %add3A_917 = arith.addf %add3A_857, %get3A_916 : vector<16xf32>
        %scan3A_918 = arith.constant 4 : i32
        %scan3A_919 = arith.addi %scan3A_672, %scan3A_918 : i32
        %add3A_920 = arith.constant 50 : i32
        %add3A_921 = arith.addi %add3A_920, %scan3A_919 : i32
        %get3A_922 = arith.constant 1 : i32
        %get3A_923 = arith.index_cast %get3A_922 : i32 to index
        %get3A_924 = arith.index_cast %add3A_921 : i32 to index
        %get3A_925 = arith.constant 0 : index
        %get3A_926 = tpu.vector_load %arg6[%get3A_923, %get3A_924, %get3A_925] {strides = array<i32>} : memref<4x100x128xf32, #tpu.memory_space<vmem>>, vector<1x1x16xf32>,
        %get3A_927 = vector.shape_cast %get3A_926 : vector<1x1x16xf32> to vector<16xf32>
        %add3A_928 = arith.addf %add3A_868, %get3A_927 : vector<16xf32>
        %get3A_929 = arith.constant 1 : i32
        %get3A_930 = arith.index_cast %get3A_929 : i32 to index
        %get3A_931 = arith.index_cast %add3A_921 : i32 to index
        %get3A_932 = arith.constant 16 : index
        %get3A_933 = tpu.vector_load %arg6[%get3A_930, %get3A_931, %get3A_932] {strides = array<i32>} : memref<4x100x128xf32, #tpu.memory_space<vmem>>, vector<1x1x16xf32>,
        %get3A_934 = vector.shape_cast %get3A_933 : vector<1x1x16xf32> to vector<16xf32>
        %add3A_935 = arith.addf %add3A_875, %get3A_934 : vector<16xf32>
        %get3A_936 = arith.constant 1 : i32
        %get3A_937 = arith.index_cast %get3A_936 : i32 to index
        %get3A_938 = arith.index_cast %add3A_921 : i32 to index
        %get3A_939 = arith.constant 32 : index
        %get3A_940 = tpu.vector_load %arg6[%get3A_937, %get3A_938, %get3A_939] {strides = array<i32>} : memref<4x100x128xf32, #tpu.memory_space<vmem>>, vector<1x1x16xf32>,
        %get3A_941 = vector.shape_cast %get3A_940 : vector<1x1x16xf32> to vector<16xf32>
        %add3A_942 = arith.addf %add3A_882, %get3A_941 : vector<16xf32>
        %get3A_943 = arith.constant 1 : i32
        %get3A_944 = arith.index_cast %get3A_943 : i32 to index
        %get3A_945 = arith.index_cast %add3A_921 : i32 to index
        %get3A_946 = arith.constant 48 : index
        %get3A_947 = tpu.vector_load %arg6[%get3A_944, %get3A_945, %get3A_946] {strides = array<i32>} : memref<4x100x128xf32, #tpu.memory_space<vmem>>, vector<1x1x16xf32>,
        %get3A_948 = vector.shape_cast %get3A_947 : vector<1x1x16xf32> to vector<16xf32>
        %add3A_949 = arith.addf %add3A_889, %get3A_948 : vector<16xf32>
        %get3A_950 = arith.constant 1 : i32
        %get3A_951 = arith.index_cast %get3A_950 : i32 to index
        %get3A_952 = arith.index_cast %add3A_921 : i32 to index
        %get3A_953 = arith.constant 64 : index
        %get3A_954 = tpu.vector_load %arg6[%get3A_951, %get3A_952, %get3A_953] {strides = array<i32>} : memref<4x100x128xf32, #tpu.memory_space<vmem>>, vector<1x1x16xf32>,
        %get3A_955 = vector.shape_cast %get3A_954 : vector<1x1x16xf32> to vector<16xf32>
        %add3A_956 = arith.addf %add3A_896, %get3A_955 : vector<16xf32>
        %get3A_957 = arith.constant 1 : i32
        %get3A_958 = arith.index_cast %get3A_957 : i32 to index
        %get3A_959 = arith.index_cast %add3A_921 : i32 to index
        %get3A_960 = arith.constant 80 : index
        %get3A_961 = tpu.vector_load %arg6[%get3A_958, %get3A_959, %get3A_960] {strides = array<i32>} : memref<4x100x128xf32, #tpu.memory_space<vmem>>, vector<1x1x16xf32>,
        %get3A_962 = vector.shape_cast %get3A_961 : vector<1x1x16xf32> to vector<16xf32>
        %add3A_963 = arith.addf %add3A_903, %get3A_962 : vector<16xf32>
        %get3A_964 = arith.constant 1 : i32
        %get3A_965 = arith.index_cast %get3A_964 : i32 to index
        %get3A_966 = arith.index_cast %add3A_921 : i32 to index
        %get3A_967 = arith.constant 96 : index
        %get3A_968 = tpu.vector_load %arg6[%get3A_965, %get3A_966, %get3A_967] {strides = array<i32>} : memref<4x100x128xf32, #tpu.memory_space<vmem>>, vector<1x1x16xf32>,
        %get3A_969 = vector.shape_cast %get3A_968 : vector<1x1x16xf32> to vector<16xf32>
        %add3A_970 = arith.addf %add3A_910, %get3A_969 : vector<16xf32>
        %get3A_971 = arith.constant 1 : i32
        %get3A_972 = arith.index_cast %get3A_971 : i32 to index
        %get3A_973 = arith.index_cast %add3A_921 : i32 to index
        %get3A_974 = arith.constant 112 : index
        %get3A_975 = tpu.vector_load %arg6[%get3A_972, %get3A_973, %get3A_974] {strides = array<i32>} : memref<4x100x128xf32, #tpu.memory_space<vmem>>, vector<1x1x16xf32>,
        %get3A_976 = vector.shape_cast %get3A_975 : vector<1x1x16xf32> to vector<16xf32>
        %add3A_977 = arith.addf %add3A_917, %get3A_976 : vector<16xf32>
        scf.yield %add3A_928, %add3A_935, %add3A_942, %add3A_949, %add3A_956, %add3A_963, %add3A_970, %add3A_977 : vector<16xf32>, vector<16xf32>, vector<16xf32>, vector<16xf32>, vector<16xf32>, vector<16xf32>, vector<16xf32>, vector<16xf32>
      }
      %scan3A_310 = arith.constant 50 : i32
      %mul3A_311 = arith.constant 2 : i32
      %mul3A_312 = arith.muli %add3A_210, %mul3A_311 : i32
      %add3A_313 = arith.constant 1 : i32
      %add3A_314 = arith.addi %mul3A_312, %add3A_313 : i32
      %swap3A_315 = arith.index_cast %add3A_314 : i32 to index
      %swap3A_316 = arith.constant 0 : index
      %swap3A_317 = tpu.vector_load %arg7[%swap3A_315, %swap3A_316] {strides = array<i32>} : memref<128x128xf32, #tpu.memory_space<vmem>>, vector<1x16xf32>,
      %swap3A_318 = vector.shape_cast %swap3A_317 : vector<1x16xf32> to vector<16xf32>
      %swap3A_319 = vector.shape_cast %scan3A_309#0 : vector<16xf32> to vector<1x16xf32>
      tpu.vector_store %arg7[%swap3A_315, %swap3A_316], %swap3A_319 {strides = array<i32>} : memref<128x128xf32, #tpu.memory_space<vmem>>, vector<1x16xf32>,
      %swap3A_320 = arith.index_cast %add3A_314 : i32 to index
      %swap3A_321 = arith.constant 16 : index
      %swap3A_322 = tpu.vector_load %arg7[%swap3A_320, %swap3A_321] {strides = array<i32>} : memref<128x128xf32, #tpu.memory_space<vmem>>, vector<1x16xf32>,
      %swap3A_323 = vector.shape_cast %swap3A_322 : vector<1x16xf32> to vector<16xf32>
      %swap3A_324 = vector.shape_cast %scan3A_309#1 : vector<16xf32> to vector<1x16xf32>
      tpu.vector_store %arg7[%swap3A_320, %swap3A_321], %swap3A_324 {strides = array<i32>} : memref<128x128xf32, #tpu.memory_space<vmem>>, vector<1x16xf32>,
      %swap3A_325 = arith.index_cast %add3A_314 : i32 to index
      %swap3A_326 = arith.constant 32 : index
      %swap3A_327 = tpu.vector_load %arg7[%swap3A_325, %swap3A_326] {strides = array<i32>} : memref<128x128xf32, #tpu.memory_space<vmem>>, vector<1x16xf32>,
      %swap3A_328 = vector.shape_cast %swap3A_327 : vector<1x16xf32> to vector<16xf32>
      %swap3A_329 = vector.shape_cast %scan3A_309#2 : vector<16xf32> to vector<1x16xf32>
      tpu.vector_store %arg7[%swap3A_325, %swap3A_326], %swap3A_329 {strides = array<i32>} : memref<128x128xf32, #tpu.memory_space<vmem>>, vector<1x16xf32>,
      %swap3A_330 = arith.index_cast %add3A_314 : i32 to index
      %swap3A_331 = arith.constant 48 : index
      %swap3A_332 = tpu.vector_load %arg7[%swap3A_330, %swap3A_331] {strides = array<i32>} : memref<128x128xf32, #tpu.memory_space<vmem>>, vector<1x16xf32>,
      %swap3A_333 = vector.shape_cast %swap3A_332 : vector<1x16xf32> to vector<16xf32>
      %swap3A_334 = vector.shape_cast %scan3A_309#3 : vector<16xf32> to vector<1x16xf32>
      tpu.vector_store %arg7[%swap3A_330, %swap3A_331], %swap3A_334 {strides = array<i32>} : memref<128x128xf32, #tpu.memory_space<vmem>>, vector<1x16xf32>,
      %swap3A_335 = arith.index_cast %add3A_314 : i32 to index
      %swap3A_336 = arith.constant 64 : index
      %swap3A_337 = tpu.vector_load %arg7[%swap3A_335, %swap3A_336] {strides = array<i32>} : memref<128x128xf32, #tpu.memory_space<vmem>>, vector<1x16xf32>,
      %swap3A_338 = vector.shape_cast %swap3A_337 : vector<1x16xf32> to vector<16xf32>
      %swap3A_339 = vector.shape_cast %scan3A_309#4 : vector<16xf32> to vector<1x16xf32>
      tpu.vector_store %arg7[%swap3A_335, %swap3A_336], %swap3A_339 {strides = array<i32>} : memref<128x128xf32, #tpu.memory_space<vmem>>, vector<1x16xf32>,
      %swap3A_340 = arith.index_cast %add3A_314 : i32 to index
      %swap3A_341 = arith.constant 80 : index
      %swap3A_342 = tpu.vector_load %arg7[%swap3A_340, %swap3A_341] {strides = array<i32>} : memref<128x128xf32, #tpu.memory_space<vmem>>, vector<1x16xf32>,
      %swap3A_343 = vector.shape_cast %swap3A_342 : vector<1x16xf32> to vector<16xf32>
      %swap3A_344 = vector.shape_cast %scan3A_309#5 : vector<16xf32> to vector<1x16xf32>
      tpu.vector_store %arg7[%swap3A_340, %swap3A_341], %swap3A_344 {strides = array<i32>} : memref<128x128xf32, #tpu.memory_space<vmem>>, vector<1x16xf32>,
      %swap3A_345 = arith.index_cast %add3A_314 : i32 to index
      %swap3A_346 = arith.constant 96 : index
      %swap3A_347 = tpu.vector_load %arg7[%swap3A_345, %swap3A_346] {strides = array<i32>} : memref<128x128xf32, #tpu.memory_space<vmem>>, vector<1x16xf32>,
      %swap3A_348 = vector.shape_cast %swap3A_347 : vector<1x16xf32> to vector<16xf32>
      %swap3A_349 = vector.shape_cast %scan3A_309#6 : vector<16xf32> to vector<1x16xf32>
      tpu.vector_store %arg7[%swap3A_345, %swap3A_346], %swap3A_349 {strides = array<i32>} : memref<128x128xf32, #tpu.memory_space<vmem>>, vector<1x16xf32>,
      %swap3A_350 = arith.index_cast %add3A_314 : i32 to index
      %swap3A_351 = arith.constant 112 : index
      %swap3A_352 = tpu.vector_load %arg7[%swap3A_350, %swap3A_351] {strides = array<i32>} : memref<128x128xf32, #tpu.memory_space<vmem>>, vector<1x16xf32>,
      %swap3A_353 = vector.shape_cast %swap3A_352 : vector<1x16xf32> to vector<16xf32>
      %swap3A_354 = vector.shape_cast %scan3A_309#7 : vector<16xf32> to vector<1x16xf32>
      tpu.vector_store %arg7[%swap3A_350, %swap3A_351], %swap3A_354 {strides = array<i32>} : memref<128x128xf32, #tpu.memory_space<vmem>>, vector<1x16xf32>,
      %add3A_355 = arith.constant 4 : i32
      %add3A_356 = arith.addi %add3A_210, %add3A_355 : i32
      %lt3A_357 = arith.constant 64 : i32
      %lt3A_358 = arith.cmpi slt, %add3A_356, %lt3A_357 : i32
      %convert_element_type3A_359 = arith.extui %lt3A_358 : i1 to i32
      %cond3A_360 = arith.constant 0 : i32
      %cond3A_361 = arith.cmpi ne, %convert_element_type3A_359, %cond3A_360 : i32
      scf.if %cond3A_361 {
        %dma_start3A_672 = arith.constant 1 : i32
        %dma_start3A_673 = arith.constant 0 : i32
        %dma_start3A_674 = arith.constant 0 : i32
        %dma_start3A_675 = tpu.memref_slice %arg6[%dma_start3A_672, %dma_start3A_673, %dma_start3A_674] : memref<4x100x128xf32, #tpu.memory_space<vmem>> -> memref<1x100x128xf32, #tpu.memory_space<vmem>>
        %dma_start3A_676 = tpu.memref_squeeze %dma_start3A_675 : memref<1x100x128xf32, #tpu.memory_space<vmem>> -> memref<100x128xf32, #tpu.memory_space<vmem>>
        %dma_start3A_677 = arith.constant 0 : i32
        %dma_start3A_678 = tpu.memref_slice %arg5[%add3A_356, %dma_start3A_677] : memref<64x100xi32, #tpu.memory_space<vmem>> -> memref<1x100xi32, #tpu.memory_space<vmem>>
        %dma_start3A_679 = tpu.memref_squeeze %dma_start3A_678 : memref<1x100xi32, #tpu.memory_space<vmem>> -> memref<100xi32, #tpu.memory_space<vmem>>
        %dma_start3A_680 = arith.constant 0 : i32
        %dma_start3A_681 = arith.constant 0 : i32
        %dma_start3A_682 = tpu.memref_slice %arg2[%dma_start3A_680, %dma_start3A_681] : memref<100000x128xf32, #tpu.memory_space<hbm>> -> memref<100000x128xf32, #tpu.memory_space<hbm>>
        tpu.enqueue_indirect_dma source(%dma_start3A_682 : memref<100000x128xf32, #tpu.memory_space<hbm>>) target(%dma_start3A_676 : memref<100x128xf32, #tpu.memory_space<vmem>>) offsets(%dma_start3A_679 : memref<100xi32, #tpu.memory_space<vmem>>) semaphore(%arg9 : memref<!tpu.dma_semaphore, #tpu.memory_space<semaphore_mem>>)
      } else {
      }
      %mul3A_362 = arith.constant 4 : i32
      %mul3A_363 = arith.muli %scan3A_57, %mul3A_362 : i32
      %add3A_364 = arith.constant 2 : i32
      %add3A_365 = arith.addi %mul3A_363, %add3A_364 : i32
      %dma_wait3A_366 = arith.constant 0 : i32
      %dma_wait3A_367 = arith.constant 2 : i32
      %dma_wait3A_368 = arith.constant 0 : i32
      %dma_wait3A_369 = arith.constant 0 : i32
      %dma_wait3A_370 = tpu.memref_slice %arg6[%dma_wait3A_367, %dma_wait3A_368, %dma_wait3A_369] : memref<4x100x128xf32, #tpu.memory_space<vmem>> -> memref<1x100x128xf32, #tpu.memory_space<vmem>>
      %dma_wait3A_371 = tpu.memref_squeeze %dma_wait3A_370 : memref<1x100x128xf32, #tpu.memory_space<vmem>> -> memref<100x128xf32, #tpu.memory_space<vmem>>
      %dma_wait3A_372 = arith.constant 0 : i32
      %dma_wait3A_373 = tpu.memref_slice %arg5[%dma_wait3A_366, %dma_wait3A_372] : memref<64x100xi32, #tpu.memory_space<vmem>> -> memref<1x100xi32, #tpu.memory_space<vmem>>
      %dma_wait3A_374 = tpu.memref_squeeze %dma_wait3A_373 : memref<1x100xi32, #tpu.memory_space<vmem>> -> memref<100xi32, #tpu.memory_space<vmem>>
      %dma_wait3A_375 = arith.constant 0 : i32
      %dma_wait3A_376 = arith.constant 0 : i32
      %dma_wait3A_377 = tpu.memref_slice %arg2[%dma_wait3A_375, %dma_wait3A_376] : memref<100000x128xf32, #tpu.memory_space<hbm>> -> memref<100000x128xf32, #tpu.memory_space<hbm>>
      tpu.wait_indirect_dma semaphore(%arg10 : memref<!tpu.dma_semaphore, #tpu.memory_space<semaphore_mem>>) src(%dma_wait3A_377 : memref<100000x128xf32, #tpu.memory_space<hbm>>) dst(%dma_wait3A_371 : memref<100x128xf32, #tpu.memory_space<vmem>>)
      %broadcast_in_dim3A_378 = arith.constant 0.000000e+00 : f32
      %broadcast_in_dim3A_379 = vector.broadcast %broadcast_in_dim3A_378 : f32 to vector<16xf32>
      %broadcast_in_dim3A_380 = arith.constant 0.000000e+00 : f32
      %broadcast_in_dim3A_381 = vector.broadcast %broadcast_in_dim3A_380 : f32 to vector<16xf32>
      %broadcast_in_dim3A_382 = arith.constant 0.000000e+00 : f32
      %broadcast_in_dim3A_383 = vector.broadcast %broadcast_in_dim3A_382 : f32 to vector<16xf32>
      %broadcast_in_dim3A_384 = arith.constant 0.000000e+00 : f32
      %broadcast_in_dim3A_385 = vector.broadcast %broadcast_in_dim3A_384 : f32 to vector<16xf32>
      %broadcast_in_dim3A_386 = arith.constant 0.000000e+00 : f32
      %broadcast_in_dim3A_387 = vector.broadcast %broadcast_in_dim3A_386 : f32 to vector<16xf32>
      %broadcast_in_dim3A_388 = arith.constant 0.000000e+00 : f32
      %broadcast_in_dim3A_389 = vector.broadcast %broadcast_in_dim3A_388 : f32 to vector<16xf32>
      %broadcast_in_dim3A_390 = arith.constant 0.000000e+00 : f32
      %broadcast_in_dim3A_391 = vector.broadcast %broadcast_in_dim3A_390 : f32 to vector<16xf32>
      %broadcast_in_dim3A_392 = arith.constant 0.000000e+00 : f32
      %broadcast_in_dim3A_393 = vector.broadcast %broadcast_in_dim3A_392 : f32 to vector<16xf32>
      %scan3A_394 = arith.constant 0 : i32
      %scan3A_395 = arith.constant 50 : i32
      %scan3A_396 = arith.addi %scan3A_394, %scan3A_395 : i32
      %scan3A_397 = arith.constant 5 : i32
      %scan3A_398:8 = scf.for %scan3A_672 = %scan3A_394 to %scan3A_396 step %scan3A_397 iter_args(%scan3A_673 = %broadcast_in_dim3A_379, %scan3A_674 = %broadcast_in_dim3A_381, %scan3A_675 = %broadcast_in_dim3A_383, %scan3A_676 = %broadcast_in_dim3A_385, %scan3A_677 = %broadcast_in_dim3A_387, %scan3A_678 = %broadcast_in_dim3A_389, %scan3A_679 = %broadcast_in_dim3A_391, %scan3A_680 = %broadcast_in_dim3A_393) -> (vector<16xf32>, vector<16xf32>, vector<16xf32>, vector<16xf32>, vector<16xf32>, vector<16xf32>, vector<16xf32>, vector<16xf32>)  : i32 {
        %add3A_681 = arith.constant 0 : i32
        %add3A_682 = arith.addi %add3A_681, %scan3A_672 : i32
        %get3A = arith.constant 2 : i32
        %get3A_683 = arith.index_cast %get3A : i32 to index
        %get3A_684 = arith.index_cast %add3A_682 : i32 to index
        %get3A_685 = arith.constant 0 : index
        %get3A_686 = tpu.vector_load %arg6[%get3A_683, %get3A_684, %get3A_685] {strides = array<i32>} : memref<4x100x128xf32, #tpu.memory_space<vmem>>, vector<1x1x16xf32>,
        %get3A_687 = vector.shape_cast %get3A_686 : vector<1x1x16xf32> to vector<16xf32>
        %add3A_688 = arith.addf %scan3A_673, %get3A_687 : vector<16xf32>
        %get3A_689 = arith.constant 2 : i32
        %get3A_690 = arith.index_cast %get3A_689 : i32 to index
        %get3A_691 = arith.index_cast %add3A_682 : i32 to index
        %get3A_692 = arith.constant 16 : index
        %get3A_693 = tpu.vector_load %arg6[%get3A_690, %get3A_691, %get3A_692] {strides = array<i32>} : memref<4x100x128xf32, #tpu.memory_space<vmem>>, vector<1x1x16xf32>,
        %get3A_694 = vector.shape_cast %get3A_693 : vector<1x1x16xf32> to vector<16xf32>
        %add3A_695 = arith.addf %scan3A_674, %get3A_694 : vector<16xf32>
        %get3A_696 = arith.constant 2 : i32
        %get3A_697 = arith.index_cast %get3A_696 : i32 to index
        %get3A_698 = arith.index_cast %add3A_682 : i32 to index
        %get3A_699 = arith.constant 32 : index
        %get3A_700 = tpu.vector_load %arg6[%get3A_697, %get3A_698, %get3A_699] {strides = array<i32>} : memref<4x100x128xf32, #tpu.memory_space<vmem>>, vector<1x1x16xf32>,
        %get3A_701 = vector.shape_cast %get3A_700 : vector<1x1x16xf32> to vector<16xf32>
        %add3A_702 = arith.addf %scan3A_675, %get3A_701 : vector<16xf32>
        %get3A_703 = arith.constant 2 : i32
        %get3A_704 = arith.index_cast %get3A_703 : i32 to index
        %get3A_705 = arith.index_cast %add3A_682 : i32 to index
        %get3A_706 = arith.constant 48 : index
        %get3A_707 = tpu.vector_load %arg6[%get3A_704, %get3A_705, %get3A_706] {strides = array<i32>} : memref<4x100x128xf32, #tpu.memory_space<vmem>>, vector<1x1x16xf32>,
        %get3A_708 = vector.shape_cast %get3A_707 : vector<1x1x16xf32> to vector<16xf32>
        %add3A_709 = arith.addf %scan3A_676, %get3A_708 : vector<16xf32>
        %get3A_710 = arith.constant 2 : i32
        %get3A_711 = arith.index_cast %get3A_710 : i32 to index
        %get3A_712 = arith.index_cast %add3A_682 : i32 to index
        %get3A_713 = arith.constant 64 : index
        %get3A_714 = tpu.vector_load %arg6[%get3A_711, %get3A_712, %get3A_713] {strides = array<i32>} : memref<4x100x128xf32, #tpu.memory_space<vmem>>, vector<1x1x16xf32>,
        %get3A_715 = vector.shape_cast %get3A_714 : vector<1x1x16xf32> to vector<16xf32>
        %add3A_716 = arith.addf %scan3A_677, %get3A_715 : vector<16xf32>
        %get3A_717 = arith.constant 2 : i32
        %get3A_718 = arith.index_cast %get3A_717 : i32 to index
        %get3A_719 = arith.index_cast %add3A_682 : i32 to index
        %get3A_720 = arith.constant 80 : index
        %get3A_721 = tpu.vector_load %arg6[%get3A_718, %get3A_719, %get3A_720] {strides = array<i32>} : memref<4x100x128xf32, #tpu.memory_space<vmem>>, vector<1x1x16xf32>,
        %get3A_722 = vector.shape_cast %get3A_721 : vector<1x1x16xf32> to vector<16xf32>
        %add3A_723 = arith.addf %scan3A_678, %get3A_722 : vector<16xf32>
        %get3A_724 = arith.constant 2 : i32
        %get3A_725 = arith.index_cast %get3A_724 : i32 to index
        %get3A_726 = arith.index_cast %add3A_682 : i32 to index
        %get3A_727 = arith.constant 96 : index
        %get3A_728 = tpu.vector_load %arg6[%get3A_725, %get3A_726, %get3A_727] {strides = array<i32>} : memref<4x100x128xf32, #tpu.memory_space<vmem>>, vector<1x1x16xf32>,
        %get3A_729 = vector.shape_cast %get3A_728 : vector<1x1x16xf32> to vector<16xf32>
        %add3A_730 = arith.addf %scan3A_679, %get3A_729 : vector<16xf32>
        %get3A_731 = arith.constant 2 : i32
        %get3A_732 = arith.index_cast %get3A_731 : i32 to index
        %get3A_733 = arith.index_cast %add3A_682 : i32 to index
        %get3A_734 = arith.constant 112 : index
        %get3A_735 = tpu.vector_load %arg6[%get3A_732, %get3A_733, %get3A_734] {strides = array<i32>} : memref<4x100x128xf32, #tpu.memory_space<vmem>>, vector<1x1x16xf32>,
        %get3A_736 = vector.shape_cast %get3A_735 : vector<1x1x16xf32> to vector<16xf32>
        %add3A_737 = arith.addf %scan3A_680, %get3A_736 : vector<16xf32>
        %scan3A_738 = arith.constant 1 : i32
        %scan3A_739 = arith.addi %scan3A_672, %scan3A_738 : i32
        %add3A_740 = arith.constant 0 : i32
        %add3A_741 = arith.addi %add3A_740, %scan3A_739 : i32
        %get3A_742 = arith.constant 2 : i32
        %get3A_743 = arith.index_cast %get3A_742 : i32 to index
        %get3A_744 = arith.index_cast %add3A_741 : i32 to index
        %get3A_745 = arith.constant 0 : index
        %get3A_746 = tpu.vector_load %arg6[%get3A_743, %get3A_744, %get3A_745] {strides = array<i32>} : memref<4x100x128xf32, #tpu.memory_space<vmem>>, vector<1x1x16xf32>,
        %get3A_747 = vector.shape_cast %get3A_746 : vector<1x1x16xf32> to vector<16xf32>
        %add3A_748 = arith.addf %add3A_688, %get3A_747 : vector<16xf32>
        %get3A_749 = arith.constant 2 : i32
        %get3A_750 = arith.index_cast %get3A_749 : i32 to index
        %get3A_751 = arith.index_cast %add3A_741 : i32 to index
        %get3A_752 = arith.constant 16 : index
        %get3A_753 = tpu.vector_load %arg6[%get3A_750, %get3A_751, %get3A_752] {strides = array<i32>} : memref<4x100x128xf32, #tpu.memory_space<vmem>>, vector<1x1x16xf32>,
        %get3A_754 = vector.shape_cast %get3A_753 : vector<1x1x16xf32> to vector<16xf32>
        %add3A_755 = arith.addf %add3A_695, %get3A_754 : vector<16xf32>
        %get3A_756 = arith.constant 2 : i32
        %get3A_757 = arith.index_cast %get3A_756 : i32 to index
        %get3A_758 = arith.index_cast %add3A_741 : i32 to index
        %get3A_759 = arith.constant 32 : index
        %get3A_760 = tpu.vector_load %arg6[%get3A_757, %get3A_758, %get3A_759] {strides = array<i32>} : memref<4x100x128xf32, #tpu.memory_space<vmem>>, vector<1x1x16xf32>,
        %get3A_761 = vector.shape_cast %get3A_760 : vector<1x1x16xf32> to vector<16xf32>
        %add3A_762 = arith.addf %add3A_702, %get3A_761 : vector<16xf32>
        %get3A_763 = arith.constant 2 : i32
        %get3A_764 = arith.index_cast %get3A_763 : i32 to index
        %get3A_765 = arith.index_cast %add3A_741 : i32 to index
        %get3A_766 = arith.constant 48 : index
        %get3A_767 = tpu.vector_load %arg6[%get3A_764, %get3A_765, %get3A_766] {strides = array<i32>} : memref<4x100x128xf32, #tpu.memory_space<vmem>>, vector<1x1x16xf32>,
        %get3A_768 = vector.shape_cast %get3A_767 : vector<1x1x16xf32> to vector<16xf32>
        %add3A_769 = arith.addf %add3A_709, %get3A_768 : vector<16xf32>
        %get3A_770 = arith.constant 2 : i32
        %get3A_771 = arith.index_cast %get3A_770 : i32 to index
        %get3A_772 = arith.index_cast %add3A_741 : i32 to index
        %get3A_773 = arith.constant 64 : index
        %get3A_774 = tpu.vector_load %arg6[%get3A_771, %get3A_772, %get3A_773] {strides = array<i32>} : memref<4x100x128xf32, #tpu.memory_space<vmem>>, vector<1x1x16xf32>,
        %get3A_775 = vector.shape_cast %get3A_774 : vector<1x1x16xf32> to vector<16xf32>
        %add3A_776 = arith.addf %add3A_716, %get3A_775 : vector<16xf32>
        %get3A_777 = arith.constant 2 : i32
        %get3A_778 = arith.index_cast %get3A_777 : i32 to index
        %get3A_779 = arith.index_cast %add3A_741 : i32 to index
        %get3A_780 = arith.constant 80 : index
        %get3A_781 = tpu.vector_load %arg6[%get3A_778, %get3A_779, %get3A_780] {strides = array<i32>} : memref<4x100x128xf32, #tpu.memory_space<vmem>>, vector<1x1x16xf32>,
        %get3A_782 = vector.shape_cast %get3A_781 : vector<1x1x16xf32> to vector<16xf32>
        %add3A_783 = arith.addf %add3A_723, %get3A_782 : vector<16xf32>
        %get3A_784 = arith.constant 2 : i32
        %get3A_785 = arith.index_cast %get3A_784 : i32 to index
        %get3A_786 = arith.index_cast %add3A_741 : i32 to index
        %get3A_787 = arith.constant 96 : index
        %get3A_788 = tpu.vector_load %arg6[%get3A_785, %get3A_786, %get3A_787] {strides = array<i32>} : memref<4x100x128xf32, #tpu.memory_space<vmem>>, vector<1x1x16xf32>,
        %get3A_789 = vector.shape_cast %get3A_788 : vector<1x1x16xf32> to vector<16xf32>
        %add3A_790 = arith.addf %add3A_730, %get3A_789 : vector<16xf32>
        %get3A_791 = arith.constant 2 : i32
        %get3A_792 = arith.index_cast %get3A_791 : i32 to index
        %get3A_793 = arith.index_cast %add3A_741 : i32 to index
        %get3A_794 = arith.constant 112 : index
        %get3A_795 = tpu.vector_load %arg6[%get3A_792, %get3A_793, %get3A_794] {strides = array<i32>} : memref<4x100x128xf32, #tpu.memory_space<vmem>>, vector<1x1x16xf32>,
        %get3A_796 = vector.shape_cast %get3A_795 : vector<1x1x16xf32> to vector<16xf32>
        %add3A_797 = arith.addf %add3A_737, %get3A_796 : vector<16xf32>
        %scan3A_798 = arith.constant 2 : i32
        %scan3A_799 = arith.addi %scan3A_672, %scan3A_798 : i32
        %add3A_800 = arith.constant 0 : i32
        %add3A_801 = arith.addi %add3A_800, %scan3A_799 : i32
        %get3A_802 = arith.constant 2 : i32
        %get3A_803 = arith.index_cast %get3A_802 : i32 to index
        %get3A_804 = arith.index_cast %add3A_801 : i32 to index
        %get3A_805 = arith.constant 0 : index
        %get3A_806 = tpu.vector_load %arg6[%get3A_803, %get3A_804, %get3A_805] {strides = array<i32>} : memref<4x100x128xf32, #tpu.memory_space<vmem>>, vector<1x1x16xf32>,
        %get3A_807 = vector.shape_cast %get3A_806 : vector<1x1x16xf32> to vector<16xf32>
        %add3A_808 = arith.addf %add3A_748, %get3A_807 : vector<16xf32>
        %get3A_809 = arith.constant 2 : i32
        %get3A_810 = arith.index_cast %get3A_809 : i32 to index
        %get3A_811 = arith.index_cast %add3A_801 : i32 to index
        %get3A_812 = arith.constant 16 : index
        %get3A_813 = tpu.vector_load %arg6[%get3A_810, %get3A_811, %get3A_812] {strides = array<i32>} : memref<4x100x128xf32, #tpu.memory_space<vmem>>, vector<1x1x16xf32>,
        %get3A_814 = vector.shape_cast %get3A_813 : vector<1x1x16xf32> to vector<16xf32>
        %add3A_815 = arith.addf %add3A_755, %get3A_814 : vector<16xf32>
        %get3A_816 = arith.constant 2 : i32
        %get3A_817 = arith.index_cast %get3A_816 : i32 to index
        %get3A_818 = arith.index_cast %add3A_801 : i32 to index
        %get3A_819 = arith.constant 32 : index
        %get3A_820 = tpu.vector_load %arg6[%get3A_817, %get3A_818, %get3A_819] {strides = array<i32>} : memref<4x100x128xf32, #tpu.memory_space<vmem>>, vector<1x1x16xf32>,
        %get3A_821 = vector.shape_cast %get3A_820 : vector<1x1x16xf32> to vector<16xf32>
        %add3A_822 = arith.addf %add3A_762, %get3A_821 : vector<16xf32>
        %get3A_823 = arith.constant 2 : i32
        %get3A_824 = arith.index_cast %get3A_823 : i32 to index
        %get3A_825 = arith.index_cast %add3A_801 : i32 to index
        %get3A_826 = arith.constant 48 : index
        %get3A_827 = tpu.vector_load %arg6[%get3A_824, %get3A_825, %get3A_826] {strides = array<i32>} : memref<4x100x128xf32, #tpu.memory_space<vmem>>, vector<1x1x16xf32>,
        %get3A_828 = vector.shape_cast %get3A_827 : vector<1x1x16xf32> to vector<16xf32>
        %add3A_829 = arith.addf %add3A_769, %get3A_828 : vector<16xf32>
        %get3A_830 = arith.constant 2 : i32
        %get3A_831 = arith.index_cast %get3A_830 : i32 to index
        %get3A_832 = arith.index_cast %add3A_801 : i32 to index
        %get3A_833 = arith.constant 64 : index
        %get3A_834 = tpu.vector_load %arg6[%get3A_831, %get3A_832, %get3A_833] {strides = array<i32>} : memref<4x100x128xf32, #tpu.memory_space<vmem>>, vector<1x1x16xf32>,
        %get3A_835 = vector.shape_cast %get3A_834 : vector<1x1x16xf32> to vector<16xf32>
        %add3A_836 = arith.addf %add3A_776, %get3A_835 : vector<16xf32>
        %get3A_837 = arith.constant 2 : i32
        %get3A_838 = arith.index_cast %get3A_837 : i32 to index
        %get3A_839 = arith.index_cast %add3A_801 : i32 to index
        %get3A_840 = arith.constant 80 : index
        %get3A_841 = tpu.vector_load %arg6[%get3A_838, %get3A_839, %get3A_840] {strides = array<i32>} : memref<4x100x128xf32, #tpu.memory_space<vmem>>, vector<1x1x16xf32>,
        %get3A_842 = vector.shape_cast %get3A_841 : vector<1x1x16xf32> to vector<16xf32>
        %add3A_843 = arith.addf %add3A_783, %get3A_842 : vector<16xf32>
        %get3A_844 = arith.constant 2 : i32
        %get3A_845 = arith.index_cast %get3A_844 : i32 to index
        %get3A_846 = arith.index_cast %add3A_801 : i32 to index
        %get3A_847 = arith.constant 96 : index
        %get3A_848 = tpu.vector_load %arg6[%get3A_845, %get3A_846, %get3A_847] {strides = array<i32>} : memref<4x100x128xf32, #tpu.memory_space<vmem>>, vector<1x1x16xf32>,
        %get3A_849 = vector.shape_cast %get3A_848 : vector<1x1x16xf32> to vector<16xf32>
        %add3A_850 = arith.addf %add3A_790, %get3A_849 : vector<16xf32>
        %get3A_851 = arith.constant 2 : i32
        %get3A_852 = arith.index_cast %get3A_851 : i32 to index
        %get3A_853 = arith.index_cast %add3A_801 : i32 to index
        %get3A_854 = arith.constant 112 : index
        %get3A_855 = tpu.vector_load %arg6[%get3A_852, %get3A_853, %get3A_854] {strides = array<i32>} : memref<4x100x128xf32, #tpu.memory_space<vmem>>, vector<1x1x16xf32>,
        %get3A_856 = vector.shape_cast %get3A_855 : vector<1x1x16xf32> to vector<16xf32>
        %add3A_857 = arith.addf %add3A_797, %get3A_856 : vector<16xf32>
        %scan3A_858 = arith.constant 3 : i32
        %scan3A_859 = arith.addi %scan3A_672, %scan3A_858 : i32
        %add3A_860 = arith.constant 0 : i32
        %add3A_861 = arith.addi %add3A_860, %scan3A_859 : i32
        %get3A_862 = arith.constant 2 : i32
        %get3A_863 = arith.index_cast %get3A_862 : i32 to index
        %get3A_864 = arith.index_cast %add3A_861 : i32 to index
        %get3A_865 = arith.constant 0 : index
        %get3A_866 = tpu.vector_load %arg6[%get3A_863, %get3A_864, %get3A_865] {strides = array<i32>} : memref<4x100x128xf32, #tpu.memory_space<vmem>>, vector<1x1x16xf32>,
        %get3A_867 = vector.shape_cast %get3A_866 : vector<1x1x16xf32> to vector<16xf32>
        %add3A_868 = arith.addf %add3A_808, %get3A_867 : vector<16xf32>
        %get3A_869 = arith.constant 2 : i32
        %get3A_870 = arith.index_cast %get3A_869 : i32 to index
        %get3A_871 = arith.index_cast %add3A_861 : i32 to index
        %get3A_872 = arith.constant 16 : index
        %get3A_873 = tpu.vector_load %arg6[%get3A_870, %get3A_871, %get3A_872] {strides = array<i32>} : memref<4x100x128xf32, #tpu.memory_space<vmem>>, vector<1x1x16xf32>,
        %get3A_874 = vector.shape_cast %get3A_873 : vector<1x1x16xf32> to vector<16xf32>
        %add3A_875 = arith.addf %add3A_815, %get3A_874 : vector<16xf32>
        %get3A_876 = arith.constant 2 : i32
        %get3A_877 = arith.index_cast %get3A_876 : i32 to index
        %get3A_878 = arith.index_cast %add3A_861 : i32 to index
        %get3A_879 = arith.constant 32 : index
        %get3A_880 = tpu.vector_load %arg6[%get3A_877, %get3A_878, %get3A_879] {strides = array<i32>} : memref<4x100x128xf32, #tpu.memory_space<vmem>>, vector<1x1x16xf32>,
        %get3A_881 = vector.shape_cast %get3A_880 : vector<1x1x16xf32> to vector<16xf32>
        %add3A_882 = arith.addf %add3A_822, %get3A_881 : vector<16xf32>
        %get3A_883 = arith.constant 2 : i32
        %get3A_884 = arith.index_cast %get3A_883 : i32 to index
        %get3A_885 = arith.index_cast %add3A_861 : i32 to index
        %get3A_886 = arith.constant 48 : index
        %get3A_887 = tpu.vector_load %arg6[%get3A_884, %get3A_885, %get3A_886] {strides = array<i32>} : memref<4x100x128xf32, #tpu.memory_space<vmem>>, vector<1x1x16xf32>,
        %get3A_888 = vector.shape_cast %get3A_887 : vector<1x1x16xf32> to vector<16xf32>
        %add3A_889 = arith.addf %add3A_829, %get3A_888 : vector<16xf32>
        %get3A_890 = arith.constant 2 : i32
        %get3A_891 = arith.index_cast %get3A_890 : i32 to index
        %get3A_892 = arith.index_cast %add3A_861 : i32 to index
        %get3A_893 = arith.constant 64 : index
        %get3A_894 = tpu.vector_load %arg6[%get3A_891, %get3A_892, %get3A_893] {strides = array<i32>} : memref<4x100x128xf32, #tpu.memory_space<vmem>>, vector<1x1x16xf32>,
        %get3A_895 = vector.shape_cast %get3A_894 : vector<1x1x16xf32> to vector<16xf32>
        %add3A_896 = arith.addf %add3A_836, %get3A_895 : vector<16xf32>
        %get3A_897 = arith.constant 2 : i32
        %get3A_898 = arith.index_cast %get3A_897 : i32 to index
        %get3A_899 = arith.index_cast %add3A_861 : i32 to index
        %get3A_900 = arith.constant 80 : index
        %get3A_901 = tpu.vector_load %arg6[%get3A_898, %get3A_899, %get3A_900] {strides = array<i32>} : memref<4x100x128xf32, #tpu.memory_space<vmem>>, vector<1x1x16xf32>,
        %get3A_902 = vector.shape_cast %get3A_901 : vector<1x1x16xf32> to vector<16xf32>
        %add3A_903 = arith.addf %add3A_843, %get3A_902 : vector<16xf32>
        %get3A_904 = arith.constant 2 : i32
        %get3A_905 = arith.index_cast %get3A_904 : i32 to index
        %get3A_906 = arith.index_cast %add3A_861 : i32 to index
        %get3A_907 = arith.constant 96 : index
        %get3A_908 = tpu.vector_load %arg6[%get3A_905, %get3A_906, %get3A_907] {strides = array<i32>} : memref<4x100x128xf32, #tpu.memory_space<vmem>>, vector<1x1x16xf32>,
        %get3A_909 = vector.shape_cast %get3A_908 : vector<1x1x16xf32> to vector<16xf32>
        %add3A_910 = arith.addf %add3A_850, %get3A_909 : vector<16xf32>
        %get3A_911 = arith.constant 2 : i32
        %get3A_912 = arith.index_cast %get3A_911 : i32 to index
        %get3A_913 = arith.index_cast %add3A_861 : i32 to index
        %get3A_914 = arith.constant 112 : index
        %get3A_915 = tpu.vector_load %arg6[%get3A_912, %get3A_913, %get3A_914] {strides = array<i32>} : memref<4x100x128xf32, #tpu.memory_space<vmem>>, vector<1x1x16xf32>,
        %get3A_916 = vector.shape_cast %get3A_915 : vector<1x1x16xf32> to vector<16xf32>
        %add3A_917 = arith.addf %add3A_857, %get3A_916 : vector<16xf32>
        %scan3A_918 = arith.constant 4 : i32
        %scan3A_919 = arith.addi %scan3A_672, %scan3A_918 : i32
        %add3A_920 = arith.constant 0 : i32
        %add3A_921 = arith.addi %add3A_920, %scan3A_919 : i32
        %get3A_922 = arith.constant 2 : i32
        %get3A_923 = arith.index_cast %get3A_922 : i32 to index
        %get3A_924 = arith.index_cast %add3A_921 : i32 to index
        %get3A_925 = arith.constant 0 : index
        %get3A_926 = tpu.vector_load %arg6[%get3A_923, %get3A_924, %get3A_925] {strides = array<i32>} : memref<4x100x128xf32, #tpu.memory_space<vmem>>, vector<1x1x16xf32>,
        %get3A_927 = vector.shape_cast %get3A_926 : vector<1x1x16xf32> to vector<16xf32>
        %add3A_928 = arith.addf %add3A_868, %get3A_927 : vector<16xf32>
        %get3A_929 = arith.constant 2 : i32
        %get3A_930 = arith.index_cast %get3A_929 : i32 to index
        %get3A_931 = arith.index_cast %add3A_921 : i32 to index
        %get3A_932 = arith.constant 16 : index
        %get3A_933 = tpu.vector_load %arg6[%get3A_930, %get3A_931, %get3A_932] {strides = array<i32>} : memref<4x100x128xf32, #tpu.memory_space<vmem>>, vector<1x1x16xf32>,
        %get3A_934 = vector.shape_cast %get3A_933 : vector<1x1x16xf32> to vector<16xf32>
        %add3A_935 = arith.addf %add3A_875, %get3A_934 : vector<16xf32>
        %get3A_936 = arith.constant 2 : i32
        %get3A_937 = arith.index_cast %get3A_936 : i32 to index
        %get3A_938 = arith.index_cast %add3A_921 : i32 to index
        %get3A_939 = arith.constant 32 : index
        %get3A_940 = tpu.vector_load %arg6[%get3A_937, %get3A_938, %get3A_939] {strides = array<i32>} : memref<4x100x128xf32, #tpu.memory_space<vmem>>, vector<1x1x16xf32>,
        %get3A_941 = vector.shape_cast %get3A_940 : vector<1x1x16xf32> to vector<16xf32>
        %add3A_942 = arith.addf %add3A_882, %get3A_941 : vector<16xf32>
        %get3A_943 = arith.constant 2 : i32
        %get3A_944 = arith.index_cast %get3A_943 : i32 to index
        %get3A_945 = arith.index_cast %add3A_921 : i32 to index
        %get3A_946 = arith.constant 48 : index
        %get3A_947 = tpu.vector_load %arg6[%get3A_944, %get3A_945, %get3A_946] {strides = array<i32>} : memref<4x100x128xf32, #tpu.memory_space<vmem>>, vector<1x1x16xf32>,
        %get3A_948 = vector.shape_cast %get3A_947 : vector<1x1x16xf32> to vector<16xf32>
        %add3A_949 = arith.addf %add3A_889, %get3A_948 : vector<16xf32>
        %get3A_950 = arith.constant 2 : i32
        %get3A_951 = arith.index_cast %get3A_950 : i32 to index
        %get3A_952 = arith.index_cast %add3A_921 : i32 to index
        %get3A_953 = arith.constant 64 : index
        %get3A_954 = tpu.vector_load %arg6[%get3A_951, %get3A_952, %get3A_953] {strides = array<i32>} : memref<4x100x128xf32, #tpu.memory_space<vmem>>, vector<1x1x16xf32>,
        %get3A_955 = vector.shape_cast %get3A_954 : vector<1x1x16xf32> to vector<16xf32>
        %add3A_956 = arith.addf %add3A_896, %get3A_955 : vector<16xf32>
        %get3A_957 = arith.constant 2 : i32
        %get3A_958 = arith.index_cast %get3A_957 : i32 to index
        %get3A_959 = arith.index_cast %add3A_921 : i32 to index
        %get3A_960 = arith.constant 80 : index
        %get3A_961 = tpu.vector_load %arg6[%get3A_958, %get3A_959, %get3A_960] {strides = array<i32>} : memref<4x100x128xf32, #tpu.memory_space<vmem>>, vector<1x1x16xf32>,
        %get3A_962 = vector.shape_cast %get3A_961 : vector<1x1x16xf32> to vector<16xf32>
        %add3A_963 = arith.addf %add3A_903, %get3A_962 : vector<16xf32>
        %get3A_964 = arith.constant 2 : i32
        %get3A_965 = arith.index_cast %get3A_964 : i32 to index
        %get3A_966 = arith.index_cast %add3A_921 : i32 to index
        %get3A_967 = arith.constant 96 : index
        %get3A_968 = tpu.vector_load %arg6[%get3A_965, %get3A_966, %get3A_967] {strides = array<i32>} : memref<4x100x128xf32, #tpu.memory_space<vmem>>, vector<1x1x16xf32>,
        %get3A_969 = vector.shape_cast %get3A_968 : vector<1x1x16xf32> to vector<16xf32>
        %add3A_970 = arith.addf %add3A_910, %get3A_969 : vector<16xf32>
        %get3A_971 = arith.constant 2 : i32
        %get3A_972 = arith.index_cast %get3A_971 : i32 to index
        %get3A_973 = arith.index_cast %add3A_921 : i32 to index
        %get3A_974 = arith.constant 112 : index
        %get3A_975 = tpu.vector_load %arg6[%get3A_972, %get3A_973, %get3A_974] {strides = array<i32>} : memref<4x100x128xf32, #tpu.memory_space<vmem>>, vector<1x1x16xf32>,
        %get3A_976 = vector.shape_cast %get3A_975 : vector<1x1x16xf32> to vector<16xf32>
        %add3A_977 = arith.addf %add3A_917, %get3A_976 : vector<16xf32>
        scf.yield %add3A_928, %add3A_935, %add3A_942, %add3A_949, %add3A_956, %add3A_963, %add3A_970, %add3A_977 : vector<16xf32>, vector<16xf32>, vector<16xf32>, vector<16xf32>, vector<16xf32>, vector<16xf32>, vector<16xf32>, vector<16xf32>
      }
      %scan3A_399 = arith.constant 50 : i32
      %mul3A_400 = arith.constant 2 : i32
      %mul3A_401 = arith.muli %add3A_365, %mul3A_400 : i32
      %add3A_402 = arith.constant 0 : i32
      %add3A_403 = arith.addi %mul3A_401, %add3A_402 : i32
      %swap3A_404 = arith.index_cast %add3A_403 : i32 to index
      %swap3A_405 = arith.constant 0 : index
      %swap3A_406 = tpu.vector_load %arg7[%swap3A_404, %swap3A_405] {strides = array<i32>} : memref<128x128xf32, #tpu.memory_space<vmem>>, vector<1x16xf32>,
      %swap3A_407 = vector.shape_cast %swap3A_406 : vector<1x16xf32> to vector<16xf32>
      %swap3A_408 = vector.shape_cast %scan3A_398#0 : vector<16xf32> to vector<1x16xf32>
      tpu.vector_store %arg7[%swap3A_404, %swap3A_405], %swap3A_408 {strides = array<i32>} : memref<128x128xf32, #tpu.memory_space<vmem>>, vector<1x16xf32>,
      %swap3A_409 = arith.index_cast %add3A_403 : i32 to index
      %swap3A_410 = arith.constant 16 : index
      %swap3A_411 = tpu.vector_load %arg7[%swap3A_409, %swap3A_410] {strides = array<i32>} : memref<128x128xf32, #tpu.memory_space<vmem>>, vector<1x16xf32>,
      %swap3A_412 = vector.shape_cast %swap3A_411 : vector<1x16xf32> to vector<16xf32>
      %swap3A_413 = vector.shape_cast %scan3A_398#1 : vector<16xf32> to vector<1x16xf32>
      tpu.vector_store %arg7[%swap3A_409, %swap3A_410], %swap3A_413 {strides = array<i32>} : memref<128x128xf32, #tpu.memory_space<vmem>>, vector<1x16xf32>,
      %swap3A_414 = arith.index_cast %add3A_403 : i32 to index
      %swap3A_415 = arith.constant 32 : index
      %swap3A_416 = tpu.vector_load %arg7[%swap3A_414, %swap3A_415] {strides = array<i32>} : memref<128x128xf32, #tpu.memory_space<vmem>>, vector<1x16xf32>,
      %swap3A_417 = vector.shape_cast %swap3A_416 : vector<1x16xf32> to vector<16xf32>
      %swap3A_418 = vector.shape_cast %scan3A_398#2 : vector<16xf32> to vector<1x16xf32>
      tpu.vector_store %arg7[%swap3A_414, %swap3A_415], %swap3A_418 {strides = array<i32>} : memref<128x128xf32, #tpu.memory_space<vmem>>, vector<1x16xf32>,
      %swap3A_419 = arith.index_cast %add3A_403 : i32 to index
      %swap3A_420 = arith.constant 48 : index
      %swap3A_421 = tpu.vector_load %arg7[%swap3A_419, %swap3A_420] {strides = array<i32>} : memref<128x128xf32, #tpu.memory_space<vmem>>, vector<1x16xf32>,
      %swap3A_422 = vector.shape_cast %swap3A_421 : vector<1x16xf32> to vector<16xf32>
      %swap3A_423 = vector.shape_cast %scan3A_398#3 : vector<16xf32> to vector<1x16xf32>
      tpu.vector_store %arg7[%swap3A_419, %swap3A_420], %swap3A_423 {strides = array<i32>} : memref<128x128xf32, #tpu.memory_space<vmem>>, vector<1x16xf32>,
      %swap3A_424 = arith.index_cast %add3A_403 : i32 to index
      %swap3A_425 = arith.constant 64 : index
      %swap3A_426 = tpu.vector_load %arg7[%swap3A_424, %swap3A_425] {strides = array<i32>} : memref<128x128xf32, #tpu.memory_space<vmem>>, vector<1x16xf32>,
      %swap3A_427 = vector.shape_cast %swap3A_426 : vector<1x16xf32> to vector<16xf32>
      %swap3A_428 = vector.shape_cast %scan3A_398#4 : vector<16xf32> to vector<1x16xf32>
      tpu.vector_store %arg7[%swap3A_424, %swap3A_425], %swap3A_428 {strides = array<i32>} : memref<128x128xf32, #tpu.memory_space<vmem>>, vector<1x16xf32>,
      %swap3A_429 = arith.index_cast %add3A_403 : i32 to index
      %swap3A_430 = arith.constant 80 : index
      %swap3A_431 = tpu.vector_load %arg7[%swap3A_429, %swap3A_430] {strides = array<i32>} : memref<128x128xf32, #tpu.memory_space<vmem>>, vector<1x16xf32>,
      %swap3A_432 = vector.shape_cast %swap3A_431 : vector<1x16xf32> to vector<16xf32>
      %swap3A_433 = vector.shape_cast %scan3A_398#5 : vector<16xf32> to vector<1x16xf32>
      tpu.vector_store %arg7[%swap3A_429, %swap3A_430], %swap3A_433 {strides = array<i32>} : memref<128x128xf32, #tpu.memory_space<vmem>>, vector<1x16xf32>,
      %swap3A_434 = arith.index_cast %add3A_403 : i32 to index
      %swap3A_435 = arith.constant 96 : index
      %swap3A_436 = tpu.vector_load %arg7[%swap3A_434, %swap3A_435] {strides = array<i32>} : memref<128x128xf32, #tpu.memory_space<vmem>>, vector<1x16xf32>,
      %swap3A_437 = vector.shape_cast %swap3A_436 : vector<1x16xf32> to vector<16xf32>
      %swap3A_438 = vector.shape_cast %scan3A_398#6 : vector<16xf32> to vector<1x16xf32>
      tpu.vector_store %arg7[%swap3A_434, %swap3A_435], %swap3A_438 {strides = array<i32>} : memref<128x128xf32, #tpu.memory_space<vmem>>, vector<1x16xf32>,
      %swap3A_439 = arith.index_cast %add3A_403 : i32 to index
      %swap3A_440 = arith.constant 112 : index
      %swap3A_441 = tpu.vector_load %arg7[%swap3A_439, %swap3A_440] {strides = array<i32>} : memref<128x128xf32, #tpu.memory_space<vmem>>, vector<1x16xf32>,
      %swap3A_442 = vector.shape_cast %swap3A_441 : vector<1x16xf32> to vector<16xf32>
      %swap3A_443 = vector.shape_cast %scan3A_398#7 : vector<16xf32> to vector<1x16xf32>
      tpu.vector_store %arg7[%swap3A_439, %swap3A_440], %swap3A_443 {strides = array<i32>} : memref<128x128xf32, #tpu.memory_space<vmem>>, vector<1x16xf32>,
      %broadcast_in_dim3A_444 = arith.constant 0.000000e+00 : f32
      %broadcast_in_dim3A_445 = vector.broadcast %broadcast_in_dim3A_444 : f32 to vector<16xf32>
      %broadcast_in_dim3A_446 = arith.constant 0.000000e+00 : f32
      %broadcast_in_dim3A_447 = vector.broadcast %broadcast_in_dim3A_446 : f32 to vector<16xf32>
      %broadcast_in_dim3A_448 = arith.constant 0.000000e+00 : f32
      %broadcast_in_dim3A_449 = vector.broadcast %broadcast_in_dim3A_448 : f32 to vector<16xf32>
      %broadcast_in_dim3A_450 = arith.constant 0.000000e+00 : f32
      %broadcast_in_dim3A_451 = vector.broadcast %broadcast_in_dim3A_450 : f32 to vector<16xf32>
      %broadcast_in_dim3A_452 = arith.constant 0.000000e+00 : f32
      %broadcast_in_dim3A_453 = vector.broadcast %broadcast_in_dim3A_452 : f32 to vector<16xf32>
      %broadcast_in_dim3A_454 = arith.constant 0.000000e+00 : f32
      %broadcast_in_dim3A_455 = vector.broadcast %broadcast_in_dim3A_454 : f32 to vector<16xf32>
      %broadcast_in_dim3A_456 = arith.constant 0.000000e+00 : f32
      %broadcast_in_dim3A_457 = vector.broadcast %broadcast_in_dim3A_456 : f32 to vector<16xf32>
      %broadcast_in_dim3A_458 = arith.constant 0.000000e+00 : f32
      %broadcast_in_dim3A_459 = vector.broadcast %broadcast_in_dim3A_458 : f32 to vector<16xf32>
      %scan3A_460 = arith.constant 0 : i32
      %scan3A_461 = arith.constant 50 : i32
      %scan3A_462 = arith.addi %scan3A_460, %scan3A_461 : i32
      %scan3A_463 = arith.constant 5 : i32
      %scan3A_464:8 = scf.for %scan3A_672 = %scan3A_460 to %scan3A_462 step %scan3A_463 iter_args(%scan3A_673 = %broadcast_in_dim3A_445, %scan3A_674 = %broadcast_in_dim3A_447, %scan3A_675 = %broadcast_in_dim3A_449, %scan3A_676 = %broadcast_in_dim3A_451, %scan3A_677 = %broadcast_in_dim3A_453, %scan3A_678 = %broadcast_in_dim3A_455, %scan3A_679 = %broadcast_in_dim3A_457, %scan3A_680 = %broadcast_in_dim3A_459) -> (vector<16xf32>, vector<16xf32>, vector<16xf32>, vector<16xf32>, vector<16xf32>, vector<16xf32>, vector<16xf32>, vector<16xf32>)  : i32 {
        %add3A_681 = arith.constant 50 : i32
        %add3A_682 = arith.addi %add3A_681, %scan3A_672 : i32
        %get3A = arith.constant 2 : i32
        %get3A_683 = arith.index_cast %get3A : i32 to index
        %get3A_684 = arith.index_cast %add3A_682 : i32 to index
        %get3A_685 = arith.constant 0 : index
        %get3A_686 = tpu.vector_load %arg6[%get3A_683, %get3A_684, %get3A_685] {strides = array<i32>} : memref<4x100x128xf32, #tpu.memory_space<vmem>>, vector<1x1x16xf32>,
        %get3A_687 = vector.shape_cast %get3A_686 : vector<1x1x16xf32> to vector<16xf32>
        %add3A_688 = arith.addf %scan3A_673, %get3A_687 : vector<16xf32>
        %get3A_689 = arith.constant 2 : i32
        %get3A_690 = arith.index_cast %get3A_689 : i32 to index
        %get3A_691 = arith.index_cast %add3A_682 : i32 to index
        %get3A_692 = arith.constant 16 : index
        %get3A_693 = tpu.vector_load %arg6[%get3A_690, %get3A_691, %get3A_692] {strides = array<i32>} : memref<4x100x128xf32, #tpu.memory_space<vmem>>, vector<1x1x16xf32>,
        %get3A_694 = vector.shape_cast %get3A_693 : vector<1x1x16xf32> to vector<16xf32>
        %add3A_695 = arith.addf %scan3A_674, %get3A_694 : vector<16xf32>
        %get3A_696 = arith.constant 2 : i32
        %get3A_697 = arith.index_cast %get3A_696 : i32 to index
        %get3A_698 = arith.index_cast %add3A_682 : i32 to index
        %get3A_699 = arith.constant 32 : index
        %get3A_700 = tpu.vector_load %arg6[%get3A_697, %get3A_698, %get3A_699] {strides = array<i32>} : memref<4x100x128xf32, #tpu.memory_space<vmem>>, vector<1x1x16xf32>,
        %get3A_701 = vector.shape_cast %get3A_700 : vector<1x1x16xf32> to vector<16xf32>
        %add3A_702 = arith.addf %scan3A_675, %get3A_701 : vector<16xf32>
        %get3A_703 = arith.constant 2 : i32
        %get3A_704 = arith.index_cast %get3A_703 : i32 to index
        %get3A_705 = arith.index_cast %add3A_682 : i32 to index
        %get3A_706 = arith.constant 48 : index
        %get3A_707 = tpu.vector_load %arg6[%get3A_704, %get3A_705, %get3A_706] {strides = array<i32>} : memref<4x100x128xf32, #tpu.memory_space<vmem>>, vector<1x1x16xf32>,
        %get3A_708 = vector.shape_cast %get3A_707 : vector<1x1x16xf32> to vector<16xf32>
        %add3A_709 = arith.addf %scan3A_676, %get3A_708 : vector<16xf32>
        %get3A_710 = arith.constant 2 : i32
        %get3A_711 = arith.index_cast %get3A_710 : i32 to index
        %get3A_712 = arith.index_cast %add3A_682 : i32 to index
        %get3A_713 = arith.constant 64 : index
        %get3A_714 = tpu.vector_load %arg6[%get3A_711, %get3A_712, %get3A_713] {strides = array<i32>} : memref<4x100x128xf32, #tpu.memory_space<vmem>>, vector<1x1x16xf32>,
        %get3A_715 = vector.shape_cast %get3A_714 : vector<1x1x16xf32> to vector<16xf32>
        %add3A_716 = arith.addf %scan3A_677, %get3A_715 : vector<16xf32>
        %get3A_717 = arith.constant 2 : i32
        %get3A_718 = arith.index_cast %get3A_717 : i32 to index
        %get3A_719 = arith.index_cast %add3A_682 : i32 to index
        %get3A_720 = arith.constant 80 : index
        %get3A_721 = tpu.vector_load %arg6[%get3A_718, %get3A_719, %get3A_720] {strides = array<i32>} : memref<4x100x128xf32, #tpu.memory_space<vmem>>, vector<1x1x16xf32>,
        %get3A_722 = vector.shape_cast %get3A_721 : vector<1x1x16xf32> to vector<16xf32>
        %add3A_723 = arith.addf %scan3A_678, %get3A_722 : vector<16xf32>
        %get3A_724 = arith.constant 2 : i32
        %get3A_725 = arith.index_cast %get3A_724 : i32 to index
        %get3A_726 = arith.index_cast %add3A_682 : i32 to index
        %get3A_727 = arith.constant 96 : index
        %get3A_728 = tpu.vector_load %arg6[%get3A_725, %get3A_726, %get3A_727] {strides = array<i32>} : memref<4x100x128xf32, #tpu.memory_space<vmem>>, vector<1x1x16xf32>,
        %get3A_729 = vector.shape_cast %get3A_728 : vector<1x1x16xf32> to vector<16xf32>
        %add3A_730 = arith.addf %scan3A_679, %get3A_729 : vector<16xf32>
        %get3A_731 = arith.constant 2 : i32
        %get3A_732 = arith.index_cast %get3A_731 : i32 to index
        %get3A_733 = arith.index_cast %add3A_682 : i32 to index
        %get3A_734 = arith.constant 112 : index
        %get3A_735 = tpu.vector_load %arg6[%get3A_732, %get3A_733, %get3A_734] {strides = array<i32>} : memref<4x100x128xf32, #tpu.memory_space<vmem>>, vector<1x1x16xf32>,
        %get3A_736 = vector.shape_cast %get3A_735 : vector<1x1x16xf32> to vector<16xf32>
        %add3A_737 = arith.addf %scan3A_680, %get3A_736 : vector<16xf32>
        %scan3A_738 = arith.constant 1 : i32
        %scan3A_739 = arith.addi %scan3A_672, %scan3A_738 : i32
        %add3A_740 = arith.constant 50 : i32
        %add3A_741 = arith.addi %add3A_740, %scan3A_739 : i32
        %get3A_742 = arith.constant 2 : i32
        %get3A_743 = arith.index_cast %get3A_742 : i32 to index
        %get3A_744 = arith.index_cast %add3A_741 : i32 to index
        %get3A_745 = arith.constant 0 : index
        %get3A_746 = tpu.vector_load %arg6[%get3A_743, %get3A_744, %get3A_745] {strides = array<i32>} : memref<4x100x128xf32, #tpu.memory_space<vmem>>, vector<1x1x16xf32>,
        %get3A_747 = vector.shape_cast %get3A_746 : vector<1x1x16xf32> to vector<16xf32>
        %add3A_748 = arith.addf %add3A_688, %get3A_747 : vector<16xf32>
        %get3A_749 = arith.constant 2 : i32
        %get3A_750 = arith.index_cast %get3A_749 : i32 to index
        %get3A_751 = arith.index_cast %add3A_741 : i32 to index
        %get3A_752 = arith.constant 16 : index
        %get3A_753 = tpu.vector_load %arg6[%get3A_750, %get3A_751, %get3A_752] {strides = array<i32>} : memref<4x100x128xf32, #tpu.memory_space<vmem>>, vector<1x1x16xf32>,
        %get3A_754 = vector.shape_cast %get3A_753 : vector<1x1x16xf32> to vector<16xf32>
        %add3A_755 = arith.addf %add3A_695, %get3A_754 : vector<16xf32>
        %get3A_756 = arith.constant 2 : i32
        %get3A_757 = arith.index_cast %get3A_756 : i32 to index
        %get3A_758 = arith.index_cast %add3A_741 : i32 to index
        %get3A_759 = arith.constant 32 : index
        %get3A_760 = tpu.vector_load %arg6[%get3A_757, %get3A_758, %get3A_759] {strides = array<i32>} : memref<4x100x128xf32, #tpu.memory_space<vmem>>, vector<1x1x16xf32>,
        %get3A_761 = vector.shape_cast %get3A_760 : vector<1x1x16xf32> to vector<16xf32>
        %add3A_762 = arith.addf %add3A_702, %get3A_761 : vector<16xf32>
        %get3A_763 = arith.constant 2 : i32
        %get3A_764 = arith.index_cast %get3A_763 : i32 to index
        %get3A_765 = arith.index_cast %add3A_741 : i32 to index
        %get3A_766 = arith.constant 48 : index
        %get3A_767 = tpu.vector_load %arg6[%get3A_764, %get3A_765, %get3A_766] {strides = array<i32>} : memref<4x100x128xf32, #tpu.memory_space<vmem>>, vector<1x1x16xf32>,
        %get3A_768 = vector.shape_cast %get3A_767 : vector<1x1x16xf32> to vector<16xf32>
        %add3A_769 = arith.addf %add3A_709, %get3A_768 : vector<16xf32>
        %get3A_770 = arith.constant 2 : i32
        %get3A_771 = arith.index_cast %get3A_770 : i32 to index
        %get3A_772 = arith.index_cast %add3A_741 : i32 to index
        %get3A_773 = arith.constant 64 : index
        %get3A_774 = tpu.vector_load %arg6[%get3A_771, %get3A_772, %get3A_773] {strides = array<i32>} : memref<4x100x128xf32, #tpu.memory_space<vmem>>, vector<1x1x16xf32>,
        %get3A_775 = vector.shape_cast %get3A_774 : vector<1x1x16xf32> to vector<16xf32>
        %add3A_776 = arith.addf %add3A_716, %get3A_775 : vector<16xf32>
        %get3A_777 = arith.constant 2 : i32
        %get3A_778 = arith.index_cast %get3A_777 : i32 to index
        %get3A_779 = arith.index_cast %add3A_741 : i32 to index
        %get3A_780 = arith.constant 80 : index
        %get3A_781 = tpu.vector_load %arg6[%get3A_778, %get3A_779, %get3A_780] {strides = array<i32>} : memref<4x100x128xf32, #tpu.memory_space<vmem>>, vector<1x1x16xf32>,
        %get3A_782 = vector.shape_cast %get3A_781 : vector<1x1x16xf32> to vector<16xf32>
        %add3A_783 = arith.addf %add3A_723, %get3A_782 : vector<16xf32>
        %get3A_784 = arith.constant 2 : i32
        %get3A_785 = arith.index_cast %get3A_784 : i32 to index
        %get3A_786 = arith.index_cast %add3A_741 : i32 to index
        %get3A_787 = arith.constant 96 : index
        %get3A_788 = tpu.vector_load %arg6[%get3A_785, %get3A_786, %get3A_787] {strides = array<i32>} : memref<4x100x128xf32, #tpu.memory_space<vmem>>, vector<1x1x16xf32>,
        %get3A_789 = vector.shape_cast %get3A_788 : vector<1x1x16xf32> to vector<16xf32>
        %add3A_790 = arith.addf %add3A_730, %get3A_789 : vector<16xf32>
        %get3A_791 = arith.constant 2 : i32
        %get3A_792 = arith.index_cast %get3A_791 : i32 to index
        %get3A_793 = arith.index_cast %add3A_741 : i32 to index
        %get3A_794 = arith.constant 112 : index
        %get3A_795 = tpu.vector_load %arg6[%get3A_792, %get3A_793, %get3A_794] {strides = array<i32>} : memref<4x100x128xf32, #tpu.memory_space<vmem>>, vector<1x1x16xf32>,
        %get3A_796 = vector.shape_cast %get3A_795 : vector<1x1x16xf32> to vector<16xf32>
        %add3A_797 = arith.addf %add3A_737, %get3A_796 : vector<16xf32>
        %scan3A_798 = arith.constant 2 : i32
        %scan3A_799 = arith.addi %scan3A_672, %scan3A_798 : i32
        %add3A_800 = arith.constant 50 : i32
        %add3A_801 = arith.addi %add3A_800, %scan3A_799 : i32
        %get3A_802 = arith.constant 2 : i32
        %get3A_803 = arith.index_cast %get3A_802 : i32 to index
        %get3A_804 = arith.index_cast %add3A_801 : i32 to index
        %get3A_805 = arith.constant 0 : index
        %get3A_806 = tpu.vector_load %arg6[%get3A_803, %get3A_804, %get3A_805] {strides = array<i32>} : memref<4x100x128xf32, #tpu.memory_space<vmem>>, vector<1x1x16xf32>,
        %get3A_807 = vector.shape_cast %get3A_806 : vector<1x1x16xf32> to vector<16xf32>
        %add3A_808 = arith.addf %add3A_748, %get3A_807 : vector<16xf32>
        %get3A_809 = arith.constant 2 : i32
        %get3A_810 = arith.index_cast %get3A_809 : i32 to index
        %get3A_811 = arith.index_cast %add3A_801 : i32 to index
        %get3A_812 = arith.constant 16 : index
        %get3A_813 = tpu.vector_load %arg6[%get3A_810, %get3A_811, %get3A_812] {strides = array<i32>} : memref<4x100x128xf32, #tpu.memory_space<vmem>>, vector<1x1x16xf32>,
        %get3A_814 = vector.shape_cast %get3A_813 : vector<1x1x16xf32> to vector<16xf32>
        %add3A_815 = arith.addf %add3A_755, %get3A_814 : vector<16xf32>
        %get3A_816 = arith.constant 2 : i32
        %get3A_817 = arith.index_cast %get3A_816 : i32 to index
        %get3A_818 = arith.index_cast %add3A_801 : i32 to index
        %get3A_819 = arith.constant 32 : index
        %get3A_820 = tpu.vector_load %arg6[%get3A_817, %get3A_818, %get3A_819] {strides = array<i32>} : memref<4x100x128xf32, #tpu.memory_space<vmem>>, vector<1x1x16xf32>,
        %get3A_821 = vector.shape_cast %get3A_820 : vector<1x1x16xf32> to vector<16xf32>
        %add3A_822 = arith.addf %add3A_762, %get3A_821 : vector<16xf32>
        %get3A_823 = arith.constant 2 : i32
        %get3A_824 = arith.index_cast %get3A_823 : i32 to index
        %get3A_825 = arith.index_cast %add3A_801 : i32 to index
        %get3A_826 = arith.constant 48 : index
        %get3A_827 = tpu.vector_load %arg6[%get3A_824, %get3A_825, %get3A_826] {strides = array<i32>} : memref<4x100x128xf32, #tpu.memory_space<vmem>>, vector<1x1x16xf32>,
        %get3A_828 = vector.shape_cast %get3A_827 : vector<1x1x16xf32> to vector<16xf32>
        %add3A_829 = arith.addf %add3A_769, %get3A_828 : vector<16xf32>
        %get3A_830 = arith.constant 2 : i32
        %get3A_831 = arith.index_cast %get3A_830 : i32 to index
        %get3A_832 = arith.index_cast %add3A_801 : i32 to index
        %get3A_833 = arith.constant 64 : index
        %get3A_834 = tpu.vector_load %arg6[%get3A_831, %get3A_832, %get3A_833] {strides = array<i32>} : memref<4x100x128xf32, #tpu.memory_space<vmem>>, vector<1x1x16xf32>,
        %get3A_835 = vector.shape_cast %get3A_834 : vector<1x1x16xf32> to vector<16xf32>
        %add3A_836 = arith.addf %add3A_776, %get3A_835 : vector<16xf32>
        %get3A_837 = arith.constant 2 : i32
        %get3A_838 = arith.index_cast %get3A_837 : i32 to index
        %get3A_839 = arith.index_cast %add3A_801 : i32 to index
        %get3A_840 = arith.constant 80 : index
        %get3A_841 = tpu.vector_load %arg6[%get3A_838, %get3A_839, %get3A_840] {strides = array<i32>} : memref<4x100x128xf32, #tpu.memory_space<vmem>>, vector<1x1x16xf32>,
        %get3A_842 = vector.shape_cast %get3A_841 : vector<1x1x16xf32> to vector<16xf32>
        %add3A_843 = arith.addf %add3A_783, %get3A_842 : vector<16xf32>
        %get3A_844 = arith.constant 2 : i32
        %get3A_845 = arith.index_cast %get3A_844 : i32 to index
        %get3A_846 = arith.index_cast %add3A_801 : i32 to index
        %get3A_847 = arith.constant 96 : index
        %get3A_848 = tpu.vector_load %arg6[%get3A_845, %get3A_846, %get3A_847] {strides = array<i32>} : memref<4x100x128xf32, #tpu.memory_space<vmem>>, vector<1x1x16xf32>,
        %get3A_849 = vector.shape_cast %get3A_848 : vector<1x1x16xf32> to vector<16xf32>
        %add3A_850 = arith.addf %add3A_790, %get3A_849 : vector<16xf32>
        %get3A_851 = arith.constant 2 : i32
        %get3A_852 = arith.index_cast %get3A_851 : i32 to index
        %get3A_853 = arith.index_cast %add3A_801 : i32 to index
        %get3A_854 = arith.constant 112 : index
        %get3A_855 = tpu.vector_load %arg6[%get3A_852, %get3A_853, %get3A_854] {strides = array<i32>} : memref<4x100x128xf32, #tpu.memory_space<vmem>>, vector<1x1x16xf32>,
        %get3A_856 = vector.shape_cast %get3A_855 : vector<1x1x16xf32> to vector<16xf32>
        %add3A_857 = arith.addf %add3A_797, %get3A_856 : vector<16xf32>
        %scan3A_858 = arith.constant 3 : i32
        %scan3A_859 = arith.addi %scan3A_672, %scan3A_858 : i32
        %add3A_860 = arith.constant 50 : i32
        %add3A_861 = arith.addi %add3A_860, %scan3A_859 : i32
        %get3A_862 = arith.constant 2 : i32
        %get3A_863 = arith.index_cast %get3A_862 : i32 to index
        %get3A_864 = arith.index_cast %add3A_861 : i32 to index
        %get3A_865 = arith.constant 0 : index
        %get3A_866 = tpu.vector_load %arg6[%get3A_863, %get3A_864, %get3A_865] {strides = array<i32>} : memref<4x100x128xf32, #tpu.memory_space<vmem>>, vector<1x1x16xf32>,
        %get3A_867 = vector.shape_cast %get3A_866 : vector<1x1x16xf32> to vector<16xf32>
        %add3A_868 = arith.addf %add3A_808, %get3A_867 : vector<16xf32>
        %get3A_869 = arith.constant 2 : i32
        %get3A_870 = arith.index_cast %get3A_869 : i32 to index
        %get3A_871 = arith.index_cast %add3A_861 : i32 to index
        %get3A_872 = arith.constant 16 : index
        %get3A_873 = tpu.vector_load %arg6[%get3A_870, %get3A_871, %get3A_872] {strides = array<i32>} : memref<4x100x128xf32, #tpu.memory_space<vmem>>, vector<1x1x16xf32>,
        %get3A_874 = vector.shape_cast %get3A_873 : vector<1x1x16xf32> to vector<16xf32>
        %add3A_875 = arith.addf %add3A_815, %get3A_874 : vector<16xf32>
        %get3A_876 = arith.constant 2 : i32
        %get3A_877 = arith.index_cast %get3A_876 : i32 to index
        %get3A_878 = arith.index_cast %add3A_861 : i32 to index
        %get3A_879 = arith.constant 32 : index
        %get3A_880 = tpu.vector_load %arg6[%get3A_877, %get3A_878, %get3A_879] {strides = array<i32>} : memref<4x100x128xf32, #tpu.memory_space<vmem>>, vector<1x1x16xf32>,
        %get3A_881 = vector.shape_cast %get3A_880 : vector<1x1x16xf32> to vector<16xf32>
        %add3A_882 = arith.addf %add3A_822, %get3A_881 : vector<16xf32>
        %get3A_883 = arith.constant 2 : i32
        %get3A_884 = arith.index_cast %get3A_883 : i32 to index
        %get3A_885 = arith.index_cast %add3A_861 : i32 to index
        %get3A_886 = arith.constant 48 : index
        %get3A_887 = tpu.vector_load %arg6[%get3A_884, %get3A_885, %get3A_886] {strides = array<i32>} : memref<4x100x128xf32, #tpu.memory_space<vmem>>, vector<1x1x16xf32>,
        %get3A_888 = vector.shape_cast %get3A_887 : vector<1x1x16xf32> to vector<16xf32>
        %add3A_889 = arith.addf %add3A_829, %get3A_888 : vector<16xf32>
        %get3A_890 = arith.constant 2 : i32
        %get3A_891 = arith.index_cast %get3A_890 : i32 to index
        %get3A_892 = arith.index_cast %add3A_861 : i32 to index
        %get3A_893 = arith.constant 64 : index
        %get3A_894 = tpu.vector_load %arg6[%get3A_891, %get3A_892, %get3A_893] {strides = array<i32>} : memref<4x100x128xf32, #tpu.memory_space<vmem>>, vector<1x1x16xf32>,
        %get3A_895 = vector.shape_cast %get3A_894 : vector<1x1x16xf32> to vector<16xf32>
        %add3A_896 = arith.addf %add3A_836, %get3A_895 : vector<16xf32>
        %get3A_897 = arith.constant 2 : i32
        %get3A_898 = arith.index_cast %get3A_897 : i32 to index
        %get3A_899 = arith.index_cast %add3A_861 : i32 to index
        %get3A_900 = arith.constant 80 : index
        %get3A_901 = tpu.vector_load %arg6[%get3A_898, %get3A_899, %get3A_900] {strides = array<i32>} : memref<4x100x128xf32, #tpu.memory_space<vmem>>, vector<1x1x16xf32>,
        %get3A_902 = vector.shape_cast %get3A_901 : vector<1x1x16xf32> to vector<16xf32>
        %add3A_903 = arith.addf %add3A_843, %get3A_902 : vector<16xf32>
        %get3A_904 = arith.constant 2 : i32
        %get3A_905 = arith.index_cast %get3A_904 : i32 to index
        %get3A_906 = arith.index_cast %add3A_861 : i32 to index
        %get3A_907 = arith.constant 96 : index
        %get3A_908 = tpu.vector_load %arg6[%get3A_905, %get3A_906, %get3A_907] {strides = array<i32>} : memref<4x100x128xf32, #tpu.memory_space<vmem>>, vector<1x1x16xf32>,
        %get3A_909 = vector.shape_cast %get3A_908 : vector<1x1x16xf32> to vector<16xf32>
        %add3A_910 = arith.addf %add3A_850, %get3A_909 : vector<16xf32>
        %get3A_911 = arith.constant 2 : i32
        %get3A_912 = arith.index_cast %get3A_911 : i32 to index
        %get3A_913 = arith.index_cast %add3A_861 : i32 to index
        %get3A_914 = arith.constant 112 : index
        %get3A_915 = tpu.vector_load %arg6[%get3A_912, %get3A_913, %get3A_914] {strides = array<i32>} : memref<4x100x128xf32, #tpu.memory_space<vmem>>, vector<1x1x16xf32>,
        %get3A_916 = vector.shape_cast %get3A_915 : vector<1x1x16xf32> to vector<16xf32>
        %add3A_917 = arith.addf %add3A_857, %get3A_916 : vector<16xf32>
        %scan3A_918 = arith.constant 4 : i32
        %scan3A_919 = arith.addi %scan3A_672, %scan3A_918 : i32
        %add3A_920 = arith.constant 50 : i32
        %add3A_921 = arith.addi %add3A_920, %scan3A_919 : i32
        %get3A_922 = arith.constant 2 : i32
        %get3A_923 = arith.index_cast %get3A_922 : i32 to index
        %get3A_924 = arith.index_cast %add3A_921 : i32 to index
        %get3A_925 = arith.constant 0 : index
        %get3A_926 = tpu.vector_load %arg6[%get3A_923, %get3A_924, %get3A_925] {strides = array<i32>} : memref<4x100x128xf32, #tpu.memory_space<vmem>>, vector<1x1x16xf32>,
        %get3A_927 = vector.shape_cast %get3A_926 : vector<1x1x16xf32> to vector<16xf32>
        %add3A_928 = arith.addf %add3A_868, %get3A_927 : vector<16xf32>
        %get3A_929 = arith.constant 2 : i32
        %get3A_930 = arith.index_cast %get3A_929 : i32 to index
        %get3A_931 = arith.index_cast %add3A_921 : i32 to index
        %get3A_932 = arith.constant 16 : index
        %get3A_933 = tpu.vector_load %arg6[%get3A_930, %get3A_931, %get3A_932] {strides = array<i32>} : memref<4x100x128xf32, #tpu.memory_space<vmem>>, vector<1x1x16xf32>,
        %get3A_934 = vector.shape_cast %get3A_933 : vector<1x1x16xf32> to vector<16xf32>
        %add3A_935 = arith.addf %add3A_875, %get3A_934 : vector<16xf32>
        %get3A_936 = arith.constant 2 : i32
        %get3A_937 = arith.index_cast %get3A_936 : i32 to index
        %get3A_938 = arith.index_cast %add3A_921 : i32 to index
        %get3A_939 = arith.constant 32 : index
        %get3A_940 = tpu.vector_load %arg6[%get3A_937, %get3A_938, %get3A_939] {strides = array<i32>} : memref<4x100x128xf32, #tpu.memory_space<vmem>>, vector<1x1x16xf32>,
        %get3A_941 = vector.shape_cast %get3A_940 : vector<1x1x16xf32> to vector<16xf32>
        %add3A_942 = arith.addf %add3A_882, %get3A_941 : vector<16xf32>
        %get3A_943 = arith.constant 2 : i32
        %get3A_944 = arith.index_cast %get3A_943 : i32 to index
        %get3A_945 = arith.index_cast %add3A_921 : i32 to index
        %get3A_946 = arith.constant 48 : index
        %get3A_947 = tpu.vector_load %arg6[%get3A_944, %get3A_945, %get3A_946] {strides = array<i32>} : memref<4x100x128xf32, #tpu.memory_space<vmem>>, vector<1x1x16xf32>,
        %get3A_948 = vector.shape_cast %get3A_947 : vector<1x1x16xf32> to vector<16xf32>
        %add3A_949 = arith.addf %add3A_889, %get3A_948 : vector<16xf32>
        %get3A_950 = arith.constant 2 : i32
        %get3A_951 = arith.index_cast %get3A_950 : i32 to index
        %get3A_952 = arith.index_cast %add3A_921 : i32 to index
        %get3A_953 = arith.constant 64 : index
        %get3A_954 = tpu.vector_load %arg6[%get3A_951, %get3A_952, %get3A_953] {strides = array<i32>} : memref<4x100x128xf32, #tpu.memory_space<vmem>>, vector<1x1x16xf32>,
        %get3A_955 = vector.shape_cast %get3A_954 : vector<1x1x16xf32> to vector<16xf32>
        %add3A_956 = arith.addf %add3A_896, %get3A_955 : vector<16xf32>
        %get3A_957 = arith.constant 2 : i32
        %get3A_958 = arith.index_cast %get3A_957 : i32 to index
        %get3A_959 = arith.index_cast %add3A_921 : i32 to index
        %get3A_960 = arith.constant 80 : index
        %get3A_961 = tpu.vector_load %arg6[%get3A_958, %get3A_959, %get3A_960] {strides = array<i32>} : memref<4x100x128xf32, #tpu.memory_space<vmem>>, vector<1x1x16xf32>,
        %get3A_962 = vector.shape_cast %get3A_961 : vector<1x1x16xf32> to vector<16xf32>
        %add3A_963 = arith.addf %add3A_903, %get3A_962 : vector<16xf32>
        %get3A_964 = arith.constant 2 : i32
        %get3A_965 = arith.index_cast %get3A_964 : i32 to index
        %get3A_966 = arith.index_cast %add3A_921 : i32 to index
        %get3A_967 = arith.constant 96 : index
        %get3A_968 = tpu.vector_load %arg6[%get3A_965, %get3A_966, %get3A_967] {strides = array<i32>} : memref<4x100x128xf32, #tpu.memory_space<vmem>>, vector<1x1x16xf32>,
        %get3A_969 = vector.shape_cast %get3A_968 : vector<1x1x16xf32> to vector<16xf32>
        %add3A_970 = arith.addf %add3A_910, %get3A_969 : vector<16xf32>
        %get3A_971 = arith.constant 2 : i32
        %get3A_972 = arith.index_cast %get3A_971 : i32 to index
        %get3A_973 = arith.index_cast %add3A_921 : i32 to index
        %get3A_974 = arith.constant 112 : index
        %get3A_975 = tpu.vector_load %arg6[%get3A_972, %get3A_973, %get3A_974] {strides = array<i32>} : memref<4x100x128xf32, #tpu.memory_space<vmem>>, vector<1x1x16xf32>,
        %get3A_976 = vector.shape_cast %get3A_975 : vector<1x1x16xf32> to vector<16xf32>
        %add3A_977 = arith.addf %add3A_917, %get3A_976 : vector<16xf32>
        scf.yield %add3A_928, %add3A_935, %add3A_942, %add3A_949, %add3A_956, %add3A_963, %add3A_970, %add3A_977 : vector<16xf32>, vector<16xf32>, vector<16xf32>, vector<16xf32>, vector<16xf32>, vector<16xf32>, vector<16xf32>, vector<16xf32>
      }
      %scan3A_465 = arith.constant 50 : i32
      %mul3A_466 = arith.constant 2 : i32
      %mul3A_467 = arith.muli %add3A_365, %mul3A_466 : i32
      %add3A_468 = arith.constant 1 : i32
      %add3A_469 = arith.addi %mul3A_467, %add3A_468 : i32
      %swap3A_470 = arith.index_cast %add3A_469 : i32 to index
      %swap3A_471 = arith.constant 0 : index
      %swap3A_472 = tpu.vector_load %arg7[%swap3A_470, %swap3A_471] {strides = array<i32>} : memref<128x128xf32, #tpu.memory_space<vmem>>, vector<1x16xf32>,
      %swap3A_473 = vector.shape_cast %swap3A_472 : vector<1x16xf32> to vector<16xf32>
      %swap3A_474 = vector.shape_cast %scan3A_464#0 : vector<16xf32> to vector<1x16xf32>
      tpu.vector_store %arg7[%swap3A_470, %swap3A_471], %swap3A_474 {strides = array<i32>} : memref<128x128xf32, #tpu.memory_space<vmem>>, vector<1x16xf32>,
      %swap3A_475 = arith.index_cast %add3A_469 : i32 to index
      %swap3A_476 = arith.constant 16 : index
      %swap3A_477 = tpu.vector_load %arg7[%swap3A_475, %swap3A_476] {strides = array<i32>} : memref<128x128xf32, #tpu.memory_space<vmem>>, vector<1x16xf32>,
      %swap3A_478 = vector.shape_cast %swap3A_477 : vector<1x16xf32> to vector<16xf32>
      %swap3A_479 = vector.shape_cast %scan3A_464#1 : vector<16xf32> to vector<1x16xf32>
      tpu.vector_store %arg7[%swap3A_475, %swap3A_476], %swap3A_479 {strides = array<i32>} : memref<128x128xf32, #tpu.memory_space<vmem>>, vector<1x16xf32>,
      %swap3A_480 = arith.index_cast %add3A_469 : i32 to index
      %swap3A_481 = arith.constant 32 : index
      %swap3A_482 = tpu.vector_load %arg7[%swap3A_480, %swap3A_481] {strides = array<i32>} : memref<128x128xf32, #tpu.memory_space<vmem>>, vector<1x16xf32>,
      %swap3A_483 = vector.shape_cast %swap3A_482 : vector<1x16xf32> to vector<16xf32>
      %swap3A_484 = vector.shape_cast %scan3A_464#2 : vector<16xf32> to vector<1x16xf32>
      tpu.vector_store %arg7[%swap3A_480, %swap3A_481], %swap3A_484 {strides = array<i32>} : memref<128x128xf32, #tpu.memory_space<vmem>>, vector<1x16xf32>,
      %swap3A_485 = arith.index_cast %add3A_469 : i32 to index
      %swap3A_486 = arith.constant 48 : index
      %swap3A_487 = tpu.vector_load %arg7[%swap3A_485, %swap3A_486] {strides = array<i32>} : memref<128x128xf32, #tpu.memory_space<vmem>>, vector<1x16xf32>,
      %swap3A_488 = vector.shape_cast %swap3A_487 : vector<1x16xf32> to vector<16xf32>
      %swap3A_489 = vector.shape_cast %scan3A_464#3 : vector<16xf32> to vector<1x16xf32>
      tpu.vector_store %arg7[%swap3A_485, %swap3A_486], %swap3A_489 {strides = array<i32>} : memref<128x128xf32, #tpu.memory_space<vmem>>, vector<1x16xf32>,
      %swap3A_490 = arith.index_cast %add3A_469 : i32 to index
      %swap3A_491 = arith.constant 64 : index
      %swap3A_492 = tpu.vector_load %arg7[%swap3A_490, %swap3A_491] {strides = array<i32>} : memref<128x128xf32, #tpu.memory_space<vmem>>, vector<1x16xf32>,
      %swap3A_493 = vector.shape_cast %swap3A_492 : vector<1x16xf32> to vector<16xf32>
      %swap3A_494 = vector.shape_cast %scan3A_464#4 : vector<16xf32> to vector<1x16xf32>
      tpu.vector_store %arg7[%swap3A_490, %swap3A_491], %swap3A_494 {strides = array<i32>} : memref<128x128xf32, #tpu.memory_space<vmem>>, vector<1x16xf32>,
      %swap3A_495 = arith.index_cast %add3A_469 : i32 to index
      %swap3A_496 = arith.constant 80 : index
      %swap3A_497 = tpu.vector_load %arg7[%swap3A_495, %swap3A_496] {strides = array<i32>} : memref<128x128xf32, #tpu.memory_space<vmem>>, vector<1x16xf32>,
      %swap3A_498 = vector.shape_cast %swap3A_497 : vector<1x16xf32> to vector<16xf32>
      %swap3A_499 = vector.shape_cast %scan3A_464#5 : vector<16xf32> to vector<1x16xf32>
      tpu.vector_store %arg7[%swap3A_495, %swap3A_496], %swap3A_499 {strides = array<i32>} : memref<128x128xf32, #tpu.memory_space<vmem>>, vector<1x16xf32>,
      %swap3A_500 = arith.index_cast %add3A_469 : i32 to index
      %swap3A_501 = arith.constant 96 : index
      %swap3A_502 = tpu.vector_load %arg7[%swap3A_500, %swap3A_501] {strides = array<i32>} : memref<128x128xf32, #tpu.memory_space<vmem>>, vector<1x16xf32>,
      %swap3A_503 = vector.shape_cast %swap3A_502 : vector<1x16xf32> to vector<16xf32>
      %swap3A_504 = vector.shape_cast %scan3A_464#6 : vector<16xf32> to vector<1x16xf32>
      tpu.vector_store %arg7[%swap3A_500, %swap3A_501], %swap3A_504 {strides = array<i32>} : memref<128x128xf32, #tpu.memory_space<vmem>>, vector<1x16xf32>,
      %swap3A_505 = arith.index_cast %add3A_469 : i32 to index
      %swap3A_506 = arith.constant 112 : index
      %swap3A_507 = tpu.vector_load %arg7[%swap3A_505, %swap3A_506] {strides = array<i32>} : memref<128x128xf32, #tpu.memory_space<vmem>>, vector<1x16xf32>,
      %swap3A_508 = vector.shape_cast %swap3A_507 : vector<1x16xf32> to vector<16xf32>
      %swap3A_509 = vector.shape_cast %scan3A_464#7 : vector<16xf32> to vector<1x16xf32>
      tpu.vector_store %arg7[%swap3A_505, %swap3A_506], %swap3A_509 {strides = array<i32>} : memref<128x128xf32, #tpu.memory_space<vmem>>, vector<1x16xf32>,
      %add3A_510 = arith.constant 4 : i32
      %add3A_511 = arith.addi %add3A_365, %add3A_510 : i32
      %lt3A_512 = arith.constant 64 : i32
      %lt3A_513 = arith.cmpi slt, %add3A_511, %lt3A_512 : i32
      %convert_element_type3A_514 = arith.extui %lt3A_513 : i1 to i32
      %cond3A_515 = arith.constant 0 : i32
      %cond3A_516 = arith.cmpi ne, %convert_element_type3A_514, %cond3A_515 : i32
      scf.if %cond3A_516 {
        %dma_start3A_672 = arith.constant 2 : i32
        %dma_start3A_673 = arith.constant 0 : i32
        %dma_start3A_674 = arith.constant 0 : i32
        %dma_start3A_675 = tpu.memref_slice %arg6[%dma_start3A_672, %dma_start3A_673, %dma_start3A_674] : memref<4x100x128xf32, #tpu.memory_space<vmem>> -> memref<1x100x128xf32, #tpu.memory_space<vmem>>
        %dma_start3A_676 = tpu.memref_squeeze %dma_start3A_675 : memref<1x100x128xf32, #tpu.memory_space<vmem>> -> memref<100x128xf32, #tpu.memory_space<vmem>>
        %dma_start3A_677 = arith.constant 0 : i32
        %dma_start3A_678 = tpu.memref_slice %arg5[%add3A_511, %dma_start3A_677] : memref<64x100xi32, #tpu.memory_space<vmem>> -> memref<1x100xi32, #tpu.memory_space<vmem>>
        %dma_start3A_679 = tpu.memref_squeeze %dma_start3A_678 : memref<1x100xi32, #tpu.memory_space<vmem>> -> memref<100xi32, #tpu.memory_space<vmem>>
        %dma_start3A_680 = arith.constant 0 : i32
        %dma_start3A_681 = arith.constant 0 : i32
        %dma_start3A_682 = tpu.memref_slice %arg2[%dma_start3A_680, %dma_start3A_681] : memref<100000x128xf32, #tpu.memory_space<hbm>> -> memref<100000x128xf32, #tpu.memory_space<hbm>>
        tpu.enqueue_indirect_dma source(%dma_start3A_682 : memref<100000x128xf32, #tpu.memory_space<hbm>>) target(%dma_start3A_676 : memref<100x128xf32, #tpu.memory_space<vmem>>) offsets(%dma_start3A_679 : memref<100xi32, #tpu.memory_space<vmem>>) semaphore(%arg10 : memref<!tpu.dma_semaphore, #tpu.memory_space<semaphore_mem>>)
      } else {
      }
      %mul3A_517 = arith.constant 4 : i32
      %mul3A_518 = arith.muli %scan3A_57, %mul3A_517 : i32
      %add3A_519 = arith.constant 3 : i32
      %add3A_520 = arith.addi %mul3A_518, %add3A_519 : i32
      %dma_wait3A_521 = arith.constant 0 : i32
      %dma_wait3A_522 = arith.constant 3 : i32
      %dma_wait3A_523 = arith.constant 0 : i32
      %dma_wait3A_524 = arith.constant 0 : i32
      %dma_wait3A_525 = tpu.memref_slice %arg6[%dma_wait3A_522, %dma_wait3A_523, %dma_wait3A_524] : memref<4x100x128xf32, #tpu.memory_space<vmem>> -> memref<1x100x128xf32, #tpu.memory_space<vmem>>
      %dma_wait3A_526 = tpu.memref_squeeze %dma_wait3A_525 : memref<1x100x128xf32, #tpu.memory_space<vmem>> -> memref<100x128xf32, #tpu.memory_space<vmem>>
      %dma_wait3A_527 = arith.constant 0 : i32
      %dma_wait3A_528 = tpu.memref_slice %arg5[%dma_wait3A_521, %dma_wait3A_527] : memref<64x100xi32, #tpu.memory_space<vmem>> -> memref<1x100xi32, #tpu.memory_space<vmem>>
      %dma_wait3A_529 = tpu.memref_squeeze %dma_wait3A_528 : memref<1x100xi32, #tpu.memory_space<vmem>> -> memref<100xi32, #tpu.memory_space<vmem>>
      %dma_wait3A_530 = arith.constant 0 : i32
      %dma_wait3A_531 = arith.constant 0 : i32
      %dma_wait3A_532 = tpu.memref_slice %arg2[%dma_wait3A_530, %dma_wait3A_531] : memref<100000x128xf32, #tpu.memory_space<hbm>> -> memref<100000x128xf32, #tpu.memory_space<hbm>>
      tpu.wait_indirect_dma semaphore(%arg11 : memref<!tpu.dma_semaphore, #tpu.memory_space<semaphore_mem>>) src(%dma_wait3A_532 : memref<100000x128xf32, #tpu.memory_space<hbm>>) dst(%dma_wait3A_526 : memref<100x128xf32, #tpu.memory_space<vmem>>)
      %broadcast_in_dim3A_533 = arith.constant 0.000000e+00 : f32
      %broadcast_in_dim3A_534 = vector.broadcast %broadcast_in_dim3A_533 : f32 to vector<16xf32>
      %broadcast_in_dim3A_535 = arith.constant 0.000000e+00 : f32
      %broadcast_in_dim3A_536 = vector.broadcast %broadcast_in_dim3A_535 : f32 to vector<16xf32>
      %broadcast_in_dim3A_537 = arith.constant 0.000000e+00 : f32
      %broadcast_in_dim3A_538 = vector.broadcast %broadcast_in_dim3A_537 : f32 to vector<16xf32>
      %broadcast_in_dim3A_539 = arith.constant 0.000000e+00 : f32
      %broadcast_in_dim3A_540 = vector.broadcast %broadcast_in_dim3A_539 : f32 to vector<16xf32>
      %broadcast_in_dim3A_541 = arith.constant 0.000000e+00 : f32
      %broadcast_in_dim3A_542 = vector.broadcast %broadcast_in_dim3A_541 : f32 to vector<16xf32>
      %broadcast_in_dim3A_543 = arith.constant 0.000000e+00 : f32
      %broadcast_in_dim3A_544 = vector.broadcast %broadcast_in_dim3A_543 : f32 to vector<16xf32>
      %broadcast_in_dim3A_545 = arith.constant 0.000000e+00 : f32
      %broadcast_in_dim3A_546 = vector.broadcast %broadcast_in_dim3A_545 : f32 to vector<16xf32>
      %broadcast_in_dim3A_547 = arith.constant 0.000000e+00 : f32
      %broadcast_in_dim3A_548 = vector.broadcast %broadcast_in_dim3A_547 : f32 to vector<16xf32>
      %scan3A_549 = arith.constant 0 : i32
      %scan3A_550 = arith.constant 50 : i32
      %scan3A_551 = arith.addi %scan3A_549, %scan3A_550 : i32
      %scan3A_552 = arith.constant 5 : i32
      %scan3A_553:8 = scf.for %scan3A_672 = %scan3A_549 to %scan3A_551 step %scan3A_552 iter_args(%scan3A_673 = %broadcast_in_dim3A_534, %scan3A_674 = %broadcast_in_dim3A_536, %scan3A_675 = %broadcast_in_dim3A_538, %scan3A_676 = %broadcast_in_dim3A_540, %scan3A_677 = %broadcast_in_dim3A_542, %scan3A_678 = %broadcast_in_dim3A_544, %scan3A_679 = %broadcast_in_dim3A_546, %scan3A_680 = %broadcast_in_dim3A_548) -> (vector<16xf32>, vector<16xf32>, vector<16xf32>, vector<16xf32>, vector<16xf32>, vector<16xf32>, vector<16xf32>, vector<16xf32>)  : i32 {
        %add3A_681 = arith.constant 0 : i32
        %add3A_682 = arith.addi %add3A_681, %scan3A_672 : i32
        %get3A = arith.constant 3 : i32
        %get3A_683 = arith.index_cast %get3A : i32 to index
        %get3A_684 = arith.index_cast %add3A_682 : i32 to index
        %get3A_685 = arith.constant 0 : index
        %get3A_686 = tpu.vector_load %arg6[%get3A_683, %get3A_684, %get3A_685] {strides = array<i32>} : memref<4x100x128xf32, #tpu.memory_space<vmem>>, vector<1x1x16xf32>,
        %get3A_687 = vector.shape_cast %get3A_686 : vector<1x1x16xf32> to vector<16xf32>
        %add3A_688 = arith.addf %scan3A_673, %get3A_687 : vector<16xf32>
        %get3A_689 = arith.constant 3 : i32
        %get3A_690 = arith.index_cast %get3A_689 : i32 to index
        %get3A_691 = arith.index_cast %add3A_682 : i32 to index
        %get3A_692 = arith.constant 16 : index
        %get3A_693 = tpu.vector_load %arg6[%get3A_690, %get3A_691, %get3A_692] {strides = array<i32>} : memref<4x100x128xf32, #tpu.memory_space<vmem>>, vector<1x1x16xf32>,
        %get3A_694 = vector.shape_cast %get3A_693 : vector<1x1x16xf32> to vector<16xf32>
        %add3A_695 = arith.addf %scan3A_674, %get3A_694 : vector<16xf32>
        %get3A_696 = arith.constant 3 : i32
        %get3A_697 = arith.index_cast %get3A_696 : i32 to index
        %get3A_698 = arith.index_cast %add3A_682 : i32 to index
        %get3A_699 = arith.constant 32 : index
        %get3A_700 = tpu.vector_load %arg6[%get3A_697, %get3A_698, %get3A_699] {strides = array<i32>} : memref<4x100x128xf32, #tpu.memory_space<vmem>>, vector<1x1x16xf32>,
        %get3A_701 = vector.shape_cast %get3A_700 : vector<1x1x16xf32> to vector<16xf32>
        %add3A_702 = arith.addf %scan3A_675, %get3A_701 : vector<16xf32>
        %get3A_703 = arith.constant 3 : i32
        %get3A_704 = arith.index_cast %get3A_703 : i32 to index
        %get3A_705 = arith.index_cast %add3A_682 : i32 to index
        %get3A_706 = arith.constant 48 : index
        %get3A_707 = tpu.vector_load %arg6[%get3A_704, %get3A_705, %get3A_706] {strides = array<i32>} : memref<4x100x128xf32, #tpu.memory_space<vmem>>, vector<1x1x16xf32>,
        %get3A_708 = vector.shape_cast %get3A_707 : vector<1x1x16xf32> to vector<16xf32>
        %add3A_709 = arith.addf %scan3A_676, %get3A_708 : vector<16xf32>
        %get3A_710 = arith.constant 3 : i32
        %get3A_711 = arith.index_cast %get3A_710 : i32 to index
        %get3A_712 = arith.index_cast %add3A_682 : i32 to index
        %get3A_713 = arith.constant 64 : index
        %get3A_714 = tpu.vector_load %arg6[%get3A_711, %get3A_712, %get3A_713] {strides = array<i32>} : memref<4x100x128xf32, #tpu.memory_space<vmem>>, vector<1x1x16xf32>,
        %get3A_715 = vector.shape_cast %get3A_714 : vector<1x1x16xf32> to vector<16xf32>
        %add3A_716 = arith.addf %scan3A_677, %get3A_715 : vector<16xf32>
        %get3A_717 = arith.constant 3 : i32
        %get3A_718 = arith.index_cast %get3A_717 : i32 to index
        %get3A_719 = arith.index_cast %add3A_682 : i32 to index
        %get3A_720 = arith.constant 80 : index
        %get3A_721 = tpu.vector_load %arg6[%get3A_718, %get3A_719, %get3A_720] {strides = array<i32>} : memref<4x100x128xf32, #tpu.memory_space<vmem>>, vector<1x1x16xf32>,
        %get3A_722 = vector.shape_cast %get3A_721 : vector<1x1x16xf32> to vector<16xf32>
        %add3A_723 = arith.addf %scan3A_678, %get3A_722 : vector<16xf32>
        %get3A_724 = arith.constant 3 : i32
        %get3A_725 = arith.index_cast %get3A_724 : i32 to index
        %get3A_726 = arith.index_cast %add3A_682 : i32 to index
        %get3A_727 = arith.constant 96 : index
        %get3A_728 = tpu.vector_load %arg6[%get3A_725, %get3A_726, %get3A_727] {strides = array<i32>} : memref<4x100x128xf32, #tpu.memory_space<vmem>>, vector<1x1x16xf32>,
        %get3A_729 = vector.shape_cast %get3A_728 : vector<1x1x16xf32> to vector<16xf32>
        %add3A_730 = arith.addf %scan3A_679, %get3A_729 : vector<16xf32>
        %get3A_731 = arith.constant 3 : i32
        %get3A_732 = arith.index_cast %get3A_731 : i32 to index
        %get3A_733 = arith.index_cast %add3A_682 : i32 to index
        %get3A_734 = arith.constant 112 : index
        %get3A_735 = tpu.vector_load %arg6[%get3A_732, %get3A_733, %get3A_734] {strides = array<i32>} : memref<4x100x128xf32, #tpu.memory_space<vmem>>, vector<1x1x16xf32>,
        %get3A_736 = vector.shape_cast %get3A_735 : vector<1x1x16xf32> to vector<16xf32>
        %add3A_737 = arith.addf %scan3A_680, %get3A_736 : vector<16xf32>
        %scan3A_738 = arith.constant 1 : i32
        %scan3A_739 = arith.addi %scan3A_672, %scan3A_738 : i32
        %add3A_740 = arith.constant 0 : i32
        %add3A_741 = arith.addi %add3A_740, %scan3A_739 : i32
        %get3A_742 = arith.constant 3 : i32
        %get3A_743 = arith.index_cast %get3A_742 : i32 to index
        %get3A_744 = arith.index_cast %add3A_741 : i32 to index
        %get3A_745 = arith.constant 0 : index
        %get3A_746 = tpu.vector_load %arg6[%get3A_743, %get3A_744, %get3A_745] {strides = array<i32>} : memref<4x100x128xf32, #tpu.memory_space<vmem>>, vector<1x1x16xf32>,
        %get3A_747 = vector.shape_cast %get3A_746 : vector<1x1x16xf32> to vector<16xf32>
        %add3A_748 = arith.addf %add3A_688, %get3A_747 : vector<16xf32>
        %get3A_749 = arith.constant 3 : i32
        %get3A_750 = arith.index_cast %get3A_749 : i32 to index
        %get3A_751 = arith.index_cast %add3A_741 : i32 to index
        %get3A_752 = arith.constant 16 : index
        %get3A_753 = tpu.vector_load %arg6[%get3A_750, %get3A_751, %get3A_752] {strides = array<i32>} : memref<4x100x128xf32, #tpu.memory_space<vmem>>, vector<1x1x16xf32>,
        %get3A_754 = vector.shape_cast %get3A_753 : vector<1x1x16xf32> to vector<16xf32>
        %add3A_755 = arith.addf %add3A_695, %get3A_754 : vector<16xf32>
        %get3A_756 = arith.constant 3 : i32
        %get3A_757 = arith.index_cast %get3A_756 : i32 to index
        %get3A_758 = arith.index_cast %add3A_741 : i32 to index
        %get3A_759 = arith.constant 32 : index
        %get3A_760 = tpu.vector_load %arg6[%get3A_757, %get3A_758, %get3A_759] {strides = array<i32>} : memref<4x100x128xf32, #tpu.memory_space<vmem>>, vector<1x1x16xf32>,
        %get3A_761 = vector.shape_cast %get3A_760 : vector<1x1x16xf32> to vector<16xf32>
        %add3A_762 = arith.addf %add3A_702, %get3A_761 : vector<16xf32>
        %get3A_763 = arith.constant 3 : i32
        %get3A_764 = arith.index_cast %get3A_763 : i32 to index
        %get3A_765 = arith.index_cast %add3A_741 : i32 to index
        %get3A_766 = arith.constant 48 : index
        %get3A_767 = tpu.vector_load %arg6[%get3A_764, %get3A_765, %get3A_766] {strides = array<i32>} : memref<4x100x128xf32, #tpu.memory_space<vmem>>, vector<1x1x16xf32>,
        %get3A_768 = vector.shape_cast %get3A_767 : vector<1x1x16xf32> to vector<16xf32>
        %add3A_769 = arith.addf %add3A_709, %get3A_768 : vector<16xf32>
        %get3A_770 = arith.constant 3 : i32
        %get3A_771 = arith.index_cast %get3A_770 : i32 to index
        %get3A_772 = arith.index_cast %add3A_741 : i32 to index
        %get3A_773 = arith.constant 64 : index
        %get3A_774 = tpu.vector_load %arg6[%get3A_771, %get3A_772, %get3A_773] {strides = array<i32>} : memref<4x100x128xf32, #tpu.memory_space<vmem>>, vector<1x1x16xf32>,
        %get3A_775 = vector.shape_cast %get3A_774 : vector<1x1x16xf32> to vector<16xf32>
        %add3A_776 = arith.addf %add3A_716, %get3A_775 : vector<16xf32>
        %get3A_777 = arith.constant 3 : i32
        %get3A_778 = arith.index_cast %get3A_777 : i32 to index
        %get3A_779 = arith.index_cast %add3A_741 : i32 to index
        %get3A_780 = arith.constant 80 : index
        %get3A_781 = tpu.vector_load %arg6[%get3A_778, %get3A_779, %get3A_780] {strides = array<i32>} : memref<4x100x128xf32, #tpu.memory_space<vmem>>, vector<1x1x16xf32>,
        %get3A_782 = vector.shape_cast %get3A_781 : vector<1x1x16xf32> to vector<16xf32>
        %add3A_783 = arith.addf %add3A_723, %get3A_782 : vector<16xf32>
        %get3A_784 = arith.constant 3 : i32
        %get3A_785 = arith.index_cast %get3A_784 : i32 to index
        %get3A_786 = arith.index_cast %add3A_741 : i32 to index
        %get3A_787 = arith.constant 96 : index
        %get3A_788 = tpu.vector_load %arg6[%get3A_785, %get3A_786, %get3A_787] {strides = array<i32>} : memref<4x100x128xf32, #tpu.memory_space<vmem>>, vector<1x1x16xf32>,
        %get3A_789 = vector.shape_cast %get3A_788 : vector<1x1x16xf32> to vector<16xf32>
        %add3A_790 = arith.addf %add3A_730, %get3A_789 : vector<16xf32>
        %get3A_791 = arith.constant 3 : i32
        %get3A_792 = arith.index_cast %get3A_791 : i32 to index
        %get3A_793 = arith.index_cast %add3A_741 : i32 to index
        %get3A_794 = arith.constant 112 : index
        %get3A_795 = tpu.vector_load %arg6[%get3A_792, %get3A_793, %get3A_794] {strides = array<i32>} : memref<4x100x128xf32, #tpu.memory_space<vmem>>, vector<1x1x16xf32>,
        %get3A_796 = vector.shape_cast %get3A_795 : vector<1x1x16xf32> to vector<16xf32>
        %add3A_797 = arith.addf %add3A_737, %get3A_796 : vector<16xf32>
        %scan3A_798 = arith.constant 2 : i32
        %scan3A_799 = arith.addi %scan3A_672, %scan3A_798 : i32
        %add3A_800 = arith.constant 0 : i32
        %add3A_801 = arith.addi %add3A_800, %scan3A_799 : i32
        %get3A_802 = arith.constant 3 : i32
        %get3A_803 = arith.index_cast %get3A_802 : i32 to index
        %get3A_804 = arith.index_cast %add3A_801 : i32 to index
        %get3A_805 = arith.constant 0 : index
        %get3A_806 = tpu.vector_load %arg6[%get3A_803, %get3A_804, %get3A_805] {strides = array<i32>} : memref<4x100x128xf32, #tpu.memory_space<vmem>>, vector<1x1x16xf32>,
        %get3A_807 = vector.shape_cast %get3A_806 : vector<1x1x16xf32> to vector<16xf32>
        %add3A_808 = arith.addf %add3A_748, %get3A_807 : vector<16xf32>
        %get3A_809 = arith.constant 3 : i32
        %get3A_810 = arith.index_cast %get3A_809 : i32 to index
        %get3A_811 = arith.index_cast %add3A_801 : i32 to index
        %get3A_812 = arith.constant 16 : index
        %get3A_813 = tpu.vector_load %arg6[%get3A_810, %get3A_811, %get3A_812] {strides = array<i32>} : memref<4x100x128xf32, #tpu.memory_space<vmem>>, vector<1x1x16xf32>,
        %get3A_814 = vector.shape_cast %get3A_813 : vector<1x1x16xf32> to vector<16xf32>
        %add3A_815 = arith.addf %add3A_755, %get3A_814 : vector<16xf32>
        %get3A_816 = arith.constant 3 : i32
        %get3A_817 = arith.index_cast %get3A_816 : i32 to index
        %get3A_818 = arith.index_cast %add3A_801 : i32 to index
        %get3A_819 = arith.constant 32 : index
        %get3A_820 = tpu.vector_load %arg6[%get3A_817, %get3A_818, %get3A_819] {strides = array<i32>} : memref<4x100x128xf32, #tpu.memory_space<vmem>>, vector<1x1x16xf32>,
        %get3A_821 = vector.shape_cast %get3A_820 : vector<1x1x16xf32> to vector<16xf32>
        %add3A_822 = arith.addf %add3A_762, %get3A_821 : vector<16xf32>
        %get3A_823 = arith.constant 3 : i32
        %get3A_824 = arith.index_cast %get3A_823 : i32 to index
        %get3A_825 = arith.index_cast %add3A_801 : i32 to index
        %get3A_826 = arith.constant 48 : index
        %get3A_827 = tpu.vector_load %arg6[%get3A_824, %get3A_825, %get3A_826] {strides = array<i32>} : memref<4x100x128xf32, #tpu.memory_space<vmem>>, vector<1x1x16xf32>,
        %get3A_828 = vector.shape_cast %get3A_827 : vector<1x1x16xf32> to vector<16xf32>
        %add3A_829 = arith.addf %add3A_769, %get3A_828 : vector<16xf32>
        %get3A_830 = arith.constant 3 : i32
        %get3A_831 = arith.index_cast %get3A_830 : i32 to index
        %get3A_832 = arith.index_cast %add3A_801 : i32 to index
        %get3A_833 = arith.constant 64 : index
        %get3A_834 = tpu.vector_load %arg6[%get3A_831, %get3A_832, %get3A_833] {strides = array<i32>} : memref<4x100x128xf32, #tpu.memory_space<vmem>>, vector<1x1x16xf32>,
        %get3A_835 = vector.shape_cast %get3A_834 : vector<1x1x16xf32> to vector<16xf32>
        %add3A_836 = arith.addf %add3A_776, %get3A_835 : vector<16xf32>
        %get3A_837 = arith.constant 3 : i32
        %get3A_838 = arith.index_cast %get3A_837 : i32 to index
        %get3A_839 = arith.index_cast %add3A_801 : i32 to index
        %get3A_840 = arith.constant 80 : index
        %get3A_841 = tpu.vector_load %arg6[%get3A_838, %get3A_839, %get3A_840] {strides = array<i32>} : memref<4x100x128xf32, #tpu.memory_space<vmem>>, vector<1x1x16xf32>,
        %get3A_842 = vector.shape_cast %get3A_841 : vector<1x1x16xf32> to vector<16xf32>
        %add3A_843 = arith.addf %add3A_783, %get3A_842 : vector<16xf32>
        %get3A_844 = arith.constant 3 : i32
        %get3A_845 = arith.index_cast %get3A_844 : i32 to index
        %get3A_846 = arith.index_cast %add3A_801 : i32 to index
        %get3A_847 = arith.constant 96 : index
        %get3A_848 = tpu.vector_load %arg6[%get3A_845, %get3A_846, %get3A_847] {strides = array<i32>} : memref<4x100x128xf32, #tpu.memory_space<vmem>>, vector<1x1x16xf32>,
        %get3A_849 = vector.shape_cast %get3A_848 : vector<1x1x16xf32> to vector<16xf32>
        %add3A_850 = arith.addf %add3A_790, %get3A_849 : vector<16xf32>
        %get3A_851 = arith.constant 3 : i32
        %get3A_852 = arith.index_cast %get3A_851 : i32 to index
        %get3A_853 = arith.index_cast %add3A_801 : i32 to index
        %get3A_854 = arith.constant 112 : index
        %get3A_855 = tpu.vector_load %arg6[%get3A_852, %get3A_853, %get3A_854] {strides = array<i32>} : memref<4x100x128xf32, #tpu.memory_space<vmem>>, vector<1x1x16xf32>,
        %get3A_856 = vector.shape_cast %get3A_855 : vector<1x1x16xf32> to vector<16xf32>
        %add3A_857 = arith.addf %add3A_797, %get3A_856 : vector<16xf32>
        %scan3A_858 = arith.constant 3 : i32
        %scan3A_859 = arith.addi %scan3A_672, %scan3A_858 : i32
        %add3A_860 = arith.constant 0 : i32
        %add3A_861 = arith.addi %add3A_860, %scan3A_859 : i32
        %get3A_862 = arith.constant 3 : i32
        %get3A_863 = arith.index_cast %get3A_862 : i32 to index
        %get3A_864 = arith.index_cast %add3A_861 : i32 to index
        %get3A_865 = arith.constant 0 : index
        %get3A_866 = tpu.vector_load %arg6[%get3A_863, %get3A_864, %get3A_865] {strides = array<i32>} : memref<4x100x128xf32, #tpu.memory_space<vmem>>, vector<1x1x16xf32>,
        %get3A_867 = vector.shape_cast %get3A_866 : vector<1x1x16xf32> to vector<16xf32>
        %add3A_868 = arith.addf %add3A_808, %get3A_867 : vector<16xf32>
        %get3A_869 = arith.constant 3 : i32
        %get3A_870 = arith.index_cast %get3A_869 : i32 to index
        %get3A_871 = arith.index_cast %add3A_861 : i32 to index
        %get3A_872 = arith.constant 16 : index
        %get3A_873 = tpu.vector_load %arg6[%get3A_870, %get3A_871, %get3A_872] {strides = array<i32>} : memref<4x100x128xf32, #tpu.memory_space<vmem>>, vector<1x1x16xf32>,
        %get3A_874 = vector.shape_cast %get3A_873 : vector<1x1x16xf32> to vector<16xf32>
        %add3A_875 = arith.addf %add3A_815, %get3A_874 : vector<16xf32>
        %get3A_876 = arith.constant 3 : i32
        %get3A_877 = arith.index_cast %get3A_876 : i32 to index
        %get3A_878 = arith.index_cast %add3A_861 : i32 to index
        %get3A_879 = arith.constant 32 : index
        %get3A_880 = tpu.vector_load %arg6[%get3A_877, %get3A_878, %get3A_879] {strides = array<i32>} : memref<4x100x128xf32, #tpu.memory_space<vmem>>, vector<1x1x16xf32>,
        %get3A_881 = vector.shape_cast %get3A_880 : vector<1x1x16xf32> to vector<16xf32>
        %add3A_882 = arith.addf %add3A_822, %get3A_881 : vector<16xf32>
        %get3A_883 = arith.constant 3 : i32
        %get3A_884 = arith.index_cast %get3A_883 : i32 to index
        %get3A_885 = arith.index_cast %add3A_861 : i32 to index
        %get3A_886 = arith.constant 48 : index
        %get3A_887 = tpu.vector_load %arg6[%get3A_884, %get3A_885, %get3A_886] {strides = array<i32>} : memref<4x100x128xf32, #tpu.memory_space<vmem>>, vector<1x1x16xf32>,
        %get3A_888 = vector.shape_cast %get3A_887 : vector<1x1x16xf32> to vector<16xf32>
        %add3A_889 = arith.addf %add3A_829, %get3A_888 : vector<16xf32>
        %get3A_890 = arith.constant 3 : i32
        %get3A_891 = arith.index_cast %get3A_890 : i32 to index
        %get3A_892 = arith.index_cast %add3A_861 : i32 to index
        %get3A_893 = arith.constant 64 : index
        %get3A_894 = tpu.vector_load %arg6[%get3A_891, %get3A_892, %get3A_893] {strides = array<i32>} : memref<4x100x128xf32, #tpu.memory_space<vmem>>, vector<1x1x16xf32>,
        %get3A_895 = vector.shape_cast %get3A_894 : vector<1x1x16xf32> to vector<16xf32>
        %add3A_896 = arith.addf %add3A_836, %get3A_895 : vector<16xf32>
        %get3A_897 = arith.constant 3 : i32
        %get3A_898 = arith.index_cast %get3A_897 : i32 to index
        %get3A_899 = arith.index_cast %add3A_861 : i32 to index
        %get3A_900 = arith.constant 80 : index
        %get3A_901 = tpu.vector_load %arg6[%get3A_898, %get3A_899, %get3A_900] {strides = array<i32>} : memref<4x100x128xf32, #tpu.memory_space<vmem>>, vector<1x1x16xf32>,
        %get3A_902 = vector.shape_cast %get3A_901 : vector<1x1x16xf32> to vector<16xf32>
        %add3A_903 = arith.addf %add3A_843, %get3A_902 : vector<16xf32>
        %get3A_904 = arith.constant 3 : i32
        %get3A_905 = arith.index_cast %get3A_904 : i32 to index
        %get3A_906 = arith.index_cast %add3A_861 : i32 to index
        %get3A_907 = arith.constant 96 : index
        %get3A_908 = tpu.vector_load %arg6[%get3A_905, %get3A_906, %get3A_907] {strides = array<i32>} : memref<4x100x128xf32, #tpu.memory_space<vmem>>, vector<1x1x16xf32>,
        %get3A_909 = vector.shape_cast %get3A_908 : vector<1x1x16xf32> to vector<16xf32>
        %add3A_910 = arith.addf %add3A_850, %get3A_909 : vector<16xf32>
        %get3A_911 = arith.constant 3 : i32
        %get3A_912 = arith.index_cast %get3A_911 : i32 to index
        %get3A_913 = arith.index_cast %add3A_861 : i32 to index
        %get3A_914 = arith.constant 112 : index
        %get3A_915 = tpu.vector_load %arg6[%get3A_912, %get3A_913, %get3A_914] {strides = array<i32>} : memref<4x100x128xf32, #tpu.memory_space<vmem>>, vector<1x1x16xf32>,
        %get3A_916 = vector.shape_cast %get3A_915 : vector<1x1x16xf32> to vector<16xf32>
        %add3A_917 = arith.addf %add3A_857, %get3A_916 : vector<16xf32>
        %scan3A_918 = arith.constant 4 : i32
        %scan3A_919 = arith.addi %scan3A_672, %scan3A_918 : i32
        %add3A_920 = arith.constant 0 : i32
        %add3A_921 = arith.addi %add3A_920, %scan3A_919 : i32
        %get3A_922 = arith.constant 3 : i32
        %get3A_923 = arith.index_cast %get3A_922 : i32 to index
        %get3A_924 = arith.index_cast %add3A_921 : i32 to index
        %get3A_925 = arith.constant 0 : index
        %get3A_926 = tpu.vector_load %arg6[%get3A_923, %get3A_924, %get3A_925] {strides = array<i32>} : memref<4x100x128xf32, #tpu.memory_space<vmem>>, vector<1x1x16xf32>,
        %get3A_927 = vector.shape_cast %get3A_926 : vector<1x1x16xf32> to vector<16xf32>
        %add3A_928 = arith.addf %add3A_868, %get3A_927 : vector<16xf32>
        %get3A_929 = arith.constant 3 : i32
        %get3A_930 = arith.index_cast %get3A_929 : i32 to index
        %get3A_931 = arith.index_cast %add3A_921 : i32 to index
        %get3A_932 = arith.constant 16 : index
        %get3A_933 = tpu.vector_load %arg6[%get3A_930, %get3A_931, %get3A_932] {strides = array<i32>} : memref<4x100x128xf32, #tpu.memory_space<vmem>>, vector<1x1x16xf32>,
        %get3A_934 = vector.shape_cast %get3A_933 : vector<1x1x16xf32> to vector<16xf32>
        %add3A_935 = arith.addf %add3A_875, %get3A_934 : vector<16xf32>
        %get3A_936 = arith.constant 3 : i32
        %get3A_937 = arith.index_cast %get3A_936 : i32 to index
        %get3A_938 = arith.index_cast %add3A_921 : i32 to index
        %get3A_939 = arith.constant 32 : index
        %get3A_940 = tpu.vector_load %arg6[%get3A_937, %get3A_938, %get3A_939] {strides = array<i32>} : memref<4x100x128xf32, #tpu.memory_space<vmem>>, vector<1x1x16xf32>,
        %get3A_941 = vector.shape_cast %get3A_940 : vector<1x1x16xf32> to vector<16xf32>
        %add3A_942 = arith.addf %add3A_882, %get3A_941 : vector<16xf32>
        %get3A_943 = arith.constant 3 : i32
        %get3A_944 = arith.index_cast %get3A_943 : i32 to index
        %get3A_945 = arith.index_cast %add3A_921 : i32 to index
        %get3A_946 = arith.constant 48 : index
        %get3A_947 = tpu.vector_load %arg6[%get3A_944, %get3A_945, %get3A_946] {strides = array<i32>} : memref<4x100x128xf32, #tpu.memory_space<vmem>>, vector<1x1x16xf32>,
        %get3A_948 = vector.shape_cast %get3A_947 : vector<1x1x16xf32> to vector<16xf32>
        %add3A_949 = arith.addf %add3A_889, %get3A_948 : vector<16xf32>
        %get3A_950 = arith.constant 3 : i32
        %get3A_951 = arith.index_cast %get3A_950 : i32 to index
        %get3A_952 = arith.index_cast %add3A_921 : i32 to index
        %get3A_953 = arith.constant 64 : index
        %get3A_954 = tpu.vector_load %arg6[%get3A_951, %get3A_952, %get3A_953] {strides = array<i32>} : memref<4x100x128xf32, #tpu.memory_space<vmem>>, vector<1x1x16xf32>,
        %get3A_955 = vector.shape_cast %get3A_954 : vector<1x1x16xf32> to vector<16xf32>
        %add3A_956 = arith.addf %add3A_896, %get3A_955 : vector<16xf32>
        %get3A_957 = arith.constant 3 : i32
        %get3A_958 = arith.index_cast %get3A_957 : i32 to index
        %get3A_959 = arith.index_cast %add3A_921 : i32 to index
        %get3A_960 = arith.constant 80 : index
        %get3A_961 = tpu.vector_load %arg6[%get3A_958, %get3A_959, %get3A_960] {strides = array<i32>} : memref<4x100x128xf32, #tpu.memory_space<vmem>>, vector<1x1x16xf32>,
        %get3A_962 = vector.shape_cast %get3A_961 : vector<1x1x16xf32> to vector<16xf32>
        %add3A_963 = arith.addf %add3A_903, %get3A_962 : vector<16xf32>
        %get3A_964 = arith.constant 3 : i32
        %get3A_965 = arith.index_cast %get3A_964 : i32 to index
        %get3A_966 = arith.index_cast %add3A_921 : i32 to index
        %get3A_967 = arith.constant 96 : index
        %get3A_968 = tpu.vector_load %arg6[%get3A_965, %get3A_966, %get3A_967] {strides = array<i32>} : memref<4x100x128xf32, #tpu.memory_space<vmem>>, vector<1x1x16xf32>,
        %get3A_969 = vector.shape_cast %get3A_968 : vector<1x1x16xf32> to vector<16xf32>
        %add3A_970 = arith.addf %add3A_910, %get3A_969 : vector<16xf32>
        %get3A_971 = arith.constant 3 : i32
        %get3A_972 = arith.index_cast %get3A_971 : i32 to index
        %get3A_973 = arith.index_cast %add3A_921 : i32 to index
        %get3A_974 = arith.constant 112 : index
        %get3A_975 = tpu.vector_load %arg6[%get3A_972, %get3A_973, %get3A_974] {strides = array<i32>} : memref<4x100x128xf32, #tpu.memory_space<vmem>>, vector<1x1x16xf32>,
        %get3A_976 = vector.shape_cast %get3A_975 : vector<1x1x16xf32> to vector<16xf32>
        %add3A_977 = arith.addf %add3A_917, %get3A_976 : vector<16xf32>
        scf.yield %add3A_928, %add3A_935, %add3A_942, %add3A_949, %add3A_956, %add3A_963, %add3A_970, %add3A_977 : vector<16xf32>, vector<16xf32>, vector<16xf32>, vector<16xf32>, vector<16xf32>, vector<16xf32>, vector<16xf32>, vector<16xf32>
      }
      %scan3A_554 = arith.constant 50 : i32
      %mul3A_555 = arith.constant 2 : i32
      %mul3A_556 = arith.muli %add3A_520, %mul3A_555 : i32
      %add3A_557 = arith.constant 0 : i32
      %add3A_558 = arith.addi %mul3A_556, %add3A_557 : i32
      %swap3A_559 = arith.index_cast %add3A_558 : i32 to index
      %swap3A_560 = arith.constant 0 : index
      %swap3A_561 = tpu.vector_load %arg7[%swap3A_559, %swap3A_560] {strides = array<i32>} : memref<128x128xf32, #tpu.memory_space<vmem>>, vector<1x16xf32>,
      %swap3A_562 = vector.shape_cast %swap3A_561 : vector<1x16xf32> to vector<16xf32>
      %swap3A_563 = vector.shape_cast %scan3A_553#0 : vector<16xf32> to vector<1x16xf32>
      tpu.vector_store %arg7[%swap3A_559, %swap3A_560], %swap3A_563 {strides = array<i32>} : memref<128x128xf32, #tpu.memory_space<vmem>>, vector<1x16xf32>,
      %swap3A_564 = arith.index_cast %add3A_558 : i32 to index
      %swap3A_565 = arith.constant 16 : index
      %swap3A_566 = tpu.vector_load %arg7[%swap3A_564, %swap3A_565] {strides = array<i32>} : memref<128x128xf32, #tpu.memory_space<vmem>>, vector<1x16xf32>,
      %swap3A_567 = vector.shape_cast %swap3A_566 : vector<1x16xf32> to vector<16xf32>
      %swap3A_568 = vector.shape_cast %scan3A_553#1 : vector<16xf32> to vector<1x16xf32>
      tpu.vector_store %arg7[%swap3A_564, %swap3A_565], %swap3A_568 {strides = array<i32>} : memref<128x128xf32, #tpu.memory_space<vmem>>, vector<1x16xf32>,
      %swap3A_569 = arith.index_cast %add3A_558 : i32 to index
      %swap3A_570 = arith.constant 32 : index
      %swap3A_571 = tpu.vector_load %arg7[%swap3A_569, %swap3A_570] {strides = array<i32>} : memref<128x128xf32, #tpu.memory_space<vmem>>, vector<1x16xf32>,
      %swap3A_572 = vector.shape_cast %swap3A_571 : vector<1x16xf32> to vector<16xf32>
      %swap3A_573 = vector.shape_cast %scan3A_553#2 : vector<16xf32> to vector<1x16xf32>
      tpu.vector_store %arg7[%swap3A_569, %swap3A_570], %swap3A_573 {strides = array<i32>} : memref<128x128xf32, #tpu.memory_space<vmem>>, vector<1x16xf32>,
      %swap3A_574 = arith.index_cast %add3A_558 : i32 to index
      %swap3A_575 = arith.constant 48 : index
      %swap3A_576 = tpu.vector_load %arg7[%swap3A_574, %swap3A_575] {strides = array<i32>} : memref<128x128xf32, #tpu.memory_space<vmem>>, vector<1x16xf32>,
      %swap3A_577 = vector.shape_cast %swap3A_576 : vector<1x16xf32> to vector<16xf32>
      %swap3A_578 = vector.shape_cast %scan3A_553#3 : vector<16xf32> to vector<1x16xf32>
      tpu.vector_store %arg7[%swap3A_574, %swap3A_575], %swap3A_578 {strides = array<i32>} : memref<128x128xf32, #tpu.memory_space<vmem>>, vector<1x16xf32>,
      %swap3A_579 = arith.index_cast %add3A_558 : i32 to index
      %swap3A_580 = arith.constant 64 : index
      %swap3A_581 = tpu.vector_load %arg7[%swap3A_579, %swap3A_580] {strides = array<i32>} : memref<128x128xf32, #tpu.memory_space<vmem>>, vector<1x16xf32>,
      %swap3A_582 = vector.shape_cast %swap3A_581 : vector<1x16xf32> to vector<16xf32>
      %swap3A_583 = vector.shape_cast %scan3A_553#4 : vector<16xf32> to vector<1x16xf32>
      tpu.vector_store %arg7[%swap3A_579, %swap3A_580], %swap3A_583 {strides = array<i32>} : memref<128x128xf32, #tpu.memory_space<vmem>>, vector<1x16xf32>,
      %swap3A_584 = arith.index_cast %add3A_558 : i32 to index
      %swap3A_585 = arith.constant 80 : index
      %swap3A_586 = tpu.vector_load %arg7[%swap3A_584, %swap3A_585] {strides = array<i32>} : memref<128x128xf32, #tpu.memory_space<vmem>>, vector<1x16xf32>,
      %swap3A_587 = vector.shape_cast %swap3A_586 : vector<1x16xf32> to vector<16xf32>
      %swap3A_588 = vector.shape_cast %scan3A_553#5 : vector<16xf32> to vector<1x16xf32>
      tpu.vector_store %arg7[%swap3A_584, %swap3A_585], %swap3A_588 {strides = array<i32>} : memref<128x128xf32, #tpu.memory_space<vmem>>, vector<1x16xf32>,
      %swap3A_589 = arith.index_cast %add3A_558 : i32 to index
      %swap3A_590 = arith.constant 96 : index
      %swap3A_591 = tpu.vector_load %arg7[%swap3A_589, %swap3A_590] {strides = array<i32>} : memref<128x128xf32, #tpu.memory_space<vmem>>, vector<1x16xf32>,
      %swap3A_592 = vector.shape_cast %swap3A_591 : vector<1x16xf32> to vector<16xf32>
      %swap3A_593 = vector.shape_cast %scan3A_553#6 : vector<16xf32> to vector<1x16xf32>
      tpu.vector_store %arg7[%swap3A_589, %swap3A_590], %swap3A_593 {strides = array<i32>} : memref<128x128xf32, #tpu.memory_space<vmem>>, vector<1x16xf32>,
      %swap3A_594 = arith.index_cast %add3A_558 : i32 to index
      %swap3A_595 = arith.constant 112 : index
      %swap3A_596 = tpu.vector_load %arg7[%swap3A_594, %swap3A_595] {strides = array<i32>} : memref<128x128xf32, #tpu.memory_space<vmem>>, vector<1x16xf32>,
      %swap3A_597 = vector.shape_cast %swap3A_596 : vector<1x16xf32> to vector<16xf32>
      %swap3A_598 = vector.shape_cast %scan3A_553#7 : vector<16xf32> to vector<1x16xf32>
      tpu.vector_store %arg7[%swap3A_594, %swap3A_595], %swap3A_598 {strides = array<i32>} : memref<128x128xf32, #tpu.memory_space<vmem>>, vector<1x16xf32>,
      %broadcast_in_dim3A_599 = arith.constant 0.000000e+00 : f32
      %broadcast_in_dim3A_600 = vector.broadcast %broadcast_in_dim3A_599 : f32 to vector<16xf32>
      %broadcast_in_dim3A_601 = arith.constant 0.000000e+00 : f32
      %broadcast_in_dim3A_602 = vector.broadcast %broadcast_in_dim3A_601 : f32 to vector<16xf32>
      %broadcast_in_dim3A_603 = arith.constant 0.000000e+00 : f32
      %broadcast_in_dim3A_604 = vector.broadcast %broadcast_in_dim3A_603 : f32 to vector<16xf32>
      %broadcast_in_dim3A_605 = arith.constant 0.000000e+00 : f32
      %broadcast_in_dim3A_606 = vector.broadcast %broadcast_in_dim3A_605 : f32 to vector<16xf32>
      %broadcast_in_dim3A_607 = arith.constant 0.000000e+00 : f32
      %broadcast_in_dim3A_608 = vector.broadcast %broadcast_in_dim3A_607 : f32 to vector<16xf32>
      %broadcast_in_dim3A_609 = arith.constant 0.000000e+00 : f32
      %broadcast_in_dim3A_610 = vector.broadcast %broadcast_in_dim3A_609 : f32 to vector<16xf32>
      %broadcast_in_dim3A_611 = arith.constant 0.000000e+00 : f32
      %broadcast_in_dim3A_612 = vector.broadcast %broadcast_in_dim3A_611 : f32 to vector<16xf32>
      %broadcast_in_dim3A_613 = arith.constant 0.000000e+00 : f32
      %broadcast_in_dim3A_614 = vector.broadcast %broadcast_in_dim3A_613 : f32 to vector<16xf32>
      %scan3A_615 = arith.constant 0 : i32
      %scan3A_616 = arith.constant 50 : i32
      %scan3A_617 = arith.addi %scan3A_615, %scan3A_616 : i32
      %scan3A_618 = arith.constant 5 : i32
      %scan3A_619:8 = scf.for %scan3A_672 = %scan3A_615 to %scan3A_617 step %scan3A_618 iter_args(%scan3A_673 = %broadcast_in_dim3A_600, %scan3A_674 = %broadcast_in_dim3A_602, %scan3A_675 = %broadcast_in_dim3A_604, %scan3A_676 = %broadcast_in_dim3A_606, %scan3A_677 = %broadcast_in_dim3A_608, %scan3A_678 = %broadcast_in_dim3A_610, %scan3A_679 = %broadcast_in_dim3A_612, %scan3A_680 = %broadcast_in_dim3A_614) -> (vector<16xf32>, vector<16xf32>, vector<16xf32>, vector<16xf32>, vector<16xf32>, vector<16xf32>, vector<16xf32>, vector<16xf32>)  : i32 {
        %add3A_681 = arith.constant 50 : i32
        %add3A_682 = arith.addi %add3A_681, %scan3A_672 : i32
        %get3A = arith.constant 3 : i32
        %get3A_683 = arith.index_cast %get3A : i32 to index
        %get3A_684 = arith.index_cast %add3A_682 : i32 to index
        %get3A_685 = arith.constant 0 : index
        %get3A_686 = tpu.vector_load %arg6[%get3A_683, %get3A_684, %get3A_685] {strides = array<i32>} : memref<4x100x128xf32, #tpu.memory_space<vmem>>, vector<1x1x16xf32>,
        %get3A_687 = vector.shape_cast %get3A_686 : vector<1x1x16xf32> to vector<16xf32>
        %add3A_688 = arith.addf %scan3A_673, %get3A_687 : vector<16xf32>
        %get3A_689 = arith.constant 3 : i32
        %get3A_690 = arith.index_cast %get3A_689 : i32 to index
        %get3A_691 = arith.index_cast %add3A_682 : i32 to index
        %get3A_692 = arith.constant 16 : index
        %get3A_693 = tpu.vector_load %arg6[%get3A_690, %get3A_691, %get3A_692] {strides = array<i32>} : memref<4x100x128xf32, #tpu.memory_space<vmem>>, vector<1x1x16xf32>,
        %get3A_694 = vector.shape_cast %get3A_693 : vector<1x1x16xf32> to vector<16xf32>
        %add3A_695 = arith.addf %scan3A_674, %get3A_694 : vector<16xf32>
        %get3A_696 = arith.constant 3 : i32
        %get3A_697 = arith.index_cast %get3A_696 : i32 to index
        %get3A_698 = arith.index_cast %add3A_682 : i32 to index
        %get3A_699 = arith.constant 32 : index
        %get3A_700 = tpu.vector_load %arg6[%get3A_697, %get3A_698, %get3A_699] {strides = array<i32>} : memref<4x100x128xf32, #tpu.memory_space<vmem>>, vector<1x1x16xf32>,
        %get3A_701 = vector.shape_cast %get3A_700 : vector<1x1x16xf32> to vector<16xf32>
        %add3A_702 = arith.addf %scan3A_675, %get3A_701 : vector<16xf32>
        %get3A_703 = arith.constant 3 : i32
        %get3A_704 = arith.index_cast %get3A_703 : i32 to index
        %get3A_705 = arith.index_cast %add3A_682 : i32 to index
        %get3A_706 = arith.constant 48 : index
        %get3A_707 = tpu.vector_load %arg6[%get3A_704, %get3A_705, %get3A_706] {strides = array<i32>} : memref<4x100x128xf32, #tpu.memory_space<vmem>>, vector<1x1x16xf32>,
        %get3A_708 = vector.shape_cast %get3A_707 : vector<1x1x16xf32> to vector<16xf32>
        %add3A_709 = arith.addf %scan3A_676, %get3A_708 : vector<16xf32>
        %get3A_710 = arith.constant 3 : i32
        %get3A_711 = arith.index_cast %get3A_710 : i32 to index
        %get3A_712 = arith.index_cast %add3A_682 : i32 to index
        %get3A_713 = arith.constant 64 : index
        %get3A_714 = tpu.vector_load %arg6[%get3A_711, %get3A_712, %get3A_713] {strides = array<i32>} : memref<4x100x128xf32, #tpu.memory_space<vmem>>, vector<1x1x16xf32>,
        %get3A_715 = vector.shape_cast %get3A_714 : vector<1x1x16xf32> to vector<16xf32>
        %add3A_716 = arith.addf %scan3A_677, %get3A_715 : vector<16xf32>
        %get3A_717 = arith.constant 3 : i32
        %get3A_718 = arith.index_cast %get3A_717 : i32 to index
        %get3A_719 = arith.index_cast %add3A_682 : i32 to index
        %get3A_720 = arith.constant 80 : index
        %get3A_721 = tpu.vector_load %arg6[%get3A_718, %get3A_719, %get3A_720] {strides = array<i32>} : memref<4x100x128xf32, #tpu.memory_space<vmem>>, vector<1x1x16xf32>,
        %get3A_722 = vector.shape_cast %get3A_721 : vector<1x1x16xf32> to vector<16xf32>
        %add3A_723 = arith.addf %scan3A_678, %get3A_722 : vector<16xf32>
        %get3A_724 = arith.constant 3 : i32
        %get3A_725 = arith.index_cast %get3A_724 : i32 to index
        %get3A_726 = arith.index_cast %add3A_682 : i32 to index
        %get3A_727 = arith.constant 96 : index
        %get3A_728 = tpu.vector_load %arg6[%get3A_725, %get3A_726, %get3A_727] {strides = array<i32>} : memref<4x100x128xf32, #tpu.memory_space<vmem>>, vector<1x1x16xf32>,
        %get3A_729 = vector.shape_cast %get3A_728 : vector<1x1x16xf32> to vector<16xf32>
        %add3A_730 = arith.addf %scan3A_679, %get3A_729 : vector<16xf32>
        %get3A_731 = arith.constant 3 : i32
        %get3A_732 = arith.index_cast %get3A_731 : i32 to index
        %get3A_733 = arith.index_cast %add3A_682 : i32 to index
        %get3A_734 = arith.constant 112 : index
        %get3A_735 = tpu.vector_load %arg6[%get3A_732, %get3A_733, %get3A_734] {strides = array<i32>} : memref<4x100x128xf32, #tpu.memory_space<vmem>>, vector<1x1x16xf32>,
        %get3A_736 = vector.shape_cast %get3A_735 : vector<1x1x16xf32> to vector<16xf32>
        %add3A_737 = arith.addf %scan3A_680, %get3A_736 : vector<16xf32>
        %scan3A_738 = arith.constant 1 : i32
        %scan3A_739 = arith.addi %scan3A_672, %scan3A_738 : i32
        %add3A_740 = arith.constant 50 : i32
        %add3A_741 = arith.addi %add3A_740, %scan3A_739 : i32
        %get3A_742 = arith.constant 3 : i32
        %get3A_743 = arith.index_cast %get3A_742 : i32 to index
        %get3A_744 = arith.index_cast %add3A_741 : i32 to index
        %get3A_745 = arith.constant 0 : index
        %get3A_746 = tpu.vector_load %arg6[%get3A_743, %get3A_744, %get3A_745] {strides = array<i32>} : memref<4x100x128xf32, #tpu.memory_space<vmem>>, vector<1x1x16xf32>,
        %get3A_747 = vector.shape_cast %get3A_746 : vector<1x1x16xf32> to vector<16xf32>
        %add3A_748 = arith.addf %add3A_688, %get3A_747 : vector<16xf32>
        %get3A_749 = arith.constant 3 : i32
        %get3A_750 = arith.index_cast %get3A_749 : i32 to index
        %get3A_751 = arith.index_cast %add3A_741 : i32 to index
        %get3A_752 = arith.constant 16 : index
        %get3A_753 = tpu.vector_load %arg6[%get3A_750, %get3A_751, %get3A_752] {strides = array<i32>} : memref<4x100x128xf32, #tpu.memory_space<vmem>>, vector<1x1x16xf32>,
        %get3A_754 = vector.shape_cast %get3A_753 : vector<1x1x16xf32> to vector<16xf32>
        %add3A_755 = arith.addf %add3A_695, %get3A_754 : vector<16xf32>
        %get3A_756 = arith.constant 3 : i32
        %get3A_757 = arith.index_cast %get3A_756 : i32 to index
        %get3A_758 = arith.index_cast %add3A_741 : i32 to index
        %get3A_759 = arith.constant 32 : index
        %get3A_760 = tpu.vector_load %arg6[%get3A_757, %get3A_758, %get3A_759] {strides = array<i32>} : memref<4x100x128xf32, #tpu.memory_space<vmem>>, vector<1x1x16xf32>,
        %get3A_761 = vector.shape_cast %get3A_760 : vector<1x1x16xf32> to vector<16xf32>
        %add3A_762 = arith.addf %add3A_702, %get3A_761 : vector<16xf32>
        %get3A_763 = arith.constant 3 : i32
        %get3A_764 = arith.index_cast %get3A_763 : i32 to index
        %get3A_765 = arith.index_cast %add3A_741 : i32 to index
        %get3A_766 = arith.constant 48 : index
        %get3A_767 = tpu.vector_load %arg6[%get3A_764, %get3A_765, %get3A_766] {strides = array<i32>} : memref<4x100x128xf32, #tpu.memory_space<vmem>>, vector<1x1x16xf32>,
        %get3A_768 = vector.shape_cast %get3A_767 : vector<1x1x16xf32> to vector<16xf32>
        %add3A_769 = arith.addf %add3A_709, %get3A_768 : vector<16xf32>
        %get3A_770 = arith.constant 3 : i32
        %get3A_771 = arith.index_cast %get3A_770 : i32 to index
        %get3A_772 = arith.index_cast %add3A_741 : i32 to index
        %get3A_773 = arith.constant 64 : index
        %get3A_774 = tpu.vector_load %arg6[%get3A_771, %get3A_772, %get3A_773] {strides = array<i32>} : memref<4x100x128xf32, #tpu.memory_space<vmem>>, vector<1x1x16xf32>,
        %get3A_775 = vector.shape_cast %get3A_774 : vector<1x1x16xf32> to vector<16xf32>
        %add3A_776 = arith.addf %add3A_716, %get3A_775 : vector<16xf32>
        %get3A_777 = arith.constant 3 : i32
        %get3A_778 = arith.index_cast %get3A_777 : i32 to index
        %get3A_779 = arith.index_cast %add3A_741 : i32 to index
        %get3A_780 = arith.constant 80 : index
        %get3A_781 = tpu.vector_load %arg6[%get3A_778, %get3A_779, %get3A_780] {strides = array<i32>} : memref<4x100x128xf32, #tpu.memory_space<vmem>>, vector<1x1x16xf32>,
        %get3A_782 = vector.shape_cast %get3A_781 : vector<1x1x16xf32> to vector<16xf32>
        %add3A_783 = arith.addf %add3A_723, %get3A_782 : vector<16xf32>
        %get3A_784 = arith.constant 3 : i32
        %get3A_785 = arith.index_cast %get3A_784 : i32 to index
        %get3A_786 = arith.index_cast %add3A_741 : i32 to index
        %get3A_787 = arith.constant 96 : index
        %get3A_788 = tpu.vector_load %arg6[%get3A_785, %get3A_786, %get3A_787] {strides = array<i32>} : memref<4x100x128xf32, #tpu.memory_space<vmem>>, vector<1x1x16xf32>,
        %get3A_789 = vector.shape_cast %get3A_788 : vector<1x1x16xf32> to vector<16xf32>
        %add3A_790 = arith.addf %add3A_730, %get3A_789 : vector<16xf32>
        %get3A_791 = arith.constant 3 : i32
        %get3A_792 = arith.index_cast %get3A_791 : i32 to index
        %get3A_793 = arith.index_cast %add3A_741 : i32 to index
        %get3A_794 = arith.constant 112 : index
        %get3A_795 = tpu.vector_load %arg6[%get3A_792, %get3A_793, %get3A_794] {strides = array<i32>} : memref<4x100x128xf32, #tpu.memory_space<vmem>>, vector<1x1x16xf32>,
        %get3A_796 = vector.shape_cast %get3A_795 : vector<1x1x16xf32> to vector<16xf32>
        %add3A_797 = arith.addf %add3A_737, %get3A_796 : vector<16xf32>
        %scan3A_798 = arith.constant 2 : i32
        %scan3A_799 = arith.addi %scan3A_672, %scan3A_798 : i32
        %add3A_800 = arith.constant 50 : i32
        %add3A_801 = arith.addi %add3A_800, %scan3A_799 : i32
        %get3A_802 = arith.constant 3 : i32
        %get3A_803 = arith.index_cast %get3A_802 : i32 to index
        %get3A_804 = arith.index_cast %add3A_801 : i32 to index
        %get3A_805 = arith.constant 0 : index
        %get3A_806 = tpu.vector_load %arg6[%get3A_803, %get3A_804, %get3A_805] {strides = array<i32>} : memref<4x100x128xf32, #tpu.memory_space<vmem>>, vector<1x1x16xf32>,
        %get3A_807 = vector.shape_cast %get3A_806 : vector<1x1x16xf32> to vector<16xf32>
        %add3A_808 = arith.addf %add3A_748, %get3A_807 : vector<16xf32>
        %get3A_809 = arith.constant 3 : i32
        %get3A_810 = arith.index_cast %get3A_809 : i32 to index
        %get3A_811 = arith.index_cast %add3A_801 : i32 to index
        %get3A_812 = arith.constant 16 : index
        %get3A_813 = tpu.vector_load %arg6[%get3A_810, %get3A_811, %get3A_812] {strides = array<i32>} : memref<4x100x128xf32, #tpu.memory_space<vmem>>, vector<1x1x16xf32>,
        %get3A_814 = vector.shape_cast %get3A_813 : vector<1x1x16xf32> to vector<16xf32>
        %add3A_815 = arith.addf %add3A_755, %get3A_814 : vector<16xf32>
        %get3A_816 = arith.constant 3 : i32
        %get3A_817 = arith.index_cast %get3A_816 : i32 to index
        %get3A_818 = arith.index_cast %add3A_801 : i32 to index
        %get3A_819 = arith.constant 32 : index
        %get3A_820 = tpu.vector_load %arg6[%get3A_817, %get3A_818, %get3A_819] {strides = array<i32>} : memref<4x100x128xf32, #tpu.memory_space<vmem>>, vector<1x1x16xf32>,
        %get3A_821 = vector.shape_cast %get3A_820 : vector<1x1x16xf32> to vector<16xf32>
        %add3A_822 = arith.addf %add3A_762, %get3A_821 : vector<16xf32>
        %get3A_823 = arith.constant 3 : i32
        %get3A_824 = arith.index_cast %get3A_823 : i32 to index
        %get3A_825 = arith.index_cast %add3A_801 : i32 to index
        %get3A_826 = arith.constant 48 : index
        %get3A_827 = tpu.vector_load %arg6[%get3A_824, %get3A_825, %get3A_826] {strides = array<i32>} : memref<4x100x128xf32, #tpu.memory_space<vmem>>, vector<1x1x16xf32>,
        %get3A_828 = vector.shape_cast %get3A_827 : vector<1x1x16xf32> to vector<16xf32>
        %add3A_829 = arith.addf %add3A_769, %get3A_828 : vector<16xf32>
        %get3A_830 = arith.constant 3 : i32
        %get3A_831 = arith.index_cast %get3A_830 : i32 to index
        %get3A_832 = arith.index_cast %add3A_801 : i32 to index
        %get3A_833 = arith.constant 64 : index
        %get3A_834 = tpu.vector_load %arg6[%get3A_831, %get3A_832, %get3A_833] {strides = array<i32>} : memref<4x100x128xf32, #tpu.memory_space<vmem>>, vector<1x1x16xf32>,
        %get3A_835 = vector.shape_cast %get3A_834 : vector<1x1x16xf32> to vector<16xf32>
        %add3A_836 = arith.addf %add3A_776, %get3A_835 : vector<16xf32>
        %get3A_837 = arith.constant 3 : i32
        %get3A_838 = arith.index_cast %get3A_837 : i32 to index
        %get3A_839 = arith.index_cast %add3A_801 : i32 to index
        %get3A_840 = arith.constant 80 : index
        %get3A_841 = tpu.vector_load %arg6[%get3A_838, %get3A_839, %get3A_840] {strides = array<i32>} : memref<4x100x128xf32, #tpu.memory_space<vmem>>, vector<1x1x16xf32>,
        %get3A_842 = vector.shape_cast %get3A_841 : vector<1x1x16xf32> to vector<16xf32>
        %add3A_843 = arith.addf %add3A_783, %get3A_842 : vector<16xf32>
        %get3A_844 = arith.constant 3 : i32
        %get3A_845 = arith.index_cast %get3A_844 : i32 to index
        %get3A_846 = arith.index_cast %add3A_801 : i32 to index
        %get3A_847 = arith.constant 96 : index
        %get3A_848 = tpu.vector_load %arg6[%get3A_845, %get3A_846, %get3A_847] {strides = array<i32>} : memref<4x100x128xf32, #tpu.memory_space<vmem>>, vector<1x1x16xf32>,
        %get3A_849 = vector.shape_cast %get3A_848 : vector<1x1x16xf32> to vector<16xf32>
        %add3A_850 = arith.addf %add3A_790, %get3A_849 : vector<16xf32>
        %get3A_851 = arith.constant 3 : i32
        %get3A_852 = arith.index_cast %get3A_851 : i32 to index
        %get3A_853 = arith.index_cast %add3A_801 : i32 to index
        %get3A_854 = arith.constant 112 : index
        %get3A_855 = tpu.vector_load %arg6[%get3A_852, %get3A_853, %get3A_854] {strides = array<i32>} : memref<4x100x128xf32, #tpu.memory_space<vmem>>, vector<1x1x16xf32>,
        %get3A_856 = vector.shape_cast %get3A_855 : vector<1x1x16xf32> to vector<16xf32>
        %add3A_857 = arith.addf %add3A_797, %get3A_856 : vector<16xf32>
        %scan3A_858 = arith.constant 3 : i32
        %scan3A_859 = arith.addi %scan3A_672, %scan3A_858 : i32
        %add3A_860 = arith.constant 50 : i32
        %add3A_861 = arith.addi %add3A_860, %scan3A_859 : i32
        %get3A_862 = arith.constant 3 : i32
        %get3A_863 = arith.index_cast %get3A_862 : i32 to index
        %get3A_864 = arith.index_cast %add3A_861 : i32 to index
        %get3A_865 = arith.constant 0 : index
        %get3A_866 = tpu.vector_load %arg6[%get3A_863, %get3A_864, %get3A_865] {strides = array<i32>} : memref<4x100x128xf32, #tpu.memory_space<vmem>>, vector<1x1x16xf32>,
        %get3A_867 = vector.shape_cast %get3A_866 : vector<1x1x16xf32> to vector<16xf32>
        %add3A_868 = arith.addf %add3A_808, %get3A_867 : vector<16xf32>
        %get3A_869 = arith.constant 3 : i32
        %get3A_870 = arith.index_cast %get3A_869 : i32 to index
        %get3A_871 = arith.index_cast %add3A_861 : i32 to index
        %get3A_872 = arith.constant 16 : index
        %get3A_873 = tpu.vector_load %arg6[%get3A_870, %get3A_871, %get3A_872] {strides = array<i32>} : memref<4x100x128xf32, #tpu.memory_space<vmem>>, vector<1x1x16xf32>,
        %get3A_874 = vector.shape_cast %get3A_873 : vector<1x1x16xf32> to vector<16xf32>
        %add3A_875 = arith.addf %add3A_815, %get3A_874 : vector<16xf32>
        %get3A_876 = arith.constant 3 : i32
        %get3A_877 = arith.index_cast %get3A_876 : i32 to index
        %get3A_878 = arith.index_cast %add3A_861 : i32 to index
        %get3A_879 = arith.constant 32 : index
        %get3A_880 = tpu.vector_load %arg6[%get3A_877, %get3A_878, %get3A_879] {strides = array<i32>} : memref<4x100x128xf32, #tpu.memory_space<vmem>>, vector<1x1x16xf32>,
        %get3A_881 = vector.shape_cast %get3A_880 : vector<1x1x16xf32> to vector<16xf32>
        %add3A_882 = arith.addf %add3A_822, %get3A_881 : vector<16xf32>
        %get3A_883 = arith.constant 3 : i32
        %get3A_884 = arith.index_cast %get3A_883 : i32 to index
        %get3A_885 = arith.index_cast %add3A_861 : i32 to index
        %get3A_886 = arith.constant 48 : index
        %get3A_887 = tpu.vector_load %arg6[%get3A_884, %get3A_885, %get3A_886] {strides = array<i32>} : memref<4x100x128xf32, #tpu.memory_space<vmem>>, vector<1x1x16xf32>,
        %get3A_888 = vector.shape_cast %get3A_887 : vector<1x1x16xf32> to vector<16xf32>
        %add3A_889 = arith.addf %add3A_829, %get3A_888 : vector<16xf32>
        %get3A_890 = arith.constant 3 : i32
        %get3A_891 = arith.index_cast %get3A_890 : i32 to index
        %get3A_892 = arith.index_cast %add3A_861 : i32 to index
        %get3A_893 = arith.constant 64 : index
        %get3A_894 = tpu.vector_load %arg6[%get3A_891, %get3A_892, %get3A_893] {strides = array<i32>} : memref<4x100x128xf32, #tpu.memory_space<vmem>>, vector<1x1x16xf32>,
        %get3A_895 = vector.shape_cast %get3A_894 : vector<1x1x16xf32> to vector<16xf32>
        %add3A_896 = arith.addf %add3A_836, %get3A_895 : vector<16xf32>
        %get3A_897 = arith.constant 3 : i32
        %get3A_898 = arith.index_cast %get3A_897 : i32 to index
        %get3A_899 = arith.index_cast %add3A_861 : i32 to index
        %get3A_900 = arith.constant 80 : index
        %get3A_901 = tpu.vector_load %arg6[%get3A_898, %get3A_899, %get3A_900] {strides = array<i32>} : memref<4x100x128xf32, #tpu.memory_space<vmem>>, vector<1x1x16xf32>,
        %get3A_902 = vector.shape_cast %get3A_901 : vector<1x1x16xf32> to vector<16xf32>
        %add3A_903 = arith.addf %add3A_843, %get3A_902 : vector<16xf32>
        %get3A_904 = arith.constant 3 : i32
        %get3A_905 = arith.index_cast %get3A_904 : i32 to index
        %get3A_906 = arith.index_cast %add3A_861 : i32 to index
        %get3A_907 = arith.constant 96 : index
        %get3A_908 = tpu.vector_load %arg6[%get3A_905, %get3A_906, %get3A_907] {strides = array<i32>} : memref<4x100x128xf32, #tpu.memory_space<vmem>>, vector<1x1x16xf32>,
        %get3A_909 = vector.shape_cast %get3A_908 : vector<1x1x16xf32> to vector<16xf32>
        %add3A_910 = arith.addf %add3A_850, %get3A_909 : vector<16xf32>
        %get3A_911 = arith.constant 3 : i32
        %get3A_912 = arith.index_cast %get3A_911 : i32 to index
        %get3A_913 = arith.index_cast %add3A_861 : i32 to index
        %get3A_914 = arith.constant 112 : index
        %get3A_915 = tpu.vector_load %arg6[%get3A_912, %get3A_913, %get3A_914] {strides = array<i32>} : memref<4x100x128xf32, #tpu.memory_space<vmem>>, vector<1x1x16xf32>,
        %get3A_916 = vector.shape_cast %get3A_915 : vector<1x1x16xf32> to vector<16xf32>
        %add3A_917 = arith.addf %add3A_857, %get3A_916 : vector<16xf32>
        %scan3A_918 = arith.constant 4 : i32
        %scan3A_919 = arith.addi %scan3A_672, %scan3A_918 : i32
        %add3A_920 = arith.constant 50 : i32
        %add3A_921 = arith.addi %add3A_920, %scan3A_919 : i32
        %get3A_922 = arith.constant 3 : i32
        %get3A_923 = arith.index_cast %get3A_922 : i32 to index
        %get3A_924 = arith.index_cast %add3A_921 : i32 to index
        %get3A_925 = arith.constant 0 : index
        %get3A_926 = tpu.vector_load %arg6[%get3A_923, %get3A_924, %get3A_925] {strides = array<i32>} : memref<4x100x128xf32, #tpu.memory_space<vmem>>, vector<1x1x16xf32>,
        %get3A_927 = vector.shape_cast %get3A_926 : vector<1x1x16xf32> to vector<16xf32>
        %add3A_928 = arith.addf %add3A_868, %get3A_927 : vector<16xf32>
        %get3A_929 = arith.constant 3 : i32
        %get3A_930 = arith.index_cast %get3A_929 : i32 to index
        %get3A_931 = arith.index_cast %add3A_921 : i32 to index
        %get3A_932 = arith.constant 16 : index
        %get3A_933 = tpu.vector_load %arg6[%get3A_930, %get3A_931, %get3A_932] {strides = array<i32>} : memref<4x100x128xf32, #tpu.memory_space<vmem>>, vector<1x1x16xf32>,
        %get3A_934 = vector.shape_cast %get3A_933 : vector<1x1x16xf32> to vector<16xf32>
        %add3A_935 = arith.addf %add3A_875, %get3A_934 : vector<16xf32>
        %get3A_936 = arith.constant 3 : i32
        %get3A_937 = arith.index_cast %get3A_936 : i32 to index
        %get3A_938 = arith.index_cast %add3A_921 : i32 to index
        %get3A_939 = arith.constant 32 : index
        %get3A_940 = tpu.vector_load %arg6[%get3A_937, %get3A_938, %get3A_939] {strides = array<i32>} : memref<4x100x128xf32, #tpu.memory_space<vmem>>, vector<1x1x16xf32>,
        %get3A_941 = vector.shape_cast %get3A_940 : vector<1x1x16xf32> to vector<16xf32>
        %add3A_942 = arith.addf %add3A_882, %get3A_941 : vector<16xf32>
        %get3A_943 = arith.constant 3 : i32
        %get3A_944 = arith.index_cast %get3A_943 : i32 to index
        %get3A_945 = arith.index_cast %add3A_921 : i32 to index
        %get3A_946 = arith.constant 48 : index
        %get3A_947 = tpu.vector_load %arg6[%get3A_944, %get3A_945, %get3A_946] {strides = array<i32>} : memref<4x100x128xf32, #tpu.memory_space<vmem>>, vector<1x1x16xf32>,
        %get3A_948 = vector.shape_cast %get3A_947 : vector<1x1x16xf32> to vector<16xf32>
        %add3A_949 = arith.addf %add3A_889, %get3A_948 : vector<16xf32>
        %get3A_950 = arith.constant 3 : i32
        %get3A_951 = arith.index_cast %get3A_950 : i32 to index
        %get3A_952 = arith.index_cast %add3A_921 : i32 to index
        %get3A_953 = arith.constant 64 : index
        %get3A_954 = tpu.vector_load %arg6[%get3A_951, %get3A_952, %get3A_953] {strides = array<i32>} : memref<4x100x128xf32, #tpu.memory_space<vmem>>, vector<1x1x16xf32>,
        %get3A_955 = vector.shape_cast %get3A_954 : vector<1x1x16xf32> to vector<16xf32>
        %add3A_956 = arith.addf %add3A_896, %get3A_955 : vector<16xf32>
        %get3A_957 = arith.constant 3 : i32
        %get3A_958 = arith.index_cast %get3A_957 : i32 to index
        %get3A_959 = arith.index_cast %add3A_921 : i32 to index
        %get3A_960 = arith.constant 80 : index
        %get3A_961 = tpu.vector_load %arg6[%get3A_958, %get3A_959, %get3A_960] {strides = array<i32>} : memref<4x100x128xf32, #tpu.memory_space<vmem>>, vector<1x1x16xf32>,
        %get3A_962 = vector.shape_cast %get3A_961 : vector<1x1x16xf32> to vector<16xf32>
        %add3A_963 = arith.addf %add3A_903, %get3A_962 : vector<16xf32>
        %get3A_964 = arith.constant 3 : i32
        %get3A_965 = arith.index_cast %get3A_964 : i32 to index
        %get3A_966 = arith.index_cast %add3A_921 : i32 to index
        %get3A_967 = arith.constant 96 : index
        %get3A_968 = tpu.vector_load %arg6[%get3A_965, %get3A_966, %get3A_967] {strides = array<i32>} : memref<4x100x128xf32, #tpu.memory_space<vmem>>, vector<1x1x16xf32>,
        %get3A_969 = vector.shape_cast %get3A_968 : vector<1x1x16xf32> to vector<16xf32>
        %add3A_970 = arith.addf %add3A_910, %get3A_969 : vector<16xf32>
        %get3A_971 = arith.constant 3 : i32
        %get3A_972 = arith.index_cast %get3A_971 : i32 to index
        %get3A_973 = arith.index_cast %add3A_921 : i32 to index
        %get3A_974 = arith.constant 112 : index
        %get3A_975 = tpu.vector_load %arg6[%get3A_972, %get3A_973, %get3A_974] {strides = array<i32>} : memref<4x100x128xf32, #tpu.memory_space<vmem>>, vector<1x1x16xf32>,
        %get3A_976 = vector.shape_cast %get3A_975 : vector<1x1x16xf32> to vector<16xf32>
        %add3A_977 = arith.addf %add3A_917, %get3A_976 : vector<16xf32>
        scf.yield %add3A_928, %add3A_935, %add3A_942, %add3A_949, %add3A_956, %add3A_963, %add3A_970, %add3A_977 : vector<16xf32>, vector<16xf32>, vector<16xf32>, vector<16xf32>, vector<16xf32>, vector<16xf32>, vector<16xf32>, vector<16xf32>
      }
      %scan3A_620 = arith.constant 50 : i32
      %mul3A_621 = arith.constant 2 : i32
      %mul3A_622 = arith.muli %add3A_520, %mul3A_621 : i32
      %add3A_623 = arith.constant 1 : i32
      %add3A_624 = arith.addi %mul3A_622, %add3A_623 : i32
      %swap3A_625 = arith.index_cast %add3A_624 : i32 to index
      %swap3A_626 = arith.constant 0 : index
      %swap3A_627 = tpu.vector_load %arg7[%swap3A_625, %swap3A_626] {strides = array<i32>} : memref<128x128xf32, #tpu.memory_space<vmem>>, vector<1x16xf32>,
      %swap3A_628 = vector.shape_cast %swap3A_627 : vector<1x16xf32> to vector<16xf32>
      %swap3A_629 = vector.shape_cast %scan3A_619#0 : vector<16xf32> to vector<1x16xf32>
      tpu.vector_store %arg7[%swap3A_625, %swap3A_626], %swap3A_629 {strides = array<i32>} : memref<128x128xf32, #tpu.memory_space<vmem>>, vector<1x16xf32>,
      %swap3A_630 = arith.index_cast %add3A_624 : i32 to index
      %swap3A_631 = arith.constant 16 : index
      %swap3A_632 = tpu.vector_load %arg7[%swap3A_630, %swap3A_631] {strides = array<i32>} : memref<128x128xf32, #tpu.memory_space<vmem>>, vector<1x16xf32>,
      %swap3A_633 = vector.shape_cast %swap3A_632 : vector<1x16xf32> to vector<16xf32>
      %swap3A_634 = vector.shape_cast %scan3A_619#1 : vector<16xf32> to vector<1x16xf32>
      tpu.vector_store %arg7[%swap3A_630, %swap3A_631], %swap3A_634 {strides = array<i32>} : memref<128x128xf32, #tpu.memory_space<vmem>>, vector<1x16xf32>,
      %swap3A_635 = arith.index_cast %add3A_624 : i32 to index
      %swap3A_636 = arith.constant 32 : index
      %swap3A_637 = tpu.vector_load %arg7[%swap3A_635, %swap3A_636] {strides = array<i32>} : memref<128x128xf32, #tpu.memory_space<vmem>>, vector<1x16xf32>,
      %swap3A_638 = vector.shape_cast %swap3A_637 : vector<1x16xf32> to vector<16xf32>
      %swap3A_639 = vector.shape_cast %scan3A_619#2 : vector<16xf32> to vector<1x16xf32>
      tpu.vector_store %arg7[%swap3A_635, %swap3A_636], %swap3A_639 {strides = array<i32>} : memref<128x128xf32, #tpu.memory_space<vmem>>, vector<1x16xf32>,
      %swap3A_640 = arith.index_cast %add3A_624 : i32 to index
      %swap3A_641 = arith.constant 48 : index
      %swap3A_642 = tpu.vector_load %arg7[%swap3A_640, %swap3A_641] {strides = array<i32>} : memref<128x128xf32, #tpu.memory_space<vmem>>, vector<1x16xf32>,
      %swap3A_643 = vector.shape_cast %swap3A_642 : vector<1x16xf32> to vector<16xf32>
      %swap3A_644 = vector.shape_cast %scan3A_619#3 : vector<16xf32> to vector<1x16xf32>
      tpu.vector_store %arg7[%swap3A_640, %swap3A_641], %swap3A_644 {strides = array<i32>} : memref<128x128xf32, #tpu.memory_space<vmem>>, vector<1x16xf32>,
      %swap3A_645 = arith.index_cast %add3A_624 : i32 to index
      %swap3A_646 = arith.constant 64 : index
      %swap3A_647 = tpu.vector_load %arg7[%swap3A_645, %swap3A_646] {strides = array<i32>} : memref<128x128xf32, #tpu.memory_space<vmem>>, vector<1x16xf32>,
      %swap3A_648 = vector.shape_cast %swap3A_647 : vector<1x16xf32> to vector<16xf32>
      %swap3A_649 = vector.shape_cast %scan3A_619#4 : vector<16xf32> to vector<1x16xf32>
      tpu.vector_store %arg7[%swap3A_645, %swap3A_646], %swap3A_649 {strides = array<i32>} : memref<128x128xf32, #tpu.memory_space<vmem>>, vector<1x16xf32>,
      %swap3A_650 = arith.index_cast %add3A_624 : i32 to index
      %swap3A_651 = arith.constant 80 : index
      %swap3A_652 = tpu.vector_load %arg7[%swap3A_650, %swap3A_651] {strides = array<i32>} : memref<128x128xf32, #tpu.memory_space<vmem>>, vector<1x16xf32>,
      %swap3A_653 = vector.shape_cast %swap3A_652 : vector<1x16xf32> to vector<16xf32>
      %swap3A_654 = vector.shape_cast %scan3A_619#5 : vector<16xf32> to vector<1x16xf32>
      tpu.vector_store %arg7[%swap3A_650, %swap3A_651], %swap3A_654 {strides = array<i32>} : memref<128x128xf32, #tpu.memory_space<vmem>>, vector<1x16xf32>,
      %swap3A_655 = arith.index_cast %add3A_624 : i32 to index
      %swap3A_656 = arith.constant 96 : index
      %swap3A_657 = tpu.vector_load %arg7[%swap3A_655, %swap3A_656] {strides = array<i32>} : memref<128x128xf32, #tpu.memory_space<vmem>>, vector<1x16xf32>,
      %swap3A_658 = vector.shape_cast %swap3A_657 : vector<1x16xf32> to vector<16xf32>
      %swap3A_659 = vector.shape_cast %scan3A_619#6 : vector<16xf32> to vector<1x16xf32>
      tpu.vector_store %arg7[%swap3A_655, %swap3A_656], %swap3A_659 {strides = array<i32>} : memref<128x128xf32, #tpu.memory_space<vmem>>, vector<1x16xf32>,
      %swap3A_660 = arith.index_cast %add3A_624 : i32 to index
      %swap3A_661 = arith.constant 112 : index
      %swap3A_662 = tpu.vector_load %arg7[%swap3A_660, %swap3A_661] {strides = array<i32>} : memref<128x128xf32, #tpu.memory_space<vmem>>, vector<1x16xf32>,
      %swap3A_663 = vector.shape_cast %swap3A_662 : vector<1x16xf32> to vector<16xf32>
      %swap3A_664 = vector.shape_cast %scan3A_619#7 : vector<16xf32> to vector<1x16xf32>
      tpu.vector_store %arg7[%swap3A_660, %swap3A_661], %swap3A_664 {strides = array<i32>} : memref<128x128xf32, #tpu.memory_space<vmem>>, vector<1x16xf32>,
      %add3A_665 = arith.constant 4 : i32
      %add3A_666 = arith.addi %add3A_520, %add3A_665 : i32
      %lt3A_667 = arith.constant 64 : i32
      %lt3A_668 = arith.cmpi slt, %add3A_666, %lt3A_667 : i32
      %convert_element_type3A_669 = arith.extui %lt3A_668 : i1 to i32
      %cond3A_670 = arith.constant 0 : i32
      %cond3A_671 = arith.cmpi ne, %convert_element_type3A_669, %cond3A_670 : i32
      scf.if %cond3A_671 {
        %dma_start3A_672 = arith.constant 3 : i32
        %dma_start3A_673 = arith.constant 0 : i32
        %dma_start3A_674 = arith.constant 0 : i32
        %dma_start3A_675 = tpu.memref_slice %arg6[%dma_start3A_672, %dma_start3A_673, %dma_start3A_674] : memref<4x100x128xf32, #tpu.memory_space<vmem>> -> memref<1x100x128xf32, #tpu.memory_space<vmem>>
        %dma_start3A_676 = tpu.memref_squeeze %dma_start3A_675 : memref<1x100x128xf32, #tpu.memory_space<vmem>> -> memref<100x128xf32, #tpu.memory_space<vmem>>
        %dma_start3A_677 = arith.constant 0 : i32
        %dma_start3A_678 = tpu.memref_slice %arg5[%add3A_666, %dma_start3A_677] : memref<64x100xi32, #tpu.memory_space<vmem>> -> memref<1x100xi32, #tpu.memory_space<vmem>>
        %dma_start3A_679 = tpu.memref_squeeze %dma_start3A_678 : memref<1x100xi32, #tpu.memory_space<vmem>> -> memref<100xi32, #tpu.memory_space<vmem>>
        %dma_start3A_680 = arith.constant 0 : i32
        %dma_start3A_681 = arith.constant 0 : i32
        %dma_start3A_682 = tpu.memref_slice %arg2[%dma_start3A_680, %dma_start3A_681] : memref<100000x128xf32, #tpu.memory_space<hbm>> -> memref<100000x128xf32, #tpu.memory_space<hbm>>
        tpu.enqueue_indirect_dma source(%dma_start3A_682 : memref<100000x128xf32, #tpu.memory_space<hbm>>) target(%dma_start3A_676 : memref<100x128xf32, #tpu.memory_space<vmem>>) offsets(%dma_start3A_679 : memref<100xi32, #tpu.memory_space<vmem>>) semaphore(%arg11 : memref<!tpu.dma_semaphore, #tpu.memory_space<semaphore_mem>>)
      } else {
      }
    }
    %scan3A_54 = arith.constant 16 : i32
    %mul3A_55 = arith.constant 128 : i32
    %mul3A_56 = arith.muli %add3A, %mul3A_55 : i32
    "tpu.region"() ({
      %run_scoped3A = tpu.sem_alloc : memref<!tpu.dma_semaphore, #tpu.memory_space<semaphore_mem>>
      %dma_start3A_57 = arith.constant 0 : i32
      %dma_start3A_58 = tpu.memref_slice %arg4[%mul3A_56, %dma_start3A_57] : memref<4096x128xf32, #tpu.memory_space<hbm>> -> memref<128x128xf32, #tpu.memory_space<hbm>>
      %dma_start3A_59 = arith.constant 0 : i32
      %dma_start3A_60 = tpu.memref_slice %arg4[%mul3A_56, %dma_start3A_59] : memref<4096x128xf32, #tpu.memory_space<hbm>> -> memref<128x128xf32, #tpu.memory_space<hbm>>
      tpu.enqueue_dma source(%arg7 : memref<128x128xf32, #tpu.memory_space<vmem>>) target(%dma_start3A_60 : memref<128x128xf32, #tpu.memory_space<hbm>>) target_semaphore(%run_scoped3A : memref<!tpu.dma_semaphore, #tpu.memory_space<semaphore_mem>>)
      %dma_wait3A = arith.constant 0 : i32
      %dma_wait3A_61 = tpu.memref_slice %arg4[%mul3A_56, %dma_wait3A] : memref<4096x128xf32, #tpu.memory_space<hbm>> -> memref<128x128xf32, #tpu.memory_space<hbm>>
      %dma_wait3A_62 = arith.constant 0 : i32
      %dma_wait3A_63 = tpu.memref_slice %arg4[%mul3A_56, %dma_wait3A_62] : memref<4096x128xf32, #tpu.memory_space<hbm>> -> memref<128x128xf32, #tpu.memory_space<hbm>>
      tpu.wait_dma2 semaphore(%run_scoped3A : memref<!tpu.dma_semaphore, #tpu.memory_space<semaphore_mem>>) src(%arg7 : memref<128x128xf32, #tpu.memory_space<vmem>>) dst(%dma_wait3A_63 : memref<128x128xf32, #tpu.memory_space<hbm>>)
      tpu.yield
    }) : () -> ()
    return
  }
}

module attributes {stable_mosaic.version = 14 : i64} {
  func.func @_fc_body(%arg0: memref<4096x128xf32, #tpu.memory_space<vmem>>, %arg1: memref<128x10xf32, #tpu.memory_space<vmem>>, %arg2: memref<1x10xf32, #tpu.memory_space<vmem>>, %arg3: memref<4096x10xf32, #tpu.memory_space<vmem>>) attributes {dimension_semantics = [], scalar_prefetch = 0 : i64, scratch_operands = 0 : i64, tpu.core_type = #tpu.core_type<tc>} {
    %get3A = arith.constant 0 : index
    %get3A_0 = arith.constant 0 : index
    %get3A_1 = vector.load %arg0[%get3A, %get3A_0] : memref<4096x128xf32, #tpu.memory_space<vmem>>, vector<4096x128xf32>
    %get3A_2 = arith.constant 0 : index
    %get3A_3 = arith.constant 0 : index
    %get3A_4 = vector.load %arg1[%get3A_2, %get3A_3] : memref<128x10xf32, #tpu.memory_space<vmem>>, vector<128x10xf32>
    %dot_general3A = arith.constant dense<0.000000e+00> : vector<4096x10xf32>
    %dot_general3A_5 = tpu.matmul %get3A_1, %get3A_4, %dot_general3A {dimension_numbers = #tpu.dot_dimension_numbers<[1], [0], [0], [1], [0, 0, 1, 1], [], []>, transpose_lhs_hint = false} : vector<4096x128xf32>, vector<128x10xf32>, vector<4096x10xf32> -> vector<4096x10xf32>
    %get3A_6 = arith.constant 0 : index
    %get3A_7 = arith.constant 0 : index
    %get3A_8 = vector.load %arg2[%get3A_6, %get3A_7] : memref<1x10xf32, #tpu.memory_space<vmem>>, vector<1x10xf32>
    %add3A = vector.broadcast %get3A_8 : vector<1x10xf32> to vector<4096x10xf32>
    %add3A_9 = arith.addf %dot_general3A_5, %add3A : vector<4096x10xf32>
    %swap3A = arith.constant 0 : index
    %swap3A_10 = arith.constant 0 : index
    %swap3A_11 = vector.load %arg3[%swap3A, %swap3A_10] : memref<4096x10xf32, #tpu.memory_space<vmem>>, vector<4096x10xf32>
    tpu.vector_store %arg3[%swap3A, %swap3A_10], %add3A_9 {strides = array<i32>} : memref<4096x10xf32, #tpu.memory_space<vmem>>, vector<4096x10xf32>,
    return
  }
}

</mosaic_0001>

<sc_bundles>
// kernel: kernel.4.cloned.1.call-start
scs
__scs_entry_jumppad:
0x0: {  	(pc) =	sbr.rel $0x88, $3  }
0x1: {  	(tag) =	ssettag $0x0;
	lr =	simm.s32 $0x1  }
0x2: {  	[smem:$0x3F9D] =	sst lr;
	_ =	strace $0xD0000000  }
0x3: {  	_ = 	snop  }
0x4: {  	_ = 	snop  }
0x5: {  	_ = 	snop  }
0x6: {  	_ = 	snop  }
0x7: {  	_ = 	snop  }
__scs_overlays_trampoline_lowered:
0x8: {  	[smem:$0x3FAC] =	sst s0  }
0x9: {  	[smem:$0x3FAD] =	sst s1  }
0xa: {  	[smem:$0x3FAE] =	sst s2  }
0xb: {  	[smem:$0x3FAF] =	sst s3  }
0xc: {  	[smem:$0x3FB0] =	sst s4  }
0xd: {  	[smem:$0x3FB1] =	sst s5  }
0xe: {  	[smem:$0x3FB2] =	sst s6  }
0xf: {  	[smem:$0x3FB3] =	sst s7  }
0x10: {  	[smem:$0x3FB4] =	sst s8  }
0x11: {  	[smem:$0x3FB5] =	sst s9;
	s0 =	simm.s32 @!p0 $0x0  }
0x12: {  	s1 =	sld [smem:$0x3F9B];
	s0 =	simm.s32 @p0 $0x1  }
0x13: {  	[smem:$0x3FB6] =	sst s0;
	s0 =	simm.s32 @!p1 $0x0  }
0x14: {  	s2 =	sld [smem:$0x3F9A];
	s0 =	simm.s32 @p1 $0x1  }
0x15: {  	[smem:$0x3FB7] =	sst s0;
	s0 =	simm.s32 @!p2 $0x0  }
0x16: {  	s3 =	sld [smem:$0x3FDB];
	s0 =	simm.s32 @p2 $0x1  }
0x17: {  	s4 =	simm.s32 $0x1BF5;
	[smem:$0x3FB9] =	sst s0  }
0x18: {  	s0 =	sld [smem:$0x3F9C];
	_ =	swait.ge [sflag:s4], $0x0  }
0x19: {  	s7 =	sld [smem:$0x3F9D]  }
0x1a: {  	s8 =	sadd.s32 $0xFFFFE003, lr  }
0x1b: {  	s9 =	sadd.s32 $0xFFFFFEF7, lr;
	s5 =	simm.s32 $0xFFFFFFFF;
	p2 =	slt.u32 s8, $0xFFFFF086  }
0x1c: {  	p1 =	slt.u32 s9, $0xF7A;
	s5 =	simm.s32 @!p2 $0x0  }
0x1d: {  	s5 =	simm.s32 @p1 $0x1;
	p0 =	seq.s32 s7, s2  }
0x1e: {  	s7 =	smul.u32 @!p0 $0xF7A, s2;
	p2 =	seq.s32 @!p0 s5, $0x0  }
0x1f: {  	s9 =	smul.u32 $0xF7A, s1;
	s8 =	simm.s32 @!p0 $0x1BF5;
	p2 =	por !p2, p0  }
0x20: {  	[sflag:s8] =	ssyncset.s32 @!p0 $0xFFFFF086;
	s6 =	sadd.s32 @!p0 s3, s7;
	s7 =	simm.s32 @!p0 $0x108  }
0x21: {  	s3 =	sadd.s32 s3, s9;
	s6 =	sadd.s32 @!p0 $0x88, s6;
	s7 =	simm.s32 @p2 $0x1082  }
0x22: {  	[simem:s7], [sflag:s8] =	dma.local @!p0 [hbm:s6], $0xF7A  }
0x23: {  	s9 =	sor.u32 $0xD0000000, s2;
	s6 =	simm.s32 $0x108;
	_ =	swait.ge @!p0 [sflag:s8], $0x0  }
0x24: {  	s3 =	sadd.s32 $0x88, s3;
	s6 =	simm.s32 @!p1 $0x1082;
	[sflag:s4] =	ssyncset.s32 $0xFFFFF086  }
0x25: {  	[simem:s6], [sflag:s4] =	dma.local [hbm:s3], $0xF7A  }
0x26: {  	[smem:$0x3F9D] =	sst s1;
	(tag) =	ssettag s2;
	_ =	strace s9  }
0x27: {  	s1 =	sld [smem:$0x3FAD]  }
0x28: {  	s2 =	sld [smem:$0x3FAE]  }
0x29: {  	s4 =	sld [smem:$0x3FB0]  }
0x2a: {  	p0 =	seq.s32 s5, $0x0;
	s5 =	sld [smem:$0x3FB1]  }
0x2b: {  	s6 =	sld [smem:$0x3FB2]  }
0x2c: {  	s7 =	sld [smem:$0x3FB3]  }
0x2d: {  	s3 =	simm.s32 $0x108;
	s8 =	sld [smem:$0x3FB4]  }
0x2e: {  	s3 =	simm.s32 @!p0 $0x1082;
	s9 =	sld [smem:$0x3FB5]  }
0x2f: {  	lr =	sadd.s32 s0, s3;
	s0 =	sld [smem:$0x3FAC]  }
0x30: {  	s3 =	sld [smem:$0x3FAF]  }
0x31: {  	[smem:$0x3FB8] =	sst s10  }
0x32: {  	s10 =	sld [smem:$0x3FB6];
	_ =	sdelay $0x3  }
0x33: {  	p0 =	seq.s32 s10, $0x1;
	s10 =	sld [smem:$0x3FB8];
	_ =	sdelay $0x3  }
0x34: {  	[smem:$0x3FB8] =	sst s10  }
0x35: {  	s10 =	sld [smem:$0x3FB7];
	_ =	sdelay $0x3  }
0x36: {  	p1 =	seq.s32 s10, $0x1;
	s10 =	sld [smem:$0x3FB8];
	_ =	sdelay $0x3  }
0x37: {  	[smem:$0x3FB8] =	sst s10  }
0x38: {  	s10 =	sld [smem:$0x3FB9]  }
0x39: {  	_ = 	snop;
	(pc) =	sbr.ind lr, $3  }
0x3a: {  	_ = 	snop  }
0x3b: {  	_ = 	snop  }
0x3c: {  	p2 =	seq.s32 s10, $0x1;
	s10 =	sld [smem:$0x3FB8]  }
0x3d: {  	_ =	shalt  }
0x3e: {  	_ =	shalt  }
0x3f: {  	_ =	shalt  }
0x40: {  	_ =	shalt  }
0x41: {  	_ =	shalt  }
0x42: {  	_ =	shalt  }
0x43: {  	_ =	shalt  }
0x44: {  	_ =	shalt  }
0x45: {  	_ =	shalt  }
0x46: {  	_ =	shalt  }
0x47: {  	_ =	shalt  }
0x48: {  	_ =	shalt  }
0x49: {  	_ =	shalt  }
0x4a: {  	_ =	shalt  }
0x4b: {  	_ =	shalt  }
0x4c: {  	_ =	shalt  }
0x4d: {  	_ =	shalt  }
0x4e: {  	_ =	shalt  }
0x4f: {  	_ =	shalt  }
0x50: {  	_ =	shalt  }
0x51: {  	_ =	shalt  }
0x52: {  	_ =	shalt  }
0x53: {  	_ =	shalt  }
0x54: {  	_ =	shalt  }
0x55: {  	_ =	shalt  }
0x56: {  	_ =	shalt  }
0x57: {  	_ =	shalt  }
0x58: {  	_ =	shalt  }
0x59: {  	_ =	shalt  }
0x5a: {  	_ =	shalt  }
0x5b: {  	_ =	shalt  }
0x5c: {  	_ =	shalt  }
0x5d: {  	_ =	shalt  }
0x5e: {  	_ =	shalt  }
0x5f: {  	_ =	shalt  }
0x60: {  	_ =	shalt  }
0x61: {  	_ =	shalt  }
0x62: {  	_ =	shalt  }
0x63: {  	_ =	shalt  }
0x64: {  	_ =	shalt  }
0x65: {  	_ =	shalt  }
0x66: {  	_ =	shalt  }
0x67: {  	_ =	shalt  }
0x68: {  	_ =	shalt  }
0x69: {  	_ =	shalt  }
0x6a: {  	_ =	shalt  }
0x6b: {  	_ =	shalt  }
0x6c: {  	_ =	shalt  }
0x6d: {  	_ =	shalt  }
0x6e: {  	_ =	shalt  }
0x6f: {  	_ =	shalt  }
0x70: {  	_ =	shalt  }
0x71: {  	_ =	shalt  }
0x72: {  	_ =	shalt  }
0x73: {  	_ =	shalt  }
0x74: {  	_ =	shalt  }
0x75: {  	_ =	shalt  }
0x76: {  	_ =	shalt  }
0x77: {  	_ =	shalt  }
0x78: {  	_ =	shalt  }
0x79: {  	_ =	shalt  }
0x7a: {  	_ =	shalt  }
0x7b: {  	_ =	shalt  }
0x7c: {  	_ =	shalt  }
0x7d: {  	_ =	shalt  }
0x7e: {  	_ =	shalt  }
0x7f: {  	_ =	shalt  }
0x80: {  	_ =	shalt  }
0x81: {  	_ =	shalt  }
0x82: {  	_ =	shalt  }
0x83: {  	_ =	shalt  }
0x84: {  	_ =	shalt  }
0x85: {  	_ =	shalt  }
0x86: {  	_ =	shalt  }
0x87: {  	_ =	shalt  }
.Lfunc_end0:
.L_simem_size_0:
called_computation_lowered:
.L_overlay_start_0:
0x88: {  	s2 =	sld [smem:$0x3FD9]  }
0x89: {  	s3 =	sld [smem:$0x3FFE];
	_ =	sdelay $0x1  }
0x8a: {  	s1 =	srdreg.scid  }
0x8b: {  	s0 =	sand.u32 $0x1, s1  }
0x8c: {  	s17 =	sshll.u32 s0, $0xA;
	s2 =	sadd.s32 s3, s2  }
0x8d: {  	s2 =	sadd.s32 s2, s17  }
0x8e: {  	[smem:$0x3FC4] =	sst s2  }
0x8f: {  	_ = 	snop  }
0x90: {  	s2 =	sld [smem:$0x3FC8];
	(tm) =	ssettm $0x1  }
0x91: {  	s18 =	sld [smem:$0x3FFB];
	_ =	sdelay $0x3  }
0x92: {  	_ =	strace s18  }
0x93: {  	s3 =	sld [smem:$0x3FFC];
	_ =	sdelay $0x3  }
0x94: {  	_ =	strace s3  }
0x95: {  	s3 =	sld [smem:$0x3FFD];
	_ =	sdelay $0x3  }
0x96: {  	_ =	strace s3  }
0x97: {  	_ =	strace $0x8FFFFFFF  }
0x98: {  	s19 =	sld [smem:$0x3FDB];
	_ =	sdelay $0x1  }
0x99: {  	s4 =	simm.s32 $_scs_section_size  }
0x9a: {  	s5 =	simm.s32 $_size__tile_overlayer_lowered;
	s6 =	simm.s32 $_tile_overlayer_lowered  }
0x9b: {  	s22 =	simm.s32 $0x1BFF;
	s21 =	sshll.u32 s6, $0x1;
	s3 =	sadd.s32 s4, s19  }
0x9c: {  	s7 =	simm.s32 $0x0;
	s20 =	sshll.u32 s5, $0x1;
	s5 =	sadd.s32 s21, s3  }
0x9d: {  	[timem:s7], [sflag:s22] =	dma.local [hbm:s5], s20  }
0x9e: {  	_ =	swait.ge [sflag:s22], s20  }
0x9f: {  	s4 =	ssub.s32 $0x0, s20;
	[sflag:s22] =	ssyncset.done $0x0  }
0xa0: {  	[sflag:s22] =	ssyncadd.s32 s4;
	_ =	sdelay $0x1  }
0xa1: {  	s23 =	simm.s32 $0x1B8B  }
0xa2: {  	_ =	swait.ge [sflag:s23], $0x1  }
0xa3: {  	[sflag:s23] =	ssyncset.done $0x0  }
0xa4: {  	s25 =	simm.s32 $0x1B8E;
	s24 =	sld [smem:$0x3FFE];
	[sflag:s23] =	ssyncadd.s32 $0xFFFFFFFF  }
0xa5: {  	s26 =	simm.s32 $execute0_lowered;
	[smem:$0x3FD2] =	sst s25  }
0xa6: {  	s5 =	sshll.u32 s26, $0x1;
	_ =	strace $0x80000046;
	[dreg:$0x1] =	wrdreg $0xFFFFFFFF  }
0xa7: {  	s28 =	simm.s32 $_size_execute0_lowered;
	s3 =	sadd.s32 s3, s5;
	[dreg:$0x0] =	wrdreg $0x0  }
0xa8: {  	s5 =	sshll.u32 s28, $0x1;
	[dreg:$0x2] =	wrdreg s3  }
0xa9: {  	[dreg:$0x3] =	wrdreg s5  }
0xaa: {  	[dreg:$0x4] =	wrdreg $0xC0  }
0xab: {  	_ =	task [dreg:s7], $0x5FFFF  }
0xac: {  	[dreg:$0x1] =	wrdreg $0xFFFFFFFF  }
0xad: {  	[dreg:$0x0] =	wrdreg $0x60  }
0xae: {  	[dreg:$0x2] =	wrdreg s2  }
0xaf: {  	[dreg:$0x3] =	wrdreg s24  }
0xb0: {  	[dreg:$0x4] =	wrdreg $0x9  }
0xb1: {  	_ =	task.clear_ibuf [dreg:s7], $0x5FFFF;
	_ =	strace $0x90000046  }
0xb2: {  	s29 =	simm.s32 $0x9;
	_ =	strace $0x80000048  }
0xb3: {  	_ =	swait.ge [sflag:s29], $0x1  }
0xb4: {  	[sflag:s29] =	ssyncadd.s32 $0xFFFFFFFF  }
0xb5: {  	_ =	strace $0x90000048  }
0xb6: {  	_ =	sfence  }
0xb7: {  	s30 =	sld [smem:$0x0];
	_ =	sdelay $0x2  }
0xb8: {  	s31 =	sshll.u32 s1, $0xD;
	s1 =	sshrl.u32 s1, $0x2  }
0xb9: {  	s3 =	sand.u32 $0x4000, s31;
	s1 =	sadd.s32 s1, s30  }
0xba: {  	s0 =	sor.u32 s3, s0;
	s1 =	sshll.u32 s1, $0x11  }
0xbb: {  	s0 =	sor.u32 s1, s0  }
0xbc: {  	s0 =	sadd.s32 $0x8F2B, s0  }
0xbd: {  	[sflag:s0] =	ssyncadd.remote.s32 $0x1  }
0xbe: {  	_ =	sfence.sel $0xFFFF  }
0xbf: {  	[dreg:$0x0] =	wrdreg $0xFFFFFFFF;
	(pc) =	sbr.abs _section_cstart, $3  }
0xc0: {  	[dreg:$0x1] =	wrdreg $0xFFFFFFFF  }
0xc1: {  	_ =	task.clear_ibuf [dreg:s7], $0x2FFFF;
	_ =	strace $0x9FFFFFFF  }
0xc2: {  	(tm) =	ssettm $0x7FFFFFFF  }
0xc3: {  	_ =	shalt  }
tec
execute0_lowered:
.L_overlay_start_1:
0x0: {  	(tag) =	ssettag $0x1  }
0x1: {  	s1 =	rddreg [dreg:$0x0]  }
0x2: {  	s4 =	rddreg [dreg:$0x1]  }
0x3: {  	s0 =	rddreg [dreg:$0x2];
	s3 =	simm.s32 $0x0  }
0x4: {  	s5 =	srdreg.scid;
	s2 =	stileid.u32;
	s9 =	simm.s32 $0x2000  }
0x5: {  	s10 =	simm.s32 $0x80;
	s11 =	simm.s32 $0x5400;
	s12 =	simm.s32 $0x100  }
0x6: {  	s13 =	simm.s32 $0x8800;
	s14 =	simm.s32 $0x180;
	s15 =	simm.s32 $0xBC00  }
0x7: {  	s16 =	simm.s32 $0x1;
	s17 =	simm.s32 $0x2;
	s18 =	simm.s32 $0x3  }
0x8: {  	s19 =	simm.s32 $0x4;
	s20 =	simm.s32 $0xF000;
	s21 =	simm.s32 $0x0  }
0x9: {  	[smem:$0x7FF] =	sst s3;
	s5 =	sand.u32 $0x1, s5;
	s6 =	sshll.u32 s2, $0x1  }
.Ltmp0:
0xa: {  	_ =	strace $0x80000047;
	s6 =	sor.u32 s5, s6;
	(pc) =	sbr.rel .LBB2_1-.Ltmp0, $4  }
0xb: {  	s5 =	ssub.s32 $0x2, s5;
	s7 =	sshll.u32 s6, $0xA;
	s6 =	sshll.u32 s6, $0xB  }
0xc: {  	s8 =	sshrl.u32 s5, $0x1;
	s7 =	sadd.s32 s7, s4;
	s6 =	sadd.s32 s6, s4  }
0xd: {  	s8 =	ssub.s32 s5, s8;
	s4 =	sadd.s32 $0xA00, s7;
	s5 =	sadd.s32 $0x8A00, s6  }
0xe: {  	s6 =	smax.u32 s8, $0x1;
	s7 =	simm.s32 $0x5;
	s8 =	simm.s32 $0x64  }
.LBB2_20:
0xf: {  	s21 =	sadd.s32 $0x1, s21  }
0x10: {  	p0 =	sne.s32 s21, s6  }
.Ltmp1:
0x11: {  	_ = 	snop;
	(pc) =	sbr.rel @!p0 .LBB2_21-.Ltmp1, $4  }
0x12: {  	[hbm4b:s5+s3] =	stream.linear.scatter [tilespmem:s20], [sflag:$0x5], $0x4000, $0x38;
	[tilespmem:$0x13000] =	vst v63  }
0x13: {  	_ =	swait.ge [sflag:s7], $0x4000  }
0x14: {  	[sflag:s7] =	ssyncset.done $0x0  }
0x15: {  	[sflag:s7] =	ssyncadd.s32 $0xFFFFC000  }
.LBB2_1:
0x16: {  	[tilespmem:s3], [sflag:$0x5] =	stream.linear.gather [hbm4b:s4+s3], $0x2000, $0x38;
	[tilespmem:$0x13000] =	vst v63  }
0x17: {  	_ =	swait.ge [sflag:s7], $0x2000  }
0x18: {  	[sflag:s7] =	ssyncset.done $0x0  }
0x19: {  	[sflag:s7] =	ssyncadd.s32 $0xFFFFE000  }
0x1a: {  	[tilespmem:s9], [sflag:$0x1] =	stream.indirect.gather [hbm4b:s1+s8], $0x80, s3, s8, $0xb8;
	[tilespmem:$0x13000] =	vst v63  }
0x1b: {  	_ = 	snop  }
0x1c: {  	[tilespmem:s11], [sflag:$0x2] =	stream.indirect.gather [hbm4b:s1+s8], $0x80, s10, s8, $0xb8;
	[tilespmem:$0x13000] =	vst v63  }
0x1d: {  	_ = 	snop  }
0x1e: {  	[tilespmem:s13], [sflag:$0x3] =	stream.indirect.gather [hbm4b:s1+s8], $0x80, s12, s8, $0xb8;
	[tilespmem:$0x13000] =	vst v63  }
0x1f: {  	s22 =	simm.s32 $0x0  }
0x20: {  	[tilespmem:s15], [sflag:$0x4] =	stream.indirect.gather [hbm4b:s1+s8], $0x80, s14, s8, $0xb8;
	[tilespmem:$0x13000] =	vst v63  }
.LBB2_2:
0x21: {  	_ =	swait.ge [sflag:s16], $0x3200  }
0x22: {  	[sflag:s16] =	ssyncset.done $0x0  }
0x23: {  	s24 =	simm.s32 $0x2140;
	[sflag:s16] =	ssyncadd.s32 $0xFFFFCE00  }
0x24: {  	v4 =	vld [tilespmem:s24+$0xC0]  }
0x25: {  	v5 =	vld [tilespmem:s24+$0xD0]  }
0x26: {  	v9 =	vld [tilespmem:s24+$0xE0]  }
0x27: {  	v10 =	vld [tilespmem:s24+$0xF0]  }
0x28: {  	v0 =	vld [tilespmem:s24+$0x100]  }
0x29: {  	v1 =	vld [tilespmem:s24+$0x110]  }
0x2a: {  	v6 =	vld [tilespmem:s24+$0x40]  }
0x2b: {  	v7 =	vld [tilespmem:s24+$0x50]  }
0x2c: {  	v8 =	vld [tilespmem:s24+$0x60]  }
0x2d: {  	v11 =	vld [tilespmem:s24+$0x70]  }
0x2e: {  	v3 =	vld [tilespmem:s24+$0x80]  }
0x2f: {  	v2 =	vld [tilespmem:s24+$0x90]  }
0x30: {  	v12 =	vld [tilespmem:s24+$0xFFFFFFC0]  }
0x31: {  	v13 =	vld [tilespmem:s24+$0xFFFFFFD0]  }
0x32: {  	v14 =	vld [tilespmem:s24+$0xFFFFFFE0]  }
0x33: {  	v15 =	vld [tilespmem:s24+$0xFFFFFFF0]  }
0x34: {  	v16 =	vld [tilespmem:s24+$0xFFFFFF40]  }
0x35: {  	v17 =	vld [tilespmem:s24+$0xFFFFFF50]  }
0x36: {  	v18 =	vld [tilespmem:s24+$0xFFFFFEC0]  }
0x37: {  	v19 =	vld [tilespmem:s24+$0xFFFFFED0]  }
0x38: {  	v20 =	vld [tilespmem:s24+$0xFFFFFEE0]  }
0x39: {  	v21 =	vld [tilespmem:s24+$0xFFFFFEF0]  }
0x3a: {  	v22 =	vld [tilespmem:s24+$0xFFFFFF60]  }
0x3b: {  	v23 =	vld [tilespmem:s24+$0xFFFFFF70]  }
0x3c: {  	v24 =	vimm.f32 $0.0e+00;
	v25 =	vld [tilespmem:s24+$0x0]  }
0x3d: {  	v26 =	vld [tilespmem:s24+$0x10];
	v18 =	vadd.f32 v18, v24;
	v19 =	vadd.f32 v19, v24  }
0x3e: {  	v27 =	vld [tilespmem:s24+$0xFFFFFF80];
	v20 =	vadd.f32 v20, v24;
	v21 =	vadd.f32 v21, v24  }
0x3f: {  	v62 =	vld [tilespmem:s24+$0xFFFFFF10];
	v16 =	vadd.f32 v16, v18;
	v17 =	vadd.f32 v17, v19  }
0x40: {  	v63 =	vld [tilespmem:s24+$0xFFFFFFB0];
	v20 =	vadd.f32 v22, v20;
	v21 =	vadd.f32 v23, v21  }
0x41: {  	v19 =	vld [tilespmem:s24+$0xFFFFFF00];
	v12 =	vadd.f32 v12, v16;
	v13 =	vadd.f32 v13, v17  }
0x42: {  	v16 =	vld [tilespmem:s24+$0xFFFFFF20];
	v14 =	vadd.f32 v14, v20;
	v15 =	vadd.f32 v15, v21  }
0x43: {  	v17 =	vld [tilespmem:s24+$0xFFFFFF30];
	v6 =	vadd.f32 v6, v12;
	v12 =	vadd.f32 v7, v13  }
0x44: {  	v18 =	vld [tilespmem:s24+$0xFFFFFF90];
	v14 =	vadd.f32 v8, v14;
	v11 =	vadd.f32 v11, v15  }
0x45: {  	v13 =	vld [tilespmem:s24+$0xFFFFFFA0];
	v7 =	vadd.f32 v4, v6;
	v6 =	vadd.f32 v5, v12  }
0x46: {  	v8 =	vld [tilespmem:s24+$0x20];
	v5 =	vadd.f32 v9, v14;
	v4 =	vadd.f32 v10, v11  }
0x47: {  	v10 =	vadd.f32 v19, v24;
	v12 =	vadd.f32 v62, v24;
	v11 =	vld [tilespmem:s24+$0x30]  }
0x48: {  	v9 =	vld [tilespmem:s24+$0xA0];
	v14 =	vadd.f32 v16, v24;
	v16 =	vadd.f32 v17, v24  }
0x49: {  	v17 =	vadd.f32 v27, v10;
	v18 =	vadd.f32 v18, v12;
	v12 =	vld [tilespmem:s24+$0xB0]  }
0x4a: {  	v10 =	vld [tilespmem:s24+$0x120];
	v15 =	vadd.f32 v13, v14;
	v14 =	vadd.f32 v63, v16  }
0x4b: {  	s23 =	simm.s32 $0x0;
	v13 =	vld [tilespmem:s24+$0x130];
	s24 =	simm.s32 $0x23C0;
	v17 =	vadd.f32 v25, v17;
	v16 =	vadd.f32 v26, v18  }
.LBB2_3:
0x4c: {  	v18 =	vld [tilespmem:s24+$0xC0];
	v8 =	vadd.f32 v8, v15;
	v11 =	vadd.f32 v11, v14  }
0x4d: {  	v14 =	vld [tilespmem:s24+$0xD0];
	v3 =	vadd.f32 v3, v17;
	v2 =	vadd.f32 v2, v16  }
0x4e: {  	v15 =	vld [tilespmem:s24+$0xE0];
	v8 =	vadd.f32 v9, v8;
	v9 =	vadd.f32 v12, v11  }
0x4f: {  	v11 =	vld [tilespmem:s24+$0xF0];
	v12 =	vadd.f32 v0, v3;
	v16 =	vadd.f32 v1, v2  }
0x50: {  	v0 =	vld [tilespmem:s24+$0x100];
	v10 =	vadd.f32 v10, v8;
	v9 =	vadd.f32 v13, v9  }
0x51: {  	v1 =	vld [tilespmem:s24+$0x110]  }
0x52: {  	v8 =	vld [tilespmem:s24+$0x40]  }
0x53: {  	v13 =	vld [tilespmem:s24+$0x50]  }
0x54: {  	v17 =	vld [tilespmem:s24+$0x60]  }
0x55: {  	v19 =	vld [tilespmem:s24+$0x70]  }
0x56: {  	v3 =	vld [tilespmem:s24+$0x80]  }
0x57: {  	v2 =	vld [tilespmem:s24+$0x90]  }
0x58: {  	v20 =	vld [tilespmem:s24+$0xFFFFFFC0]  }
0x59: {  	v21 =	vld [tilespmem:s24+$0xFFFFFFD0]  }
0x5a: {  	v22 =	vld [tilespmem:s24+$0xFFFFFFE0]  }
0x5b: {  	v23 =	vld [tilespmem:s24+$0xFFFFFFF0]  }
0x5c: {  	v24 =	vld [tilespmem:s24+$0xFFFFFF40]  }
0x5d: {  	v25 =	vld [tilespmem:s24+$0xFFFFFF50]  }
0x5e: {  	v26 =	vld [tilespmem:s24+$0xFFFFFEC0]  }
0x5f: {  	v27 =	vld [tilespmem:s24+$0xFFFFFED0]  }
0x60: {  	v28 =	vld [tilespmem:s24+$0xFFFFFEE0]  }
0x61: {  	v29 =	vld [tilespmem:s24+$0xFFFFFEF0]  }
0x62: {  	v30 =	vld [tilespmem:s24+$0xFFFFFF60]  }
0x63: {  	v31 =	vld [tilespmem:s24+$0xFFFFFF70]  }
0x64: {  	v32 =	vld [tilespmem:s24+$0x0]  }
0x65: {  	v7 =	vadd.f32 v26, v7;
	v6 =	vadd.f32 v27, v6;
	v26 =	vld [tilespmem:s24+$0x10]  }
0x66: {  	v5 =	vadd.f32 v28, v5;
	v4 =	vadd.f32 v29, v4;
	v27 =	vld [tilespmem:s24+$0xFFFFFF80]  }
0x67: {  	v7 =	vadd.f32 v24, v7;
	v6 =	vadd.f32 v25, v6;
	v24 =	vld [tilespmem:s24+$0xFFFFFF90]  }
0x68: {  	v5 =	vadd.f32 v30, v5;
	v25 =	vld [tilespmem:s24+$0xFFFFFF00];
	v4 =	vadd.f32 v31, v4  }
0x69: {  	v7 =	vadd.f32 v20, v7;
	v6 =	vadd.f32 v21, v6;
	v28 =	vld [tilespmem:s24+$0xFFFFFF10]  }
0x6a: {  	v5 =	vadd.f32 v22, v5;
	v20 =	vld [tilespmem:s24+$0xFFFFFF20];
	v4 =	vadd.f32 v23, v4  }
0x6b: {  	s23 =	sadd.s32 $0x5, s23;
	v7 =	vadd.f32 v8, v7;
	v6 =	vadd.f32 v13, v6;
	v21 =	vld [tilespmem:s24+$0xFFFFFF30]  }
0x6c: {  	p0 =	slt.u32 s23, $0x2D;
	v5 =	vadd.f32 v17, v5;
	v13 =	vld [tilespmem:s24+$0xFFFFFFA0];
	v4 =	vadd.f32 v19, v4  }
0x6d: {  	v7 =	vadd.f32 v18, v7;
	v6 =	vadd.f32 v14, v6;
	v17 =	vld [tilespmem:s24+$0xFFFFFFB0]  }
0x6e: {  	v5 =	vadd.f32 v15, v5;
	v8 =	vld [tilespmem:s24+$0x20];
	v4 =	vadd.f32 v11, v4  }
.Ltmp2:
0x6f: {  	v12 =	vadd.f32 v25, v12;
	v14 =	vadd.f32 v28, v16;
	v11 =	vld [tilespmem:s24+$0x30];
	(pc) =	sbr.rel @p0 .LBB2_3-.Ltmp2, $4  }
0x70: {  	v10 =	vadd.f32 v20, v10;
	v16 =	vadd.f32 v21, v9;
	v9 =	vld [tilespmem:s24+$0xA0]  }
0x71: {  	v18 =	vadd.f32 v27, v12;
	v19 =	vadd.f32 v24, v14;
	v12 =	vld [tilespmem:s24+$0xB0]  }
0x72: {  	v15 =	vadd.f32 v13, v10;
	v14 =	vadd.f32 v17, v16;
	v10 =	vld [tilespmem:s24+$0x120]  }
0x73: {  	v17 =	vadd.f32 v32, v18;
	v16 =	vadd.f32 v26, v19;
	v13 =	vld [tilespmem:s24+$0x130];
	s24 =	sadd.s32 $0x280, s24  }
0x74: {  	s23 =	sshll.u32 s22, $0xC  }
0x75: {  	s23 =	sshra.s32 s23, $0x2  }
0x76: {  	v8 =	vadd.f32 v8, v15;
	v3 =	vadd.f32 v3, v17;
	[tilespmem:s23+$0xF000] =	vst v7  }
0x77: {  	v2 =	vadd.f32 v2, v16;
	v7 =	vadd.f32 v11, v14;
	[tilespmem:s23+$0xF010] =	vst v6  }
0x78: {  	v6 =	vadd.f32 v9, v8;
	[tilespmem:s23+$0xF020] =	vst v5;
	v0 =	vadd.f32 v0, v3  }
0x79: {  	[tilespmem:s23+$0xF030] =	vst v4;
	v1 =	vadd.f32 v1, v2;
	v3 =	vadd.f32 v12, v7  }
0x7a: {  	v2 =	vadd.f32 v10, v6;
	[tilespmem:s23+$0xF040] =	vst v0  }
0x7b: {  	[tilespmem:s23+$0xF050] =	vst v1;
	v0 =	vadd.f32 v13, v3  }
0x7c: {  	[tilespmem:s23+$0xF060] =	vst v2  }
0x7d: {  	s25 =	simm.s32 $0x3B70;
	[tilespmem:s23+$0xF070] =	vst v0  }
0x7e: {  	v4 =	vld [tilespmem:s25+$0xFFFFFF90]  }
0x7f: {  	v5 =	vld [tilespmem:s25+$0xFFFFFFA0]  }
0x80: {  	v9 =	vld [tilespmem:s25+$0xFFFFFFB0]  }
0x81: {  	v10 =	vld [tilespmem:s25+$0xFFFFFFC0]  }
0x82: {  	v0 =	vld [tilespmem:s25+$0xFFFFFFD0]  }
0x83: {  	v1 =	vld [tilespmem:s25+$0xFFFFFFE0]  }
0x84: {  	v6 =	vld [tilespmem:s25+$0xFFFFFF10]  }
0x85: {  	v7 =	vld [tilespmem:s25+$0xFFFFFF20]  }
0x86: {  	v8 =	vld [tilespmem:s25+$0xFFFFFF30]  }
0x87: {  	v11 =	vld [tilespmem:s25+$0xFFFFFF40]  }
0x88: {  	v3 =	vld [tilespmem:s25+$0xFFFFFF50]  }
0x89: {  	v2 =	vld [tilespmem:s25+$0xFFFFFF60]  }
0x8a: {  	v12 =	vld [tilespmem:s25+$0xFFFFFE90]  }
0x8b: {  	v13 =	vld [tilespmem:s25+$0xFFFFFEA0]  }
0x8c: {  	v14 =	vld [tilespmem:s25+$0xFFFFFEB0]  }
0x8d: {  	v15 =	vld [tilespmem:s25+$0xFFFFFEC0]  }
0x8e: {  	v16 =	vld [tilespmem:s25+$0xFFFFFE10]  }
0x8f: {  	v17 =	vld [tilespmem:s25+$0xFFFFFE20]  }
0x90: {  	v18 =	vld [tilespmem:s25+$0xFFFFFD90]  }
0x91: {  	v19 =	vld [tilespmem:s25+$0xFFFFFDA0]  }
0x92: {  	v20 =	vld [tilespmem:s25+$0xFFFFFDB0]  }
0x93: {  	v21 =	vld [tilespmem:s25+$0xFFFFFDC0]  }
0x94: {  	v22 =	vld [tilespmem:s25+$0xFFFFFE30]  }
0x95: {  	v23 =	vld [tilespmem:s25+$0xFFFFFE40]  }
0x96: {  	v24 =	vimm.f32 $0.0e+00;
	v25 =	vld [tilespmem:s25+$0xFFFFFED0]  }
0x97: {  	v26 =	vld [tilespmem:s25+$0xFFFFFEE0];
	v18 =	vadd.f32 v18, v24;
	v19 =	vadd.f32 v19, v24  }
0x98: {  	v27 =	vld [tilespmem:s25+$0xFFFFFE50];
	v20 =	vadd.f32 v20, v24;
	v21 =	vadd.f32 v21, v24  }
0x99: {  	v62 =	vld [tilespmem:s25+$0xFFFFFDE0];
	v16 =	vadd.f32 v16, v18;
	v17 =	vadd.f32 v17, v19  }
0x9a: {  	v63 =	vld [tilespmem:s25+$0xFFFFFE80];
	v20 =	vadd.f32 v22, v20;
	v21 =	vadd.f32 v23, v21  }
0x9b: {  	v19 =	vld [tilespmem:s25+$0xFFFFFDD0];
	v12 =	vadd.f32 v12, v16;
	v13 =	vadd.f32 v13, v17  }
0x9c: {  	v16 =	vld [tilespmem:s25+$0xFFFFFDF0];
	v14 =	vadd.f32 v14, v20;
	v15 =	vadd.f32 v15, v21  }
0x9d: {  	v17 =	vld [tilespmem:s25+$0xFFFFFE00];
	v6 =	vadd.f32 v6, v12;
	v12 =	vadd.f32 v7, v13  }
0x9e: {  	v18 =	vld [tilespmem:s25+$0xFFFFFE60];
	v14 =	vadd.f32 v8, v14;
	v11 =	vadd.f32 v11, v15  }
0x9f: {  	v13 =	vld [tilespmem:s25+$0xFFFFFE70];
	v7 =	vadd.f32 v4, v6;
	v6 =	vadd.f32 v5, v12  }
0xa0: {  	v8 =	vld [tilespmem:s25+$0xFFFFFEF0];
	v5 =	vadd.f32 v9, v14;
	v4 =	vadd.f32 v10, v11  }
0xa1: {  	v10 =	vadd.f32 v19, v24;
	v12 =	vadd.f32 v62, v24;
	v11 =	vld [tilespmem:s25+$0xFFFFFF00]  }
0xa2: {  	v9 =	vld [tilespmem:s25+$0xFFFFFF70];
	v14 =	vadd.f32 v16, v24;
	v16 =	vadd.f32 v17, v24  }
0xa3: {  	v17 =	vadd.f32 v27, v10;
	v18 =	vadd.f32 v18, v12;
	v12 =	vld [tilespmem:s25+$0xFFFFFF80]  }
0xa4: {  	v10 =	vld [tilespmem:s25+$0xFFFFFFF0];
	v15 =	vadd.f32 v13, v14;
	v14 =	vadd.f32 v63, v16  }
0xa5: {  	s24 =	simm.s32 $0x0;
	v13 =	vld [tilespmem:s25+$0x0];
	s25 =	simm.s32 $0x3DF0;
	v17 =	vadd.f32 v25, v17;
	v16 =	vadd.f32 v26, v18  }
.LBB2_5:
0xa6: {  	v18 =	vld [tilespmem:s25+$0xFFFFFF90];
	v8 =	vadd.f32 v8, v15;
	v11 =	vadd.f32 v11, v14  }
0xa7: {  	v14 =	vld [tilespmem:s25+$0xFFFFFFA0];
	v3 =	vadd.f32 v3, v17;
	v2 =	vadd.f32 v2, v16  }
0xa8: {  	v15 =	vld [tilespmem:s25+$0xFFFFFFB0];
	v8 =	vadd.f32 v9, v8;
	v9 =	vadd.f32 v12, v11  }
0xa9: {  	v11 =	vld [tilespmem:s25+$0xFFFFFFC0];
	v12 =	vadd.f32 v0, v3;
	v16 =	vadd.f32 v1, v2  }
0xaa: {  	v0 =	vld [tilespmem:s25+$0xFFFFFFD0];
	v10 =	vadd.f32 v10, v8;
	v9 =	vadd.f32 v13, v9  }
0xab: {  	v1 =	vld [tilespmem:s25+$0xFFFFFFE0]  }
0xac: {  	v8 =	vld [tilespmem:s25+$0xFFFFFF10]  }
0xad: {  	v13 =	vld [tilespmem:s25+$0xFFFFFF20]  }
0xae: {  	v17 =	vld [tilespmem:s25+$0xFFFFFF30]  }
0xaf: {  	v19 =	vld [tilespmem:s25+$0xFFFFFF40]  }
0xb0: {  	v3 =	vld [tilespmem:s25+$0xFFFFFF50]  }
0xb1: {  	v2 =	vld [tilespmem:s25+$0xFFFFFF60]  }
0xb2: {  	v20 =	vld [tilespmem:s25+$0xFFFFFE90]  }
0xb3: {  	v21 =	vld [tilespmem:s25+$0xFFFFFEA0]  }
0xb4: {  	v22 =	vld [tilespmem:s25+$0xFFFFFEB0]  }
0xb5: {  	v23 =	vld [tilespmem:s25+$0xFFFFFEC0]  }
0xb6: {  	v24 =	vld [tilespmem:s25+$0xFFFFFE10]  }
0xb7: {  	v25 =	vld [tilespmem:s25+$0xFFFFFE20]  }
0xb8: {  	v26 =	vld [tilespmem:s25+$0xFFFFFD90]  }
0xb9: {  	v27 =	vld [tilespmem:s25+$0xFFFFFDA0]  }
0xba: {  	v28 =	vld [tilespmem:s25+$0xFFFFFDB0]  }
0xbb: {  	v29 =	vld [tilespmem:s25+$0xFFFFFDC0]  }
0xbc: {  	v30 =	vld [tilespmem:s25+$0xFFFFFE30]  }
0xbd: {  	v31 =	vld [tilespmem:s25+$0xFFFFFE40]  }
0xbe: {  	v32 =	vld [tilespmem:s25+$0xFFFFFED0]  }
0xbf: {  	v7 =	vadd.f32 v26, v7;
	v6 =	vadd.f32 v27, v6;
	v26 =	vld [tilespmem:s25+$0xFFFFFEE0]  }
0xc0: {  	v5 =	vadd.f32 v28, v5;
	v4 =	vadd.f32 v29, v4;
	v27 =	vld [tilespmem:s25+$0xFFFFFE50]  }
0xc1: {  	v7 =	vadd.f32 v24, v7;
	v6 =	vadd.f32 v25, v6;
	v24 =	vld [tilespmem:s25+$0xFFFFFE60]  }
0xc2: {  	v5 =	vadd.f32 v30, v5;
	v25 =	vld [tilespmem:s25+$0xFFFFFDD0];
	v4 =	vadd.f32 v31, v4  }
0xc3: {  	v7 =	vadd.f32 v20, v7;
	v6 =	vadd.f32 v21, v6;
	v28 =	vld [tilespmem:s25+$0xFFFFFDE0]  }
0xc4: {  	v5 =	vadd.f32 v22, v5;
	v20 =	vld [tilespmem:s25+$0xFFFFFDF0];
	v4 =	vadd.f32 v23, v4  }
0xc5: {  	s24 =	sadd.s32 $0x5, s24;
	v7 =	vadd.f32 v8, v7;
	v6 =	vadd.f32 v13, v6;
	v21 =	vld [tilespmem:s25+$0xFFFFFE00]  }
0xc6: {  	p0 =	slt.u32 s24, $0x2D;
	v5 =	vadd.f32 v17, v5;
	v13 =	vld [tilespmem:s25+$0xFFFFFE70];
	v4 =	vadd.f32 v19, v4  }
0xc7: {  	v7 =	vadd.f32 v18, v7;
	v6 =	vadd.f32 v14, v6;
	v17 =	vld [tilespmem:s25+$0xFFFFFE80]  }
0xc8: {  	v5 =	vadd.f32 v15, v5;
	v8 =	vld [tilespmem:s25+$0xFFFFFEF0];
	v4 =	vadd.f32 v11, v4  }
.Ltmp3:
0xc9: {  	v12 =	vadd.f32 v25, v12;
	v14 =	vadd.f32 v28, v16;
	v11 =	vld [tilespmem:s25+$0xFFFFFF00];
	(pc) =	sbr.rel @p0 .LBB2_5-.Ltmp3, $4  }
0xca: {  	v10 =	vadd.f32 v20, v10;
	v16 =	vadd.f32 v21, v9;
	v9 =	vld [tilespmem:s25+$0xFFFFFF70]  }
0xcb: {  	v18 =	vadd.f32 v27, v12;
	v19 =	vadd.f32 v24, v14;
	v12 =	vld [tilespmem:s25+$0xFFFFFF80]  }
0xcc: {  	v15 =	vadd.f32 v13, v10;
	v14 =	vadd.f32 v17, v16;
	v10 =	vld [tilespmem:s25+$0xFFFFFFF0]  }
0xcd: {  	v17 =	vadd.f32 v32, v18;
	v16 =	vadd.f32 v26, v19;
	v13 =	vld [tilespmem:s25+$0x0];
	s25 =	sadd.s32 $0x280, s25  }
0xce: {  	_ = 	snop  }
0xcf: {  	v8 =	vadd.f32 v8, v15;
	[tilespmem:s23+$0xF080] =	vst v7;
	v3 =	vadd.f32 v3, v17  }
0xd0: {  	v7 =	vadd.f32 v11, v14;
	[tilespmem:s23+$0xF090] =	vst v6;
	v2 =	vadd.f32 v2, v16  }
0xd1: {  	[tilespmem:s23+$0xF0A0] =	vst v5;
	v6 =	vadd.f32 v9, v8;
	v0 =	vadd.f32 v0, v3  }
0xd2: {  	[tilespmem:s23+$0xF0B0] =	vst v4;
	v3 =	vadd.f32 v12, v7;
	v1 =	vadd.f32 v1, v2  }
0xd3: {  	v2 =	vadd.f32 v10, v6;
	[tilespmem:s23+$0xF0C0] =	vst v0  }
0xd4: {  	s24 =	sshll.u32 s22, $0xB;
	p0 =	seq.s32 s22, $0xF;
	v0 =	vadd.f32 v13, v3;
	[tilespmem:s23+$0xF0D0] =	vst v1  }
0xd5: {  	s25 =	sshrl.u32 @!p0 s24, $0x2;
	[tilespmem:s23+$0xF0E0] =	vst v2  }
0xd6: {  	s28 =	simm.s32 @!p0 $0x64;
	s29 =	simm.s32 @!p0 $0x2000;
	s26 =	sadd.s32 @!p0 $0x200, s25;
	[tilespmem:s23+$0xF0F0] =	vst v0  }
0xd7: {  	[tilespmem:s29], [sflag:$0x1] =	stream.indirect.gather @!p0 [hbm4b:s1+s28], $0x80, s26, s28, $0xb8;
	[tilespmem:$0x13000] =	vst v63  }
0xd8: {  	_ =	swait.ge [sflag:s17], $0x3200  }
0xd9: {  	[sflag:s17] =	ssyncset.done $0x0  }
0xda: {  	s28 =	simm.s32 $0x5670;
	[sflag:s17] =	ssyncadd.s32 $0xFFFFCE00  }
0xdb: {  	v4 =	vld [tilespmem:s28+$0xFFFFFF90]  }
0xdc: {  	v5 =	vld [tilespmem:s28+$0xFFFFFFA0]  }
0xdd: {  	v9 =	vld [tilespmem:s28+$0xFFFFFFB0]  }
0xde: {  	v10 =	vld [tilespmem:s28+$0xFFFFFFC0]  }
0xdf: {  	v0 =	vld [tilespmem:s28+$0xFFFFFFD0]  }
0xe0: {  	v1 =	vld [tilespmem:s28+$0xFFFFFFE0]  }
0xe1: {  	v6 =	vld [tilespmem:s28+$0xFFFFFF10]  }
0xe2: {  	v7 =	vld [tilespmem:s28+$0xFFFFFF20]  }
0xe3: {  	v8 =	vld [tilespmem:s28+$0xFFFFFF30]  }
0xe4: {  	v11 =	vld [tilespmem:s28+$0xFFFFFF40]  }
0xe5: {  	v3 =	vld [tilespmem:s28+$0xFFFFFF50]  }
0xe6: {  	v2 =	vld [tilespmem:s28+$0xFFFFFF60]  }
0xe7: {  	v12 =	vld [tilespmem:s28+$0xFFFFFE90]  }
0xe8: {  	v13 =	vld [tilespmem:s28+$0xFFFFFEA0]  }
0xe9: {  	v14 =	vld [tilespmem:s28+$0xFFFFFEB0]  }
0xea: {  	v15 =	vld [tilespmem:s28+$0xFFFFFEC0]  }
0xeb: {  	v16 =	vld [tilespmem:s28+$0xFFFFFE10]  }
0xec: {  	v17 =	vld [tilespmem:s28+$0xFFFFFE20]  }
0xed: {  	v18 =	vld [tilespmem:s28+$0xFFFFFD90]  }
0xee: {  	v19 =	vld [tilespmem:s28+$0xFFFFFDA0]  }
0xef: {  	v20 =	vld [tilespmem:s28+$0xFFFFFDB0]  }
0xf0: {  	v21 =	vld [tilespmem:s28+$0xFFFFFDC0]  }
0xf1: {  	v22 =	vld [tilespmem:s28+$0xFFFFFE30]  }
0xf2: {  	v23 =	vld [tilespmem:s28+$0xFFFFFE40]  }
0xf3: {  	v24 =	vimm.f32 $0.0e+00;
	v25 =	vld [tilespmem:s28+$0xFFFFFED0]  }
0xf4: {  	v26 =	vld [tilespmem:s28+$0xFFFFFEE0];
	v18 =	vadd.f32 v18, v24;
	v19 =	vadd.f32 v19, v24  }
0xf5: {  	v27 =	vld [tilespmem:s28+$0xFFFFFE50];
	v20 =	vadd.f32 v20, v24;
	v21 =	vadd.f32 v21, v24  }
0xf6: {  	v62 =	vld [tilespmem:s28+$0xFFFFFDE0];
	v16 =	vadd.f32 v16, v18;
	v17 =	vadd.f32 v17, v19  }
0xf7: {  	v63 =	vld [tilespmem:s28+$0xFFFFFE80];
	v20 =	vadd.f32 v22, v20;
	v21 =	vadd.f32 v23, v21  }
0xf8: {  	v19 =	vld [tilespmem:s28+$0xFFFFFDD0];
	v12 =	vadd.f32 v12, v16;
	v13 =	vadd.f32 v13, v17  }
0xf9: {  	v16 =	vld [tilespmem:s28+$0xFFFFFDF0];
	v14 =	vadd.f32 v14, v20;
	v15 =	vadd.f32 v15, v21  }
0xfa: {  	v17 =	vld [tilespmem:s28+$0xFFFFFE00];
	v6 =	vadd.f32 v6, v12;
	v12 =	vadd.f32 v7, v13  }
0xfb: {  	v18 =	vld [tilespmem:s28+$0xFFFFFE60];
	v14 =	vadd.f32 v8, v14;
	v11 =	vadd.f32 v11, v15  }
0xfc: {  	v13 =	vld [tilespmem:s28+$0xFFFFFE70];
	v7 =	vadd.f32 v4, v6;
	v6 =	vadd.f32 v5, v12  }
0xfd: {  	v8 =	vld [tilespmem:s28+$0xFFFFFEF0];
	v5 =	vadd.f32 v9, v14;
	v4 =	vadd.f32 v10, v11  }
0xfe: {  	v10 =	vadd.f32 v19, v24;
	v12 =	vadd.f32 v62, v24;
	v11 =	vld [tilespmem:s28+$0xFFFFFF00]  }
0xff: {  	v9 =	vld [tilespmem:s28+$0xFFFFFF70];
	v14 =	vadd.f32 v16, v24;
	v16 =	vadd.f32 v17, v24  }
0x100: {  	v17 =	vadd.f32 v27, v10;
	v18 =	vadd.f32 v18, v12;
	v12 =	vld [tilespmem:s28+$0xFFFFFF80]  }
0x101: {  	v10 =	vld [tilespmem:s28+$0xFFFFFFF0];
	v15 =	vadd.f32 v13, v14;
	v14 =	vadd.f32 v63, v16  }
0x102: {  	s26 =	simm.s32 $0x0;
	v13 =	vld [tilespmem:s28+$0x0];
	s28 =	simm.s32 $0x58F0;
	v17 =	vadd.f32 v25, v17;
	v16 =	vadd.f32 v26, v18  }
.LBB2_7:
0x103: {  	v18 =	vld [tilespmem:s28+$0xFFFFFF90];
	v8 =	vadd.f32 v8, v15;
	v11 =	vadd.f32 v11, v14  }
0x104: {  	v14 =	vld [tilespmem:s28+$0xFFFFFFA0];
	v3 =	vadd.f32 v3, v17;
	v2 =	vadd.f32 v2, v16  }
0x105: {  	v15 =	vld [tilespmem:s28+$0xFFFFFFB0];
	v8 =	vadd.f32 v9, v8;
	v9 =	vadd.f32 v12, v11  }
0x106: {  	v11 =	vld [tilespmem:s28+$0xFFFFFFC0];
	v12 =	vadd.f32 v0, v3;
	v16 =	vadd.f32 v1, v2  }
0x107: {  	v0 =	vld [tilespmem:s28+$0xFFFFFFD0];
	v10 =	vadd.f32 v10, v8;
	v9 =	vadd.f32 v13, v9  }
0x108: {  	v1 =	vld [tilespmem:s28+$0xFFFFFFE0]  }
0x109: {  	v8 =	vld [tilespmem:s28+$0xFFFFFF10]  }
0x10a: {  	v13 =	vld [tilespmem:s28+$0xFFFFFF20]  }
0x10b: {  	v17 =	vld [tilespmem:s28+$0xFFFFFF30]  }
0x10c: {  	v19 =	vld [tilespmem:s28+$0xFFFFFF40]  }
0x10d: {  	v3 =	vld [tilespmem:s28+$0xFFFFFF50]  }
0x10e: {  	v2 =	vld [tilespmem:s28+$0xFFFFFF60]  }
0x10f: {  	v20 =	vld [tilespmem:s28+$0xFFFFFE90]  }
0x110: {  	v21 =	vld [tilespmem:s28+$0xFFFFFEA0]  }
0x111: {  	v22 =	vld [tilespmem:s28+$0xFFFFFEB0]  }
0x112: {  	v23 =	vld [tilespmem:s28+$0xFFFFFEC0]  }
0x113: {  	v24 =	vld [tilespmem:s28+$0xFFFFFE10]  }
0x114: {  	v25 =	vld [tilespmem:s28+$0xFFFFFE20]  }
0x115: {  	v26 =	vld [tilespmem:s28+$0xFFFFFD90]  }
0x116: {  	v27 =	vld [tilespmem:s28+$0xFFFFFDA0]  }
0x117: {  	v28 =	vld [tilespmem:s28+$0xFFFFFDB0]  }
0x118: {  	v29 =	vld [tilespmem:s28+$0xFFFFFDC0]  }
0x119: {  	v30 =	vld [tilespmem:s28+$0xFFFFFE30]  }
0x11a: {  	v31 =	vld [tilespmem:s28+$0xFFFFFE40]  }
0x11b: {  	v32 =	vld [tilespmem:s28+$0xFFFFFED0]  }
0x11c: {  	v7 =	vadd.f32 v26, v7;
	v6 =	vadd.f32 v27, v6;
	v26 =	vld [tilespmem:s28+$0xFFFFFEE0]  }
0x11d: {  	v5 =	vadd.f32 v28, v5;
	v4 =	vadd.f32 v29, v4;
	v27 =	vld [tilespmem:s28+$0xFFFFFE50]  }
0x11e: {  	v7 =	vadd.f32 v24, v7;
	v6 =	vadd.f32 v25, v6;
	v24 =	vld [tilespmem:s28+$0xFFFFFE60]  }
0x11f: {  	v5 =	vadd.f32 v30, v5;
	v25 =	vld [tilespmem:s28+$0xFFFFFDD0];
	v4 =	vadd.f32 v31, v4  }
0x120: {  	v7 =	vadd.f32 v20, v7;
	v6 =	vadd.f32 v21, v6;
	v28 =	vld [tilespmem:s28+$0xFFFFFDE0]  }
0x121: {  	v5 =	vadd.f32 v22, v5;
	v20 =	vld [tilespmem:s28+$0xFFFFFDF0];
	v4 =	vadd.f32 v23, v4  }
0x122: {  	s26 =	sadd.s32 $0x5, s26;
	v7 =	vadd.f32 v8, v7;
	v6 =	vadd.f32 v13, v6;
	v21 =	vld [tilespmem:s28+$0xFFFFFE00]  }
0x123: {  	p1 =	slt.u32 s26, $0x2D;
	v5 =	vadd.f32 v17, v5;
	v13 =	vld [tilespmem:s28+$0xFFFFFE70];
	v4 =	vadd.f32 v19, v4  }
0x124: {  	v7 =	vadd.f32 v18, v7;
	v6 =	vadd.f32 v14, v6;
	v17 =	vld [tilespmem:s28+$0xFFFFFE80]  }
0x125: {  	v5 =	vadd.f32 v15, v5;
	v8 =	vld [tilespmem:s28+$0xFFFFFEF0];
	v4 =	vadd.f32 v11, v4  }
.Ltmp4:
0x126: {  	v12 =	vadd.f32 v25, v12;
	v14 =	vadd.f32 v28, v16;
	v11 =	vld [tilespmem:s28+$0xFFFFFF00];
	(pc) =	sbr.rel @p1 .LBB2_7-.Ltmp4, $4  }
0x127: {  	v10 =	vadd.f32 v20, v10;
	v16 =	vadd.f32 v21, v9;
	v9 =	vld [tilespmem:s28+$0xFFFFFF70]  }
0x128: {  	v18 =	vadd.f32 v27, v12;
	v19 =	vadd.f32 v24, v14;
	v12 =	vld [tilespmem:s28+$0xFFFFFF80]  }
0x129: {  	v15 =	vadd.f32 v13, v10;
	v14 =	vadd.f32 v17, v16;
	v10 =	vld [tilespmem:s28+$0xFFFFFFF0]  }
0x12a: {  	v17 =	vadd.f32 v32, v18;
	v16 =	vadd.f32 v26, v19;
	v13 =	vld [tilespmem:s28+$0x0];
	s28 =	sadd.s32 $0x280, s28  }
0x12b: {  	_ = 	snop  }
0x12c: {  	v8 =	vadd.f32 v8, v15;
	[tilespmem:s23+$0xF100] =	vst v7;
	v3 =	vadd.f32 v3, v17  }
0x12d: {  	v7 =	vadd.f32 v11, v14;
	[tilespmem:s23+$0xF110] =	vst v6;
	v2 =	vadd.f32 v2, v16  }
0x12e: {  	[tilespmem:s23+$0xF120] =	vst v5;
	v6 =	vadd.f32 v9, v8;
	v0 =	vadd.f32 v0, v3  }
0x12f: {  	[tilespmem:s23+$0xF130] =	vst v4;
	v3 =	vadd.f32 v12, v7;
	v1 =	vadd.f32 v1, v2  }
0x130: {  	v2 =	vadd.f32 v10, v6;
	[tilespmem:s23+$0xF140] =	vst v0  }
0x131: {  	v0 =	vadd.f32 v13, v3;
	[tilespmem:s23+$0xF150] =	vst v1  }
0x132: {  	[tilespmem:s23+$0xF160] =	vst v2  }
0x133: {  	s28 =	simm.s32 $0x6D00;
	[tilespmem:s23+$0xF170] =	vst v0  }
0x134: {  	v4 =	vld [tilespmem:s28+$0x200]  }
0x135: {  	v5 =	vld [tilespmem:s28+$0x210]  }
0x136: {  	v9 =	vld [tilespmem:s28+$0x220]  }
0x137: {  	v10 =	vld [tilespmem:s28+$0x230]  }
0x138: {  	v0 =	vld [tilespmem:s28+$0x240]  }
0x139: {  	v1 =	vld [tilespmem:s28+$0x250]  }
0x13a: {  	v6 =	vld [tilespmem:s28+$0x180]  }
0x13b: {  	v7 =	vld [tilespmem:s28+$0x190]  }
0x13c: {  	v8 =	vld [tilespmem:s28+$0x1A0]  }
0x13d: {  	v11 =	vld [tilespmem:s28+$0x1B0]  }
0x13e: {  	v3 =	vld [tilespmem:s28+$0x1C0]  }
0x13f: {  	v2 =	vld [tilespmem:s28+$0x1D0]  }
0x140: {  	v12 =	vld [tilespmem:s28+$0x100]  }
0x141: {  	v13 =	vld [tilespmem:s28+$0x110]  }
0x142: {  	v14 =	vld [tilespmem:s28+$0x120]  }
0x143: {  	v15 =	vld [tilespmem:s28+$0x130]  }
0x144: {  	v16 =	vld [tilespmem:s28+$0x80]  }
0x145: {  	v17 =	vld [tilespmem:s28+$0x90]  }
0x146: {  	v18 =	vld [tilespmem:s28+$0x0]  }
0x147: {  	v19 =	vld [tilespmem:s28+$0x10]  }
0x148: {  	v20 =	vld [tilespmem:s28+$0x20]  }
0x149: {  	v21 =	vld [tilespmem:s28+$0x30]  }
0x14a: {  	v22 =	vld [tilespmem:s28+$0xA0]  }
0x14b: {  	v23 =	vld [tilespmem:s28+$0xB0]  }
0x14c: {  	v24 =	vimm.f32 $0.0e+00;
	v25 =	vld [tilespmem:s28+$0x140]  }
0x14d: {  	v26 =	vld [tilespmem:s28+$0x150];
	v18 =	vadd.f32 v18, v24;
	v19 =	vadd.f32 v19, v24  }
0x14e: {  	v27 =	vld [tilespmem:s28+$0xC0];
	v20 =	vadd.f32 v20, v24;
	v21 =	vadd.f32 v21, v24  }
0x14f: {  	v62 =	vld [tilespmem:s28+$0x50];
	v16 =	vadd.f32 v16, v18;
	v17 =	vadd.f32 v17, v19  }
0x150: {  	v63 =	vld [tilespmem:s28+$0xF0];
	v20 =	vadd.f32 v22, v20;
	v21 =	vadd.f32 v23, v21  }
0x151: {  	v19 =	vld [tilespmem:s28+$0x40];
	v12 =	vadd.f32 v12, v16;
	v13 =	vadd.f32 v13, v17  }
0x152: {  	v16 =	vld [tilespmem:s28+$0x60];
	v14 =	vadd.f32 v14, v20;
	v15 =	vadd.f32 v15, v21  }
0x153: {  	v17 =	vld [tilespmem:s28+$0x70];
	v6 =	vadd.f32 v6, v12;
	v12 =	vadd.f32 v7, v13  }
0x154: {  	v18 =	vld [tilespmem:s28+$0xD0];
	v14 =	vadd.f32 v8, v14;
	v11 =	vadd.f32 v11, v15  }
0x155: {  	v13 =	vld [tilespmem:s28+$0xE0];
	v7 =	vadd.f32 v4, v6;
	v6 =	vadd.f32 v5, v12  }
0x156: {  	v8 =	vld [tilespmem:s28+$0x160];
	v5 =	vadd.f32 v9, v14;
	v4 =	vadd.f32 v10, v11  }
0x157: {  	v10 =	vadd.f32 v19, v24;
	v12 =	vadd.f32 v62, v24;
	v11 =	vld [tilespmem:s28+$0x170]  }
0x158: {  	v9 =	vld [tilespmem:s28+$0x1E0];
	v14 =	vadd.f32 v16, v24;
	v16 =	vadd.f32 v17, v24  }
0x159: {  	v17 =	vadd.f32 v27, v10;
	v18 =	vadd.f32 v18, v12;
	v12 =	vld [tilespmem:s28+$0x1F0]  }
0x15a: {  	v10 =	vld [tilespmem:s28+$0x260];
	v15 =	vadd.f32 v13, v14;
	v14 =	vadd.f32 v63, v16  }
0x15b: {  	s26 =	simm.s32 $0x0;
	v13 =	vld [tilespmem:s28+$0x270];
	s28 =	simm.s32 $0x6F80;
	v17 =	vadd.f32 v25, v17;
	v16 =	vadd.f32 v26, v18  }
.LBB2_9:
0x15c: {  	v18 =	vld [tilespmem:s28+$0x200];
	v8 =	vadd.f32 v8, v15;
	v11 =	vadd.f32 v11, v14  }
0x15d: {  	v14 =	vld [tilespmem:s28+$0x210];
	v3 =	vadd.f32 v3, v17;
	v2 =	vadd.f32 v2, v16  }
0x15e: {  	v15 =	vld [tilespmem:s28+$0x220];
	v8 =	vadd.f32 v9, v8;
	v9 =	vadd.f32 v12, v11  }
0x15f: {  	v11 =	vld [tilespmem:s28+$0x230];
	v12 =	vadd.f32 v0, v3;
	v16 =	vadd.f32 v1, v2  }
0x160: {  	v0 =	vld [tilespmem:s28+$0x240];
	v10 =	vadd.f32 v10, v8;
	v9 =	vadd.f32 v13, v9  }
0x161: {  	v1 =	vld [tilespmem:s28+$0x250]  }
0x162: {  	v8 =	vld [tilespmem:s28+$0x180]  }
0x163: {  	v13 =	vld [tilespmem:s28+$0x190]  }
0x164: {  	v17 =	vld [tilespmem:s28+$0x1A0]  }
0x165: {  	v19 =	vld [tilespmem:s28+$0x1B0]  }
0x166: {  	v3 =	vld [tilespmem:s28+$0x1C0]  }
0x167: {  	v2 =	vld [tilespmem:s28+$0x1D0]  }
0x168: {  	v20 =	vld [tilespmem:s28+$0x100]  }
0x169: {  	v21 =	vld [tilespmem:s28+$0x110]  }
0x16a: {  	v22 =	vld [tilespmem:s28+$0x120]  }
0x16b: {  	v23 =	vld [tilespmem:s28+$0x130]  }
0x16c: {  	v24 =	vld [tilespmem:s28+$0x80]  }
0x16d: {  	v25 =	vld [tilespmem:s28+$0x90]  }
0x16e: {  	v26 =	vld [tilespmem:s28+$0x0]  }
0x16f: {  	v27 =	vld [tilespmem:s28+$0x10]  }
0x170: {  	v28 =	vld [tilespmem:s28+$0x20]  }
0x171: {  	v29 =	vld [tilespmem:s28+$0x30]  }
0x172: {  	v30 =	vld [tilespmem:s28+$0xA0]  }
0x173: {  	v31 =	vld [tilespmem:s28+$0xB0]  }
0x174: {  	v32 =	vld [tilespmem:s28+$0x140]  }
0x175: {  	v7 =	vadd.f32 v26, v7;
	v6 =	vadd.f32 v27, v6;
	v26 =	vld [tilespmem:s28+$0x150]  }
0x176: {  	v5 =	vadd.f32 v28, v5;
	v4 =	vadd.f32 v29, v4;
	v27 =	vld [tilespmem:s28+$0xC0]  }
0x177: {  	v7 =	vadd.f32 v24, v7;
	v6 =	vadd.f32 v25, v6;
	v24 =	vld [tilespmem:s28+$0xD0]  }
0x178: {  	v5 =	vadd.f32 v30, v5;
	v25 =	vld [tilespmem:s28+$0x40];
	v4 =	vadd.f32 v31, v4  }
0x179: {  	v7 =	vadd.f32 v20, v7;
	v6 =	vadd.f32 v21, v6;
	v28 =	vld [tilespmem:s28+$0x50]  }
0x17a: {  	v5 =	vadd.f32 v22, v5;
	v20 =	vld [tilespmem:s28+$0x60];
	v4 =	vadd.f32 v23, v4  }
0x17b: {  	s26 =	sadd.s32 $0x5, s26;
	v7 =	vadd.f32 v8, v7;
	v6 =	vadd.f32 v13, v6;
	v21 =	vld [tilespmem:s28+$0x70]  }
0x17c: {  	p1 =	slt.u32 s26, $0x2D;
	v5 =	vadd.f32 v17, v5;
	v13 =	vld [tilespmem:s28+$0xE0];
	v4 =	vadd.f32 v19, v4  }
0x17d: {  	v7 =	vadd.f32 v18, v7;
	v6 =	vadd.f32 v14, v6;
	v17 =	vld [tilespmem:s28+$0xF0]  }
0x17e: {  	v5 =	vadd.f32 v15, v5;
	v8 =	vld [tilespmem:s28+$0x160];
	v4 =	vadd.f32 v11, v4  }
.Ltmp5:
0x17f: {  	v12 =	vadd.f32 v25, v12;
	v14 =	vadd.f32 v28, v16;
	v11 =	vld [tilespmem:s28+$0x170];
	(pc) =	sbr.rel @p1 .LBB2_9-.Ltmp5, $4  }
0x180: {  	v10 =	vadd.f32 v20, v10;
	v16 =	vadd.f32 v21, v9;
	v9 =	vld [tilespmem:s28+$0x1E0]  }
0x181: {  	v18 =	vadd.f32 v27, v12;
	v19 =	vadd.f32 v24, v14;
	v12 =	vld [tilespmem:s28+$0x1F0]  }
0x182: {  	v15 =	vadd.f32 v13, v10;
	v14 =	vadd.f32 v17, v16;
	v10 =	vld [tilespmem:s28+$0x260]  }
0x183: {  	v17 =	vadd.f32 v32, v18;
	v16 =	vadd.f32 v26, v19;
	v13 =	vld [tilespmem:s28+$0x270];
	s28 =	sadd.s32 $0x280, s28  }
0x184: {  	_ = 	snop  }
0x185: {  	v8 =	vadd.f32 v8, v15;
	[tilespmem:s23+$0xF180] =	vst v7;
	v3 =	vadd.f32 v3, v17  }
0x186: {  	v7 =	vadd.f32 v11, v14;
	[tilespmem:s23+$0xF190] =	vst v6;
	v2 =	vadd.f32 v2, v16  }
0x187: {  	[tilespmem:s23+$0xF1A0] =	vst v5;
	v6 =	vadd.f32 v9, v8;
	v0 =	vadd.f32 v0, v3  }
0x188: {  	[tilespmem:s23+$0xF1B0] =	vst v4;
	v3 =	vadd.f32 v12, v7;
	v1 =	vadd.f32 v1, v2  }
0x189: {  	v2 =	vadd.f32 v10, v6;
	[tilespmem:s23+$0xF1C0] =	vst v0  }
0x18a: {  	v0 =	vadd.f32 v13, v3;
	[tilespmem:s23+$0xF1D0] =	vst v1  }
0x18b: {  	[tilespmem:s23+$0xF1E0] =	vst v2  }
0x18c: {  	s26 =	sadd.s32 @!p0 $0x280, s25;
	s28 =	simm.s32 @!p0 $0x64;
	s29 =	simm.s32 @!p0 $0x5400;
	[tilespmem:s23+$0xF1F0] =	vst v0  }
0x18d: {  	[tilespmem:s29], [sflag:$0x2] =	stream.indirect.gather @!p0 [hbm4b:s1+s28], $0x80, s26, s28, $0xb8;
	[tilespmem:$0x13000] =	vst v63  }
0x18e: {  	_ =	swait.ge [sflag:s18], $0x3200  }
0x18f: {  	[sflag:s18] =	ssyncset.done $0x0  }
0x190: {  	s28 =	simm.s32 $0x8800;
	[sflag:s18] =	ssyncadd.s32 $0xFFFFCE00  }
0x191: {  	v4 =	vld [tilespmem:s28+$0x200]  }
0x192: {  	v5 =	vld [tilespmem:s28+$0x210]  }
0x193: {  	v9 =	vld [tilespmem:s28+$0x220]  }
0x194: {  	v10 =	vld [tilespmem:s28+$0x230]  }
0x195: {  	v0 =	vld [tilespmem:s28+$0x240]  }
0x196: {  	v1 =	vld [tilespmem:s28+$0x250]  }
0x197: {  	v6 =	vld [tilespmem:s28+$0x180]  }
0x198: {  	v7 =	vld [tilespmem:s28+$0x190]  }
0x199: {  	v8 =	vld [tilespmem:s28+$0x1A0]  }
0x19a: {  	v11 =	vld [tilespmem:s28+$0x1B0]  }
0x19b: {  	v3 =	vld [tilespmem:s28+$0x1C0]  }
0x19c: {  	v2 =	vld [tilespmem:s28+$0x1D0]  }
0x19d: {  	v12 =	vld [tilespmem:s28+$0x100]  }
0x19e: {  	v13 =	vld [tilespmem:s28+$0x110]  }
0x19f: {  	v14 =	vld [tilespmem:s28+$0x120]  }
0x1a0: {  	v15 =	vld [tilespmem:s28+$0x130]  }
0x1a1: {  	v16 =	vld [tilespmem:s28+$0x80]  }
0x1a2: {  	v17 =	vld [tilespmem:s28+$0x90]  }
0x1a3: {  	v18 =	vld [tilespmem:s28+$0x0]  }
0x1a4: {  	v19 =	vld [tilespmem:s28+$0x10]  }
0x1a5: {  	v20 =	vld [tilespmem:s28+$0x20]  }
0x1a6: {  	v21 =	vld [tilespmem:s28+$0x30]  }
0x1a7: {  	v22 =	vld [tilespmem:s28+$0xA0]  }
0x1a8: {  	v23 =	vld [tilespmem:s28+$0xB0]  }
0x1a9: {  	v24 =	vimm.f32 $0.0e+00;
	v25 =	vld [tilespmem:s28+$0x140]  }
0x1aa: {  	v26 =	vld [tilespmem:s28+$0x150];
	v18 =	vadd.f32 v18, v24;
	v19 =	vadd.f32 v19, v24  }
0x1ab: {  	v27 =	vld [tilespmem:s28+$0xC0];
	v20 =	vadd.f32 v20, v24;
	v21 =	vadd.f32 v21, v24  }
0x1ac: {  	v62 =	vld [tilespmem:s28+$0x50];
	v16 =	vadd.f32 v16, v18;
	v17 =	vadd.f32 v17, v19  }
0x1ad: {  	v63 =	vld [tilespmem:s28+$0xF0];
	v20 =	vadd.f32 v22, v20;
	v21 =	vadd.f32 v23, v21  }
0x1ae: {  	v19 =	vld [tilespmem:s28+$0x40];
	v12 =	vadd.f32 v12, v16;
	v13 =	vadd.f32 v13, v17  }
0x1af: {  	v16 =	vld [tilespmem:s28+$0x60];
	v14 =	vadd.f32 v14, v20;
	v15 =	vadd.f32 v15, v21  }
0x1b0: {  	v17 =	vld [tilespmem:s28+$0x70];
	v6 =	vadd.f32 v6, v12;
	v12 =	vadd.f32 v7, v13  }
0x1b1: {  	v18 =	vld [tilespmem:s28+$0xD0];
	v14 =	vadd.f32 v8, v14;
	v11 =	vadd.f32 v11, v15  }
0x1b2: {  	v13 =	vld [tilespmem:s28+$0xE0];
	v7 =	vadd.f32 v4, v6;
	v6 =	vadd.f32 v5, v12  }
0x1b3: {  	v8 =	vld [tilespmem:s28+$0x160];
	v5 =	vadd.f32 v9, v14;
	v4 =	vadd.f32 v10, v11  }
0x1b4: {  	v10 =	vadd.f32 v19, v24;
	v12 =	vadd.f32 v62, v24;
	v11 =	vld [tilespmem:s28+$0x170]  }
0x1b5: {  	v9 =	vld [tilespmem:s28+$0x1E0];
	v14 =	vadd.f32 v16, v24;
	v16 =	vadd.f32 v17, v24  }
0x1b6: {  	v17 =	vadd.f32 v27, v10;
	v18 =	vadd.f32 v18, v12;
	v12 =	vld [tilespmem:s28+$0x1F0]  }
0x1b7: {  	v10 =	vld [tilespmem:s28+$0x260];
	v15 =	vadd.f32 v13, v14;
	v14 =	vadd.f32 v63, v16  }
0x1b8: {  	s26 =	simm.s32 $0x0;
	v13 =	vld [tilespmem:s28+$0x270];
	s28 =	simm.s32 $0x8A80;
	v17 =	vadd.f32 v25, v17;
	v16 =	vadd.f32 v26, v18  }
.LBB2_11:
0x1b9: {  	v18 =	vld [tilespmem:s28+$0x200];
	v8 =	vadd.f32 v8, v15;
	v11 =	vadd.f32 v11, v14  }
0x1ba: {  	v14 =	vld [tilespmem:s28+$0x210];
	v3 =	vadd.f32 v3, v17;
	v2 =	vadd.f32 v2, v16  }
0x1bb: {  	v15 =	vld [tilespmem:s28+$0x220];
	v8 =	vadd.f32 v9, v8;
	v9 =	vadd.f32 v12, v11  }
0x1bc: {  	v11 =	vld [tilespmem:s28+$0x230];
	v12 =	vadd.f32 v0, v3;
	v16 =	vadd.f32 v1, v2  }
0x1bd: {  	v0 =	vld [tilespmem:s28+$0x240];
	v10 =	vadd.f32 v10, v8;
	v9 =	vadd.f32 v13, v9  }
0x1be: {  	v1 =	vld [tilespmem:s28+$0x250]  }
0x1bf: {  	v8 =	vld [tilespmem:s28+$0x180]  }
0x1c0: {  	v13 =	vld [tilespmem:s28+$0x190]  }
0x1c1: {  	v17 =	vld [tilespmem:s28+$0x1A0]  }
0x1c2: {  	v19 =	vld [tilespmem:s28+$0x1B0]  }
0x1c3: {  	v3 =	vld [tilespmem:s28+$0x1C0]  }
0x1c4: {  	v2 =	vld [tilespmem:s28+$0x1D0]  }
0x1c5: {  	v20 =	vld [tilespmem:s28+$0x100]  }
0x1c6: {  	v21 =	vld [tilespmem:s28+$0x110]  }
0x1c7: {  	v22 =	vld [tilespmem:s28+$0x120]  }
0x1c8: {  	v23 =	vld [tilespmem:s28+$0x130]  }
0x1c9: {  	v24 =	vld [tilespmem:s28+$0x80]  }
0x1ca: {  	v25 =	vld [tilespmem:s28+$0x90]  }
0x1cb: {  	v26 =	vld [tilespmem:s28+$0x0]  }
0x1cc: {  	v27 =	vld [tilespmem:s28+$0x10]  }
0x1cd: {  	v28 =	vld [tilespmem:s28+$0x20]  }
0x1ce: {  	v29 =	vld [tilespmem:s28+$0x30]  }
0x1cf: {  	v30 =	vld [tilespmem:s28+$0xA0]  }
0x1d0: {  	v31 =	vld [tilespmem:s28+$0xB0]  }
0x1d1: {  	v32 =	vld [tilespmem:s28+$0x140]  }
0x1d2: {  	v7 =	vadd.f32 v26, v7;
	v6 =	vadd.f32 v27, v6;
	v26 =	vld [tilespmem:s28+$0x150]  }
0x1d3: {  	v5 =	vadd.f32 v28, v5;
	v4 =	vadd.f32 v29, v4;
	v27 =	vld [tilespmem:s28+$0xC0]  }
0x1d4: {  	v7 =	vadd.f32 v24, v7;
	v6 =	vadd.f32 v25, v6;
	v24 =	vld [tilespmem:s28+$0xD0]  }
0x1d5: {  	v5 =	vadd.f32 v30, v5;
	v25 =	vld [tilespmem:s28+$0x40];
	v4 =	vadd.f32 v31, v4  }
0x1d6: {  	v7 =	vadd.f32 v20, v7;
	v6 =	vadd.f32 v21, v6;
	v28 =	vld [tilespmem:s28+$0x50]  }
0x1d7: {  	v5 =	vadd.f32 v22, v5;
	v20 =	vld [tilespmem:s28+$0x60];
	v4 =	vadd.f32 v23, v4  }
0x1d8: {  	s26 =	sadd.s32 $0x5, s26;
	v7 =	vadd.f32 v8, v7;
	v6 =	vadd.f32 v13, v6;
	v21 =	vld [tilespmem:s28+$0x70]  }
0x1d9: {  	p1 =	slt.u32 s26, $0x2D;
	v5 =	vadd.f32 v17, v5;
	v13 =	vld [tilespmem:s28+$0xE0];
	v4 =	vadd.f32 v19, v4  }
0x1da: {  	v7 =	vadd.f32 v18, v7;
	v6 =	vadd.f32 v14, v6;
	v17 =	vld [tilespmem:s28+$0xF0]  }
0x1db: {  	v5 =	vadd.f32 v15, v5;
	v8 =	vld [tilespmem:s28+$0x160];
	v4 =	vadd.f32 v11, v4  }
.Ltmp6:
0x1dc: {  	v12 =	vadd.f32 v25, v12;
	v14 =	vadd.f32 v28, v16;
	v11 =	vld [tilespmem:s28+$0x170];
	(pc) =	sbr.rel @p1 .LBB2_11-.Ltmp6, $4  }
0x1dd: {  	v10 =	vadd.f32 v20, v10;
	v16 =	vadd.f32 v21, v9;
	v9 =	vld [tilespmem:s28+$0x1E0]  }
0x1de: {  	v18 =	vadd.f32 v27, v12;
	v19 =	vadd.f32 v24, v14;
	v12 =	vld [tilespmem:s28+$0x1F0]  }
0x1df: {  	v15 =	vadd.f32 v13, v10;
	v14 =	vadd.f32 v17, v16;
	v10 =	vld [tilespmem:s28+$0x260]  }
0x1e0: {  	v17 =	vadd.f32 v32, v18;
	v16 =	vadd.f32 v26, v19;
	v13 =	vld [tilespmem:s28+$0x270];
	s28 =	sadd.s32 $0x280, s28  }
0x1e1: {  	_ = 	snop  }
0x1e2: {  	v8 =	vadd.f32 v8, v15;
	[tilespmem:s23+$0xF200] =	vst v7;
	v3 =	vadd.f32 v3, v17  }
0x1e3: {  	v7 =	vadd.f32 v11, v14;
	[tilespmem:s23+$0xF210] =	vst v6;
	v2 =	vadd.f32 v2, v16  }
0x1e4: {  	[tilespmem:s23+$0xF220] =	vst v5;
	v6 =	vadd.f32 v9, v8;
	v0 =	vadd.f32 v0, v3  }
0x1e5: {  	[tilespmem:s23+$0xF230] =	vst v4;
	v3 =	vadd.f32 v12, v7;
	v1 =	vadd.f32 v1, v2  }
0x1e6: {  	v2 =	vadd.f32 v10, v6;
	[tilespmem:s23+$0xF240] =	vst v0  }
0x1e7: {  	v0 =	vadd.f32 v13, v3;
	[tilespmem:s23+$0xF250] =	vst v1  }
0x1e8: {  	[tilespmem:s23+$0xF260] =	vst v2  }
0x1e9: {  	s28 =	simm.s32 $0xA100;
	[tilespmem:s23+$0xF270] =	vst v0  }
0x1ea: {  	v4 =	vld [tilespmem:s28+$0x200]  }
0x1eb: {  	v5 =	vld [tilespmem:s28+$0x210]  }
0x1ec: {  	v9 =	vld [tilespmem:s28+$0x220]  }
0x1ed: {  	v10 =	vld [tilespmem:s28+$0x230]  }
0x1ee: {  	v0 =	vld [tilespmem:s28+$0x240]  }
0x1ef: {  	v1 =	vld [tilespmem:s28+$0x250]  }
0x1f0: {  	v6 =	vld [tilespmem:s28+$0x180]  }
0x1f1: {  	v7 =	vld [tilespmem:s28+$0x190]  }
0x1f2: {  	v8 =	vld [tilespmem:s28+$0x1A0]  }
0x1f3: {  	v11 =	vld [tilespmem:s28+$0x1B0]  }
0x1f4: {  	v3 =	vld [tilespmem:s28+$0x1C0]  }
0x1f5: {  	v2 =	vld [tilespmem:s28+$0x1D0]  }
0x1f6: {  	v12 =	vld [tilespmem:s28+$0x100]  }
0x1f7: {  	v13 =	vld [tilespmem:s28+$0x110]  }
0x1f8: {  	v14 =	vld [tilespmem:s28+$0x120]  }
0x1f9: {  	v15 =	vld [tilespmem:s28+$0x130]  }
0x1fa: {  	v16 =	vld [tilespmem:s28+$0x80]  }
0x1fb: {  	v17 =	vld [tilespmem:s28+$0x90]  }
0x1fc: {  	v18 =	vld [tilespmem:s28+$0x0]  }
0x1fd: {  	v19 =	vld [tilespmem:s28+$0x10]  }
0x1fe: {  	v20 =	vld [tilespmem:s28+$0x20]  }
0x1ff: {  	v21 =	vld [tilespmem:s28+$0x30]  }
0x200: {  	v22 =	vld [tilespmem:s28+$0xA0]  }
0x201: {  	v23 =	vld [tilespmem:s28+$0xB0]  }
0x202: {  	v24 =	vimm.f32 $0.0e+00;
	v25 =	vld [tilespmem:s28+$0x140]  }
0x203: {  	v26 =	vld [tilespmem:s28+$0x150];
	v18 =	vadd.f32 v18, v24;
	v19 =	vadd.f32 v19, v24  }
0x204: {  	v27 =	vld [tilespmem:s28+$0xC0];
	v20 =	vadd.f32 v20, v24;
	v21 =	vadd.f32 v21, v24  }
0x205: {  	v62 =	vld [tilespmem:s28+$0x50];
	v16 =	vadd.f32 v16, v18;
	v17 =	vadd.f32 v17, v19  }
0x206: {  	v63 =	vld [tilespmem:s28+$0xF0];
	v20 =	vadd.f32 v22, v20;
	v21 =	vadd.f32 v23, v21  }
0x207: {  	v19 =	vld [tilespmem:s28+$0x40];
	v12 =	vadd.f32 v12, v16;
	v13 =	vadd.f32 v13, v17  }
0x208: {  	v16 =	vld [tilespmem:s28+$0x60];
	v14 =	vadd.f32 v14, v20;
	v15 =	vadd.f32 v15, v21  }
0x209: {  	v17 =	vld [tilespmem:s28+$0x70];
	v6 =	vadd.f32 v6, v12;
	v12 =	vadd.f32 v7, v13  }
0x20a: {  	v18 =	vld [tilespmem:s28+$0xD0];
	v14 =	vadd.f32 v8, v14;
	v11 =	vadd.f32 v11, v15  }
0x20b: {  	v13 =	vld [tilespmem:s28+$0xE0];
	v7 =	vadd.f32 v4, v6;
	v6 =	vadd.f32 v5, v12  }
0x20c: {  	v8 =	vld [tilespmem:s28+$0x160];
	v5 =	vadd.f32 v9, v14;
	v4 =	vadd.f32 v10, v11  }
0x20d: {  	v10 =	vadd.f32 v19, v24;
	v12 =	vadd.f32 v62, v24;
	v11 =	vld [tilespmem:s28+$0x170]  }
0x20e: {  	v9 =	vld [tilespmem:s28+$0x1E0];
	v14 =	vadd.f32 v16, v24;
	v16 =	vadd.f32 v17, v24  }
0x20f: {  	v17 =	vadd.f32 v27, v10;
	v18 =	vadd.f32 v18, v12;
	v12 =	vld [tilespmem:s28+$0x1F0]  }
0x210: {  	v10 =	vld [tilespmem:s28+$0x260];
	v15 =	vadd.f32 v13, v14;
	v14 =	vadd.f32 v63, v16  }
0x211: {  	s26 =	simm.s32 $0x0;
	v13 =	vld [tilespmem:s28+$0x270];
	s28 =	simm.s32 $0xA380;
	v17 =	vadd.f32 v25, v17;
	v16 =	vadd.f32 v26, v18  }
.LBB2_13:
0x212: {  	v18 =	vld [tilespmem:s28+$0x200];
	v8 =	vadd.f32 v8, v15;
	v11 =	vadd.f32 v11, v14  }
0x213: {  	v14 =	vld [tilespmem:s28+$0x210];
	v3 =	vadd.f32 v3, v17;
	v2 =	vadd.f32 v2, v16  }
0x214: {  	v15 =	vld [tilespmem:s28+$0x220];
	v8 =	vadd.f32 v9, v8;
	v9 =	vadd.f32 v12, v11  }
0x215: {  	v11 =	vld [tilespmem:s28+$0x230];
	v12 =	vadd.f32 v0, v3;
	v16 =	vadd.f32 v1, v2  }
0x216: {  	v0 =	vld [tilespmem:s28+$0x240];
	v10 =	vadd.f32 v10, v8;
	v9 =	vadd.f32 v13, v9  }
0x217: {  	v1 =	vld [tilespmem:s28+$0x250]  }
0x218: {  	v8 =	vld [tilespmem:s28+$0x180]  }
0x219: {  	v13 =	vld [tilespmem:s28+$0x190]  }
0x21a: {  	v17 =	vld [tilespmem:s28+$0x1A0]  }
0x21b: {  	v19 =	vld [tilespmem:s28+$0x1B0]  }
0x21c: {  	v3 =	vld [tilespmem:s28+$0x1C0]  }
0x21d: {  	v2 =	vld [tilespmem:s28+$0x1D0]  }
0x21e: {  	v20 =	vld [tilespmem:s28+$0x100]  }
0x21f: {  	v21 =	vld [tilespmem:s28+$0x110]  }
0x220: {  	v22 =	vld [tilespmem:s28+$0x120]  }
0x221: {  	v23 =	vld [tilespmem:s28+$0x130]  }
0x222: {  	v24 =	vld [tilespmem:s28+$0x80]  }
0x223: {  	v25 =	vld [tilespmem:s28+$0x90]  }
0x224: {  	v26 =	vld [tilespmem:s28+$0x0]  }
0x225: {  	v27 =	vld [tilespmem:s28+$0x10]  }
0x226: {  	v28 =	vld [tilespmem:s28+$0x20]  }
0x227: {  	v29 =	vld [tilespmem:s28+$0x30]  }
0x228: {  	v30 =	vld [tilespmem:s28+$0xA0]  }
0x229: {  	v31 =	vld [tilespmem:s28+$0xB0]  }
0x22a: {  	v32 =	vld [tilespmem:s28+$0x140]  }
0x22b: {  	v7 =	vadd.f32 v26, v7;
	v6 =	vadd.f32 v27, v6;
	v26 =	vld [tilespmem:s28+$0x150]  }
0x22c: {  	v5 =	vadd.f32 v28, v5;
	v4 =	vadd.f32 v29, v4;
	v27 =	vld [tilespmem:s28+$0xC0]  }
0x22d: {  	v7 =	vadd.f32 v24, v7;
	v6 =	vadd.f32 v25, v6;
	v24 =	vld [tilespmem:s28+$0xD0]  }
0x22e: {  	v5 =	vadd.f32 v30, v5;
	v25 =	vld [tilespmem:s28+$0x40];
	v4 =	vadd.f32 v31, v4  }
0x22f: {  	v7 =	vadd.f32 v20, v7;
	v6 =	vadd.f32 v21, v6;
	v28 =	vld [tilespmem:s28+$0x50]  }
0x230: {  	v5 =	vadd.f32 v22, v5;
	v20 =	vld [tilespmem:s28+$0x60];
	v4 =	vadd.f32 v23, v4  }
0x231: {  	s26 =	sadd.s32 $0x5, s26;
	v7 =	vadd.f32 v8, v7;
	v6 =	vadd.f32 v13, v6;
	v21 =	vld [tilespmem:s28+$0x70]  }
0x232: {  	p1 =	slt.u32 s26, $0x2D;
	v5 =	vadd.f32 v17, v5;
	v13 =	vld [tilespmem:s28+$0xE0];
	v4 =	vadd.f32 v19, v4  }
0x233: {  	v7 =	vadd.f32 v18, v7;
	v6 =	vadd.f32 v14, v6;
	v17 =	vld [tilespmem:s28+$0xF0]  }
0x234: {  	v5 =	vadd.f32 v15, v5;
	v8 =	vld [tilespmem:s28+$0x160];
	v4 =	vadd.f32 v11, v4  }
.Ltmp7:
0x235: {  	v12 =	vadd.f32 v25, v12;
	v14 =	vadd.f32 v28, v16;
	v11 =	vld [tilespmem:s28+$0x170];
	(pc) =	sbr.rel @p1 .LBB2_13-.Ltmp7, $4  }
0x236: {  	v10 =	vadd.f32 v20, v10;
	v16 =	vadd.f32 v21, v9;
	v9 =	vld [tilespmem:s28+$0x1E0]  }
0x237: {  	v18 =	vadd.f32 v27, v12;
	v19 =	vadd.f32 v24, v14;
	v12 =	vld [tilespmem:s28+$0x1F0]  }
0x238: {  	v15 =	vadd.f32 v13, v10;
	v14 =	vadd.f32 v17, v16;
	v10 =	vld [tilespmem:s28+$0x260]  }
0x239: {  	v17 =	vadd.f32 v32, v18;
	v16 =	vadd.f32 v26, v19;
	v13 =	vld [tilespmem:s28+$0x270];
	s28 =	sadd.s32 $0x280, s28  }
0x23a: {  	_ = 	snop  }
0x23b: {  	v8 =	vadd.f32 v8, v15;
	[tilespmem:s23+$0xF280] =	vst v7;
	v3 =	vadd.f32 v3, v17  }
0x23c: {  	v7 =	vadd.f32 v11, v14;
	[tilespmem:s23+$0xF290] =	vst v6;
	v2 =	vadd.f32 v2, v16  }
0x23d: {  	[tilespmem:s23+$0xF2A0] =	vst v5;
	v6 =	vadd.f32 v9, v8;
	v0 =	vadd.f32 v0, v3  }
0x23e: {  	[tilespmem:s23+$0xF2B0] =	vst v4;
	v3 =	vadd.f32 v12, v7;
	v1 =	vadd.f32 v1, v2  }
0x23f: {  	v2 =	vadd.f32 v10, v6;
	[tilespmem:s23+$0xF2C0] =	vst v0  }
0x240: {  	v0 =	vadd.f32 v13, v3;
	[tilespmem:s23+$0xF2D0] =	vst v1  }
0x241: {  	[tilespmem:s23+$0xF2E0] =	vst v2  }
0x242: {  	s25 =	sadd.s32 @!p0 $0x300, s25;
	s26 =	simm.s32 @!p0 $0x64;
	s28 =	simm.s32 @!p0 $0x8800;
	[tilespmem:s23+$0xF2F0] =	vst v0  }
0x243: {  	[tilespmem:s28], [sflag:$0x3] =	stream.indirect.gather @!p0 [hbm4b:s1+s26], $0x80, s25, s26, $0xb8;
	[tilespmem:$0x13000] =	vst v63  }
0x244: {  	_ =	swait.ge [sflag:s19], $0x3200  }
0x245: {  	[sflag:s19] =	ssyncset.done $0x0  }
0x246: {  	s31 =	simm.s32 $0xBC00;
	[sflag:s19] =	ssyncadd.s32 $0xFFFFCE00  }
0x247: {  	v4 =	vld [tilespmem:s31+$0x200]  }
0x248: {  	v5 =	vld [tilespmem:s31+$0x210]  }
0x249: {  	v9 =	vld [tilespmem:s31+$0x220]  }
0x24a: {  	v10 =	vld [tilespmem:s31+$0x230]  }
0x24b: {  	v0 =	vld [tilespmem:s31+$0x240]  }
0x24c: {  	v1 =	vld [tilespmem:s31+$0x250]  }
0x24d: {  	v6 =	vld [tilespmem:s31+$0x180]  }
0x24e: {  	v7 =	vld [tilespmem:s31+$0x190]  }
0x24f: {  	v8 =	vld [tilespmem:s31+$0x1A0]  }
0x250: {  	v11 =	vld [tilespmem:s31+$0x1B0]  }
0x251: {  	v3 =	vld [tilespmem:s31+$0x1C0]  }
0x252: {  	v2 =	vld [tilespmem:s31+$0x1D0]  }
0x253: {  	v12 =	vld [tilespmem:s31+$0x100]  }
0x254: {  	v13 =	vld [tilespmem:s31+$0x110]  }
0x255: {  	v14 =	vld [tilespmem:s31+$0x120]  }
0x256: {  	v15 =	vld [tilespmem:s31+$0x130]  }
0x257: {  	v16 =	vld [tilespmem:s31+$0x80]  }
0x258: {  	v17 =	vld [tilespmem:s31+$0x90]  }
0x259: {  	v18 =	vld [tilespmem:s31+$0x0]  }
0x25a: {  	v19 =	vld [tilespmem:s31+$0x10]  }
0x25b: {  	v20 =	vld [tilespmem:s31+$0x20]  }
0x25c: {  	v21 =	vld [tilespmem:s31+$0x30]  }
0x25d: {  	v22 =	vld [tilespmem:s31+$0xA0]  }
0x25e: {  	v23 =	vld [tilespmem:s31+$0xB0]  }
0x25f: {  	v24 =	vimm.f32 $0.0e+00;
	v25 =	vld [tilespmem:s31+$0x140]  }
0x260: {  	v26 =	vld [tilespmem:s31+$0x150];
	v18 =	vadd.f32 v18, v24;
	v19 =	vadd.f32 v19, v24  }
0x261: {  	v27 =	vld [tilespmem:s31+$0xC0];
	v20 =	vadd.f32 v20, v24;
	v21 =	vadd.f32 v21, v24  }
0x262: {  	v62 =	vld [tilespmem:s31+$0x50];
	v16 =	vadd.f32 v16, v18;
	v17 =	vadd.f32 v17, v19  }
0x263: {  	v63 =	vld [tilespmem:s31+$0xF0];
	v20 =	vadd.f32 v22, v20;
	v21 =	vadd.f32 v23, v21  }
0x264: {  	v19 =	vld [tilespmem:s31+$0x40];
	v12 =	vadd.f32 v12, v16;
	v13 =	vadd.f32 v13, v17  }
0x265: {  	v16 =	vld [tilespmem:s31+$0x60];
	v14 =	vadd.f32 v14, v20;
	v15 =	vadd.f32 v15, v21  }
0x266: {  	v17 =	vld [tilespmem:s31+$0x70];
	v6 =	vadd.f32 v6, v12;
	v12 =	vadd.f32 v7, v13  }
0x267: {  	v18 =	vld [tilespmem:s31+$0xD0];
	v14 =	vadd.f32 v8, v14;
	v11 =	vadd.f32 v11, v15  }
0x268: {  	v13 =	vld [tilespmem:s31+$0xE0];
	v7 =	vadd.f32 v4, v6;
	v6 =	vadd.f32 v5, v12  }
0x269: {  	v8 =	vld [tilespmem:s31+$0x160];
	v5 =	vadd.f32 v9, v14;
	v4 =	vadd.f32 v10, v11  }
0x26a: {  	v10 =	vadd.f32 v19, v24;
	v12 =	vadd.f32 v62, v24;
	v11 =	vld [tilespmem:s31+$0x170]  }
0x26b: {  	v9 =	vld [tilespmem:s31+$0x1E0];
	v14 =	vadd.f32 v16, v24;
	v16 =	vadd.f32 v17, v24  }
0x26c: {  	v17 =	vadd.f32 v27, v10;
	v18 =	vadd.f32 v18, v12;
	v12 =	vld [tilespmem:s31+$0x1F0]  }
0x26d: {  	v10 =	vld [tilespmem:s31+$0x260];
	v15 =	vadd.f32 v13, v14;
	v14 =	vadd.f32 v63, v16  }
0x26e: {  	s25 =	simm.s32 $0x0;
	s26 =	simm.s32 $0xBE80;
	v13 =	vld [tilespmem:s31+$0x270];
	v17 =	vadd.f32 v25, v17;
	v16 =	vadd.f32 v26, v18  }
.LBB2_15:
0x26f: {  	v18 =	vld [tilespmem:s26+$0x200];
	v8 =	vadd.f32 v8, v15;
	v11 =	vadd.f32 v11, v14  }
0x270: {  	v14 =	vld [tilespmem:s26+$0x210];
	v3 =	vadd.f32 v3, v17;
	v2 =	vadd.f32 v2, v16  }
0x271: {  	v15 =	vld [tilespmem:s26+$0x220];
	v8 =	vadd.f32 v9, v8;
	v9 =	vadd.f32 v12, v11  }
0x272: {  	v11 =	vld [tilespmem:s26+$0x230];
	v12 =	vadd.f32 v0, v3;
	v16 =	vadd.f32 v1, v2  }
0x273: {  	v0 =	vld [tilespmem:s26+$0x240];
	v10 =	vadd.f32 v10, v8;
	v9 =	vadd.f32 v13, v9  }
0x274: {  	v1 =	vld [tilespmem:s26+$0x250]  }
0x275: {  	v8 =	vld [tilespmem:s26+$0x180]  }
0x276: {  	v13 =	vld [tilespmem:s26+$0x190]  }
0x277: {  	v17 =	vld [tilespmem:s26+$0x1A0]  }
0x278: {  	v19 =	vld [tilespmem:s26+$0x1B0]  }
0x279: {  	v3 =	vld [tilespmem:s26+$0x1C0]  }
0x27a: {  	v2 =	vld [tilespmem:s26+$0x1D0]  }
0x27b: {  	v20 =	vld [tilespmem:s26+$0x100]  }
0x27c: {  	v21 =	vld [tilespmem:s26+$0x110]  }
0x27d: {  	v22 =	vld [tilespmem:s26+$0x120]  }
0x27e: {  	v23 =	vld [tilespmem:s26+$0x130]  }
0x27f: {  	v24 =	vld [tilespmem:s26+$0x80]  }
0x280: {  	v25 =	vld [tilespmem:s26+$0x90]  }
0x281: {  	v26 =	vld [tilespmem:s26+$0x0]  }
0x282: {  	v27 =	vld [tilespmem:s26+$0x10]  }
0x283: {  	v28 =	vld [tilespmem:s26+$0x20]  }
0x284: {  	v29 =	vld [tilespmem:s26+$0x30]  }
0x285: {  	v30 =	vld [tilespmem:s26+$0xA0]  }
0x286: {  	v31 =	vld [tilespmem:s26+$0xB0]  }
0x287: {  	v32 =	vld [tilespmem:s26+$0x140]  }
0x288: {  	v7 =	vadd.f32 v26, v7;
	v6 =	vadd.f32 v27, v6;
	v26 =	vld [tilespmem:s26+$0x150]  }
0x289: {  	v5 =	vadd.f32 v28, v5;
	v4 =	vadd.f32 v29, v4;
	v27 =	vld [tilespmem:s26+$0xC0]  }
0x28a: {  	v7 =	vadd.f32 v24, v7;
	v6 =	vadd.f32 v25, v6;
	v24 =	vld [tilespmem:s26+$0xD0]  }
0x28b: {  	v5 =	vadd.f32 v30, v5;
	v25 =	vld [tilespmem:s26+$0x40];
	v4 =	vadd.f32 v31, v4  }
0x28c: {  	v7 =	vadd.f32 v20, v7;
	v6 =	vadd.f32 v21, v6;
	v28 =	vld [tilespmem:s26+$0x50]  }
0x28d: {  	v5 =	vadd.f32 v22, v5;
	v20 =	vld [tilespmem:s26+$0x60];
	v4 =	vadd.f32 v23, v4  }
0x28e: {  	s25 =	sadd.s32 $0x5, s25;
	v7 =	vadd.f32 v8, v7;
	v6 =	vadd.f32 v13, v6;
	v21 =	vld [tilespmem:s26+$0x70]  }
0x28f: {  	p1 =	slt.u32 s25, $0x2D;
	v5 =	vadd.f32 v17, v5;
	v13 =	vld [tilespmem:s26+$0xE0];
	v4 =	vadd.f32 v19, v4  }
0x290: {  	v7 =	vadd.f32 v18, v7;
	v6 =	vadd.f32 v14, v6;
	v17 =	vld [tilespmem:s26+$0xF0]  }
0x291: {  	v5 =	vadd.f32 v15, v5;
	v8 =	vld [tilespmem:s26+$0x160];
	v4 =	vadd.f32 v11, v4  }
.Ltmp8:
0x292: {  	v12 =	vadd.f32 v25, v12;
	v14 =	vadd.f32 v28, v16;
	v11 =	vld [tilespmem:s26+$0x170];
	(pc) =	sbr.rel @p1 .LBB2_15-.Ltmp8, $4  }
0x293: {  	v10 =	vadd.f32 v20, v10;
	v16 =	vadd.f32 v21, v9;
	v9 =	vld [tilespmem:s26+$0x1E0]  }
0x294: {  	v18 =	vadd.f32 v27, v12;
	v19 =	vadd.f32 v24, v14;
	v12 =	vld [tilespmem:s26+$0x1F0]  }
0x295: {  	v15 =	vadd.f32 v13, v10;
	v14 =	vadd.f32 v17, v16;
	v10 =	vld [tilespmem:s26+$0x260]  }
0x296: {  	v17 =	vadd.f32 v32, v18;
	v16 =	vadd.f32 v26, v19;
	v13 =	vld [tilespmem:s26+$0x270];
	s26 =	sadd.s32 $0x280, s26  }
0x297: {  	_ = 	snop  }
0x298: {  	v8 =	vadd.f32 v8, v15;
	[tilespmem:s23+$0xF300] =	vst v7;
	v3 =	vadd.f32 v3, v17  }
0x299: {  	v7 =	vadd.f32 v11, v14;
	[tilespmem:s23+$0xF310] =	vst v6;
	v2 =	vadd.f32 v2, v16  }
0x29a: {  	[tilespmem:s23+$0xF320] =	vst v5;
	v6 =	vadd.f32 v9, v8;
	v0 =	vadd.f32 v0, v3  }
0x29b: {  	[tilespmem:s23+$0xF330] =	vst v4;
	v3 =	vadd.f32 v12, v7;
	v1 =	vadd.f32 v1, v2  }
0x29c: {  	v2 =	vadd.f32 v10, v6;
	[tilespmem:s23+$0xF340] =	vst v0  }
0x29d: {  	v0 =	vadd.f32 v13, v3;
	[tilespmem:s23+$0xF350] =	vst v1  }
0x29e: {  	[tilespmem:s23+$0xF360] =	vst v2  }
0x29f: {  	s26 =	simm.s32 $0xD500;
	[tilespmem:s23+$0xF370] =	vst v0  }
0x2a0: {  	v4 =	vld [tilespmem:s26+$0x200]  }
0x2a1: {  	v5 =	vld [tilespmem:s26+$0x210]  }
0x2a2: {  	v9 =	vld [tilespmem:s26+$0x220]  }
0x2a3: {  	v10 =	vld [tilespmem:s26+$0x230]  }
0x2a4: {  	v0 =	vld [tilespmem:s26+$0x240]  }
0x2a5: {  	v1 =	vld [tilespmem:s26+$0x250]  }
0x2a6: {  	v6 =	vld [tilespmem:s26+$0x180]  }
0x2a7: {  	v7 =	vld [tilespmem:s26+$0x190]  }
0x2a8: {  	v8 =	vld [tilespmem:s26+$0x1A0]  }
0x2a9: {  	v11 =	vld [tilespmem:s26+$0x1B0]  }
0x2aa: {  	v3 =	vld [tilespmem:s26+$0x1C0]  }
0x2ab: {  	v2 =	vld [tilespmem:s26+$0x1D0]  }
0x2ac: {  	v12 =	vld [tilespmem:s26+$0x100]  }
0x2ad: {  	v13 =	vld [tilespmem:s26+$0x110]  }
0x2ae: {  	v14 =	vld [tilespmem:s26+$0x120]  }
0x2af: {  	v15 =	vld [tilespmem:s26+$0x130]  }
0x2b0: {  	v16 =	vld [tilespmem:s26+$0x80]  }
0x2b1: {  	v17 =	vld [tilespmem:s26+$0x90]  }
0x2b2: {  	v18 =	vld [tilespmem:s26+$0x0]  }
0x2b3: {  	v19 =	vld [tilespmem:s26+$0x10]  }
0x2b4: {  	v20 =	vld [tilespmem:s26+$0x20]  }
0x2b5: {  	v21 =	vld [tilespmem:s26+$0x30]  }
0x2b6: {  	v22 =	vld [tilespmem:s26+$0xA0]  }
0x2b7: {  	v23 =	vld [tilespmem:s26+$0xB0]  }
0x2b8: {  	v24 =	vimm.f32 $0.0e+00;
	v25 =	vld [tilespmem:s26+$0x140]  }
0x2b9: {  	v26 =	vld [tilespmem:s26+$0x150];
	v18 =	vadd.f32 v18, v24;
	v19 =	vadd.f32 v19, v24  }
0x2ba: {  	v27 =	vld [tilespmem:s26+$0xC0];
	v20 =	vadd.f32 v20, v24;
	v21 =	vadd.f32 v21, v24  }
0x2bb: {  	v62 =	vld [tilespmem:s26+$0x50];
	v16 =	vadd.f32 v16, v18;
	v17 =	vadd.f32 v17, v19  }
0x2bc: {  	v63 =	vld [tilespmem:s26+$0xF0];
	v20 =	vadd.f32 v22, v20;
	v21 =	vadd.f32 v23, v21  }
0x2bd: {  	v19 =	vld [tilespmem:s26+$0x40];
	v12 =	vadd.f32 v12, v16;
	v13 =	vadd.f32 v13, v17  }
0x2be: {  	v16 =	vld [tilespmem:s26+$0x60];
	v14 =	vadd.f32 v14, v20;
	v15 =	vadd.f32 v15, v21  }
0x2bf: {  	v17 =	vld [tilespmem:s26+$0x70];
	v6 =	vadd.f32 v6, v12;
	v12 =	vadd.f32 v7, v13  }
0x2c0: {  	v18 =	vld [tilespmem:s26+$0xD0];
	v14 =	vadd.f32 v8, v14;
	v11 =	vadd.f32 v11, v15  }
0x2c1: {  	v13 =	vld [tilespmem:s26+$0xE0];
	v7 =	vadd.f32 v4, v6;
	v6 =	vadd.f32 v5, v12  }
0x2c2: {  	v8 =	vld [tilespmem:s26+$0x160];
	v5 =	vadd.f32 v9, v14;
	v4 =	vadd.f32 v10, v11  }
0x2c3: {  	v10 =	vadd.f32 v19, v24;
	v12 =	vadd.f32 v62, v24;
	v11 =	vld [tilespmem:s26+$0x170]  }
0x2c4: {  	v9 =	vld [tilespmem:s26+$0x1E0];
	v14 =	vadd.f32 v16, v24;
	v16 =	vadd.f32 v17, v24  }
0x2c5: {  	v17 =	vadd.f32 v27, v10;
	v18 =	vadd.f32 v18, v12;
	v12 =	vld [tilespmem:s26+$0x1F0]  }
0x2c6: {  	v10 =	vld [tilespmem:s26+$0x260];
	v15 =	vadd.f32 v13, v14;
	v14 =	vadd.f32 v63, v16  }
0x2c7: {  	s25 =	simm.s32 $0x0;
	v13 =	vld [tilespmem:s26+$0x270];
	s26 =	simm.s32 $0xD780;
	v17 =	vadd.f32 v25, v17;
	v16 =	vadd.f32 v26, v18  }
.LBB2_17:
0x2c8: {  	v18 =	vld [tilespmem:s26+$0x200];
	v8 =	vadd.f32 v8, v15;
	v11 =	vadd.f32 v11, v14  }
0x2c9: {  	v14 =	vld [tilespmem:s26+$0x210];
	v3 =	vadd.f32 v3, v17;
	v2 =	vadd.f32 v2, v16  }
0x2ca: {  	v15 =	vld [tilespmem:s26+$0x220];
	v8 =	vadd.f32 v9, v8;
	v9 =	vadd.f32 v12, v11  }
0x2cb: {  	v11 =	vld [tilespmem:s26+$0x230];
	v12 =	vadd.f32 v0, v3;
	v16 =	vadd.f32 v1, v2  }
0x2cc: {  	v0 =	vld [tilespmem:s26+$0x240];
	v10 =	vadd.f32 v10, v8;
	v9 =	vadd.f32 v13, v9  }
0x2cd: {  	v1 =	vld [tilespmem:s26+$0x250]  }
0x2ce: {  	v8 =	vld [tilespmem:s26+$0x180]  }
0x2cf: {  	v13 =	vld [tilespmem:s26+$0x190]  }
0x2d0: {  	v17 =	vld [tilespmem:s26+$0x1A0]  }
0x2d1: {  	v19 =	vld [tilespmem:s26+$0x1B0]  }
0x2d2: {  	v3 =	vld [tilespmem:s26+$0x1C0]  }
0x2d3: {  	v2 =	vld [tilespmem:s26+$0x1D0]  }
0x2d4: {  	v20 =	vld [tilespmem:s26+$0x100]  }
0x2d5: {  	v21 =	vld [tilespmem:s26+$0x110]  }
0x2d6: {  	v22 =	vld [tilespmem:s26+$0x120]  }
0x2d7: {  	v23 =	vld [tilespmem:s26+$0x130]  }
0x2d8: {  	v24 =	vld [tilespmem:s26+$0x80]  }
0x2d9: {  	v25 =	vld [tilespmem:s26+$0x90]  }
0x2da: {  	v26 =	vld [tilespmem:s26+$0x0]  }
0x2db: {  	v27 =	vld [tilespmem:s26+$0x10]  }
0x2dc: {  	v28 =	vld [tilespmem:s26+$0x20]  }
0x2dd: {  	v29 =	vld [tilespmem:s26+$0x30]  }
0x2de: {  	v30 =	vld [tilespmem:s26+$0xA0]  }
0x2df: {  	v31 =	vld [tilespmem:s26+$0xB0]  }
0x2e0: {  	v32 =	vld [tilespmem:s26+$0x140]  }
0x2e1: {  	v7 =	vadd.f32 v26, v7;
	v6 =	vadd.f32 v27, v6;
	v26 =	vld [tilespmem:s26+$0x150]  }
0x2e2: {  	v5 =	vadd.f32 v28, v5;
	v4 =	vadd.f32 v29, v4;
	v27 =	vld [tilespmem:s26+$0xC0]  }
0x2e3: {  	v7 =	vadd.f32 v24, v7;
	v6 =	vadd.f32 v25, v6;
	v24 =	vld [tilespmem:s26+$0xD0]  }
0x2e4: {  	v5 =	vadd.f32 v30, v5;
	v25 =	vld [tilespmem:s26+$0x40];
	v4 =	vadd.f32 v31, v4  }
0x2e5: {  	v7 =	vadd.f32 v20, v7;
	v6 =	vadd.f32 v21, v6;
	v28 =	vld [tilespmem:s26+$0x50]  }
0x2e6: {  	v5 =	vadd.f32 v22, v5;
	v20 =	vld [tilespmem:s26+$0x60];
	v4 =	vadd.f32 v23, v4  }
0x2e7: {  	s25 =	sadd.s32 $0x5, s25;
	v7 =	vadd.f32 v8, v7;
	v6 =	vadd.f32 v13, v6;
	v21 =	vld [tilespmem:s26+$0x70]  }
0x2e8: {  	p1 =	slt.u32 s25, $0x2D;
	v5 =	vadd.f32 v17, v5;
	v13 =	vld [tilespmem:s26+$0xE0];
	v4 =	vadd.f32 v19, v4  }
0x2e9: {  	v7 =	vadd.f32 v18, v7;
	v6 =	vadd.f32 v14, v6;
	v17 =	vld [tilespmem:s26+$0xF0]  }
0x2ea: {  	v5 =	vadd.f32 v15, v5;
	v8 =	vld [tilespmem:s26+$0x160];
	v4 =	vadd.f32 v11, v4  }
.Ltmp9:
0x2eb: {  	v12 =	vadd.f32 v25, v12;
	v14 =	vadd.f32 v28, v16;
	v11 =	vld [tilespmem:s26+$0x170];
	(pc) =	sbr.rel @p1 .LBB2_17-.Ltmp9, $4  }
0x2ec: {  	v10 =	vadd.f32 v20, v10;
	v16 =	vadd.f32 v21, v9;
	v9 =	vld [tilespmem:s26+$0x1E0]  }
0x2ed: {  	v18 =	vadd.f32 v27, v12;
	v19 =	vadd.f32 v24, v14;
	v12 =	vld [tilespmem:s26+$0x1F0]  }
0x2ee: {  	v15 =	vadd.f32 v13, v10;
	v14 =	vadd.f32 v17, v16;
	v10 =	vld [tilespmem:s26+$0x260]  }
0x2ef: {  	v17 =	vadd.f32 v32, v18;
	v16 =	vadd.f32 v26, v19;
	v13 =	vld [tilespmem:s26+$0x270];
	s26 =	sadd.s32 $0x280, s26  }
0x2f0: {  	_ = 	snop  }
0x2f1: {  	v8 =	vadd.f32 v8, v15;
	[tilespmem:s23+$0xF380] =	vst v7;
	v3 =	vadd.f32 v3, v17  }
0x2f2: {  	v59 =	vadd.f32 v11, v14;
	[tilespmem:s23+$0xF390] =	vst v6;
	v2 =	vadd.f32 v2, v16  }
0x2f3: {  	[tilespmem:s23+$0xF3A0] =	vst v5;
	v60 =	vadd.f32 v9, v8;
	v0 =	vadd.f32 v0, v3  }
.Ltmp10:
0x2f4: {  	[tilespmem:s23+$0xF3B0] =	vst v4;
	v61 =	vadd.f32 v12, v59;
	v1 =	vadd.f32 v1, v2;
	(pc) =	sbr.rel @p0 .LBB2_20-.Ltmp10, $4  }
0x2f5: {  	v62 =	vadd.f32 v10, v60;
	[tilespmem:s23+$0xF3C0] =	vst v0  }
0x2f6: {  	v63 =	vadd.f32 v13, v61;
	[tilespmem:s23+$0xF3D0] =	vst v1  }
0x2f7: {  	[tilespmem:s23+$0xF3E0] =	vst v62  }
0x2f8: {  	[tilespmem:s23+$0xF3F0] =	vst v63  }
.Ltmp11:
0x2f9: {  	(pc) =	sbr.rel .LBB2_2-.Ltmp11, $4  }
0x2fa: {  	_ = 	snop  }
0x2fb: {  	s23 =	sshrl.u32 s24, $0x2  }
0x2fc: {  	s22 =	sadd.s32 $0x1, s22;
	s23 =	sadd.s32 $0x380, s23  }
0x2fd: {  	[tilespmem:s15], [sflag:$0x4] =	stream.indirect.gather [hbm4b:s1+s8], $0x80, s23, s8, $0xb8;
	[tilespmem:$0x13000] =	vst v63  }
.LBB2_21:
0x2fe: {  	_ =	sfence.sel $0x180000  }
0x2ff: {  	[bflag:$0x0] =	sbarrier.arrive $0xFFFF  }
0x300: {  	p0 =	sne.s32 s2, $0x0;
	_ =	strace $0x90000047  }
0x301: {  	s0 =	sadd.s32 @!p0 $0x100000, s0;
	[bflag:$0x2] =	sbarrier.arrive $0xFFFF  }
0x302: {  	[sflag:s0] =	ssyncadd.tile.s32 @!p0 $0x1;
	_ =	shalt  }
.Lfunc_end2:
_tile_overlayer_lowered:
.L_overlay_start_2:
0x303: {  	(tag) =	ssettag $0x2  }
0x304: {  	s0 =	rddreg [dreg:$0x0];
	s2 =	stileid.u32  }
0x305: {  	s1 =	rddreg [dreg:$0x1];
	p0 =	sne.s32 s2, $0x0  }
0x306: {  	s3 =	rddreg [dreg:$0x2];
	[bflag:$0x3] =	sbarrier.arrive $0xFFFF;
	s2 =	simm.s32 @!p0 $0x1C05  }
0x307: {  	[timem:s3], [sflag:s2] =	dma.local @!p0 [hbm:s0], s1  }
0x308: {  	s0 =	simm.s32 @!p0 $0x5  }
0x309: {  	_ =	swait.ge @!p0 [sflag:s0], s1  }
0x30a: {  	s1 =	ssub.s32 @!p0 $0x0, s1;
	[sflag:s0] =	ssyncset.done @!p0 $0x0  }
0x30b: {  	[sflag:s0] =	ssyncadd.s32 @!p0 s1  }
0x30c: {  	[bflag:$0x3] =	sbarrier.arrive $0xFFFF  }
0x30d: {  	_ =	shalt  }

</sc_bundles>
